<compile_context>
chip_gen: v7x
topology: tpu7x:2x2x1
jax: 0.10.2.dev20260603
libtpu: 0.0.44.dev20260713+nightly
codegen_flags: <defaults>
</compile_context>

<pallas_src>
import functools

import jax
import jax.numpy as jnp
from jax import lax
from jax.experimental import pallas as pl
from jax.experimental.pallas import tpu as pltpu
from jax.experimental.pallas import tpu_sc as plsc

N = 10000
E = 320000
NC = 2
NS = 16
NW = NC * NS
CC = 128
WCH = 81
EPW = WCH * CC
EP = NW * EPW
NPAD = 10112
RPT = NPAD // NS
DEGPAD = 10240
RPTD = DEGPAD // NS

_sc_mesh = plsc.VectorSubcoreMesh(core_axis_name="c", subcore_axis_name="s")


def _fill_rows(ref, nrows, width, value):
    v = jnp.full((16,), value, jnp.float32)

    def row(r, carry):
        for j in range(width // 16):
            ref[r, pl.ds(j * 16, 16)] = v
        return carry

    lax.fori_loop(0, nrows, row, 0)


def _fill_flat(ref, n, value):
    v = jnp.full((16,), value, jnp.float32)

    def step(k, carry):
        ref[pl.ds(k * 16, 16)] = v
        return carry

    lax.fori_loop(0, n // 16, step, 0)
    if n % 16:
        ref[pl.ds(n - 16, 16)] = v


@functools.partial(
    pl.kernel,
    mesh=_sc_mesh,
    out_type=jax.ShapeDtypeStruct((NC, NPAD, 128), jnp.float32),
    scratch_types=[
        pltpu.VMEM((3, 2, CC), jnp.int32),
        pltpu.VMEM((3, CC, 128), jnp.float32),
        pltpu.VMEM_SHARED((NPAD, 128), jnp.float32),
        pltpu.SemaphoreType.DMA,
        pltpu.SemaphoreType.DMA,
        pltpu.SemaphoreType.DMA,
        pltpu.SemaphoreType.DMA,
        pltpu.SemaphoreType.DMA,
        pltpu.SemaphoreType.DMA,
    ],
)
def _agg(ed_hbm, hs_hbm, out_hbm, idx, rows, acc, si0, si1, si2, sg0, sg1, sg2):
    si = (si0, si1, si2)
    sg = (sg0, sg1, sg2)
    cid = lax.axis_index("c")
    sid = lax.axis_index("s")
    wid = sid * NC + cid
    base = wid * WCH

    _fill_rows(rows.at[0], CC, 128, 0.0)
    for k in range(4):
        pltpu.sync_copy(rows.at[0], acc.at[pl.ds(sid * RPT + k * 128, 128)])
    pltpu.sync_copy(rows.at[0, pl.ds(0, RPT - 512)],
                    acc.at[pl.ds(sid * RPT + 512, RPT - 512)])
    plsc.subcore_barrier()

    pltpu.sync_copy(ed_hbm.at[base], idx.at[0])
    pltpu.async_copy(ed_hbm.at[base + 1], idx.at[1], si[1])
    pltpu.async_copy(ed_hbm.at[base + 2], idx.at[2], si[2])
    pltpu.async_copy(hs_hbm.at[idx.at[0, 0]], rows.at[0], sg[0])
    pltpu.make_async_copy(ed_hbm.at[base], idx.at[1], si[1]).wait()
    pltpu.async_copy(hs_hbm.at[idx.at[1, 0]], rows.at[1], sg[1])

    def body(j, carry):
        for b in range(3):
            i = 3 * j + b
            b2 = (b + 2) % 3
            pltpu.make_async_copy(hs_hbm.at[idx.at[b, 0]], rows.at[b],
                                  sg[b]).wait()
            pltpu.make_async_copy(ed_hbm.at[base], idx.at[b2], si[b2]).wait()
            pltpu.async_copy(hs_hbm.at[idx.at[b2, 0]], rows.at[b2], sg[b2])
            pltpu.sync_copy(rows.at[b], acc.at[idx.at[b, 1]], add=True)
            pltpu.async_copy(ed_hbm.at[base + i + 3], idx.at[b], si[b])
        return carry

    lax.fori_loop(0, (WCH - 3) // 3, body, 0)

    pltpu.make_async_copy(hs_hbm.at[idx.at[0, 0]], rows.at[0], sg[0]).wait()
    pltpu.make_async_copy(ed_hbm.at[base], idx.at[2], si[2]).wait()
    pltpu.async_copy(hs_hbm.at[idx.at[2, 0]], rows.at[2], sg[2])
    pltpu.sync_copy(rows.at[0], acc.at[idx.at[0, 1]], add=True)
    pltpu.make_async_copy(hs_hbm.at[idx.at[1, 0]], rows.at[1], sg[1]).wait()
    pltpu.sync_copy(rows.at[1], acc.at[idx.at[1, 1]], add=True)
    pltpu.make_async_copy(hs_hbm.at[idx.at[2, 0]], rows.at[2], sg[2]).wait()
    pltpu.sync_copy(rows.at[2], acc.at[idx.at[2, 1]], add=True)

    plsc.subcore_barrier()
    pltpu.sync_copy(acc.at[pl.ds(sid * RPT, RPT)],
                    out_hbm.at[cid, pl.ds(sid * RPT, RPT)])


@functools.partial(
    pl.kernel,
    mesh=_sc_mesh,
    out_type=jax.ShapeDtypeStruct((2 * NC * DEGPAD,), jnp.float32),
    scratch_types=[
        pltpu.VMEM((WCH, 2, CC), jnp.int32),
        pltpu.VMEM((CC,), jnp.float32),
        pltpu.VMEM((RPTD,), jnp.float32),
        pltpu.VMEM_SHARED((DEGPAD,), jnp.float32),
        pltpu.VMEM_SHARED((DEGPAD,), jnp.float32),
        pltpu.SemaphoreType.DMA,
    ],
)
def _deg(ed_hbm, out_hbm, edv, ones_v, zflat, acc_o, acc_i, sem):
    cid = lax.axis_index("c")
    sid = lax.axis_index("s")
    wid = sid * NC + cid

    pltpu.sync_copy(ed_hbm.at[pl.ds(wid * WCH, WCH)], edv)
    _fill_flat(ones_v, CC, 1.0)
    _fill_flat(zflat, RPTD, 0.0)
    pltpu.sync_copy(zflat, acc_o.at[pl.ds(sid * RPTD, RPTD)])
    pltpu.sync_copy(zflat, acc_i.at[pl.ds(sid * RPTD, RPTD)])
    plsc.subcore_barrier()

    def body(i, carry):
        pltpu.async_copy(ones_v, acc_o.at[edv.at[i, 0]], sem, add=True)
        pltpu.async_copy(ones_v, acc_i.at[edv.at[i, 1]], sem, add=True)
        return carry

    lax.fori_loop(0, WCH, body, 0)

    def drain(i, carry):
        pltpu.make_async_copy(ones_v, acc_o.at[edv.at[0, 0]], sem).wait()
        pltpu.make_async_copy(ones_v, acc_i.at[edv.at[0, 1]], sem).wait()
        return carry

    lax.fori_loop(0, WCH, drain, 0)
    plsc.subcore_barrier()
    pltpu.sync_copy(acc_o.at[pl.ds(sid * RPTD, RPTD)],
                    out_hbm.at[pl.ds(cid * DEGPAD + sid * RPTD, RPTD)])
    pltpu.sync_copy(acc_i.at[pl.ds(sid * RPTD, RPTD)],
                    out_hbm.at[pl.ds((2 + cid) * DEGPAD + sid * RPTD, RPTD)])


def _norms(degp):

    def body(d_ref, ns_ref, nd_ref):
        for j, o_ref in ((0, ns_ref), (2, nd_ref)):
            d = d_ref[j] + d_ref[j + 1]
            o_ref[...] = jnp.where(d > 0.0, lax.rsqrt(jnp.maximum(d, 1.0)), 0.0)

    return pl.pallas_call(
        body,
        out_shape=(
            jax.ShapeDtypeStruct((DEGPAD // 128, 128), jnp.float32),
            jax.ShapeDtypeStruct((DEGPAD // 128, 128), jnp.float32),
        ),
    )(degp)


def _mm_scale(h, W, ns):

    def body(h_ref, w_ref, s_ref, o_ref):
        o_ref[...] = jnp.dot(h_ref[...], w_ref[...],
                             preferred_element_type=jnp.float32) * s_ref[...]

    return pl.pallas_call(
        body,
        out_shape=jax.ShapeDtypeStruct((NPAD, W.shape[1]), jnp.float32),
    )(h, W, ns)


def _mid(p, nd, b, Wn, ns):

    def body(p_ref, nd_ref, b_ref, w_ref, ns_ref, o_ref):
        agg = p_ref[0] + p_ref[1]
        h = agg * nd_ref[...] + b_ref[...]
        h = jnp.maximum(h, 0.0)
        o_ref[...] = jnp.dot(h, w_ref[...],
                             preferred_element_type=jnp.float32) * ns_ref[...]

    return pl.pallas_call(
        body,
        out_shape=jax.ShapeDtypeStruct((NPAD, Wn.shape[1]), jnp.float32),
    )(p, nd, b, Wn, ns)


def _final(p, nd, b, dout):
    def body(p_ref, nd_ref, b_ref, o_ref):
        agg = (p_ref[0] + p_ref[1])[:N, :dout]
        o_ref[...] = agg * nd_ref[...][:N] + b_ref[...]

    return pl.pallas_call(
        body,
        out_shape=jax.ShapeDtypeStruct((N, dout), jnp.float32),
    )(p, nd, b)


def kernel(x, edge_index, W1, b1, W2, b2, W3, b3):
    src = edge_index[0].astype(jnp.int32)
    dst = edge_index[1].astype(jnp.int32)
    pad = EP - E
    deadrow = N + (jnp.arange(pad, dtype=jnp.int32) % (NPAD - N))
    src2 = jnp.concatenate([src, deadrow]).reshape(NW * WCH, 1, CC)
    dst2 = jnp.concatenate([dst, deadrow]).reshape(NW * WCH, 1, CC)
    ed = jnp.concatenate([src2, dst2], axis=1)

    dout = W3.shape[1]
    b1 = b1.reshape(1, -1)
    b2 = b2.reshape(1, -1)
    b3 = b3.reshape(1, -1)
    W3p = jnp.pad(W3, ((0, 0), (0, 128 - dout)))

    degp = _deg(ed).reshape(2 * NC, DEGPAD // 128, 128)
    ns, nd = _norms(degp)
    ns = ns.reshape(DEGPAD, 1)[:NPAD]
    nd = nd.reshape(DEGPAD, 1)[:NPAD]

    xp = jnp.pad(x, ((0, NPAD - N), (0, 0)))
    hs1 = _mm_scale(xp, W1, ns)
    p1 = _agg(ed, hs1)
    hs2 = _mid(p1, nd, b1, W2, ns)
    p2 = _agg(ed, hs2)
    hs3 = _mid(p2, nd, b2, W3p, ns)
    p3 = _agg(ed, hs3)
    return _final(p3, nd, b3, dout)

# --- scband reference (transcript-rebuilt; emitter-appended) ---
"""Pipeline reference for scband-gcn-77240691851645 (READ-ONLY COPY).

The authoritative reference and input builder live on the scoring server;
editing this copy changes nothing except your own understanding.
"""

import jax, jax.numpy as jnp
import numpy as np

N_NODES = 10000
N_EDGES = 320000
IN_SIZE = 128
HID_SIZE = 128
OUT_SIZE = 64


def _glorot(key, shape):
    fan_in, fan_out = shape[0], shape[1]
    limit = jnp.sqrt(6.0 / (fan_in + fan_out))
    return jax.random.uniform(key, shape, dtype=jnp.float32, minval=-limit, maxval=limit)


def setup_inputs(seed: int = 0) -> dict:
    key = jax.random.key(seed)
    ks = jax.random.split(key, 8)
    x = jax.random.normal(ks[0], (N_NODES, IN_SIZE), dtype=jnp.float32)
    edge_index = jax.random.randint(ks[1], (2, N_EDGES), 0, N_NODES, dtype=jnp.int64) if jax.config.jax_enable_x64 else jax.random.randint(ks[1], (2, N_EDGES), 0, N_NODES).astype(jnp.int32)
    W1 = _glorot(ks[2], (IN_SIZE, HID_SIZE))
    b1 = jnp.zeros((HID_SIZE,), dtype=jnp.float32)
    W2 = _glorot(ks[3], (HID_SIZE, HID_SIZE))
    b2 = jnp.zeros((HID_SIZE,), dtype=jnp.float32)
    W3 = _glorot(ks[4], (HID_SIZE, OUT_SIZE))
    b3 = jnp.zeros((OUT_SIZE,), dtype=jnp.float32)
    return {"x": x, "edge_index": edge_index, "W1": W1, "b1": b1, "W2": W2, "b2": b2, "W3": W3, "b3": b3}


def _graph_conv(h, src, dst, norm_src, norm_dst, W, b, activation):
    # DGL GraphConv with norm='both': D_out^{-1/2} message, sum-aggregate, D_in^{-1/2}
    h = h @ W  # mult W first (in_size >= out_size path)
    m = h[src] * norm_src[src][:, None]
    agg = jnp.zeros_like(h).at[dst].add(m)
    out = agg * norm_dst[:, None] + b
    if activation:
        out = jax.nn.relu(out)
    return out


def reference(x, edge_index, W1, b1, W2, b2, W3, b3):
    src = edge_index[0]
    dst = edge_index[1]
    n = x.shape[0]
    ones = jnp.ones((src.shape[0],), dtype=jnp.float32)
    deg_out = jnp.zeros((n,), dtype=jnp.float32).at[src].add(ones)
    deg_in = jnp.zeros((n,), dtype=jnp.float32).at[dst].add(ones)
    norm_src = jnp.where(deg_out > 0, jax.lax.rsqrt(jnp.maximum(deg_out, 1.0)), 0.0)
    norm_dst = jnp.where(deg_in > 0, jax.lax.rsqrt(jnp.maximum(deg_in, 1.0)), 0.0)
    # eval mode: dropout is identity
    h = _graph_conv(x, src, dst, norm_src, norm_dst, W1, b1, activation=True)
    h = _graph_conv(h, src, dst, norm_src, norm_dst, W2, b2, activation=True)
    h = _graph_conv(h, src, dst, norm_src, norm_dst, W3, b3, activation=False)
    return h

if __name__ == "__main__":
    import jax
    _d = setup_inputs()
    print(jax.jit(kernel)(*tuple(_d.values())))

</pallas_src>

<mosaic_0001>
#map = affine_map<(d0, d1) -> (0, 0, 0)>
#map1 = affine_map<(d0, d1) -> (0, 0)>
module attributes {stable_mosaic.version = 14 : i64} {
  func.func @_agg(%arg0: i32, %arg1: i32, %arg2: memref<2592x2x128xi32, #tpu.memory_space<hbm>>, %arg3: memref<10112x128xf32, #tpu.memory_space<hbm>>, %arg4: memref<2x10112x128xf32, #tpu.memory_space<hbm>>, %arg5: memref<3x2x128xi32, #tpu.memory_space<vmem>>, %arg6: memref<3x128x128xf32, #tpu.memory_space<vmem>>, %arg7: memref<10112x128xf32, #tpu.memory_space<vmem_shared>>, %arg8: memref<!tpu.dma_semaphore, #tpu.memory_space<semaphore_mem>>, %arg9: memref<!tpu.dma_semaphore, #tpu.memory_space<semaphore_mem>>, %arg10: memref<!tpu.dma_semaphore, #tpu.memory_space<semaphore_mem>>, %arg11: memref<!tpu.dma_semaphore, #tpu.memory_space<semaphore_mem>>, %arg12: memref<!tpu.dma_semaphore, #tpu.memory_space<semaphore_mem>>, %arg13: memref<!tpu.dma_semaphore, #tpu.memory_space<semaphore_mem>>) attributes {dimension_semantics = [#tpu.dimension_semantics<core_parallel>, #tpu.dimension_semantics<subcore_parallel>], iteration_bounds = array<i64: 2, 16>, scalar_prefetch = 0 : i64, scratch_operands = 9 : i64, tpu.core_type = #tpu.core_type<sc_vector_subcore>, window_params = [{transform_indices = #map}, {transform_indices = #map1}, {transform_indices = #map}]} {
    %mul3A = arith.constant 2 : i32
    %mul3A_0 = arith.muli %arg1, %mul3A : i32
    %add3A = arith.addi %mul3A_0, %arg0 : i32
    %mul3A_1 = arith.constant 81 : i32
    %mul3A_2 = arith.muli %add3A, %mul3A_1 : i32
    %broadcast_in_dim3A = arith.constant 0.000000e+00 : f32
    %broadcast_in_dim3A_3 = vector.broadcast %broadcast_in_dim3A : f32 to vector<16xf32>
    %scan3A = arith.constant 0 : i32
    %scan3A_4 = arith.constant 0 : i32
    %scan3A_5 = arith.constant 0 : i32
    %scan3A_6 = arith.constant 128 : i32
    %scan3A_7 = arith.addi %scan3A_5, %scan3A_6 : i32
    %scan3A_8 = arith.constant 1 : i32
    scf.for %scan3A_203 = %scan3A_5 to %scan3A_7 step %scan3A_8  : i32 {
      %swap3A = arith.constant 0 : i32
      %swap3A_204 = arith.constant 0 : i32
      %swap3A_205 = tpu.memref_slice %arg6[%scan3A_4, %swap3A, %swap3A_204] : memref<3x128x128xf32, #tpu.memory_space<vmem>> -> memref<1x128x128xf32, #tpu.memory_space<vmem>>
      %swap3A_206 = tpu.memref_squeeze %swap3A_205 : memref<1x128x128xf32, #tpu.memory_space<vmem>> -> memref<128x128xf32, #tpu.memory_space<vmem>>
      %swap3A_207 = arith.index_cast %scan3A_203 : i32 to index
      %swap3A_208 = arith.constant 0 : index
      %swap3A_209 = tpu.vector_load %swap3A_206[%swap3A_207, %swap3A_208] {strides = array<i32>} : memref<128x128xf32, #tpu.memory_space<vmem>>, vector<1x16xf32>,
      %swap3A_210 = vector.shape_cast %swap3A_209 : vector<1x16xf32> to vector<16xf32>
      %swap3A_211 = vector.shape_cast %broadcast_in_dim3A_3 : vector<16xf32> to vector<1x16xf32>
      tpu.vector_store %swap3A_206[%swap3A_207, %swap3A_208], %swap3A_211 {strides = array<i32>} : memref<128x128xf32, #tpu.memory_space<vmem>>, vector<1x16xf32>,
      %swap3A_212 = arith.constant 0 : i32
      %swap3A_213 = arith.constant 0 : i32
      %swap3A_214 = tpu.memref_slice %arg6[%scan3A_4, %swap3A_212, %swap3A_213] : memref<3x128x128xf32, #tpu.memory_space<vmem>> -> memref<1x128x128xf32, #tpu.memory_space<vmem>>
      %swap3A_215 = tpu.memref_squeeze %swap3A_214 : memref<1x128x128xf32, #tpu.memory_space<vmem>> -> memref<128x128xf32, #tpu.memory_space<vmem>>
      %swap3A_216 = arith.index_cast %scan3A_203 : i32 to index
      %swap3A_217 = arith.constant 16 : index
      %swap3A_218 = tpu.vector_load %swap3A_215[%swap3A_216, %swap3A_217] {strides = array<i32>} : memref<128x128xf32, #tpu.memory_space<vmem>>, vector<1x16xf32>,
      %swap3A_219 = vector.shape_cast %swap3A_218 : vector<1x16xf32> to vector<16xf32>
      %swap3A_220 = vector.shape_cast %broadcast_in_dim3A_3 : vector<16xf32> to vector<1x16xf32>
      tpu.vector_store %swap3A_215[%swap3A_216, %swap3A_217], %swap3A_220 {strides = array<i32>} : memref<128x128xf32, #tpu.memory_space<vmem>>, vector<1x16xf32>,
      %swap3A_221 = arith.constant 0 : i32
      %swap3A_222 = arith.constant 0 : i32
      %swap3A_223 = tpu.memref_slice %arg6[%scan3A_4, %swap3A_221, %swap3A_222] : memref<3x128x128xf32, #tpu.memory_space<vmem>> -> memref<1x128x128xf32, #tpu.memory_space<vmem>>
      %swap3A_224 = tpu.memref_squeeze %swap3A_223 : memref<1x128x128xf32, #tpu.memory_space<vmem>> -> memref<128x128xf32, #tpu.memory_space<vmem>>
      %swap3A_225 = arith.index_cast %scan3A_203 : i32 to index
      %swap3A_226 = arith.constant 32 : index
      %swap3A_227 = tpu.vector_load %swap3A_224[%swap3A_225, %swap3A_226] {strides = array<i32>} : memref<128x128xf32, #tpu.memory_space<vmem>>, vector<1x16xf32>,
      %swap3A_228 = vector.shape_cast %swap3A_227 : vector<1x16xf32> to vector<16xf32>
      %swap3A_229 = vector.shape_cast %broadcast_in_dim3A_3 : vector<16xf32> to vector<1x16xf32>
      tpu.vector_store %swap3A_224[%swap3A_225, %swap3A_226], %swap3A_229 {strides = array<i32>} : memref<128x128xf32, #tpu.memory_space<vmem>>, vector<1x16xf32>,
      %swap3A_230 = arith.constant 0 : i32
      %swap3A_231 = arith.constant 0 : i32
      %swap3A_232 = tpu.memref_slice %arg6[%scan3A_4, %swap3A_230, %swap3A_231] : memref<3x128x128xf32, #tpu.memory_space<vmem>> -> memref<1x128x128xf32, #tpu.memory_space<vmem>>
      %swap3A_233 = tpu.memref_squeeze %swap3A_232 : memref<1x128x128xf32, #tpu.memory_space<vmem>> -> memref<128x128xf32, #tpu.memory_space<vmem>>
      %swap3A_234 = arith.index_cast %scan3A_203 : i32 to index
      %swap3A_235 = arith.constant 48 : index
      %swap3A_236 = tpu.vector_load %swap3A_233[%swap3A_234, %swap3A_235] {strides = array<i32>} : memref<128x128xf32, #tpu.memory_space<vmem>>, vector<1x16xf32>,
      %swap3A_237 = vector.shape_cast %swap3A_236 : vector<1x16xf32> to vector<16xf32>
      %swap3A_238 = vector.shape_cast %broadcast_in_dim3A_3 : vector<16xf32> to vector<1x16xf32>
      tpu.vector_store %swap3A_233[%swap3A_234, %swap3A_235], %swap3A_238 {strides = array<i32>} : memref<128x128xf32, #tpu.memory_space<vmem>>, vector<1x16xf32>,
      %swap3A_239 = arith.constant 0 : i32
      %swap3A_240 = arith.constant 0 : i32
      %swap3A_241 = tpu.memref_slice %arg6[%scan3A_4, %swap3A_239, %swap3A_240] : memref<3x128x128xf32, #tpu.memory_space<vmem>> -> memref<1x128x128xf32, #tpu.memory_space<vmem>>
      %swap3A_242 = tpu.memref_squeeze %swap3A_241 : memref<1x128x128xf32, #tpu.memory_space<vmem>> -> memref<128x128xf32, #tpu.memory_space<vmem>>
      %swap3A_243 = arith.index_cast %scan3A_203 : i32 to index
      %swap3A_244 = arith.constant 64 : index
      %swap3A_245 = tpu.vector_load %swap3A_242[%swap3A_243, %swap3A_244] {strides = array<i32>} : memref<128x128xf32, #tpu.memory_space<vmem>>, vector<1x16xf32>,
      %swap3A_246 = vector.shape_cast %swap3A_245 : vector<1x16xf32> to vector<16xf32>
      %swap3A_247 = vector.shape_cast %broadcast_in_dim3A_3 : vector<16xf32> to vector<1x16xf32>
      tpu.vector_store %swap3A_242[%swap3A_243, %swap3A_244], %swap3A_247 {strides = array<i32>} : memref<128x128xf32, #tpu.memory_space<vmem>>, vector<1x16xf32>,
      %swap3A_248 = arith.constant 0 : i32
      %swap3A_249 = arith.constant 0 : i32
      %swap3A_250 = tpu.memref_slice %arg6[%scan3A_4, %swap3A_248, %swap3A_249] : memref<3x128x128xf32, #tpu.memory_space<vmem>> -> memref<1x128x128xf32, #tpu.memory_space<vmem>>
      %swap3A_251 = tpu.memref_squeeze %swap3A_250 : memref<1x128x128xf32, #tpu.memory_space<vmem>> -> memref<128x128xf32, #tpu.memory_space<vmem>>
      %swap3A_252 = arith.index_cast %scan3A_203 : i32 to index
      %swap3A_253 = arith.constant 80 : index
      %swap3A_254 = tpu.vector_load %swap3A_251[%swap3A_252, %swap3A_253] {strides = array<i32>} : memref<128x128xf32, #tpu.memory_space<vmem>>, vector<1x16xf32>,
      %swap3A_255 = vector.shape_cast %swap3A_254 : vector<1x16xf32> to vector<16xf32>
      %swap3A_256 = vector.shape_cast %broadcast_in_dim3A_3 : vector<16xf32> to vector<1x16xf32>
      tpu.vector_store %swap3A_251[%swap3A_252, %swap3A_253], %swap3A_256 {strides = array<i32>} : memref<128x128xf32, #tpu.memory_space<vmem>>, vector<1x16xf32>,
      %swap3A_257 = arith.constant 0 : i32
      %swap3A_258 = arith.constant 0 : i32
      %swap3A_259 = tpu.memref_slice %arg6[%scan3A_4, %swap3A_257, %swap3A_258] : memref<3x128x128xf32, #tpu.memory_space<vmem>> -> memref<1x128x128xf32, #tpu.memory_space<vmem>>
      %swap3A_260 = tpu.memref_squeeze %swap3A_259 : memref<1x128x128xf32, #tpu.memory_space<vmem>> -> memref<128x128xf32, #tpu.memory_space<vmem>>
      %swap3A_261 = arith.index_cast %scan3A_203 : i32 to index
      %swap3A_262 = arith.constant 96 : index
      %swap3A_263 = tpu.vector_load %swap3A_260[%swap3A_261, %swap3A_262] {strides = array<i32>} : memref<128x128xf32, #tpu.memory_space<vmem>>, vector<1x16xf32>,
      %swap3A_264 = vector.shape_cast %swap3A_263 : vector<1x16xf32> to vector<16xf32>
      %swap3A_265 = vector.shape_cast %broadcast_in_dim3A_3 : vector<16xf32> to vector<1x16xf32>
      tpu.vector_store %swap3A_260[%swap3A_261, %swap3A_262], %swap3A_265 {strides = array<i32>} : memref<128x128xf32, #tpu.memory_space<vmem>>, vector<1x16xf32>,
      %swap3A_266 = arith.constant 0 : i32
      %swap3A_267 = arith.constant 0 : i32
      %swap3A_268 = tpu.memref_slice %arg6[%scan3A_4, %swap3A_266, %swap3A_267] : memref<3x128x128xf32, #tpu.memory_space<vmem>> -> memref<1x128x128xf32, #tpu.memory_space<vmem>>
      %swap3A_269 = tpu.memref_squeeze %swap3A_268 : memref<1x128x128xf32, #tpu.memory_space<vmem>> -> memref<128x128xf32, #tpu.memory_space<vmem>>
      %swap3A_270 = arith.index_cast %scan3A_203 : i32 to index
      %swap3A_271 = arith.constant 112 : index
      %swap3A_272 = tpu.vector_load %swap3A_269[%swap3A_270, %swap3A_271] {strides = array<i32>} : memref<128x128xf32, #tpu.memory_space<vmem>>, vector<1x16xf32>,
      %swap3A_273 = vector.shape_cast %swap3A_272 : vector<1x16xf32> to vector<16xf32>
      %swap3A_274 = vector.shape_cast %broadcast_in_dim3A_3 : vector<16xf32> to vector<1x16xf32>
      tpu.vector_store %swap3A_269[%swap3A_270, %swap3A_271], %swap3A_274 {strides = array<i32>} : memref<128x128xf32, #tpu.memory_space<vmem>>, vector<1x16xf32>,
    }
    %scan3A_9 = arith.constant 128 : i32
    %mul3A_10 = arith.constant 632 : i32
    %mul3A_11 = arith.muli %arg1, %mul3A_10 : i32
    %add3A_12 = arith.constant 0 : i32
    %add3A_13 = arith.addi %mul3A_11, %add3A_12 : i32
    %run_scoped3A = arith.constant 0 : i32
    "tpu.region"() ({
      %run_scoped3A_203 = tpu.sem_alloc : memref<!tpu.dma_semaphore, #tpu.memory_space<semaphore_mem>>
      %dma_start3A_204 = arith.constant 0 : i32
      %dma_start3A_205 = arith.constant 0 : i32
      %dma_start3A_206 = tpu.memref_slice %arg6[%run_scoped3A, %dma_start3A_204, %dma_start3A_205] : memref<3x128x128xf32, #tpu.memory_space<vmem>> -> memref<1x128x128xf32, #tpu.memory_space<vmem>>
      %dma_start3A_207 = tpu.memref_squeeze %dma_start3A_206 : memref<1x128x128xf32, #tpu.memory_space<vmem>> -> memref<128x128xf32, #tpu.memory_space<vmem>>
      %dma_start3A_208 = arith.constant 0 : i32
      %dma_start3A_209 = tpu.memref_slice %arg7[%add3A_13, %dma_start3A_208] : memref<10112x128xf32, #tpu.memory_space<vmem_shared>> -> memref<128x128xf32, #tpu.memory_space<vmem_shared>>
      %dma_start3A_210 = arith.constant 0 : i32
      %dma_start3A_211 = tpu.memref_slice %arg7[%add3A_13, %dma_start3A_210] : memref<10112x128xf32, #tpu.memory_space<vmem_shared>> -> memref<128x128xf32, #tpu.memory_space<vmem_shared>>
      %dma_start3A_212 = arith.constant 0 : i32
      %dma_start3A_213 = arith.constant 0 : i32
      %dma_start3A_214 = tpu.memref_slice %arg6[%run_scoped3A, %dma_start3A_212, %dma_start3A_213] : memref<3x128x128xf32, #tpu.memory_space<vmem>> -> memref<1x128x128xf32, #tpu.memory_space<vmem>>
      %dma_start3A_215 = tpu.memref_squeeze %dma_start3A_214 : memref<1x128x128xf32, #tpu.memory_space<vmem>> -> memref<128x128xf32, #tpu.memory_space<vmem>>
      tpu.enqueue_dma source(%dma_start3A_215 : memref<128x128xf32, #tpu.memory_space<vmem>>) target(%dma_start3A_211 : memref<128x128xf32, #tpu.memory_space<vmem_shared>>) target_semaphore(%run_scoped3A_203 : memref<!tpu.dma_semaphore, #tpu.memory_space<semaphore_mem>>)
      %dma_wait3A_216 = arith.constant 0 : i32
      %dma_wait3A_217 = arith.constant 0 : i32
      %dma_wait3A_218 = tpu.memref_slice %arg6[%run_scoped3A, %dma_wait3A_216, %dma_wait3A_217] : memref<3x128x128xf32, #tpu.memory_space<vmem>> -> memref<1x128x128xf32, #tpu.memory_space<vmem>>
      %dma_wait3A_219 = tpu.memref_squeeze %dma_wait3A_218 : memref<1x128x128xf32, #tpu.memory_space<vmem>> -> memref<128x128xf32, #tpu.memory_space<vmem>>
      %dma_wait3A_220 = arith.constant 0 : i32
      %dma_wait3A_221 = tpu.memref_slice %arg7[%add3A_13, %dma_wait3A_220] : memref<10112x128xf32, #tpu.memory_space<vmem_shared>> -> memref<128x128xf32, #tpu.memory_space<vmem_shared>>
      %dma_wait3A_222 = arith.constant 0 : i32
      %dma_wait3A_223 = tpu.memref_slice %arg7[%add3A_13, %dma_wait3A_222] : memref<10112x128xf32, #tpu.memory_space<vmem_shared>> -> memref<128x128xf32, #tpu.memory_space<vmem_shared>>
      %dma_wait3A_224 = arith.constant 0 : i32
      %dma_wait3A_225 = arith.constant 0 : i32
      %dma_wait3A_226 = tpu.memref_slice %arg6[%run_scoped3A, %dma_wait3A_224, %dma_wait3A_225] : memref<3x128x128xf32, #tpu.memory_space<vmem>> -> memref<1x128x128xf32, #tpu.memory_space<vmem>>
      %dma_wait3A_227 = tpu.memref_squeeze %dma_wait3A_226 : memref<1x128x128xf32, #tpu.memory_space<vmem>> -> memref<128x128xf32, #tpu.memory_space<vmem>>
      tpu.wait_dma2 semaphore(%run_scoped3A_203 : memref<!tpu.dma_semaphore, #tpu.memory_space<semaphore_mem>>) src(%dma_wait3A_227 : memref<128x128xf32, #tpu.memory_space<vmem>>) dst(%dma_wait3A_223 : memref<128x128xf32, #tpu.memory_space<vmem_shared>>)
      tpu.yield
    }) : () -> ()
    %mul3A_14 = arith.constant 632 : i32
    %mul3A_15 = arith.muli %arg1, %mul3A_14 : i32
    %add3A_16 = arith.constant 128 : i32
    %add3A_17 = arith.addi %mul3A_15, %add3A_16 : i32
    %run_scoped3A_18 = arith.constant 0 : i32
    "tpu.region"() ({
      %run_scoped3A_203 = tpu.sem_alloc : memref<!tpu.dma_semaphore, #tpu.memory_space<semaphore_mem>>
      %dma_start3A_204 = arith.constant 0 : i32
      %dma_start3A_205 = arith.constant 0 : i32
      %dma_start3A_206 = tpu.memref_slice %arg6[%run_scoped3A_18, %dma_start3A_204, %dma_start3A_205] : memref<3x128x128xf32, #tpu.memory_space<vmem>> -> memref<1x128x128xf32, #tpu.memory_space<vmem>>
      %dma_start3A_207 = tpu.memref_squeeze %dma_start3A_206 : memref<1x128x128xf32, #tpu.memory_space<vmem>> -> memref<128x128xf32, #tpu.memory_space<vmem>>
      %dma_start3A_208 = arith.constant 0 : i32
      %dma_start3A_209 = tpu.memref_slice %arg7[%add3A_17, %dma_start3A_208] : memref<10112x128xf32, #tpu.memory_space<vmem_shared>> -> memref<128x128xf32, #tpu.memory_space<vmem_shared>>
      %dma_start3A_210 = arith.constant 0 : i32
      %dma_start3A_211 = tpu.memref_slice %arg7[%add3A_17, %dma_start3A_210] : memref<10112x128xf32, #tpu.memory_space<vmem_shared>> -> memref<128x128xf32, #tpu.memory_space<vmem_shared>>
      %dma_start3A_212 = arith.constant 0 : i32
      %dma_start3A_213 = arith.constant 0 : i32
      %dma_start3A_214 = tpu.memref_slice %arg6[%run_scoped3A_18, %dma_start3A_212, %dma_start3A_213] : memref<3x128x128xf32, #tpu.memory_space<vmem>> -> memref<1x128x128xf32, #tpu.memory_space<vmem>>
      %dma_start3A_215 = tpu.memref_squeeze %dma_start3A_214 : memref<1x128x128xf32, #tpu.memory_space<vmem>> -> memref<128x128xf32, #tpu.memory_space<vmem>>
      tpu.enqueue_dma source(%dma_start3A_215 : memref<128x128xf32, #tpu.memory_space<vmem>>) target(%dma_start3A_211 : memref<128x128xf32, #tpu.memory_space<vmem_shared>>) target_semaphore(%run_scoped3A_203 : memref<!tpu.dma_semaphore, #tpu.memory_space<semaphore_mem>>)
      %dma_wait3A_216 = arith.constant 0 : i32
      %dma_wait3A_217 = arith.constant 0 : i32
      %dma_wait3A_218 = tpu.memref_slice %arg6[%run_scoped3A_18, %dma_wait3A_216, %dma_wait3A_217] : memref<3x128x128xf32, #tpu.memory_space<vmem>> -> memref<1x128x128xf32, #tpu.memory_space<vmem>>
      %dma_wait3A_219 = tpu.memref_squeeze %dma_wait3A_218 : memref<1x128x128xf32, #tpu.memory_space<vmem>> -> memref<128x128xf32, #tpu.memory_space<vmem>>
      %dma_wait3A_220 = arith.constant 0 : i32
      %dma_wait3A_221 = tpu.memref_slice %arg7[%add3A_17, %dma_wait3A_220] : memref<10112x128xf32, #tpu.memory_space<vmem_shared>> -> memref<128x128xf32, #tpu.memory_space<vmem_shared>>
      %dma_wait3A_222 = arith.constant 0 : i32
      %dma_wait3A_223 = tpu.memref_slice %arg7[%add3A_17, %dma_wait3A_222] : memref<10112x128xf32, #tpu.memory_space<vmem_shared>> -> memref<128x128xf32, #tpu.memory_space<vmem_shared>>
      %dma_wait3A_224 = arith.constant 0 : i32
      %dma_wait3A_225 = arith.constant 0 : i32
      %dma_wait3A_226 = tpu.memref_slice %arg6[%run_scoped3A_18, %dma_wait3A_224, %dma_wait3A_225] : memref<3x128x128xf32, #tpu.memory_space<vmem>> -> memref<1x128x128xf32, #tpu.memory_space<vmem>>
      %dma_wait3A_227 = tpu.memref_squeeze %dma_wait3A_226 : memref<1x128x128xf32, #tpu.memory_space<vmem>> -> memref<128x128xf32, #tpu.memory_space<vmem>>
      tpu.wait_dma2 semaphore(%run_scoped3A_203 : memref<!tpu.dma_semaphore, #tpu.memory_space<semaphore_mem>>) src(%dma_wait3A_227 : memref<128x128xf32, #tpu.memory_space<vmem>>) dst(%dma_wait3A_223 : memref<128x128xf32, #tpu.memory_space<vmem_shared>>)
      tpu.yield
    }) : () -> ()
    %mul3A_19 = arith.constant 632 : i32
    %mul3A_20 = arith.muli %arg1, %mul3A_19 : i32
    %add3A_21 = arith.constant 256 : i32
    %add3A_22 = arith.addi %mul3A_20, %add3A_21 : i32
    %run_scoped3A_23 = arith.constant 0 : i32
    "tpu.region"() ({
      %run_scoped3A_203 = tpu.sem_alloc : memref<!tpu.dma_semaphore, #tpu.memory_space<semaphore_mem>>
      %dma_start3A_204 = arith.constant 0 : i32
      %dma_start3A_205 = arith.constant 0 : i32
      %dma_start3A_206 = tpu.memref_slice %arg6[%run_scoped3A_23, %dma_start3A_204, %dma_start3A_205] : memref<3x128x128xf32, #tpu.memory_space<vmem>> -> memref<1x128x128xf32, #tpu.memory_space<vmem>>
      %dma_start3A_207 = tpu.memref_squeeze %dma_start3A_206 : memref<1x128x128xf32, #tpu.memory_space<vmem>> -> memref<128x128xf32, #tpu.memory_space<vmem>>
      %dma_start3A_208 = arith.constant 0 : i32
      %dma_start3A_209 = tpu.memref_slice %arg7[%add3A_22, %dma_start3A_208] : memref<10112x128xf32, #tpu.memory_space<vmem_shared>> -> memref<128x128xf32, #tpu.memory_space<vmem_shared>>
      %dma_start3A_210 = arith.constant 0 : i32
      %dma_start3A_211 = tpu.memref_slice %arg7[%add3A_22, %dma_start3A_210] : memref<10112x128xf32, #tpu.memory_space<vmem_shared>> -> memref<128x128xf32, #tpu.memory_space<vmem_shared>>
      %dma_start3A_212 = arith.constant 0 : i32
      %dma_start3A_213 = arith.constant 0 : i32
      %dma_start3A_214 = tpu.memref_slice %arg6[%run_scoped3A_23, %dma_start3A_212, %dma_start3A_213] : memref<3x128x128xf32, #tpu.memory_space<vmem>> -> memref<1x128x128xf32, #tpu.memory_space<vmem>>
      %dma_start3A_215 = tpu.memref_squeeze %dma_start3A_214 : memref<1x128x128xf32, #tpu.memory_space<vmem>> -> memref<128x128xf32, #tpu.memory_space<vmem>>
      tpu.enqueue_dma source(%dma_start3A_215 : memref<128x128xf32, #tpu.memory_space<vmem>>) target(%dma_start3A_211 : memref<128x128xf32, #tpu.memory_space<vmem_shared>>) target_semaphore(%run_scoped3A_203 : memref<!tpu.dma_semaphore, #tpu.memory_space<semaphore_mem>>)
      %dma_wait3A_216 = arith.constant 0 : i32
      %dma_wait3A_217 = arith.constant 0 : i32
      %dma_wait3A_218 = tpu.memref_slice %arg6[%run_scoped3A_23, %dma_wait3A_216, %dma_wait3A_217] : memref<3x128x128xf32, #tpu.memory_space<vmem>> -> memref<1x128x128xf32, #tpu.memory_space<vmem>>
      %dma_wait3A_219 = tpu.memref_squeeze %dma_wait3A_218 : memref<1x128x128xf32, #tpu.memory_space<vmem>> -> memref<128x128xf32, #tpu.memory_space<vmem>>
      %dma_wait3A_220 = arith.constant 0 : i32
      %dma_wait3A_221 = tpu.memref_slice %arg7[%add3A_22, %dma_wait3A_220] : memref<10112x128xf32, #tpu.memory_space<vmem_shared>> -> memref<128x128xf32, #tpu.memory_space<vmem_shared>>
      %dma_wait3A_222 = arith.constant 0 : i32
      %dma_wait3A_223 = tpu.memref_slice %arg7[%add3A_22, %dma_wait3A_222] : memref<10112x128xf32, #tpu.memory_space<vmem_shared>> -> memref<128x128xf32, #tpu.memory_space<vmem_shared>>
      %dma_wait3A_224 = arith.constant 0 : i32
      %dma_wait3A_225 = arith.constant 0 : i32
      %dma_wait3A_226 = tpu.memref_slice %arg6[%run_scoped3A_23, %dma_wait3A_224, %dma_wait3A_225] : memref<3x128x128xf32, #tpu.memory_space<vmem>> -> memref<1x128x128xf32, #tpu.memory_space<vmem>>
      %dma_wait3A_227 = tpu.memref_squeeze %dma_wait3A_226 : memref<1x128x128xf32, #tpu.memory_space<vmem>> -> memref<128x128xf32, #tpu.memory_space<vmem>>
      tpu.wait_dma2 semaphore(%run_scoped3A_203 : memref<!tpu.dma_semaphore, #tpu.memory_space<semaphore_mem>>) src(%dma_wait3A_227 : memref<128x128xf32, #tpu.memory_space<vmem>>) dst(%dma_wait3A_223 : memref<128x128xf32, #tpu.memory_space<vmem_shared>>)
      tpu.yield
    }) : () -> ()
    %mul3A_24 = arith.constant 632 : i32
    %mul3A_25 = arith.muli %arg1, %mul3A_24 : i32
    %add3A_26 = arith.constant 384 : i32
    %add3A_27 = arith.addi %mul3A_25, %add3A_26 : i32
    %run_scoped3A_28 = arith.constant 0 : i32
    "tpu.region"() ({
      %run_scoped3A_203 = tpu.sem_alloc : memref<!tpu.dma_semaphore, #tpu.memory_space<semaphore_mem>>
      %dma_start3A_204 = arith.constant 0 : i32
      %dma_start3A_205 = arith.constant 0 : i32
      %dma_start3A_206 = tpu.memref_slice %arg6[%run_scoped3A_28, %dma_start3A_204, %dma_start3A_205] : memref<3x128x128xf32, #tpu.memory_space<vmem>> -> memref<1x128x128xf32, #tpu.memory_space<vmem>>
      %dma_start3A_207 = tpu.memref_squeeze %dma_start3A_206 : memref<1x128x128xf32, #tpu.memory_space<vmem>> -> memref<128x128xf32, #tpu.memory_space<vmem>>
      %dma_start3A_208 = arith.constant 0 : i32
      %dma_start3A_209 = tpu.memref_slice %arg7[%add3A_27, %dma_start3A_208] : memref<10112x128xf32, #tpu.memory_space<vmem_shared>> -> memref<128x128xf32, #tpu.memory_space<vmem_shared>>
      %dma_start3A_210 = arith.constant 0 : i32
      %dma_start3A_211 = tpu.memref_slice %arg7[%add3A_27, %dma_start3A_210] : memref<10112x128xf32, #tpu.memory_space<vmem_shared>> -> memref<128x128xf32, #tpu.memory_space<vmem_shared>>
      %dma_start3A_212 = arith.constant 0 : i32
      %dma_start3A_213 = arith.constant 0 : i32
      %dma_start3A_214 = tpu.memref_slice %arg6[%run_scoped3A_28, %dma_start3A_212, %dma_start3A_213] : memref<3x128x128xf32, #tpu.memory_space<vmem>> -> memref<1x128x128xf32, #tpu.memory_space<vmem>>
      %dma_start3A_215 = tpu.memref_squeeze %dma_start3A_214 : memref<1x128x128xf32, #tpu.memory_space<vmem>> -> memref<128x128xf32, #tpu.memory_space<vmem>>
      tpu.enqueue_dma source(%dma_start3A_215 : memref<128x128xf32, #tpu.memory_space<vmem>>) target(%dma_start3A_211 : memref<128x128xf32, #tpu.memory_space<vmem_shared>>) target_semaphore(%run_scoped3A_203 : memref<!tpu.dma_semaphore, #tpu.memory_space<semaphore_mem>>)
      %dma_wait3A_216 = arith.constant 0 : i32
      %dma_wait3A_217 = arith.constant 0 : i32
      %dma_wait3A_218 = tpu.memref_slice %arg6[%run_scoped3A_28, %dma_wait3A_216, %dma_wait3A_217] : memref<3x128x128xf32, #tpu.memory_space<vmem>> -> memref<1x128x128xf32, #tpu.memory_space<vmem>>
      %dma_wait3A_219 = tpu.memref_squeeze %dma_wait3A_218 : memref<1x128x128xf32, #tpu.memory_space<vmem>> -> memref<128x128xf32, #tpu.memory_space<vmem>>
      %dma_wait3A_220 = arith.constant 0 : i32
      %dma_wait3A_221 = tpu.memref_slice %arg7[%add3A_27, %dma_wait3A_220] : memref<10112x128xf32, #tpu.memory_space<vmem_shared>> -> memref<128x128xf32, #tpu.memory_space<vmem_shared>>
      %dma_wait3A_222 = arith.constant 0 : i32
      %dma_wait3A_223 = tpu.memref_slice %arg7[%add3A_27, %dma_wait3A_222] : memref<10112x128xf32, #tpu.memory_space<vmem_shared>> -> memref<128x128xf32, #tpu.memory_space<vmem_shared>>
      %dma_wait3A_224 = arith.constant 0 : i32
      %dma_wait3A_225 = arith.constant 0 : i32
      %dma_wait3A_226 = tpu.memref_slice %arg6[%run_scoped3A_28, %dma_wait3A_224, %dma_wait3A_225] : memref<3x128x128xf32, #tpu.memory_space<vmem>> -> memref<1x128x128xf32, #tpu.memory_space<vmem>>
      %dma_wait3A_227 = tpu.memref_squeeze %dma_wait3A_226 : memref<1x128x128xf32, #tpu.memory_space<vmem>> -> memref<128x128xf32, #tpu.memory_space<vmem>>
      tpu.wait_dma2 semaphore(%run_scoped3A_203 : memref<!tpu.dma_semaphore, #tpu.memory_space<semaphore_mem>>) src(%dma_wait3A_227 : memref<128x128xf32, #tpu.memory_space<vmem>>) dst(%dma_wait3A_223 : memref<128x128xf32, #tpu.memory_space<vmem_shared>>)
      tpu.yield
    }) : () -> ()
    %mul3A_29 = arith.constant 632 : i32
    %mul3A_30 = arith.muli %arg1, %mul3A_29 : i32
    %add3A_31 = arith.constant 512 : i32
    %add3A_32 = arith.addi %mul3A_30, %add3A_31 : i32
    %run_scoped3A_33 = arith.constant 0 : i32
    "tpu.region"() ({
      %run_scoped3A_203 = tpu.sem_alloc : memref<!tpu.dma_semaphore, #tpu.memory_space<semaphore_mem>>
      %dma_start3A_204 = arith.constant 0 : i32
      %dma_start3A_205 = arith.constant 0 : i32
      %dma_start3A_206 = tpu.memref_slice %arg6[%run_scoped3A_33, %dma_start3A_204, %dma_start3A_205] : memref<3x128x128xf32, #tpu.memory_space<vmem>> -> memref<1x120x128xf32, #tpu.memory_space<vmem>>
      %dma_start3A_207 = tpu.memref_squeeze %dma_start3A_206 : memref<1x120x128xf32, #tpu.memory_space<vmem>> -> memref<120x128xf32, #tpu.memory_space<vmem>>
      %dma_start3A_208 = arith.constant 0 : i32
      %dma_start3A_209 = tpu.memref_slice %arg7[%add3A_32, %dma_start3A_208] : memref<10112x128xf32, #tpu.memory_space<vmem_shared>> -> memref<120x128xf32, #tpu.memory_space<vmem_shared>>
      %dma_start3A_210 = arith.constant 0 : i32
      %dma_start3A_211 = tpu.memref_slice %arg7[%add3A_32, %dma_start3A_210] : memref<10112x128xf32, #tpu.memory_space<vmem_shared>> -> memref<120x128xf32, #tpu.memory_space<vmem_shared>>
      %dma_start3A_212 = arith.constant 0 : i32
      %dma_start3A_213 = arith.constant 0 : i32
      %dma_start3A_214 = tpu.memref_slice %arg6[%run_scoped3A_33, %dma_start3A_212, %dma_start3A_213] : memref<3x128x128xf32, #tpu.memory_space<vmem>> -> memref<1x120x128xf32, #tpu.memory_space<vmem>>
      %dma_start3A_215 = tpu.memref_squeeze %dma_start3A_214 : memref<1x120x128xf32, #tpu.memory_space<vmem>> -> memref<120x128xf32, #tpu.memory_space<vmem>>
      tpu.enqueue_dma source(%dma_start3A_215 : memref<120x128xf32, #tpu.memory_space<vmem>>) target(%dma_start3A_211 : memref<120x128xf32, #tpu.memory_space<vmem_shared>>) target_semaphore(%run_scoped3A_203 : memref<!tpu.dma_semaphore, #tpu.memory_space<semaphore_mem>>)
      %dma_wait3A_216 = arith.constant 0 : i32
      %dma_wait3A_217 = arith.constant 0 : i32
      %dma_wait3A_218 = tpu.memref_slice %arg6[%run_scoped3A_33, %dma_wait3A_216, %dma_wait3A_217] : memref<3x128x128xf32, #tpu.memory_space<vmem>> -> memref<1x120x128xf32, #tpu.memory_space<vmem>>
      %dma_wait3A_219 = tpu.memref_squeeze %dma_wait3A_218 : memref<1x120x128xf32, #tpu.memory_space<vmem>> -> memref<120x128xf32, #tpu.memory_space<vmem>>
      %dma_wait3A_220 = arith.constant 0 : i32
      %dma_wait3A_221 = tpu.memref_slice %arg7[%add3A_32, %dma_wait3A_220] : memref<10112x128xf32, #tpu.memory_space<vmem_shared>> -> memref<120x128xf32, #tpu.memory_space<vmem_shared>>
      %dma_wait3A_222 = arith.constant 0 : i32
      %dma_wait3A_223 = tpu.memref_slice %arg7[%add3A_32, %dma_wait3A_222] : memref<10112x128xf32, #tpu.memory_space<vmem_shared>> -> memref<120x128xf32, #tpu.memory_space<vmem_shared>>
      %dma_wait3A_224 = arith.constant 0 : i32
      %dma_wait3A_225 = arith.constant 0 : i32
      %dma_wait3A_226 = tpu.memref_slice %arg6[%run_scoped3A_33, %dma_wait3A_224, %dma_wait3A_225] : memref<3x128x128xf32, #tpu.memory_space<vmem>> -> memref<1x120x128xf32, #tpu.memory_space<vmem>>
      %dma_wait3A_227 = tpu.memref_squeeze %dma_wait3A_226 : memref<1x120x128xf32, #tpu.memory_space<vmem>> -> memref<120x128xf32, #tpu.memory_space<vmem>>
      tpu.wait_dma2 semaphore(%run_scoped3A_203 : memref<!tpu.dma_semaphore, #tpu.memory_space<semaphore_mem>>) src(%dma_wait3A_227 : memref<120x128xf32, #tpu.memory_space<vmem>>) dst(%dma_wait3A_223 : memref<120x128xf32, #tpu.memory_space<vmem_shared>>)
      tpu.yield
    }) : () -> ()
    %barrier3A = arith.constant 0 : index
    tpu.barrier barrier_id(%barrier3A)
    %run_scoped3A_34 = arith.constant 0 : i32
    "tpu.region"() ({
      %run_scoped3A_203 = tpu.sem_alloc : memref<!tpu.dma_semaphore, #tpu.memory_space<semaphore_mem>>
      %dma_start3A_204 = arith.constant 0 : i32
      %dma_start3A_205 = arith.constant 0 : i32
      %dma_start3A_206 = tpu.memref_slice %arg5[%run_scoped3A_34, %dma_start3A_204, %dma_start3A_205] : memref<3x2x128xi32, #tpu.memory_space<vmem>> -> memref<1x2x128xi32, #tpu.memory_space<vmem>>
      %dma_start3A_207 = tpu.memref_squeeze %dma_start3A_206 : memref<1x2x128xi32, #tpu.memory_space<vmem>> -> memref<2x128xi32, #tpu.memory_space<vmem>>
      %dma_start3A_208 = arith.constant 0 : i32
      %dma_start3A_209 = arith.constant 0 : i32
      %dma_start3A_210 = tpu.memref_slice %arg2[%mul3A_2, %dma_start3A_208, %dma_start3A_209] : memref<2592x2x128xi32, #tpu.memory_space<hbm>> -> memref<1x2x128xi32, #tpu.memory_space<hbm>>
      %dma_start3A_211 = tpu.memref_squeeze %dma_start3A_210 : memref<1x2x128xi32, #tpu.memory_space<hbm>> -> memref<2x128xi32, #tpu.memory_space<hbm>>
      %dma_start3A_212 = arith.constant 0 : i32
      %dma_start3A_213 = arith.constant 0 : i32
      %dma_start3A_214 = tpu.memref_slice %arg5[%run_scoped3A_34, %dma_start3A_212, %dma_start3A_213] : memref<3x2x128xi32, #tpu.memory_space<vmem>> -> memref<1x2x128xi32, #tpu.memory_space<vmem>>
      %dma_start3A_215 = tpu.memref_squeeze %dma_start3A_214 : memref<1x2x128xi32, #tpu.memory_space<vmem>> -> memref<2x128xi32, #tpu.memory_space<vmem>>
      %dma_start3A_216 = arith.constant 0 : i32
      %dma_start3A_217 = arith.constant 0 : i32
      %dma_start3A_218 = tpu.memref_slice %arg2[%mul3A_2, %dma_start3A_216, %dma_start3A_217] : memref<2592x2x128xi32, #tpu.memory_space<hbm>> -> memref<1x2x128xi32, #tpu.memory_space<hbm>>
      %dma_start3A_219 = tpu.memref_squeeze %dma_start3A_218 : memref<1x2x128xi32, #tpu.memory_space<hbm>> -> memref<2x128xi32, #tpu.memory_space<hbm>>
      tpu.enqueue_dma source(%dma_start3A_219 : memref<2x128xi32, #tpu.memory_space<hbm>>) target(%dma_start3A_215 : memref<2x128xi32, #tpu.memory_space<vmem>>) target_semaphore(%run_scoped3A_203 : memref<!tpu.dma_semaphore, #tpu.memory_space<semaphore_mem>>)
      %dma_wait3A_220 = arith.constant 0 : i32
      %dma_wait3A_221 = arith.constant 0 : i32
      %dma_wait3A_222 = tpu.memref_slice %arg5[%run_scoped3A_34, %dma_wait3A_220, %dma_wait3A_221] : memref<3x2x128xi32, #tpu.memory_space<vmem>> -> memref<1x2x128xi32, #tpu.memory_space<vmem>>
      %dma_wait3A_223 = tpu.memref_squeeze %dma_wait3A_222 : memref<1x2x128xi32, #tpu.memory_space<vmem>> -> memref<2x128xi32, #tpu.memory_space<vmem>>
      %dma_wait3A_224 = arith.constant 0 : i32
      %dma_wait3A_225 = arith.constant 0 : i32
      %dma_wait3A_226 = tpu.memref_slice %arg2[%mul3A_2, %dma_wait3A_224, %dma_wait3A_225] : memref<2592x2x128xi32, #tpu.memory_space<hbm>> -> memref<1x2x128xi32, #tpu.memory_space<hbm>>
      %dma_wait3A_227 = tpu.memref_squeeze %dma_wait3A_226 : memref<1x2x128xi32, #tpu.memory_space<hbm>> -> memref<2x128xi32, #tpu.memory_space<hbm>>
      %dma_wait3A_228 = arith.constant 0 : i32
      %dma_wait3A_229 = arith.constant 0 : i32
      %dma_wait3A_230 = tpu.memref_slice %arg5[%run_scoped3A_34, %dma_wait3A_228, %dma_wait3A_229] : memref<3x2x128xi32, #tpu.memory_space<vmem>> -> memref<1x2x128xi32, #tpu.memory_space<vmem>>
      %dma_wait3A_231 = tpu.memref_squeeze %dma_wait3A_230 : memref<1x2x128xi32, #tpu.memory_space<vmem>> -> memref<2x128xi32, #tpu.memory_space<vmem>>
      %dma_wait3A_232 = arith.constant 0 : i32
      %dma_wait3A_233 = arith.constant 0 : i32
      %dma_wait3A_234 = tpu.memref_slice %arg2[%mul3A_2, %dma_wait3A_232, %dma_wait3A_233] : memref<2592x2x128xi32, #tpu.memory_space<hbm>> -> memref<1x2x128xi32, #tpu.memory_space<hbm>>
      %dma_wait3A_235 = tpu.memref_squeeze %dma_wait3A_234 : memref<1x2x128xi32, #tpu.memory_space<hbm>> -> memref<2x128xi32, #tpu.memory_space<hbm>>
      tpu.wait_dma2 semaphore(%run_scoped3A_203 : memref<!tpu.dma_semaphore, #tpu.memory_space<semaphore_mem>>) src(%dma_wait3A_235 : memref<2x128xi32, #tpu.memory_space<hbm>>) dst(%dma_wait3A_231 : memref<2x128xi32, #tpu.memory_space<vmem>>)
      tpu.yield
    }) : () -> ()
    %add3A_35 = arith.constant 1 : i32
    %add3A_36 = arith.addi %mul3A_2, %add3A_35 : i32
    %dma_start3A = arith.constant 1 : i32
    %dma_start3A_37 = arith.constant 0 : i32
    %dma_start3A_38 = arith.constant 0 : i32
    %dma_start3A_39 = tpu.memref_slice %arg5[%dma_start3A, %dma_start3A_37, %dma_start3A_38] : memref<3x2x128xi32, #tpu.memory_space<vmem>> -> memref<1x2x128xi32, #tpu.memory_space<vmem>>
    %dma_start3A_40 = tpu.memref_squeeze %dma_start3A_39 : memref<1x2x128xi32, #tpu.memory_space<vmem>> -> memref<2x128xi32, #tpu.memory_space<vmem>>
    %dma_start3A_41 = arith.constant 0 : i32
    %dma_start3A_42 = arith.constant 0 : i32
    %dma_start3A_43 = tpu.memref_slice %arg2[%add3A_36, %dma_start3A_41, %dma_start3A_42] : memref<2592x2x128xi32, #tpu.memory_space<hbm>> -> memref<1x2x128xi32, #tpu.memory_space<hbm>>
    %dma_start3A_44 = tpu.memref_squeeze %dma_start3A_43 : memref<1x2x128xi32, #tpu.memory_space<hbm>> -> memref<2x128xi32, #tpu.memory_space<hbm>>
    %dma_start3A_45 = arith.constant 0 : i32
    %dma_start3A_46 = arith.constant 0 : i32
    %dma_start3A_47 = tpu.memref_slice %arg5[%dma_start3A, %dma_start3A_45, %dma_start3A_46] : memref<3x2x128xi32, #tpu.memory_space<vmem>> -> memref<1x2x128xi32, #tpu.memory_space<vmem>>
    %dma_start3A_48 = tpu.memref_squeeze %dma_start3A_47 : memref<1x2x128xi32, #tpu.memory_space<vmem>> -> memref<2x128xi32, #tpu.memory_space<vmem>>
    %dma_start3A_49 = arith.constant 0 : i32
    %dma_start3A_50 = arith.constant 0 : i32
    %dma_start3A_51 = tpu.memref_slice %arg2[%add3A_36, %dma_start3A_49, %dma_start3A_50] : memref<2592x2x128xi32, #tpu.memory_space<hbm>> -> memref<1x2x128xi32, #tpu.memory_space<hbm>>
    %dma_start3A_52 = tpu.memref_squeeze %dma_start3A_51 : memref<1x2x128xi32, #tpu.memory_space<hbm>> -> memref<2x128xi32, #tpu.memory_space<hbm>>
    tpu.enqueue_dma source(%dma_start3A_52 : memref<2x128xi32, #tpu.memory_space<hbm>>) target(%dma_start3A_48 : memref<2x128xi32, #tpu.memory_space<vmem>>) target_semaphore(%arg9 : memref<!tpu.dma_semaphore, #tpu.memory_space<semaphore_mem>>)
    %add3A_53 = arith.constant 2 : i32
    %add3A_54 = arith.addi %mul3A_2, %add3A_53 : i32
    %dma_start3A_55 = arith.constant 2 : i32
    %dma_start3A_56 = arith.constant 0 : i32
    %dma_start3A_57 = arith.constant 0 : i32
    %dma_start3A_58 = tpu.memref_slice %arg5[%dma_start3A_55, %dma_start3A_56, %dma_start3A_57] : memref<3x2x128xi32, #tpu.memory_space<vmem>> -> memref<1x2x128xi32, #tpu.memory_space<vmem>>
    %dma_start3A_59 = tpu.memref_squeeze %dma_start3A_58 : memref<1x2x128xi32, #tpu.memory_space<vmem>> -> memref<2x128xi32, #tpu.memory_space<vmem>>
    %dma_start3A_60 = arith.constant 0 : i32
    %dma_start3A_61 = arith.constant 0 : i32
    %dma_start3A_62 = tpu.memref_slice %arg2[%add3A_54, %dma_start3A_60, %dma_start3A_61] : memref<2592x2x128xi32, #tpu.memory_space<hbm>> -> memref<1x2x128xi32, #tpu.memory_space<hbm>>
    %dma_start3A_63 = tpu.memref_squeeze %dma_start3A_62 : memref<1x2x128xi32, #tpu.memory_space<hbm>> -> memref<2x128xi32, #tpu.memory_space<hbm>>
    %dma_start3A_64 = arith.constant 0 : i32
    %dma_start3A_65 = arith.constant 0 : i32
    %dma_start3A_66 = tpu.memref_slice %arg5[%dma_start3A_55, %dma_start3A_64, %dma_start3A_65] : memref<3x2x128xi32, #tpu.memory_space<vmem>> -> memref<1x2x128xi32, #tpu.memory_space<vmem>>
    %dma_start3A_67 = tpu.memref_squeeze %dma_start3A_66 : memref<1x2x128xi32, #tpu.memory_space<vmem>> -> memref<2x128xi32, #tpu.memory_space<vmem>>
    %dma_start3A_68 = arith.constant 0 : i32
    %dma_start3A_69 = arith.constant 0 : i32
    %dma_start3A_70 = tpu.memref_slice %arg2[%add3A_54, %dma_start3A_68, %dma_start3A_69] : memref<2592x2x128xi32, #tpu.memory_space<hbm>> -> memref<1x2x128xi32, #tpu.memory_space<hbm>>
    %dma_start3A_71 = tpu.memref_squeeze %dma_start3A_70 : memref<1x2x128xi32, #tpu.memory_space<hbm>> -> memref<2x128xi32, #tpu.memory_space<hbm>>
    tpu.enqueue_dma source(%dma_start3A_71 : memref<2x128xi32, #tpu.memory_space<hbm>>) target(%dma_start3A_67 : memref<2x128xi32, #tpu.memory_space<vmem>>) target_semaphore(%arg10 : memref<!tpu.dma_semaphore, #tpu.memory_space<semaphore_mem>>)
    %dma_start3A_72 = arith.constant 0 : i32
    %dma_start3A_73 = arith.constant 0 : i32
    %dma_start3A_74 = arith.constant 0 : i32
    %dma_start3A_75 = arith.constant 0 : i32
    %dma_start3A_76 = arith.constant 0 : i32
    %dma_start3A_77 = tpu.memref_slice %arg6[%dma_start3A_74, %dma_start3A_75, %dma_start3A_76] : memref<3x128x128xf32, #tpu.memory_space<vmem>> -> memref<1x128x128xf32, #tpu.memory_space<vmem>>
    %dma_start3A_78 = tpu.memref_squeeze %dma_start3A_77 : memref<1x128x128xf32, #tpu.memory_space<vmem>> -> memref<128x128xf32, #tpu.memory_space<vmem>>
    %dma_start3A_79 = arith.constant 0 : i32
    %dma_start3A_80 = tpu.memref_slice %arg5[%dma_start3A_72, %dma_start3A_73, %dma_start3A_79] : memref<3x2x128xi32, #tpu.memory_space<vmem>> -> memref<1x1x128xi32, #tpu.memory_space<vmem>>
    %dma_start3A_81 = tpu.memref_squeeze %dma_start3A_80 : memref<1x1x128xi32, #tpu.memory_space<vmem>> -> memref<128xi32, #tpu.memory_space<vmem>>
    %dma_start3A_82 = arith.constant 0 : i32
    %dma_start3A_83 = arith.constant 0 : i32
    %dma_start3A_84 = tpu.memref_slice %arg3[%dma_start3A_82, %dma_start3A_83] : memref<10112x128xf32, #tpu.memory_space<hbm>> -> memref<10112x128xf32, #tpu.memory_space<hbm>>
    tpu.enqueue_indirect_dma source(%dma_start3A_84 : memref<10112x128xf32, #tpu.memory_space<hbm>>) target(%dma_start3A_78 : memref<128x128xf32, #tpu.memory_space<vmem>>) offsets(%dma_start3A_81 : memref<128xi32, #tpu.memory_space<vmem>>) semaphore(%arg11 : memref<!tpu.dma_semaphore, #tpu.memory_space<semaphore_mem>>)
    %dma_wait3A = arith.constant 1 : i32
    %dma_wait3A_85 = arith.constant 0 : i32
    %dma_wait3A_86 = arith.constant 0 : i32
    %dma_wait3A_87 = tpu.memref_slice %arg5[%dma_wait3A, %dma_wait3A_85, %dma_wait3A_86] : memref<3x2x128xi32, #tpu.memory_space<vmem>> -> memref<1x2x128xi32, #tpu.memory_space<vmem>>
    %dma_wait3A_88 = tpu.memref_squeeze %dma_wait3A_87 : memref<1x2x128xi32, #tpu.memory_space<vmem>> -> memref<2x128xi32, #tpu.memory_space<vmem>>
    %dma_wait3A_89 = arith.constant 0 : i32
    %dma_wait3A_90 = arith.constant 0 : i32
    %dma_wait3A_91 = tpu.memref_slice %arg2[%mul3A_2, %dma_wait3A_89, %dma_wait3A_90] : memref<2592x2x128xi32, #tpu.memory_space<hbm>> -> memref<1x2x128xi32, #tpu.memory_space<hbm>>
    %dma_wait3A_92 = tpu.memref_squeeze %dma_wait3A_91 : memref<1x2x128xi32, #tpu.memory_space<hbm>> -> memref<2x128xi32, #tpu.memory_space<hbm>>
    %dma_wait3A_93 = arith.constant 0 : i32
    %dma_wait3A_94 = arith.constant 0 : i32
    %dma_wait3A_95 = tpu.memref_slice %arg5[%dma_wait3A, %dma_wait3A_93, %dma_wait3A_94] : memref<3x2x128xi32, #tpu.memory_space<vmem>> -> memref<1x2x128xi32, #tpu.memory_space<vmem>>
    %dma_wait3A_96 = tpu.memref_squeeze %dma_wait3A_95 : memref<1x2x128xi32, #tpu.memory_space<vmem>> -> memref<2x128xi32, #tpu.memory_space<vmem>>
    %dma_wait3A_97 = arith.constant 0 : i32
    %dma_wait3A_98 = arith.constant 0 : i32
    %dma_wait3A_99 = tpu.memref_slice %arg2[%mul3A_2, %dma_wait3A_97, %dma_wait3A_98] : memref<2592x2x128xi32, #tpu.memory_space<hbm>> -> memref<1x2x128xi32, #tpu.memory_space<hbm>>
    %dma_wait3A_100 = tpu.memref_squeeze %dma_wait3A_99 : memref<1x2x128xi32, #tpu.memory_space<hbm>> -> memref<2x128xi32, #tpu.memory_space<hbm>>
    tpu.wait_dma2 semaphore(%arg9 : memref<!tpu.dma_semaphore, #tpu.memory_space<semaphore_mem>>) src(%dma_wait3A_100 : memref<2x128xi32, #tpu.memory_space<hbm>>) dst(%dma_wait3A_96 : memref<2x128xi32, #tpu.memory_space<vmem>>)
    %dma_start3A_101 = arith.constant 1 : i32
    %dma_start3A_102 = arith.constant 0 : i32
    %dma_start3A_103 = arith.constant 1 : i32
    %dma_start3A_104 = arith.constant 0 : i32
    %dma_start3A_105 = arith.constant 0 : i32
    %dma_start3A_106 = tpu.memref_slice %arg6[%dma_start3A_103, %dma_start3A_104, %dma_start3A_105] : memref<3x128x128xf32, #tpu.memory_space<vmem>> -> memref<1x128x128xf32, #tpu.memory_space<vmem>>
    %dma_start3A_107 = tpu.memref_squeeze %dma_start3A_106 : memref<1x128x128xf32, #tpu.memory_space<vmem>> -> memref<128x128xf32, #tpu.memory_space<vmem>>
    %dma_start3A_108 = arith.constant 0 : i32
    %dma_start3A_109 = tpu.memref_slice %arg5[%dma_start3A_101, %dma_start3A_102, %dma_start3A_108] : memref<3x2x128xi32, #tpu.memory_space<vmem>> -> memref<1x1x128xi32, #tpu.memory_space<vmem>>
    %dma_start3A_110 = tpu.memref_squeeze %dma_start3A_109 : memref<1x1x128xi32, #tpu.memory_space<vmem>> -> memref<128xi32, #tpu.memory_space<vmem>>
    %dma_start3A_111 = arith.constant 0 : i32
    %dma_start3A_112 = arith.constant 0 : i32
    %dma_start3A_113 = tpu.memref_slice %arg3[%dma_start3A_111, %dma_start3A_112] : memref<10112x128xf32, #tpu.memory_space<hbm>> -> memref<10112x128xf32, #tpu.memory_space<hbm>>
    tpu.enqueue_indirect_dma source(%dma_start3A_113 : memref<10112x128xf32, #tpu.memory_space<hbm>>) target(%dma_start3A_107 : memref<128x128xf32, #tpu.memory_space<vmem>>) offsets(%dma_start3A_110 : memref<128xi32, #tpu.memory_space<vmem>>) semaphore(%arg12 : memref<!tpu.dma_semaphore, #tpu.memory_space<semaphore_mem>>)
    %scan3A_114 = arith.constant 0 : i32
    %scan3A_115 = arith.constant 0 : i32
    %scan3A_116 = arith.constant 26 : i32
    %scan3A_117 = arith.addi %scan3A_115, %scan3A_116 : i32
    %scan3A_118 = arith.constant 1 : i32
    scf.for %scan3A_203 = %scan3A_115 to %scan3A_117 step %scan3A_118  : i32 {
      %mul3A_204 = arith.constant 3 : i32
      %mul3A_205 = arith.muli %mul3A_204, %scan3A_203 : i32
      %add3A_206 = arith.constant 0 : i32
      %add3A_207 = arith.addi %mul3A_205, %add3A_206 : i32
      %dma_wait3A_208 = arith.constant 0 : i32
      %dma_wait3A_209 = arith.constant 0 : i32
      %dma_wait3A_210 = arith.constant 0 : i32
      %dma_wait3A_211 = arith.constant 0 : i32
      %dma_wait3A_212 = arith.constant 0 : i32
      %dma_wait3A_213 = tpu.memref_slice %arg6[%dma_wait3A_210, %dma_wait3A_211, %dma_wait3A_212] : memref<3x128x128xf32, #tpu.memory_space<vmem>> -> memref<1x128x128xf32, #tpu.memory_space<vmem>>
      %dma_wait3A_214 = tpu.memref_squeeze %dma_wait3A_213 : memref<1x128x128xf32, #tpu.memory_space<vmem>> -> memref<128x128xf32, #tpu.memory_space<vmem>>
      %dma_wait3A_215 = arith.constant 0 : i32
      %dma_wait3A_216 = tpu.memref_slice %arg5[%dma_wait3A_208, %dma_wait3A_209, %dma_wait3A_215] : memref<3x2x128xi32, #tpu.memory_space<vmem>> -> memref<1x1x128xi32, #tpu.memory_space<vmem>>
      %dma_wait3A_217 = tpu.memref_squeeze %dma_wait3A_216 : memref<1x1x128xi32, #tpu.memory_space<vmem>> -> memref<128xi32, #tpu.memory_space<vmem>>
      %dma_wait3A_218 = arith.constant 0 : i32
      %dma_wait3A_219 = arith.constant 0 : i32
      %dma_wait3A_220 = tpu.memref_slice %arg3[%dma_wait3A_218, %dma_wait3A_219] : memref<10112x128xf32, #tpu.memory_space<hbm>> -> memref<10112x128xf32, #tpu.memory_space<hbm>>
      tpu.wait_indirect_dma semaphore(%arg11 : memref<!tpu.dma_semaphore, #tpu.memory_space<semaphore_mem>>) src(%dma_wait3A_220 : memref<10112x128xf32, #tpu.memory_space<hbm>>) dst(%dma_wait3A_214 : memref<128x128xf32, #tpu.memory_space<vmem>>)
      %dma_wait3A_221 = arith.constant 2 : i32
      %dma_wait3A_222 = arith.constant 0 : i32
      %dma_wait3A_223 = arith.constant 0 : i32
      %dma_wait3A_224 = tpu.memref_slice %arg5[%dma_wait3A_221, %dma_wait3A_222, %dma_wait3A_223] : memref<3x2x128xi32, #tpu.memory_space<vmem>> -> memref<1x2x128xi32, #tpu.memory_space<vmem>>
      %dma_wait3A_225 = tpu.memref_squeeze %dma_wait3A_224 : memref<1x2x128xi32, #tpu.memory_space<vmem>> -> memref<2x128xi32, #tpu.memory_space<vmem>>
      %dma_wait3A_226 = arith.constant 0 : i32
      %dma_wait3A_227 = arith.constant 0 : i32
      %dma_wait3A_228 = tpu.memref_slice %arg2[%mul3A_2, %dma_wait3A_226, %dma_wait3A_227] : memref<2592x2x128xi32, #tpu.memory_space<hbm>> -> memref<1x2x128xi32, #tpu.memory_space<hbm>>
      %dma_wait3A_229 = tpu.memref_squeeze %dma_wait3A_228 : memref<1x2x128xi32, #tpu.memory_space<hbm>> -> memref<2x128xi32, #tpu.memory_space<hbm>>
      %dma_wait3A_230 = arith.constant 0 : i32
      %dma_wait3A_231 = arith.constant 0 : i32
      %dma_wait3A_232 = tpu.memref_slice %arg5[%dma_wait3A_221, %dma_wait3A_230, %dma_wait3A_231] : memref<3x2x128xi32, #tpu.memory_space<vmem>> -> memref<1x2x128xi32, #tpu.memory_space<vmem>>
      %dma_wait3A_233 = tpu.memref_squeeze %dma_wait3A_232 : memref<1x2x128xi32, #tpu.memory_space<vmem>> -> memref<2x128xi32, #tpu.memory_space<vmem>>
      %dma_wait3A_234 = arith.constant 0 : i32
      %dma_wait3A_235 = arith.constant 0 : i32
      %dma_wait3A_236 = tpu.memref_slice %arg2[%mul3A_2, %dma_wait3A_234, %dma_wait3A_235] : memref<2592x2x128xi32, #tpu.memory_space<hbm>> -> memref<1x2x128xi32, #tpu.memory_space<hbm>>
      %dma_wait3A_237 = tpu.memref_squeeze %dma_wait3A_236 : memref<1x2x128xi32, #tpu.memory_space<hbm>> -> memref<2x128xi32, #tpu.memory_space<hbm>>
      tpu.wait_dma2 semaphore(%arg10 : memref<!tpu.dma_semaphore, #tpu.memory_space<semaphore_mem>>) src(%dma_wait3A_237 : memref<2x128xi32, #tpu.memory_space<hbm>>) dst(%dma_wait3A_233 : memref<2x128xi32, #tpu.memory_space<vmem>>)
      %dma_start3A_238 = arith.constant 2 : i32
      %dma_start3A_239 = arith.constant 0 : i32
      %dma_start3A_240 = arith.constant 2 : i32
      %dma_start3A_241 = arith.constant 0 : i32
      %dma_start3A_242 = arith.constant 0 : i32
      %dma_start3A_243 = tpu.memref_slice %arg6[%dma_start3A_240, %dma_start3A_241, %dma_start3A_242] : memref<3x128x128xf32, #tpu.memory_space<vmem>> -> memref<1x128x128xf32, #tpu.memory_space<vmem>>
      %dma_start3A_244 = tpu.memref_squeeze %dma_start3A_243 : memref<1x128x128xf32, #tpu.memory_space<vmem>> -> memref<128x128xf32, #tpu.memory_space<vmem>>
      %dma_start3A_245 = arith.constant 0 : i32
      %dma_start3A_246 = tpu.memref_slice %arg5[%dma_start3A_238, %dma_start3A_239, %dma_start3A_245] : memref<3x2x128xi32, #tpu.memory_space<vmem>> -> memref<1x1x128xi32, #tpu.memory_space<vmem>>
      %dma_start3A_247 = tpu.memref_squeeze %dma_start3A_246 : memref<1x1x128xi32, #tpu.memory_space<vmem>> -> memref<128xi32, #tpu.memory_space<vmem>>
      %dma_start3A_248 = arith.constant 0 : i32
      %dma_start3A_249 = arith.constant 0 : i32
      %dma_start3A_250 = tpu.memref_slice %arg3[%dma_start3A_248, %dma_start3A_249] : memref<10112x128xf32, #tpu.memory_space<hbm>> -> memref<10112x128xf32, #tpu.memory_space<hbm>>
      tpu.enqueue_indirect_dma source(%dma_start3A_250 : memref<10112x128xf32, #tpu.memory_space<hbm>>) target(%dma_start3A_244 : memref<128x128xf32, #tpu.memory_space<vmem>>) offsets(%dma_start3A_247 : memref<128xi32, #tpu.memory_space<vmem>>) semaphore(%arg13 : memref<!tpu.dma_semaphore, #tpu.memory_space<semaphore_mem>>)
      %run_scoped3A_251 = arith.constant 0 : i32
      %run_scoped3A_252 = arith.constant 0 : i32
      %run_scoped3A_253 = arith.constant 1 : i32
      "tpu.region"() ({
        %run_scoped3A_414 = tpu.sem_alloc : memref<!tpu.dma_semaphore, #tpu.memory_space<semaphore_mem>>
        %dma_start3A_415 = arith.constant 0 : i32
        %dma_start3A_416 = arith.constant 0 : i32
        %dma_start3A_417 = tpu.memref_slice %arg6[%run_scoped3A_251, %dma_start3A_415, %dma_start3A_416] : memref<3x128x128xf32, #tpu.memory_space<vmem>> -> memref<1x128x128xf32, #tpu.memory_space<vmem>>
        %dma_start3A_418 = tpu.memref_squeeze %dma_start3A_417 : memref<1x128x128xf32, #tpu.memory_space<vmem>> -> memref<128x128xf32, #tpu.memory_space<vmem>>
        %dma_start3A_419 = arith.constant 0 : i32
        %dma_start3A_420 = tpu.memref_slice %arg5[%run_scoped3A_252, %run_scoped3A_253, %dma_start3A_419] : memref<3x2x128xi32, #tpu.memory_space<vmem>> -> memref<1x1x128xi32, #tpu.memory_space<vmem>>
        %dma_start3A_421 = tpu.memref_squeeze %dma_start3A_420 : memref<1x1x128xi32, #tpu.memory_space<vmem>> -> memref<128xi32, #tpu.memory_space<vmem>>
        %dma_start3A_422 = arith.constant 0 : i32
        %dma_start3A_423 = arith.constant 0 : i32
        %dma_start3A_424 = tpu.memref_slice %arg7[%dma_start3A_422, %dma_start3A_423] : memref<10112x128xf32, #tpu.memory_space<vmem_shared>> -> memref<10112x128xf32, #tpu.memory_space<vmem_shared>>
        tpu.enqueue_indirect_dma source(%dma_start3A_418 : memref<128x128xf32, #tpu.memory_space<vmem>>) target(%dma_start3A_424 : memref<10112x128xf32, #tpu.memory_space<vmem_shared>>) offsets(%dma_start3A_421 : memref<128xi32, #tpu.memory_space<vmem>>) semaphore(%run_scoped3A_414 : memref<!tpu.dma_semaphore, #tpu.memory_space<semaphore_mem>>) {add = true}
        %dma_wait3A_425 = arith.constant 0 : i32
        %dma_wait3A_426 = arith.constant 0 : i32
        %dma_wait3A_427 = tpu.memref_slice %arg6[%run_scoped3A_251, %dma_wait3A_425, %dma_wait3A_426] : memref<3x128x128xf32, #tpu.memory_space<vmem>> -> memref<1x128x128xf32, #tpu.memory_space<vmem>>
        %dma_wait3A_428 = tpu.memref_squeeze %dma_wait3A_427 : memref<1x128x128xf32, #tpu.memory_space<vmem>> -> memref<128x128xf32, #tpu.memory_space<vmem>>
        %dma_wait3A_429 = arith.constant 0 : i32
        %dma_wait3A_430 = tpu.memref_slice %arg5[%run_scoped3A_252, %run_scoped3A_253, %dma_wait3A_429] : memref<3x2x128xi32, #tpu.memory_space<vmem>> -> memref<1x1x128xi32, #tpu.memory_space<vmem>>
        %dma_wait3A_431 = tpu.memref_squeeze %dma_wait3A_430 : memref<1x1x128xi32, #tpu.memory_space<vmem>> -> memref<128xi32, #tpu.memory_space<vmem>>
        %dma_wait3A_432 = arith.constant 0 : i32
        %dma_wait3A_433 = arith.constant 0 : i32
        %dma_wait3A_434 = tpu.memref_slice %arg7[%dma_wait3A_432, %dma_wait3A_433] : memref<10112x128xf32, #tpu.memory_space<vmem_shared>> -> memref<10112x128xf32, #tpu.memory_space<vmem_shared>>
        tpu.wait_indirect_dma semaphore(%run_scoped3A_414 : memref<!tpu.dma_semaphore, #tpu.memory_space<semaphore_mem>>) src(%dma_wait3A_428 : memref<128x128xf32, #tpu.memory_space<vmem>>) dst(%dma_wait3A_434 : memref<10112x128xf32, #tpu.memory_space<vmem_shared>>)
        tpu.yield
      }) : () -> ()
      %add3A_254 = arith.addi %mul3A_2, %add3A_207 : i32
      %add3A_255 = arith.constant 3 : i32
      %add3A_256 = arith.addi %add3A_254, %add3A_255 : i32
      %dma_start3A_257 = arith.constant 0 : i32
      %dma_start3A_258 = arith.constant 0 : i32
      %dma_start3A_259 = arith.constant 0 : i32
      %dma_start3A_260 = tpu.memref_slice %arg5[%dma_start3A_257, %dma_start3A_258, %dma_start3A_259] : memref<3x2x128xi32, #tpu.memory_space<vmem>> -> memref<1x2x128xi32, #tpu.memory_space<vmem>>
      %dma_start3A_261 = tpu.memref_squeeze %dma_start3A_260 : memref<1x2x128xi32, #tpu.memory_space<vmem>> -> memref<2x128xi32, #tpu.memory_space<vmem>>
      %dma_start3A_262 = arith.constant 0 : i32
      %dma_start3A_263 = arith.constant 0 : i32
      %dma_start3A_264 = tpu.memref_slice %arg2[%add3A_256, %dma_start3A_262, %dma_start3A_263] : memref<2592x2x128xi32, #tpu.memory_space<hbm>> -> memref<1x2x128xi32, #tpu.memory_space<hbm>>
      %dma_start3A_265 = tpu.memref_squeeze %dma_start3A_264 : memref<1x2x128xi32, #tpu.memory_space<hbm>> -> memref<2x128xi32, #tpu.memory_space<hbm>>
      %dma_start3A_266 = arith.constant 0 : i32
      %dma_start3A_267 = arith.constant 0 : i32
      %dma_start3A_268 = tpu.memref_slice %arg5[%dma_start3A_257, %dma_start3A_266, %dma_start3A_267] : memref<3x2x128xi32, #tpu.memory_space<vmem>> -> memref<1x2x128xi32, #tpu.memory_space<vmem>>
      %dma_start3A_269 = tpu.memref_squeeze %dma_start3A_268 : memref<1x2x128xi32, #tpu.memory_space<vmem>> -> memref<2x128xi32, #tpu.memory_space<vmem>>
      %dma_start3A_270 = arith.constant 0 : i32
      %dma_start3A_271 = arith.constant 0 : i32
      %dma_start3A_272 = tpu.memref_slice %arg2[%add3A_256, %dma_start3A_270, %dma_start3A_271] : memref<2592x2x128xi32, #tpu.memory_space<hbm>> -> memref<1x2x128xi32, #tpu.memory_space<hbm>>
      %dma_start3A_273 = tpu.memref_squeeze %dma_start3A_272 : memref<1x2x128xi32, #tpu.memory_space<hbm>> -> memref<2x128xi32, #tpu.memory_space<hbm>>
      tpu.enqueue_dma source(%dma_start3A_273 : memref<2x128xi32, #tpu.memory_space<hbm>>) target(%dma_start3A_269 : memref<2x128xi32, #tpu.memory_space<vmem>>) target_semaphore(%arg8 : memref<!tpu.dma_semaphore, #tpu.memory_space<semaphore_mem>>)
      %mul3A_274 = arith.constant 3 : i32
      %mul3A_275 = arith.muli %mul3A_274, %scan3A_203 : i32
      %add3A_276 = arith.constant 1 : i32
      %add3A_277 = arith.addi %mul3A_275, %add3A_276 : i32
      %dma_wait3A_278 = arith.constant 1 : i32
      %dma_wait3A_279 = arith.constant 0 : i32
      %dma_wait3A_280 = arith.constant 1 : i32
      %dma_wait3A_281 = arith.constant 0 : i32
      %dma_wait3A_282 = arith.constant 0 : i32
      %dma_wait3A_283 = tpu.memref_slice %arg6[%dma_wait3A_280, %dma_wait3A_281, %dma_wait3A_282] : memref<3x128x128xf32, #tpu.memory_space<vmem>> -> memref<1x128x128xf32, #tpu.memory_space<vmem>>
      %dma_wait3A_284 = tpu.memref_squeeze %dma_wait3A_283 : memref<1x128x128xf32, #tpu.memory_space<vmem>> -> memref<128x128xf32, #tpu.memory_space<vmem>>
      %dma_wait3A_285 = arith.constant 0 : i32
      %dma_wait3A_286 = tpu.memref_slice %arg5[%dma_wait3A_278, %dma_wait3A_279, %dma_wait3A_285] : memref<3x2x128xi32, #tpu.memory_space<vmem>> -> memref<1x1x128xi32, #tpu.memory_space<vmem>>
      %dma_wait3A_287 = tpu.memref_squeeze %dma_wait3A_286 : memref<1x1x128xi32, #tpu.memory_space<vmem>> -> memref<128xi32, #tpu.memory_space<vmem>>
      %dma_wait3A_288 = arith.constant 0 : i32
      %dma_wait3A_289 = arith.constant 0 : i32
      %dma_wait3A_290 = tpu.memref_slice %arg3[%dma_wait3A_288, %dma_wait3A_289] : memref<10112x128xf32, #tpu.memory_space<hbm>> -> memref<10112x128xf32, #tpu.memory_space<hbm>>
      tpu.wait_indirect_dma semaphore(%arg12 : memref<!tpu.dma_semaphore, #tpu.memory_space<semaphore_mem>>) src(%dma_wait3A_290 : memref<10112x128xf32, #tpu.memory_space<hbm>>) dst(%dma_wait3A_284 : memref<128x128xf32, #tpu.memory_space<vmem>>)
      %dma_wait3A_291 = arith.constant 0 : i32
      %dma_wait3A_292 = arith.constant 0 : i32
      %dma_wait3A_293 = arith.constant 0 : i32
      %dma_wait3A_294 = tpu.memref_slice %arg5[%dma_wait3A_291, %dma_wait3A_292, %dma_wait3A_293] : memref<3x2x128xi32, #tpu.memory_space<vmem>> -> memref<1x2x128xi32, #tpu.memory_space<vmem>>
      %dma_wait3A_295 = tpu.memref_squeeze %dma_wait3A_294 : memref<1x2x128xi32, #tpu.memory_space<vmem>> -> memref<2x128xi32, #tpu.memory_space<vmem>>
      %dma_wait3A_296 = arith.constant 0 : i32
      %dma_wait3A_297 = arith.constant 0 : i32
      %dma_wait3A_298 = tpu.memref_slice %arg2[%mul3A_2, %dma_wait3A_296, %dma_wait3A_297] : memref<2592x2x128xi32, #tpu.memory_space<hbm>> -> memref<1x2x128xi32, #tpu.memory_space<hbm>>
      %dma_wait3A_299 = tpu.memref_squeeze %dma_wait3A_298 : memref<1x2x128xi32, #tpu.memory_space<hbm>> -> memref<2x128xi32, #tpu.memory_space<hbm>>
      %dma_wait3A_300 = arith.constant 0 : i32
      %dma_wait3A_301 = arith.constant 0 : i32
      %dma_wait3A_302 = tpu.memref_slice %arg5[%dma_wait3A_291, %dma_wait3A_300, %dma_wait3A_301] : memref<3x2x128xi32, #tpu.memory_space<vmem>> -> memref<1x2x128xi32, #tpu.memory_space<vmem>>
      %dma_wait3A_303 = tpu.memref_squeeze %dma_wait3A_302 : memref<1x2x128xi32, #tpu.memory_space<vmem>> -> memref<2x128xi32, #tpu.memory_space<vmem>>
      %dma_wait3A_304 = arith.constant 0 : i32
      %dma_wait3A_305 = arith.constant 0 : i32
      %dma_wait3A_306 = tpu.memref_slice %arg2[%mul3A_2, %dma_wait3A_304, %dma_wait3A_305] : memref<2592x2x128xi32, #tpu.memory_space<hbm>> -> memref<1x2x128xi32, #tpu.memory_space<hbm>>
      %dma_wait3A_307 = tpu.memref_squeeze %dma_wait3A_306 : memref<1x2x128xi32, #tpu.memory_space<hbm>> -> memref<2x128xi32, #tpu.memory_space<hbm>>
      tpu.wait_dma2 semaphore(%arg8 : memref<!tpu.dma_semaphore, #tpu.memory_space<semaphore_mem>>) src(%dma_wait3A_307 : memref<2x128xi32, #tpu.memory_space<hbm>>) dst(%dma_wait3A_303 : memref<2x128xi32, #tpu.memory_space<vmem>>)
      %dma_start3A_308 = arith.constant 0 : i32
      %dma_start3A_309 = arith.constant 0 : i32
      %dma_start3A_310 = arith.constant 0 : i32
      %dma_start3A_311 = arith.constant 0 : i32
      %dma_start3A_312 = arith.constant 0 : i32
      %dma_start3A_313 = tpu.memref_slice %arg6[%dma_start3A_310, %dma_start3A_311, %dma_start3A_312] : memref<3x128x128xf32, #tpu.memory_space<vmem>> -> memref<1x128x128xf32, #tpu.memory_space<vmem>>
      %dma_start3A_314 = tpu.memref_squeeze %dma_start3A_313 : memref<1x128x128xf32, #tpu.memory_space<vmem>> -> memref<128x128xf32, #tpu.memory_space<vmem>>
      %dma_start3A_315 = arith.constant 0 : i32
      %dma_start3A_316 = tpu.memref_slice %arg5[%dma_start3A_308, %dma_start3A_309, %dma_start3A_315] : memref<3x2x128xi32, #tpu.memory_space<vmem>> -> memref<1x1x128xi32, #tpu.memory_space<vmem>>
      %dma_start3A_317 = tpu.memref_squeeze %dma_start3A_316 : memref<1x1x128xi32, #tpu.memory_space<vmem>> -> memref<128xi32, #tpu.memory_space<vmem>>
      %dma_start3A_318 = arith.constant 0 : i32
      %dma_start3A_319 = arith.constant 0 : i32
      %dma_start3A_320 = tpu.memref_slice %arg3[%dma_start3A_318, %dma_start3A_319] : memref<10112x128xf32, #tpu.memory_space<hbm>> -> memref<10112x128xf32, #tpu.memory_space<hbm>>
      tpu.enqueue_indirect_dma source(%dma_start3A_320 : memref<10112x128xf32, #tpu.memory_space<hbm>>) target(%dma_start3A_314 : memref<128x128xf32, #tpu.memory_space<vmem>>) offsets(%dma_start3A_317 : memref<128xi32, #tpu.memory_space<vmem>>) semaphore(%arg11 : memref<!tpu.dma_semaphore, #tpu.memory_space<semaphore_mem>>)
      %run_scoped3A_321 = arith.constant 1 : i32
      %run_scoped3A_322 = arith.constant 1 : i32
      %run_scoped3A_323 = arith.constant 1 : i32
      "tpu.region"() ({
        %run_scoped3A_414 = tpu.sem_alloc : memref<!tpu.dma_semaphore, #tpu.memory_space<semaphore_mem>>
        %dma_start3A_415 = arith.constant 0 : i32
        %dma_start3A_416 = arith.constant 0 : i32
        %dma_start3A_417 = tpu.memref_slice %arg6[%run_scoped3A_321, %dma_start3A_415, %dma_start3A_416] : memref<3x128x128xf32, #tpu.memory_space<vmem>> -> memref<1x128x128xf32, #tpu.memory_space<vmem>>
        %dma_start3A_418 = tpu.memref_squeeze %dma_start3A_417 : memref<1x128x128xf32, #tpu.memory_space<vmem>> -> memref<128x128xf32, #tpu.memory_space<vmem>>
        %dma_start3A_419 = arith.constant 0 : i32
        %dma_start3A_420 = tpu.memref_slice %arg5[%run_scoped3A_322, %run_scoped3A_323, %dma_start3A_419] : memref<3x2x128xi32, #tpu.memory_space<vmem>> -> memref<1x1x128xi32, #tpu.memory_space<vmem>>
        %dma_start3A_421 = tpu.memref_squeeze %dma_start3A_420 : memref<1x1x128xi32, #tpu.memory_space<vmem>> -> memref<128xi32, #tpu.memory_space<vmem>>
        %dma_start3A_422 = arith.constant 0 : i32
        %dma_start3A_423 = arith.constant 0 : i32
        %dma_start3A_424 = tpu.memref_slice %arg7[%dma_start3A_422, %dma_start3A_423] : memref<10112x128xf32, #tpu.memory_space<vmem_shared>> -> memref<10112x128xf32, #tpu.memory_space<vmem_shared>>
        tpu.enqueue_indirect_dma source(%dma_start3A_418 : memref<128x128xf32, #tpu.memory_space<vmem>>) target(%dma_start3A_424 : memref<10112x128xf32, #tpu.memory_space<vmem_shared>>) offsets(%dma_start3A_421 : memref<128xi32, #tpu.memory_space<vmem>>) semaphore(%run_scoped3A_414 : memref<!tpu.dma_semaphore, #tpu.memory_space<semaphore_mem>>) {add = true}
        %dma_wait3A_425 = arith.constant 0 : i32
        %dma_wait3A_426 = arith.constant 0 : i32
        %dma_wait3A_427 = tpu.memref_slice %arg6[%run_scoped3A_321, %dma_wait3A_425, %dma_wait3A_426] : memref<3x128x128xf32, #tpu.memory_space<vmem>> -> memref<1x128x128xf32, #tpu.memory_space<vmem>>
        %dma_wait3A_428 = tpu.memref_squeeze %dma_wait3A_427 : memref<1x128x128xf32, #tpu.memory_space<vmem>> -> memref<128x128xf32, #tpu.memory_space<vmem>>
        %dma_wait3A_429 = arith.constant 0 : i32
        %dma_wait3A_430 = tpu.memref_slice %arg5[%run_scoped3A_322, %run_scoped3A_323, %dma_wait3A_429] : memref<3x2x128xi32, #tpu.memory_space<vmem>> -> memref<1x1x128xi32, #tpu.memory_space<vmem>>
        %dma_wait3A_431 = tpu.memref_squeeze %dma_wait3A_430 : memref<1x1x128xi32, #tpu.memory_space<vmem>> -> memref<128xi32, #tpu.memory_space<vmem>>
        %dma_wait3A_432 = arith.constant 0 : i32
        %dma_wait3A_433 = arith.constant 0 : i32
        %dma_wait3A_434 = tpu.memref_slice %arg7[%dma_wait3A_432, %dma_wait3A_433] : memref<10112x128xf32, #tpu.memory_space<vmem_shared>> -> memref<10112x128xf32, #tpu.memory_space<vmem_shared>>
        tpu.wait_indirect_dma semaphore(%run_scoped3A_414 : memref<!tpu.dma_semaphore, #tpu.memory_space<semaphore_mem>>) src(%dma_wait3A_428 : memref<128x128xf32, #tpu.memory_space<vmem>>) dst(%dma_wait3A_434 : memref<10112x128xf32, #tpu.memory_space<vmem_shared>>)
        tpu.yield
      }) : () -> ()
      %add3A_324 = arith.addi %mul3A_2, %add3A_277 : i32
      %add3A_325 = arith.constant 3 : i32
      %add3A_326 = arith.addi %add3A_324, %add3A_325 : i32
      %dma_start3A_327 = arith.constant 1 : i32
      %dma_start3A_328 = arith.constant 0 : i32
      %dma_start3A_329 = arith.constant 0 : i32
      %dma_start3A_330 = tpu.memref_slice %arg5[%dma_start3A_327, %dma_start3A_328, %dma_start3A_329] : memref<3x2x128xi32, #tpu.memory_space<vmem>> -> memref<1x2x128xi32, #tpu.memory_space<vmem>>
      %dma_start3A_331 = tpu.memref_squeeze %dma_start3A_330 : memref<1x2x128xi32, #tpu.memory_space<vmem>> -> memref<2x128xi32, #tpu.memory_space<vmem>>
      %dma_start3A_332 = arith.constant 0 : i32
      %dma_start3A_333 = arith.constant 0 : i32
      %dma_start3A_334 = tpu.memref_slice %arg2[%add3A_326, %dma_start3A_332, %dma_start3A_333] : memref<2592x2x128xi32, #tpu.memory_space<hbm>> -> memref<1x2x128xi32, #tpu.memory_space<hbm>>
      %dma_start3A_335 = tpu.memref_squeeze %dma_start3A_334 : memref<1x2x128xi32, #tpu.memory_space<hbm>> -> memref<2x128xi32, #tpu.memory_space<hbm>>
      %dma_start3A_336 = arith.constant 0 : i32
      %dma_start3A_337 = arith.constant 0 : i32
      %dma_start3A_338 = tpu.memref_slice %arg5[%dma_start3A_327, %dma_start3A_336, %dma_start3A_337] : memref<3x2x128xi32, #tpu.memory_space<vmem>> -> memref<1x2x128xi32, #tpu.memory_space<vmem>>
      %dma_start3A_339 = tpu.memref_squeeze %dma_start3A_338 : memref<1x2x128xi32, #tpu.memory_space<vmem>> -> memref<2x128xi32, #tpu.memory_space<vmem>>
      %dma_start3A_340 = arith.constant 0 : i32
      %dma_start3A_341 = arith.constant 0 : i32
      %dma_start3A_342 = tpu.memref_slice %arg2[%add3A_326, %dma_start3A_340, %dma_start3A_341] : memref<2592x2x128xi32, #tpu.memory_space<hbm>> -> memref<1x2x128xi32, #tpu.memory_space<hbm>>
      %dma_start3A_343 = tpu.memref_squeeze %dma_start3A_342 : memref<1x2x128xi32, #tpu.memory_space<hbm>> -> memref<2x128xi32, #tpu.memory_space<hbm>>
      tpu.enqueue_dma source(%dma_start3A_343 : memref<2x128xi32, #tpu.memory_space<hbm>>) target(%dma_start3A_339 : memref<2x128xi32, #tpu.memory_space<vmem>>) target_semaphore(%arg9 : memref<!tpu.dma_semaphore, #tpu.memory_space<semaphore_mem>>)
      %mul3A_344 = arith.constant 3 : i32
      %mul3A_345 = arith.muli %mul3A_344, %scan3A_203 : i32
      %add3A_346 = arith.constant 2 : i32
      %add3A_347 = arith.addi %mul3A_345, %add3A_346 : i32
      %dma_wait3A_348 = arith.constant 2 : i32
      %dma_wait3A_349 = arith.constant 0 : i32
      %dma_wait3A_350 = arith.constant 2 : i32
      %dma_wait3A_351 = arith.constant 0 : i32
      %dma_wait3A_352 = arith.constant 0 : i32
      %dma_wait3A_353 = tpu.memref_slice %arg6[%dma_wait3A_350, %dma_wait3A_351, %dma_wait3A_352] : memref<3x128x128xf32, #tpu.memory_space<vmem>> -> memref<1x128x128xf32, #tpu.memory_space<vmem>>
      %dma_wait3A_354 = tpu.memref_squeeze %dma_wait3A_353 : memref<1x128x128xf32, #tpu.memory_space<vmem>> -> memref<128x128xf32, #tpu.memory_space<vmem>>
      %dma_wait3A_355 = arith.constant 0 : i32
      %dma_wait3A_356 = tpu.memref_slice %arg5[%dma_wait3A_348, %dma_wait3A_349, %dma_wait3A_355] : memref<3x2x128xi32, #tpu.memory_space<vmem>> -> memref<1x1x128xi32, #tpu.memory_space<vmem>>
      %dma_wait3A_357 = tpu.memref_squeeze %dma_wait3A_356 : memref<1x1x128xi32, #tpu.memory_space<vmem>> -> memref<128xi32, #tpu.memory_space<vmem>>
      %dma_wait3A_358 = arith.constant 0 : i32
      %dma_wait3A_359 = arith.constant 0 : i32
      %dma_wait3A_360 = tpu.memref_slice %arg3[%dma_wait3A_358, %dma_wait3A_359] : memref<10112x128xf32, #tpu.memory_space<hbm>> -> memref<10112x128xf32, #tpu.memory_space<hbm>>
      tpu.wait_indirect_dma semaphore(%arg13 : memref<!tpu.dma_semaphore, #tpu.memory_space<semaphore_mem>>) src(%dma_wait3A_360 : memref<10112x128xf32, #tpu.memory_space<hbm>>) dst(%dma_wait3A_354 : memref<128x128xf32, #tpu.memory_space<vmem>>)
      %dma_wait3A_361 = arith.constant 1 : i32
      %dma_wait3A_362 = arith.constant 0 : i32
      %dma_wait3A_363 = arith.constant 0 : i32
      %dma_wait3A_364 = tpu.memref_slice %arg5[%dma_wait3A_361, %dma_wait3A_362, %dma_wait3A_363] : memref<3x2x128xi32, #tpu.memory_space<vmem>> -> memref<1x2x128xi32, #tpu.memory_space<vmem>>
      %dma_wait3A_365 = tpu.memref_squeeze %dma_wait3A_364 : memref<1x2x128xi32, #tpu.memory_space<vmem>> -> memref<2x128xi32, #tpu.memory_space<vmem>>
      %dma_wait3A_366 = arith.constant 0 : i32
      %dma_wait3A_367 = arith.constant 0 : i32
      %dma_wait3A_368 = tpu.memref_slice %arg2[%mul3A_2, %dma_wait3A_366, %dma_wait3A_367] : memref<2592x2x128xi32, #tpu.memory_space<hbm>> -> memref<1x2x128xi32, #tpu.memory_space<hbm>>
      %dma_wait3A_369 = tpu.memref_squeeze %dma_wait3A_368 : memref<1x2x128xi32, #tpu.memory_space<hbm>> -> memref<2x128xi32, #tpu.memory_space<hbm>>
      %dma_wait3A_370 = arith.constant 0 : i32
      %dma_wait3A_371 = arith.constant 0 : i32
      %dma_wait3A_372 = tpu.memref_slice %arg5[%dma_wait3A_361, %dma_wait3A_370, %dma_wait3A_371] : memref<3x2x128xi32, #tpu.memory_space<vmem>> -> memref<1x2x128xi32, #tpu.memory_space<vmem>>
      %dma_wait3A_373 = tpu.memref_squeeze %dma_wait3A_372 : memref<1x2x128xi32, #tpu.memory_space<vmem>> -> memref<2x128xi32, #tpu.memory_space<vmem>>
      %dma_wait3A_374 = arith.constant 0 : i32
      %dma_wait3A_375 = arith.constant 0 : i32
      %dma_wait3A_376 = tpu.memref_slice %arg2[%mul3A_2, %dma_wait3A_374, %dma_wait3A_375] : memref<2592x2x128xi32, #tpu.memory_space<hbm>> -> memref<1x2x128xi32, #tpu.memory_space<hbm>>
      %dma_wait3A_377 = tpu.memref_squeeze %dma_wait3A_376 : memref<1x2x128xi32, #tpu.memory_space<hbm>> -> memref<2x128xi32, #tpu.memory_space<hbm>>
      tpu.wait_dma2 semaphore(%arg9 : memref<!tpu.dma_semaphore, #tpu.memory_space<semaphore_mem>>) src(%dma_wait3A_377 : memref<2x128xi32, #tpu.memory_space<hbm>>) dst(%dma_wait3A_373 : memref<2x128xi32, #tpu.memory_space<vmem>>)
      %dma_start3A_378 = arith.constant 1 : i32
      %dma_start3A_379 = arith.constant 0 : i32
      %dma_start3A_380 = arith.constant 1 : i32
      %dma_start3A_381 = arith.constant 0 : i32
      %dma_start3A_382 = arith.constant 0 : i32
      %dma_start3A_383 = tpu.memref_slice %arg6[%dma_start3A_380, %dma_start3A_381, %dma_start3A_382] : memref<3x128x128xf32, #tpu.memory_space<vmem>> -> memref<1x128x128xf32, #tpu.memory_space<vmem>>
      %dma_start3A_384 = tpu.memref_squeeze %dma_start3A_383 : memref<1x128x128xf32, #tpu.memory_space<vmem>> -> memref<128x128xf32, #tpu.memory_space<vmem>>
      %dma_start3A_385 = arith.constant 0 : i32
      %dma_start3A_386 = tpu.memref_slice %arg5[%dma_start3A_378, %dma_start3A_379, %dma_start3A_385] : memref<3x2x128xi32, #tpu.memory_space<vmem>> -> memref<1x1x128xi32, #tpu.memory_space<vmem>>
      %dma_start3A_387 = tpu.memref_squeeze %dma_start3A_386 : memref<1x1x128xi32, #tpu.memory_space<vmem>> -> memref<128xi32, #tpu.memory_space<vmem>>
      %dma_start3A_388 = arith.constant 0 : i32
      %dma_start3A_389 = arith.constant 0 : i32
      %dma_start3A_390 = tpu.memref_slice %arg3[%dma_start3A_388, %dma_start3A_389] : memref<10112x128xf32, #tpu.memory_space<hbm>> -> memref<10112x128xf32, #tpu.memory_space<hbm>>
      tpu.enqueue_indirect_dma source(%dma_start3A_390 : memref<10112x128xf32, #tpu.memory_space<hbm>>) target(%dma_start3A_384 : memref<128x128xf32, #tpu.memory_space<vmem>>) offsets(%dma_start3A_387 : memref<128xi32, #tpu.memory_space<vmem>>) semaphore(%arg12 : memref<!tpu.dma_semaphore, #tpu.memory_space<semaphore_mem>>)
      %run_scoped3A_391 = arith.constant 2 : i32
      %run_scoped3A_392 = arith.constant 2 : i32
      %run_scoped3A_393 = arith.constant 1 : i32
      "tpu.region"() ({
        %run_scoped3A_414 = tpu.sem_alloc : memref<!tpu.dma_semaphore, #tpu.memory_space<semaphore_mem>>
        %dma_start3A_415 = arith.constant 0 : i32
        %dma_start3A_416 = arith.constant 0 : i32
        %dma_start3A_417 = tpu.memref_slice %arg6[%run_scoped3A_391, %dma_start3A_415, %dma_start3A_416] : memref<3x128x128xf32, #tpu.memory_space<vmem>> -> memref<1x128x128xf32, #tpu.memory_space<vmem>>
        %dma_start3A_418 = tpu.memref_squeeze %dma_start3A_417 : memref<1x128x128xf32, #tpu.memory_space<vmem>> -> memref<128x128xf32, #tpu.memory_space<vmem>>
        %dma_start3A_419 = arith.constant 0 : i32
        %dma_start3A_420 = tpu.memref_slice %arg5[%run_scoped3A_392, %run_scoped3A_393, %dma_start3A_419] : memref<3x2x128xi32, #tpu.memory_space<vmem>> -> memref<1x1x128xi32, #tpu.memory_space<vmem>>
        %dma_start3A_421 = tpu.memref_squeeze %dma_start3A_420 : memref<1x1x128xi32, #tpu.memory_space<vmem>> -> memref<128xi32, #tpu.memory_space<vmem>>
        %dma_start3A_422 = arith.constant 0 : i32
        %dma_start3A_423 = arith.constant 0 : i32
        %dma_start3A_424 = tpu.memref_slice %arg7[%dma_start3A_422, %dma_start3A_423] : memref<10112x128xf32, #tpu.memory_space<vmem_shared>> -> memref<10112x128xf32, #tpu.memory_space<vmem_shared>>
        tpu.enqueue_indirect_dma source(%dma_start3A_418 : memref<128x128xf32, #tpu.memory_space<vmem>>) target(%dma_start3A_424 : memref<10112x128xf32, #tpu.memory_space<vmem_shared>>) offsets(%dma_start3A_421 : memref<128xi32, #tpu.memory_space<vmem>>) semaphore(%run_scoped3A_414 : memref<!tpu.dma_semaphore, #tpu.memory_space<semaphore_mem>>) {add = true}
        %dma_wait3A_425 = arith.constant 0 : i32
        %dma_wait3A_426 = arith.constant 0 : i32
        %dma_wait3A_427 = tpu.memref_slice %arg6[%run_scoped3A_391, %dma_wait3A_425, %dma_wait3A_426] : memref<3x128x128xf32, #tpu.memory_space<vmem>> -> memref<1x128x128xf32, #tpu.memory_space<vmem>>
        %dma_wait3A_428 = tpu.memref_squeeze %dma_wait3A_427 : memref<1x128x128xf32, #tpu.memory_space<vmem>> -> memref<128x128xf32, #tpu.memory_space<vmem>>
        %dma_wait3A_429 = arith.constant 0 : i32
        %dma_wait3A_430 = tpu.memref_slice %arg5[%run_scoped3A_392, %run_scoped3A_393, %dma_wait3A_429] : memref<3x2x128xi32, #tpu.memory_space<vmem>> -> memref<1x1x128xi32, #tpu.memory_space<vmem>>
        %dma_wait3A_431 = tpu.memref_squeeze %dma_wait3A_430 : memref<1x1x128xi32, #tpu.memory_space<vmem>> -> memref<128xi32, #tpu.memory_space<vmem>>
        %dma_wait3A_432 = arith.constant 0 : i32
        %dma_wait3A_433 = arith.constant 0 : i32
        %dma_wait3A_434 = tpu.memref_slice %arg7[%dma_wait3A_432, %dma_wait3A_433] : memref<10112x128xf32, #tpu.memory_space<vmem_shared>> -> memref<10112x128xf32, #tpu.memory_space<vmem_shared>>
        tpu.wait_indirect_dma semaphore(%run_scoped3A_414 : memref<!tpu.dma_semaphore, #tpu.memory_space<semaphore_mem>>) src(%dma_wait3A_428 : memref<128x128xf32, #tpu.memory_space<vmem>>) dst(%dma_wait3A_434 : memref<10112x128xf32, #tpu.memory_space<vmem_shared>>)
        tpu.yield
      }) : () -> ()
      %add3A_394 = arith.addi %mul3A_2, %add3A_347 : i32
      %add3A_395 = arith.constant 3 : i32
      %add3A_396 = arith.addi %add3A_394, %add3A_395 : i32
      %dma_start3A_397 = arith.constant 2 : i32
      %dma_start3A_398 = arith.constant 0 : i32
      %dma_start3A_399 = arith.constant 0 : i32
      %dma_start3A_400 = tpu.memref_slice %arg5[%dma_start3A_397, %dma_start3A_398, %dma_start3A_399] : memref<3x2x128xi32, #tpu.memory_space<vmem>> -> memref<1x2x128xi32, #tpu.memory_space<vmem>>
      %dma_start3A_401 = tpu.memref_squeeze %dma_start3A_400 : memref<1x2x128xi32, #tpu.memory_space<vmem>> -> memref<2x128xi32, #tpu.memory_space<vmem>>
      %dma_start3A_402 = arith.constant 0 : i32
      %dma_start3A_403 = arith.constant 0 : i32
      %dma_start3A_404 = tpu.memref_slice %arg2[%add3A_396, %dma_start3A_402, %dma_start3A_403] : memref<2592x2x128xi32, #tpu.memory_space<hbm>> -> memref<1x2x128xi32, #tpu.memory_space<hbm>>
      %dma_start3A_405 = tpu.memref_squeeze %dma_start3A_404 : memref<1x2x128xi32, #tpu.memory_space<hbm>> -> memref<2x128xi32, #tpu.memory_space<hbm>>
      %dma_start3A_406 = arith.constant 0 : i32
      %dma_start3A_407 = arith.constant 0 : i32
      %dma_start3A_408 = tpu.memref_slice %arg5[%dma_start3A_397, %dma_start3A_406, %dma_start3A_407] : memref<3x2x128xi32, #tpu.memory_space<vmem>> -> memref<1x2x128xi32, #tpu.memory_space<vmem>>
      %dma_start3A_409 = tpu.memref_squeeze %dma_start3A_408 : memref<1x2x128xi32, #tpu.memory_space<vmem>> -> memref<2x128xi32, #tpu.memory_space<vmem>>
      %dma_start3A_410 = arith.constant 0 : i32
      %dma_start3A_411 = arith.constant 0 : i32
      %dma_start3A_412 = tpu.memref_slice %arg2[%add3A_396, %dma_start3A_410, %dma_start3A_411] : memref<2592x2x128xi32, #tpu.memory_space<hbm>> -> memref<1x2x128xi32, #tpu.memory_space<hbm>>
      %dma_start3A_413 = tpu.memref_squeeze %dma_start3A_412 : memref<1x2x128xi32, #tpu.memory_space<hbm>> -> memref<2x128xi32, #tpu.memory_space<hbm>>
      tpu.enqueue_dma source(%dma_start3A_413 : memref<2x128xi32, #tpu.memory_space<hbm>>) target(%dma_start3A_409 : memref<2x128xi32, #tpu.memory_space<vmem>>) target_semaphore(%arg10 : memref<!tpu.dma_semaphore, #tpu.memory_space<semaphore_mem>>)
    }
    %scan3A_119 = arith.constant 26 : i32
    %dma_wait3A_120 = arith.constant 0 : i32
    %dma_wait3A_121 = arith.constant 0 : i32
    %dma_wait3A_122 = arith.constant 0 : i32
    %dma_wait3A_123 = arith.constant 0 : i32
    %dma_wait3A_124 = arith.constant 0 : i32
    %dma_wait3A_125 = tpu.memref_slice %arg6[%dma_wait3A_122, %dma_wait3A_123, %dma_wait3A_124] : memref<3x128x128xf32, #tpu.memory_space<vmem>> -> memref<1x128x128xf32, #tpu.memory_space<vmem>>
    %dma_wait3A_126 = tpu.memref_squeeze %dma_wait3A_125 : memref<1x128x128xf32, #tpu.memory_space<vmem>> -> memref<128x128xf32, #tpu.memory_space<vmem>>
    %dma_wait3A_127 = arith.constant 0 : i32
    %dma_wait3A_128 = tpu.memref_slice %arg5[%dma_wait3A_120, %dma_wait3A_121, %dma_wait3A_127] : memref<3x2x128xi32, #tpu.memory_space<vmem>> -> memref<1x1x128xi32, #tpu.memory_space<vmem>>
    %dma_wait3A_129 = tpu.memref_squeeze %dma_wait3A_128 : memref<1x1x128xi32, #tpu.memory_space<vmem>> -> memref<128xi32, #tpu.memory_space<vmem>>
    %dma_wait3A_130 = arith.constant 0 : i32
    %dma_wait3A_131 = arith.constant 0 : i32
    %dma_wait3A_132 = tpu.memref_slice %arg3[%dma_wait3A_130, %dma_wait3A_131] : memref<10112x128xf32, #tpu.memory_space<hbm>> -> memref<10112x128xf32, #tpu.memory_space<hbm>>
    tpu.wait_indirect_dma semaphore(%arg11 : memref<!tpu.dma_semaphore, #tpu.memory_space<semaphore_mem>>) src(%dma_wait3A_132 : memref<10112x128xf32, #tpu.memory_space<hbm>>) dst(%dma_wait3A_126 : memref<128x128xf32, #tpu.memory_space<vmem>>)
    %dma_wait3A_133 = arith.constant 2 : i32
    %dma_wait3A_134 = arith.constant 0 : i32
    %dma_wait3A_135 = arith.constant 0 : i32
    %dma_wait3A_136 = tpu.memref_slice %arg5[%dma_wait3A_133, %dma_wait3A_134, %dma_wait3A_135] : memref<3x2x128xi32, #tpu.memory_space<vmem>> -> memref<1x2x128xi32, #tpu.memory_space<vmem>>
    %dma_wait3A_137 = tpu.memref_squeeze %dma_wait3A_136 : memref<1x2x128xi32, #tpu.memory_space<vmem>> -> memref<2x128xi32, #tpu.memory_space<vmem>>
    %dma_wait3A_138 = arith.constant 0 : i32
    %dma_wait3A_139 = arith.constant 0 : i32
    %dma_wait3A_140 = tpu.memref_slice %arg2[%mul3A_2, %dma_wait3A_138, %dma_wait3A_139] : memref<2592x2x128xi32, #tpu.memory_space<hbm>> -> memref<1x2x128xi32, #tpu.memory_space<hbm>>
    %dma_wait3A_141 = tpu.memref_squeeze %dma_wait3A_140 : memref<1x2x128xi32, #tpu.memory_space<hbm>> -> memref<2x128xi32, #tpu.memory_space<hbm>>
    %dma_wait3A_142 = arith.constant 0 : i32
    %dma_wait3A_143 = arith.constant 0 : i32
    %dma_wait3A_144 = tpu.memref_slice %arg5[%dma_wait3A_133, %dma_wait3A_142, %dma_wait3A_143] : memref<3x2x128xi32, #tpu.memory_space<vmem>> -> memref<1x2x128xi32, #tpu.memory_space<vmem>>
    %dma_wait3A_145 = tpu.memref_squeeze %dma_wait3A_144 : memref<1x2x128xi32, #tpu.memory_space<vmem>> -> memref<2x128xi32, #tpu.memory_space<vmem>>
    %dma_wait3A_146 = arith.constant 0 : i32
    %dma_wait3A_147 = arith.constant 0 : i32
    %dma_wait3A_148 = tpu.memref_slice %arg2[%mul3A_2, %dma_wait3A_146, %dma_wait3A_147] : memref<2592x2x128xi32, #tpu.memory_space<hbm>> -> memref<1x2x128xi32, #tpu.memory_space<hbm>>
    %dma_wait3A_149 = tpu.memref_squeeze %dma_wait3A_148 : memref<1x2x128xi32, #tpu.memory_space<hbm>> -> memref<2x128xi32, #tpu.memory_space<hbm>>
    tpu.wait_dma2 semaphore(%arg10 : memref<!tpu.dma_semaphore, #tpu.memory_space<semaphore_mem>>) src(%dma_wait3A_149 : memref<2x128xi32, #tpu.memory_space<hbm>>) dst(%dma_wait3A_145 : memref<2x128xi32, #tpu.memory_space<vmem>>)
    %dma_start3A_150 = arith.constant 2 : i32
    %dma_start3A_151 = arith.constant 0 : i32
    %dma_start3A_152 = arith.constant 2 : i32
    %dma_start3A_153 = arith.constant 0 : i32
    %dma_start3A_154 = arith.constant 0 : i32
    %dma_start3A_155 = tpu.memref_slice %arg6[%dma_start3A_152, %dma_start3A_153, %dma_start3A_154] : memref<3x128x128xf32, #tpu.memory_space<vmem>> -> memref<1x128x128xf32, #tpu.memory_space<vmem>>
    %dma_start3A_156 = tpu.memref_squeeze %dma_start3A_155 : memref<1x128x128xf32, #tpu.memory_space<vmem>> -> memref<128x128xf32, #tpu.memory_space<vmem>>
    %dma_start3A_157 = arith.constant 0 : i32
    %dma_start3A_158 = tpu.memref_slice %arg5[%dma_start3A_150, %dma_start3A_151, %dma_start3A_157] : memref<3x2x128xi32, #tpu.memory_space<vmem>> -> memref<1x1x128xi32, #tpu.memory_space<vmem>>
    %dma_start3A_159 = tpu.memref_squeeze %dma_start3A_158 : memref<1x1x128xi32, #tpu.memory_space<vmem>> -> memref<128xi32, #tpu.memory_space<vmem>>
    %dma_start3A_160 = arith.constant 0 : i32
    %dma_start3A_161 = arith.constant 0 : i32
    %dma_start3A_162 = tpu.memref_slice %arg3[%dma_start3A_160, %dma_start3A_161] : memref<10112x128xf32, #tpu.memory_space<hbm>> -> memref<10112x128xf32, #tpu.memory_space<hbm>>
    tpu.enqueue_indirect_dma source(%dma_start3A_162 : memref<10112x128xf32, #tpu.memory_space<hbm>>) target(%dma_start3A_156 : memref<128x128xf32, #tpu.memory_space<vmem>>) offsets(%dma_start3A_159 : memref<128xi32, #tpu.memory_space<vmem>>) semaphore(%arg13 : memref<!tpu.dma_semaphore, #tpu.memory_space<semaphore_mem>>)
    %run_scoped3A_163 = arith.constant 0 : i32
    %run_scoped3A_164 = arith.constant 0 : i32
    %run_scoped3A_165 = arith.constant 1 : i32
    "tpu.region"() ({
      %run_scoped3A_203 = tpu.sem_alloc : memref<!tpu.dma_semaphore, #tpu.memory_space<semaphore_mem>>
      %dma_start3A_204 = arith.constant 0 : i32
      %dma_start3A_205 = arith.constant 0 : i32
      %dma_start3A_206 = tpu.memref_slice %arg6[%run_scoped3A_163, %dma_start3A_204, %dma_start3A_205] : memref<3x128x128xf32, #tpu.memory_space<vmem>> -> memref<1x128x128xf32, #tpu.memory_space<vmem>>
      %dma_start3A_207 = tpu.memref_squeeze %dma_start3A_206 : memref<1x128x128xf32, #tpu.memory_space<vmem>> -> memref<128x128xf32, #tpu.memory_space<vmem>>
      %dma_start3A_208 = arith.constant 0 : i32
      %dma_start3A_209 = tpu.memref_slice %arg5[%run_scoped3A_164, %run_scoped3A_165, %dma_start3A_208] : memref<3x2x128xi32, #tpu.memory_space<vmem>> -> memref<1x1x128xi32, #tpu.memory_space<vmem>>
      %dma_start3A_210 = tpu.memref_squeeze %dma_start3A_209 : memref<1x1x128xi32, #tpu.memory_space<vmem>> -> memref<128xi32, #tpu.memory_space<vmem>>
      %dma_start3A_211 = arith.constant 0 : i32
      %dma_start3A_212 = arith.constant 0 : i32
      %dma_start3A_213 = tpu.memref_slice %arg7[%dma_start3A_211, %dma_start3A_212] : memref<10112x128xf32, #tpu.memory_space<vmem_shared>> -> memref<10112x128xf32, #tpu.memory_space<vmem_shared>>
      tpu.enqueue_indirect_dma source(%dma_start3A_207 : memref<128x128xf32, #tpu.memory_space<vmem>>) target(%dma_start3A_213 : memref<10112x128xf32, #tpu.memory_space<vmem_shared>>) offsets(%dma_start3A_210 : memref<128xi32, #tpu.memory_space<vmem>>) semaphore(%run_scoped3A_203 : memref<!tpu.dma_semaphore, #tpu.memory_space<semaphore_mem>>) {add = true}
      %dma_wait3A_214 = arith.constant 0 : i32
      %dma_wait3A_215 = arith.constant 0 : i32
      %dma_wait3A_216 = tpu.memref_slice %arg6[%run_scoped3A_163, %dma_wait3A_214, %dma_wait3A_215] : memref<3x128x128xf32, #tpu.memory_space<vmem>> -> memref<1x128x128xf32, #tpu.memory_space<vmem>>
      %dma_wait3A_217 = tpu.memref_squeeze %dma_wait3A_216 : memref<1x128x128xf32, #tpu.memory_space<vmem>> -> memref<128x128xf32, #tpu.memory_space<vmem>>
      %dma_wait3A_218 = arith.constant 0 : i32
      %dma_wait3A_219 = tpu.memref_slice %arg5[%run_scoped3A_164, %run_scoped3A_165, %dma_wait3A_218] : memref<3x2x128xi32, #tpu.memory_space<vmem>> -> memref<1x1x128xi32, #tpu.memory_space<vmem>>
      %dma_wait3A_220 = tpu.memref_squeeze %dma_wait3A_219 : memref<1x1x128xi32, #tpu.memory_space<vmem>> -> memref<128xi32, #tpu.memory_space<vmem>>
      %dma_wait3A_221 = arith.constant 0 : i32
      %dma_wait3A_222 = arith.constant 0 : i32
      %dma_wait3A_223 = tpu.memref_slice %arg7[%dma_wait3A_221, %dma_wait3A_222] : memref<10112x128xf32, #tpu.memory_space<vmem_shared>> -> memref<10112x128xf32, #tpu.memory_space<vmem_shared>>
      tpu.wait_indirect_dma semaphore(%run_scoped3A_203 : memref<!tpu.dma_semaphore, #tpu.memory_space<semaphore_mem>>) src(%dma_wait3A_217 : memref<128x128xf32, #tpu.memory_space<vmem>>) dst(%dma_wait3A_223 : memref<10112x128xf32, #tpu.memory_space<vmem_shared>>)
      tpu.yield
    }) : () -> ()
    %dma_wait3A_166 = arith.constant 1 : i32
    %dma_wait3A_167 = arith.constant 0 : i32
    %dma_wait3A_168 = arith.constant 1 : i32
    %dma_wait3A_169 = arith.constant 0 : i32
    %dma_wait3A_170 = arith.constant 0 : i32
    %dma_wait3A_171 = tpu.memref_slice %arg6[%dma_wait3A_168, %dma_wait3A_169, %dma_wait3A_170] : memref<3x128x128xf32, #tpu.memory_space<vmem>> -> memref<1x128x128xf32, #tpu.memory_space<vmem>>
    %dma_wait3A_172 = tpu.memref_squeeze %dma_wait3A_171 : memref<1x128x128xf32, #tpu.memory_space<vmem>> -> memref<128x128xf32, #tpu.memory_space<vmem>>
    %dma_wait3A_173 = arith.constant 0 : i32
    %dma_wait3A_174 = tpu.memref_slice %arg5[%dma_wait3A_166, %dma_wait3A_167, %dma_wait3A_173] : memref<3x2x128xi32, #tpu.memory_space<vmem>> -> memref<1x1x128xi32, #tpu.memory_space<vmem>>
    %dma_wait3A_175 = tpu.memref_squeeze %dma_wait3A_174 : memref<1x1x128xi32, #tpu.memory_space<vmem>> -> memref<128xi32, #tpu.memory_space<vmem>>
    %dma_wait3A_176 = arith.constant 0 : i32
    %dma_wait3A_177 = arith.constant 0 : i32
    %dma_wait3A_178 = tpu.memref_slice %arg3[%dma_wait3A_176, %dma_wait3A_177] : memref<10112x128xf32, #tpu.memory_space<hbm>> -> memref<10112x128xf32, #tpu.memory_space<hbm>>
    tpu.wait_indirect_dma semaphore(%arg12 : memref<!tpu.dma_semaphore, #tpu.memory_space<semaphore_mem>>) src(%dma_wait3A_178 : memref<10112x128xf32, #tpu.memory_space<hbm>>) dst(%dma_wait3A_172 : memref<128x128xf32, #tpu.memory_space<vmem>>)
    %run_scoped3A_179 = arith.constant 1 : i32
    %run_scoped3A_180 = arith.constant 1 : i32
    %run_scoped3A_181 = arith.constant 1 : i32
    "tpu.region"() ({
      %run_scoped3A_203 = tpu.sem_alloc : memref<!tpu.dma_semaphore, #tpu.memory_space<semaphore_mem>>
      %dma_start3A_204 = arith.constant 0 : i32
      %dma_start3A_205 = arith.constant 0 : i32
      %dma_start3A_206 = tpu.memref_slice %arg6[%run_scoped3A_179, %dma_start3A_204, %dma_start3A_205] : memref<3x128x128xf32, #tpu.memory_space<vmem>> -> memref<1x128x128xf32, #tpu.memory_space<vmem>>
      %dma_start3A_207 = tpu.memref_squeeze %dma_start3A_206 : memref<1x128x128xf32, #tpu.memory_space<vmem>> -> memref<128x128xf32, #tpu.memory_space<vmem>>
      %dma_start3A_208 = arith.constant 0 : i32
      %dma_start3A_209 = tpu.memref_slice %arg5[%run_scoped3A_180, %run_scoped3A_181, %dma_start3A_208] : memref<3x2x128xi32, #tpu.memory_space<vmem>> -> memref<1x1x128xi32, #tpu.memory_space<vmem>>
      %dma_start3A_210 = tpu.memref_squeeze %dma_start3A_209 : memref<1x1x128xi32, #tpu.memory_space<vmem>> -> memref<128xi32, #tpu.memory_space<vmem>>
      %dma_start3A_211 = arith.constant 0 : i32
      %dma_start3A_212 = arith.constant 0 : i32
      %dma_start3A_213 = tpu.memref_slice %arg7[%dma_start3A_211, %dma_start3A_212] : memref<10112x128xf32, #tpu.memory_space<vmem_shared>> -> memref<10112x128xf32, #tpu.memory_space<vmem_shared>>
      tpu.enqueue_indirect_dma source(%dma_start3A_207 : memref<128x128xf32, #tpu.memory_space<vmem>>) target(%dma_start3A_213 : memref<10112x128xf32, #tpu.memory_space<vmem_shared>>) offsets(%dma_start3A_210 : memref<128xi32, #tpu.memory_space<vmem>>) semaphore(%run_scoped3A_203 : memref<!tpu.dma_semaphore, #tpu.memory_space<semaphore_mem>>) {add = true}
      %dma_wait3A_214 = arith.constant 0 : i32
      %dma_wait3A_215 = arith.constant 0 : i32
      %dma_wait3A_216 = tpu.memref_slice %arg6[%run_scoped3A_179, %dma_wait3A_214, %dma_wait3A_215] : memref<3x128x128xf32, #tpu.memory_space<vmem>> -> memref<1x128x128xf32, #tpu.memory_space<vmem>>
      %dma_wait3A_217 = tpu.memref_squeeze %dma_wait3A_216 : memref<1x128x128xf32, #tpu.memory_space<vmem>> -> memref<128x128xf32, #tpu.memory_space<vmem>>
      %dma_wait3A_218 = arith.constant 0 : i32
      %dma_wait3A_219 = tpu.memref_slice %arg5[%run_scoped3A_180, %run_scoped3A_181, %dma_wait3A_218] : memref<3x2x128xi32, #tpu.memory_space<vmem>> -> memref<1x1x128xi32, #tpu.memory_space<vmem>>
      %dma_wait3A_220 = tpu.memref_squeeze %dma_wait3A_219 : memref<1x1x128xi32, #tpu.memory_space<vmem>> -> memref<128xi32, #tpu.memory_space<vmem>>
      %dma_wait3A_221 = arith.constant 0 : i32
      %dma_wait3A_222 = arith.constant 0 : i32
      %dma_wait3A_223 = tpu.memref_slice %arg7[%dma_wait3A_221, %dma_wait3A_222] : memref<10112x128xf32, #tpu.memory_space<vmem_shared>> -> memref<10112x128xf32, #tpu.memory_space<vmem_shared>>
      tpu.wait_indirect_dma semaphore(%run_scoped3A_203 : memref<!tpu.dma_semaphore, #tpu.memory_space<semaphore_mem>>) src(%dma_wait3A_217 : memref<128x128xf32, #tpu.memory_space<vmem>>) dst(%dma_wait3A_223 : memref<10112x128xf32, #tpu.memory_space<vmem_shared>>)
      tpu.yield
    }) : () -> ()
    %dma_wait3A_182 = arith.constant 2 : i32
    %dma_wait3A_183 = arith.constant 0 : i32
    %dma_wait3A_184 = arith.constant 2 : i32
    %dma_wait3A_185 = arith.constant 0 : i32
    %dma_wait3A_186 = arith.constant 0 : i32
    %dma_wait3A_187 = tpu.memref_slice %arg6[%dma_wait3A_184, %dma_wait3A_185, %dma_wait3A_186] : memref<3x128x128xf32, #tpu.memory_space<vmem>> -> memref<1x128x128xf32, #tpu.memory_space<vmem>>
    %dma_wait3A_188 = tpu.memref_squeeze %dma_wait3A_187 : memref<1x128x128xf32, #tpu.memory_space<vmem>> -> memref<128x128xf32, #tpu.memory_space<vmem>>
    %dma_wait3A_189 = arith.constant 0 : i32
    %dma_wait3A_190 = tpu.memref_slice %arg5[%dma_wait3A_182, %dma_wait3A_183, %dma_wait3A_189] : memref<3x2x128xi32, #tpu.memory_space<vmem>> -> memref<1x1x128xi32, #tpu.memory_space<vmem>>
    %dma_wait3A_191 = tpu.memref_squeeze %dma_wait3A_190 : memref<1x1x128xi32, #tpu.memory_space<vmem>> -> memref<128xi32, #tpu.memory_space<vmem>>
    %dma_wait3A_192 = arith.constant 0 : i32
    %dma_wait3A_193 = arith.constant 0 : i32
    %dma_wait3A_194 = tpu.memref_slice %arg3[%dma_wait3A_192, %dma_wait3A_193] : memref<10112x128xf32, #tpu.memory_space<hbm>> -> memref<10112x128xf32, #tpu.memory_space<hbm>>
    tpu.wait_indirect_dma semaphore(%arg13 : memref<!tpu.dma_semaphore, #tpu.memory_space<semaphore_mem>>) src(%dma_wait3A_194 : memref<10112x128xf32, #tpu.memory_space<hbm>>) dst(%dma_wait3A_188 : memref<128x128xf32, #tpu.memory_space<vmem>>)
    %run_scoped3A_195 = arith.constant 2 : i32
    %run_scoped3A_196 = arith.constant 2 : i32
    %run_scoped3A_197 = arith.constant 1 : i32
    "tpu.region"() ({
      %run_scoped3A_203 = tpu.sem_alloc : memref<!tpu.dma_semaphore, #tpu.memory_space<semaphore_mem>>
      %dma_start3A_204 = arith.constant 0 : i32
      %dma_start3A_205 = arith.constant 0 : i32
      %dma_start3A_206 = tpu.memref_slice %arg6[%run_scoped3A_195, %dma_start3A_204, %dma_start3A_205] : memref<3x128x128xf32, #tpu.memory_space<vmem>> -> memref<1x128x128xf32, #tpu.memory_space<vmem>>
      %dma_start3A_207 = tpu.memref_squeeze %dma_start3A_206 : memref<1x128x128xf32, #tpu.memory_space<vmem>> -> memref<128x128xf32, #tpu.memory_space<vmem>>
      %dma_start3A_208 = arith.constant 0 : i32
      %dma_start3A_209 = tpu.memref_slice %arg5[%run_scoped3A_196, %run_scoped3A_197, %dma_start3A_208] : memref<3x2x128xi32, #tpu.memory_space<vmem>> -> memref<1x1x128xi32, #tpu.memory_space<vmem>>
      %dma_start3A_210 = tpu.memref_squeeze %dma_start3A_209 : memref<1x1x128xi32, #tpu.memory_space<vmem>> -> memref<128xi32, #tpu.memory_space<vmem>>
      %dma_start3A_211 = arith.constant 0 : i32
      %dma_start3A_212 = arith.constant 0 : i32
      %dma_start3A_213 = tpu.memref_slice %arg7[%dma_start3A_211, %dma_start3A_212] : memref<10112x128xf32, #tpu.memory_space<vmem_shared>> -> memref<10112x128xf32, #tpu.memory_space<vmem_shared>>
      tpu.enqueue_indirect_dma source(%dma_start3A_207 : memref<128x128xf32, #tpu.memory_space<vmem>>) target(%dma_start3A_213 : memref<10112x128xf32, #tpu.memory_space<vmem_shared>>) offsets(%dma_start3A_210 : memref<128xi32, #tpu.memory_space<vmem>>) semaphore(%run_scoped3A_203 : memref<!tpu.dma_semaphore, #tpu.memory_space<semaphore_mem>>) {add = true}
      %dma_wait3A_214 = arith.constant 0 : i32
      %dma_wait3A_215 = arith.constant 0 : i32
      %dma_wait3A_216 = tpu.memref_slice %arg6[%run_scoped3A_195, %dma_wait3A_214, %dma_wait3A_215] : memref<3x128x128xf32, #tpu.memory_space<vmem>> -> memref<1x128x128xf32, #tpu.memory_space<vmem>>
      %dma_wait3A_217 = tpu.memref_squeeze %dma_wait3A_216 : memref<1x128x128xf32, #tpu.memory_space<vmem>> -> memref<128x128xf32, #tpu.memory_space<vmem>>
      %dma_wait3A_218 = arith.constant 0 : i32
      %dma_wait3A_219 = tpu.memref_slice %arg5[%run_scoped3A_196, %run_scoped3A_197, %dma_wait3A_218] : memref<3x2x128xi32, #tpu.memory_space<vmem>> -> memref<1x1x128xi32, #tpu.memory_space<vmem>>
      %dma_wait3A_220 = tpu.memref_squeeze %dma_wait3A_219 : memref<1x1x128xi32, #tpu.memory_space<vmem>> -> memref<128xi32, #tpu.memory_space<vmem>>
      %dma_wait3A_221 = arith.constant 0 : i32
      %dma_wait3A_222 = arith.constant 0 : i32
      %dma_wait3A_223 = tpu.memref_slice %arg7[%dma_wait3A_221, %dma_wait3A_222] : memref<10112x128xf32, #tpu.memory_space<vmem_shared>> -> memref<10112x128xf32, #tpu.memory_space<vmem_shared>>
      tpu.wait_indirect_dma semaphore(%run_scoped3A_203 : memref<!tpu.dma_semaphore, #tpu.memory_space<semaphore_mem>>) src(%dma_wait3A_217 : memref<128x128xf32, #tpu.memory_space<vmem>>) dst(%dma_wait3A_223 : memref<10112x128xf32, #tpu.memory_space<vmem_shared>>)
      tpu.yield
    }) : () -> ()
    %barrier3A_198 = arith.constant 0 : index
    tpu.barrier barrier_id(%barrier3A_198)
    %mul3A_199 = arith.constant 632 : i32
    %mul3A_200 = arith.muli %arg1, %mul3A_199 : i32
    %mul3A_201 = arith.constant 632 : i32
    %mul3A_202 = arith.muli %arg1, %mul3A_201 : i32
    "tpu.region"() ({
      %run_scoped3A_203 = tpu.sem_alloc : memref<!tpu.dma_semaphore, #tpu.memory_space<semaphore_mem>>
      %dma_start3A_204 = arith.constant 0 : i32
      %dma_start3A_205 = tpu.memref_slice %arg4[%arg0, %mul3A_202, %dma_start3A_204] : memref<2x10112x128xf32, #tpu.memory_space<hbm>> -> memref<1x632x128xf32, #tpu.memory_space<hbm>>
      %dma_start3A_206 = tpu.memref_squeeze %dma_start3A_205 : memref<1x632x128xf32, #tpu.memory_space<hbm>> -> memref<632x128xf32, #tpu.memory_space<hbm>>
      %dma_start3A_207 = arith.constant 0 : i32
      %dma_start3A_208 = tpu.memref_slice %arg7[%mul3A_200, %dma_start3A_207] : memref<10112x128xf32, #tpu.memory_space<vmem_shared>> -> memref<632x128xf32, #tpu.memory_space<vmem_shared>>
      tpu.enqueue_dma source(%dma_start3A_208 : memref<632x128xf32, #tpu.memory_space<vmem_shared>>) target(%dma_start3A_206 : memref<632x128xf32, #tpu.memory_space<hbm>>) target_semaphore(%run_scoped3A_203 : memref<!tpu.dma_semaphore, #tpu.memory_space<semaphore_mem>>)
      %dma_wait3A_209 = arith.constant 0 : i32
      %dma_wait3A_210 = tpu.memref_slice %arg4[%arg0, %mul3A_202, %dma_wait3A_209] : memref<2x10112x128xf32, #tpu.memory_space<hbm>> -> memref<1x632x128xf32, #tpu.memory_space<hbm>>
      %dma_wait3A_211 = tpu.memref_squeeze %dma_wait3A_210 : memref<1x632x128xf32, #tpu.memory_space<hbm>> -> memref<632x128xf32, #tpu.memory_space<hbm>>
      %dma_wait3A_212 = arith.constant 0 : i32
      %dma_wait3A_213 = tpu.memref_slice %arg7[%mul3A_200, %dma_wait3A_212] : memref<10112x128xf32, #tpu.memory_space<vmem_shared>> -> memref<632x128xf32, #tpu.memory_space<vmem_shared>>
      tpu.wait_dma2 semaphore(%run_scoped3A_203 : memref<!tpu.dma_semaphore, #tpu.memory_space<semaphore_mem>>) src(%dma_wait3A_213 : memref<632x128xf32, #tpu.memory_space<vmem_shared>>) dst(%dma_wait3A_211 : memref<632x128xf32, #tpu.memory_space<hbm>>)
      tpu.yield
    }) : () -> ()
    return
  }
}

#map = affine_map<(d0, d1) -> (0, 0, 0)>
#map1 = affine_map<(d0, d1) -> (0)>
module attributes {stable_mosaic.version = 14 : i64} {
  func.func @_deg(%arg0: i32, %arg1: i32, %arg2: memref<2592x2x128xi32, #tpu.memory_space<hbm>>, %arg3: memref<40960xf32, #tpu.memory_space<hbm>>, %arg4: memref<81x2x128xi32, #tpu.memory_space<vmem>>, %arg5: memref<128xf32, #tpu.memory_space<vmem>>, %arg6: memref<640xf32, #tpu.memory_space<vmem>>, %arg7: memref<10240xf32, #tpu.memory_space<vmem_shared>>, %arg8: memref<10240xf32, #tpu.memory_space<vmem_shared>>, %arg9: memref<!tpu.dma_semaphore, #tpu.memory_space<semaphore_mem>>) attributes {dimension_semantics = [#tpu.dimension_semantics<core_parallel>, #tpu.dimension_semantics<subcore_parallel>], iteration_bounds = array<i64: 2, 16>, scalar_prefetch = 0 : i64, scratch_operands = 6 : i64, tpu.core_type = #tpu.core_type<sc_vector_subcore>, window_params = [{transform_indices = #map}, {transform_indices = #map1}]} {
    %mul3A = arith.constant 2 : i32
    %mul3A_0 = arith.muli %arg1, %mul3A : i32
    %add3A = arith.addi %mul3A_0, %arg0 : i32
    %mul3A_1 = arith.constant 81 : i32
    %mul3A_2 = arith.muli %add3A, %mul3A_1 : i32
    "tpu.region"() ({
      %run_scoped3A = tpu.sem_alloc : memref<!tpu.dma_semaphore, #tpu.memory_space<semaphore_mem>>
      %dma_start3A = arith.constant 0 : i32
      %dma_start3A_50 = arith.constant 0 : i32
      %dma_start3A_51 = tpu.memref_slice %arg2[%mul3A_2, %dma_start3A, %dma_start3A_50] : memref<2592x2x128xi32, #tpu.memory_space<hbm>> -> memref<81x2x128xi32, #tpu.memory_space<hbm>>
      %dma_start3A_52 = arith.constant 0 : i32
      %dma_start3A_53 = arith.constant 0 : i32
      %dma_start3A_54 = tpu.memref_slice %arg2[%mul3A_2, %dma_start3A_52, %dma_start3A_53] : memref<2592x2x128xi32, #tpu.memory_space<hbm>> -> memref<81x2x128xi32, #tpu.memory_space<hbm>>
      tpu.enqueue_dma source(%dma_start3A_54 : memref<81x2x128xi32, #tpu.memory_space<hbm>>) target(%arg4 : memref<81x2x128xi32, #tpu.memory_space<vmem>>) target_semaphore(%run_scoped3A : memref<!tpu.dma_semaphore, #tpu.memory_space<semaphore_mem>>)
      %dma_wait3A = arith.constant 0 : i32
      %dma_wait3A_55 = arith.constant 0 : i32
      %dma_wait3A_56 = tpu.memref_slice %arg2[%mul3A_2, %dma_wait3A, %dma_wait3A_55] : memref<2592x2x128xi32, #tpu.memory_space<hbm>> -> memref<81x2x128xi32, #tpu.memory_space<hbm>>
      %dma_wait3A_57 = arith.constant 0 : i32
      %dma_wait3A_58 = arith.constant 0 : i32
      %dma_wait3A_59 = tpu.memref_slice %arg2[%mul3A_2, %dma_wait3A_57, %dma_wait3A_58] : memref<2592x2x128xi32, #tpu.memory_space<hbm>> -> memref<81x2x128xi32, #tpu.memory_space<hbm>>
      tpu.wait_dma2 semaphore(%run_scoped3A : memref<!tpu.dma_semaphore, #tpu.memory_space<semaphore_mem>>) src(%dma_wait3A_59 : memref<81x2x128xi32, #tpu.memory_space<hbm>>) dst(%arg4 : memref<81x2x128xi32, #tpu.memory_space<vmem>>)
      tpu.yield
    }) : () -> ()
    %broadcast_in_dim3A = arith.constant 1.000000e+00 : f32
    %broadcast_in_dim3A_3 = vector.broadcast %broadcast_in_dim3A : f32 to vector<16xf32>
    %scan3A = arith.constant 0 : i32
    %scan3A_4 = arith.constant 0 : i32
    %scan3A_5 = arith.constant 8 : i32
    %scan3A_6 = arith.addi %scan3A_4, %scan3A_5 : i32
    %scan3A_7 = arith.constant 1 : i32
    scf.for %scan3A_50 = %scan3A_4 to %scan3A_6 step %scan3A_7  : i32 {
      %mul3A_51 = arith.constant 16 : i32
      %mul3A_52 = arith.muli %scan3A_50, %mul3A_51 : i32
      %swap3A = arith.index_cast %mul3A_52 : i32 to index
      %swap3A_53 = tpu.vector_load %arg5[%swap3A] {strides = array<i32>} : memref<128xf32, #tpu.memory_space<vmem>>, vector<16xf32>,
      %swap3A_54 = vector.shape_cast %swap3A_53 : vector<16xf32> to vector<16xf32>
      %swap3A_55 = vector.shape_cast %broadcast_in_dim3A_3 : vector<16xf32> to vector<16xf32>
      tpu.vector_store %arg5[%swap3A], %swap3A_55 {strides = array<i32>} : memref<128xf32, #tpu.memory_space<vmem>>, vector<16xf32>,
    }
    %scan3A_8 = arith.constant 8 : i32
    %broadcast_in_dim3A_9 = arith.constant 0.000000e+00 : f32
    %broadcast_in_dim3A_10 = vector.broadcast %broadcast_in_dim3A_9 : f32 to vector<16xf32>
    %scan3A_11 = arith.constant 0 : i32
    %scan3A_12 = arith.constant 0 : i32
    %scan3A_13 = arith.constant 40 : i32
    %scan3A_14 = arith.addi %scan3A_12, %scan3A_13 : i32
    %scan3A_15 = arith.constant 1 : i32
    scf.for %scan3A_50 = %scan3A_12 to %scan3A_14 step %scan3A_15  : i32 {
      %mul3A_51 = arith.constant 16 : i32
      %mul3A_52 = arith.muli %scan3A_50, %mul3A_51 : i32
      %swap3A = arith.index_cast %mul3A_52 : i32 to index
      %swap3A_53 = tpu.vector_load %arg6[%swap3A] {strides = array<i32>} : memref<640xf32, #tpu.memory_space<vmem>>, vector<16xf32>,
      %swap3A_54 = vector.shape_cast %swap3A_53 : vector<16xf32> to vector<16xf32>
      %swap3A_55 = vector.shape_cast %broadcast_in_dim3A_10 : vector<16xf32> to vector<16xf32>
      tpu.vector_store %arg6[%swap3A], %swap3A_55 {strides = array<i32>} : memref<640xf32, #tpu.memory_space<vmem>>, vector<16xf32>,
    }
    %scan3A_16 = arith.constant 40 : i32
    %mul3A_17 = arith.constant 640 : i32
    %mul3A_18 = arith.muli %arg1, %mul3A_17 : i32
    "tpu.region"() ({
      %run_scoped3A = tpu.sem_alloc : memref<!tpu.dma_semaphore, #tpu.memory_space<semaphore_mem>>
      %dma_start3A = tpu.memref_slice %arg7[%mul3A_18] : memref<10240xf32, #tpu.memory_space<vmem_shared>> -> memref<640xf32, #tpu.memory_space<vmem_shared>>
      %dma_start3A_50 = tpu.memref_slice %arg7[%mul3A_18] : memref<10240xf32, #tpu.memory_space<vmem_shared>> -> memref<640xf32, #tpu.memory_space<vmem_shared>>
      tpu.enqueue_dma source(%arg6 : memref<640xf32, #tpu.memory_space<vmem>>) target(%dma_start3A_50 : memref<640xf32, #tpu.memory_space<vmem_shared>>) target_semaphore(%run_scoped3A : memref<!tpu.dma_semaphore, #tpu.memory_space<semaphore_mem>>)
      %dma_wait3A = tpu.memref_slice %arg7[%mul3A_18] : memref<10240xf32, #tpu.memory_space<vmem_shared>> -> memref<640xf32, #tpu.memory_space<vmem_shared>>
      %dma_wait3A_51 = tpu.memref_slice %arg7[%mul3A_18] : memref<10240xf32, #tpu.memory_space<vmem_shared>> -> memref<640xf32, #tpu.memory_space<vmem_shared>>
      tpu.wait_dma2 semaphore(%run_scoped3A : memref<!tpu.dma_semaphore, #tpu.memory_space<semaphore_mem>>) src(%arg6 : memref<640xf32, #tpu.memory_space<vmem>>) dst(%dma_wait3A_51 : memref<640xf32, #tpu.memory_space<vmem_shared>>)
      tpu.yield
    }) : () -> ()
    %mul3A_19 = arith.constant 640 : i32
    %mul3A_20 = arith.muli %arg1, %mul3A_19 : i32
    "tpu.region"() ({
      %run_scoped3A = tpu.sem_alloc : memref<!tpu.dma_semaphore, #tpu.memory_space<semaphore_mem>>
      %dma_start3A = tpu.memref_slice %arg8[%mul3A_20] : memref<10240xf32, #tpu.memory_space<vmem_shared>> -> memref<640xf32, #tpu.memory_space<vmem_shared>>
      %dma_start3A_50 = tpu.memref_slice %arg8[%mul3A_20] : memref<10240xf32, #tpu.memory_space<vmem_shared>> -> memref<640xf32, #tpu.memory_space<vmem_shared>>
      tpu.enqueue_dma source(%arg6 : memref<640xf32, #tpu.memory_space<vmem>>) target(%dma_start3A_50 : memref<640xf32, #tpu.memory_space<vmem_shared>>) target_semaphore(%run_scoped3A : memref<!tpu.dma_semaphore, #tpu.memory_space<semaphore_mem>>)
      %dma_wait3A = tpu.memref_slice %arg8[%mul3A_20] : memref<10240xf32, #tpu.memory_space<vmem_shared>> -> memref<640xf32, #tpu.memory_space<vmem_shared>>
      %dma_wait3A_51 = tpu.memref_slice %arg8[%mul3A_20] : memref<10240xf32, #tpu.memory_space<vmem_shared>> -> memref<640xf32, #tpu.memory_space<vmem_shared>>
      tpu.wait_dma2 semaphore(%run_scoped3A : memref<!tpu.dma_semaphore, #tpu.memory_space<semaphore_mem>>) src(%arg6 : memref<640xf32, #tpu.memory_space<vmem>>) dst(%dma_wait3A_51 : memref<640xf32, #tpu.memory_space<vmem_shared>>)
      tpu.yield
    }) : () -> ()
    %barrier3A = arith.constant 0 : index
    tpu.barrier barrier_id(%barrier3A)
    %scan3A_21 = arith.constant 0 : i32
    %scan3A_22 = arith.constant 0 : i32
    %scan3A_23 = arith.constant 81 : i32
    %scan3A_24 = arith.addi %scan3A_22, %scan3A_23 : i32
    %scan3A_25 = arith.constant 1 : i32
    scf.for %scan3A_50 = %scan3A_22 to %scan3A_24 step %scan3A_25  : i32 {
      %dma_start3A = arith.constant 0 : i32
      %dma_start3A_51 = arith.constant 0 : i32
      %dma_start3A_52 = tpu.memref_slice %arg4[%scan3A_50, %dma_start3A, %dma_start3A_51] : memref<81x2x128xi32, #tpu.memory_space<vmem>> -> memref<1x1x128xi32, #tpu.memory_space<vmem>>
      %dma_start3A_53 = tpu.memref_squeeze %dma_start3A_52 : memref<1x1x128xi32, #tpu.memory_space<vmem>> -> memref<128xi32, #tpu.memory_space<vmem>>
      %dma_start3A_54 = arith.constant 0 : i32
      %dma_start3A_55 = tpu.memref_slice %arg7[%dma_start3A_54] : memref<10240xf32, #tpu.memory_space<vmem_shared>> -> memref<10240xf32, #tpu.memory_space<vmem_shared>>
      tpu.enqueue_indirect_dma source(%arg5 : memref<128xf32, #tpu.memory_space<vmem>>) target(%dma_start3A_55 : memref<10240xf32, #tpu.memory_space<vmem_shared>>) offsets(%dma_start3A_53 : memref<128xi32, #tpu.memory_space<vmem>>) semaphore(%arg9 : memref<!tpu.dma_semaphore, #tpu.memory_space<semaphore_mem>>) {add = true}
      %dma_start3A_56 = arith.constant 1 : i32
      %dma_start3A_57 = arith.constant 0 : i32
      %dma_start3A_58 = tpu.memref_slice %arg4[%scan3A_50, %dma_start3A_56, %dma_start3A_57] : memref<81x2x128xi32, #tpu.memory_space<vmem>> -> memref<1x1x128xi32, #tpu.memory_space<vmem>>
      %dma_start3A_59 = tpu.memref_squeeze %dma_start3A_58 : memref<1x1x128xi32, #tpu.memory_space<vmem>> -> memref<128xi32, #tpu.memory_space<vmem>>
      %dma_start3A_60 = arith.constant 0 : i32
      %dma_start3A_61 = tpu.memref_slice %arg8[%dma_start3A_60] : memref<10240xf32, #tpu.memory_space<vmem_shared>> -> memref<10240xf32, #tpu.memory_space<vmem_shared>>
      tpu.enqueue_indirect_dma source(%arg5 : memref<128xf32, #tpu.memory_space<vmem>>) target(%dma_start3A_61 : memref<10240xf32, #tpu.memory_space<vmem_shared>>) offsets(%dma_start3A_59 : memref<128xi32, #tpu.memory_space<vmem>>) semaphore(%arg9 : memref<!tpu.dma_semaphore, #tpu.memory_space<semaphore_mem>>) {add = true}
    }
    %scan3A_26 = arith.constant 81 : i32
    %scan3A_27 = arith.constant 0 : i32
    %scan3A_28 = arith.constant 0 : i32
    %scan3A_29 = arith.constant 81 : i32
    %scan3A_30 = arith.addi %scan3A_28, %scan3A_29 : i32
    %scan3A_31 = arith.constant 1 : i32
    scf.for %scan3A_50 = %scan3A_28 to %scan3A_30 step %scan3A_31  : i32 {
      %dma_wait3A = arith.constant 0 : i32
      %dma_wait3A_51 = arith.constant 0 : i32
      %dma_wait3A_52 = arith.constant 0 : i32
      %dma_wait3A_53 = tpu.memref_slice %arg4[%dma_wait3A, %dma_wait3A_51, %dma_wait3A_52] : memref<81x2x128xi32, #tpu.memory_space<vmem>> -> memref<1x1x128xi32, #tpu.memory_space<vmem>>
      %dma_wait3A_54 = tpu.memref_squeeze %dma_wait3A_53 : memref<1x1x128xi32, #tpu.memory_space<vmem>> -> memref<128xi32, #tpu.memory_space<vmem>>
      %dma_wait3A_55 = arith.constant 0 : i32
      %dma_wait3A_56 = tpu.memref_slice %arg7[%dma_wait3A_55] : memref<10240xf32, #tpu.memory_space<vmem_shared>> -> memref<10240xf32, #tpu.memory_space<vmem_shared>>
      tpu.wait_indirect_dma semaphore(%arg9 : memref<!tpu.dma_semaphore, #tpu.memory_space<semaphore_mem>>) src(%arg5 : memref<128xf32, #tpu.memory_space<vmem>>) dst(%dma_wait3A_56 : memref<10240xf32, #tpu.memory_space<vmem_shared>>)
      %dma_wait3A_57 = arith.constant 0 : i32
      %dma_wait3A_58 = arith.constant 1 : i32
      %dma_wait3A_59 = arith.constant 0 : i32
      %dma_wait3A_60 = tpu.memref_slice %arg4[%dma_wait3A_57, %dma_wait3A_58, %dma_wait3A_59] : memref<81x2x128xi32, #tpu.memory_space<vmem>> -> memref<1x1x128xi32, #tpu.memory_space<vmem>>
      %dma_wait3A_61 = tpu.memref_squeeze %dma_wait3A_60 : memref<1x1x128xi32, #tpu.memory_space<vmem>> -> memref<128xi32, #tpu.memory_space<vmem>>
      %dma_wait3A_62 = arith.constant 0 : i32
      %dma_wait3A_63 = tpu.memref_slice %arg8[%dma_wait3A_62] : memref<10240xf32, #tpu.memory_space<vmem_shared>> -> memref<10240xf32, #tpu.memory_space<vmem_shared>>
      tpu.wait_indirect_dma semaphore(%arg9 : memref<!tpu.dma_semaphore, #tpu.memory_space<semaphore_mem>>) src(%arg5 : memref<128xf32, #tpu.memory_space<vmem>>) dst(%dma_wait3A_63 : memref<10240xf32, #tpu.memory_space<vmem_shared>>)
    }
    %scan3A_32 = arith.constant 81 : i32
    %barrier3A_33 = arith.constant 0 : index
    tpu.barrier barrier_id(%barrier3A_33)
    %mul3A_34 = arith.constant 640 : i32
    %mul3A_35 = arith.muli %arg1, %mul3A_34 : i32
    %mul3A_36 = arith.constant 10240 : i32
    %mul3A_37 = arith.muli %arg0, %mul3A_36 : i32
    %mul3A_38 = arith.constant 640 : i32
    %mul3A_39 = arith.muli %arg1, %mul3A_38 : i32
    %add3A_40 = arith.addi %mul3A_37, %mul3A_39 : i32
    "tpu.region"() ({
      %run_scoped3A = tpu.sem_alloc : memref<!tpu.dma_semaphore, #tpu.memory_space<semaphore_mem>>
      %dma_start3A = tpu.memref_slice %arg3[%add3A_40] : memref<40960xf32, #tpu.memory_space<hbm>> -> memref<640xf32, #tpu.memory_space<hbm>>
      %dma_start3A_50 = tpu.memref_slice %arg7[%mul3A_35] : memref<10240xf32, #tpu.memory_space<vmem_shared>> -> memref<640xf32, #tpu.memory_space<vmem_shared>>
      tpu.enqueue_dma source(%dma_start3A_50 : memref<640xf32, #tpu.memory_space<vmem_shared>>) target(%dma_start3A : memref<640xf32, #tpu.memory_space<hbm>>) target_semaphore(%run_scoped3A : memref<!tpu.dma_semaphore, #tpu.memory_space<semaphore_mem>>)
      %dma_wait3A = tpu.memref_slice %arg3[%add3A_40] : memref<40960xf32, #tpu.memory_space<hbm>> -> memref<640xf32, #tpu.memory_space<hbm>>
      %dma_wait3A_51 = tpu.memref_slice %arg7[%mul3A_35] : memref<10240xf32, #tpu.memory_space<vmem_shared>> -> memref<640xf32, #tpu.memory_space<vmem_shared>>
      tpu.wait_dma2 semaphore(%run_scoped3A : memref<!tpu.dma_semaphore, #tpu.memory_space<semaphore_mem>>) src(%dma_wait3A_51 : memref<640xf32, #tpu.memory_space<vmem_shared>>) dst(%dma_wait3A : memref<640xf32, #tpu.memory_space<hbm>>)
      tpu.yield
    }) : () -> ()
    %mul3A_41 = arith.constant 640 : i32
    %mul3A_42 = arith.muli %arg1, %mul3A_41 : i32
    %add3A_43 = arith.constant 2 : i32
    %add3A_44 = arith.addi %add3A_43, %arg0 : i32
    %mul3A_45 = arith.constant 10240 : i32
    %mul3A_46 = arith.muli %add3A_44, %mul3A_45 : i32
    %mul3A_47 = arith.constant 640 : i32
    %mul3A_48 = arith.muli %arg1, %mul3A_47 : i32
    %add3A_49 = arith.addi %mul3A_46, %mul3A_48 : i32
    "tpu.region"() ({
      %run_scoped3A = tpu.sem_alloc : memref<!tpu.dma_semaphore, #tpu.memory_space<semaphore_mem>>
      %dma_start3A = tpu.memref_slice %arg3[%add3A_49] : memref<40960xf32, #tpu.memory_space<hbm>> -> memref<640xf32, #tpu.memory_space<hbm>>
      %dma_start3A_50 = tpu.memref_slice %arg8[%mul3A_42] : memref<10240xf32, #tpu.memory_space<vmem_shared>> -> memref<640xf32, #tpu.memory_space<vmem_shared>>
      tpu.enqueue_dma source(%dma_start3A_50 : memref<640xf32, #tpu.memory_space<vmem_shared>>) target(%dma_start3A : memref<640xf32, #tpu.memory_space<hbm>>) target_semaphore(%run_scoped3A : memref<!tpu.dma_semaphore, #tpu.memory_space<semaphore_mem>>)
      %dma_wait3A = tpu.memref_slice %arg3[%add3A_49] : memref<40960xf32, #tpu.memory_space<hbm>> -> memref<640xf32, #tpu.memory_space<hbm>>
      %dma_wait3A_51 = tpu.memref_slice %arg8[%mul3A_42] : memref<10240xf32, #tpu.memory_space<vmem_shared>> -> memref<640xf32, #tpu.memory_space<vmem_shared>>
      tpu.wait_dma2 semaphore(%run_scoped3A : memref<!tpu.dma_semaphore, #tpu.memory_space<semaphore_mem>>) src(%dma_wait3A_51 : memref<640xf32, #tpu.memory_space<vmem_shared>>) dst(%dma_wait3A : memref<640xf32, #tpu.memory_space<hbm>>)
      tpu.yield
    }) : () -> ()
    return
  }
}

#map = affine_map<(d0, d1) -> (0, 0, 0)>
#map1 = affine_map<(d0, d1) -> (0, 0)>
module attributes {stable_mosaic.version = 14 : i64} {
  func.func @_agg(%arg0: i32, %arg1: i32, %arg2: memref<2592x2x128xi32, #tpu.memory_space<hbm>>, %arg3: memref<10112x128xf32, #tpu.memory_space<hbm>>, %arg4: memref<2x10112x128xf32, #tpu.memory_space<hbm>>, %arg5: memref<3x2x128xi32, #tpu.memory_space<vmem>>, %arg6: memref<3x128x128xf32, #tpu.memory_space<vmem>>, %arg7: memref<10112x128xf32, #tpu.memory_space<vmem_shared>>, %arg8: memref<!tpu.dma_semaphore, #tpu.memory_space<semaphore_mem>>, %arg9: memref<!tpu.dma_semaphore, #tpu.memory_space<semaphore_mem>>, %arg10: memref<!tpu.dma_semaphore, #tpu.memory_space<semaphore_mem>>, %arg11: memref<!tpu.dma_semaphore, #tpu.memory_space<semaphore_mem>>, %arg12: memref<!tpu.dma_semaphore, #tpu.memory_space<semaphore_mem>>, %arg13: memref<!tpu.dma_semaphore, #tpu.memory_space<semaphore_mem>>) attributes {dimension_semantics = [#tpu.dimension_semantics<core_parallel>, #tpu.dimension_semantics<subcore_parallel>], iteration_bounds = array<i64: 2, 16>, scalar_prefetch = 0 : i64, scratch_operands = 9 : i64, tpu.core_type = #tpu.core_type<sc_vector_subcore>, window_params = [{transform_indices = #map}, {transform_indices = #map1}, {transform_indices = #map}]} {
    %mul3A = arith.constant 2 : i32
    %mul3A_0 = arith.muli %arg1, %mul3A : i32
    %add3A = arith.addi %mul3A_0, %arg0 : i32
    %mul3A_1 = arith.constant 81 : i32
    %mul3A_2 = arith.muli %add3A, %mul3A_1 : i32
    %broadcast_in_dim3A = arith.constant 0.000000e+00 : f32
    %broadcast_in_dim3A_3 = vector.broadcast %broadcast_in_dim3A : f32 to vector<16xf32>
    %scan3A = arith.constant 0 : i32
    %scan3A_4 = arith.constant 0 : i32
    %scan3A_5 = arith.constant 0 : i32
    %scan3A_6 = arith.constant 128 : i32
    %scan3A_7 = arith.addi %scan3A_5, %scan3A_6 : i32
    %scan3A_8 = arith.constant 1 : i32
    scf.for %scan3A_203 = %scan3A_5 to %scan3A_7 step %scan3A_8  : i32 {
      %swap3A = arith.constant 0 : i32
      %swap3A_204 = arith.constant 0 : i32
      %swap3A_205 = tpu.memref_slice %arg6[%scan3A_4, %swap3A, %swap3A_204] : memref<3x128x128xf32, #tpu.memory_space<vmem>> -> memref<1x128x128xf32, #tpu.memory_space<vmem>>
      %swap3A_206 = tpu.memref_squeeze %swap3A_205 : memref<1x128x128xf32, #tpu.memory_space<vmem>> -> memref<128x128xf32, #tpu.memory_space<vmem>>
      %swap3A_207 = arith.index_cast %scan3A_203 : i32 to index
      %swap3A_208 = arith.constant 0 : index
      %swap3A_209 = tpu.vector_load %swap3A_206[%swap3A_207, %swap3A_208] {strides = array<i32>} : memref<128x128xf32, #tpu.memory_space<vmem>>, vector<1x16xf32>,
      %swap3A_210 = vector.shape_cast %swap3A_209 : vector<1x16xf32> to vector<16xf32>
      %swap3A_211 = vector.shape_cast %broadcast_in_dim3A_3 : vector<16xf32> to vector<1x16xf32>
      tpu.vector_store %swap3A_206[%swap3A_207, %swap3A_208], %swap3A_211 {strides = array<i32>} : memref<128x128xf32, #tpu.memory_space<vmem>>, vector<1x16xf32>,
      %swap3A_212 = arith.constant 0 : i32
      %swap3A_213 = arith.constant 0 : i32
      %swap3A_214 = tpu.memref_slice %arg6[%scan3A_4, %swap3A_212, %swap3A_213] : memref<3x128x128xf32, #tpu.memory_space<vmem>> -> memref<1x128x128xf32, #tpu.memory_space<vmem>>
      %swap3A_215 = tpu.memref_squeeze %swap3A_214 : memref<1x128x128xf32, #tpu.memory_space<vmem>> -> memref<128x128xf32, #tpu.memory_space<vmem>>
      %swap3A_216 = arith.index_cast %scan3A_203 : i32 to index
      %swap3A_217 = arith.constant 16 : index
      %swap3A_218 = tpu.vector_load %swap3A_215[%swap3A_216, %swap3A_217] {strides = array<i32>} : memref<128x128xf32, #tpu.memory_space<vmem>>, vector<1x16xf32>,
      %swap3A_219 = vector.shape_cast %swap3A_218 : vector<1x16xf32> to vector<16xf32>
      %swap3A_220 = vector.shape_cast %broadcast_in_dim3A_3 : vector<16xf32> to vector<1x16xf32>
      tpu.vector_store %swap3A_215[%swap3A_216, %swap3A_217], %swap3A_220 {strides = array<i32>} : memref<128x128xf32, #tpu.memory_space<vmem>>, vector<1x16xf32>,
      %swap3A_221 = arith.constant 0 : i32
      %swap3A_222 = arith.constant 0 : i32
      %swap3A_223 = tpu.memref_slice %arg6[%scan3A_4, %swap3A_221, %swap3A_222] : memref<3x128x128xf32, #tpu.memory_space<vmem>> -> memref<1x128x128xf32, #tpu.memory_space<vmem>>
      %swap3A_224 = tpu.memref_squeeze %swap3A_223 : memref<1x128x128xf32, #tpu.memory_space<vmem>> -> memref<128x128xf32, #tpu.memory_space<vmem>>
      %swap3A_225 = arith.index_cast %scan3A_203 : i32 to index
      %swap3A_226 = arith.constant 32 : index
      %swap3A_227 = tpu.vector_load %swap3A_224[%swap3A_225, %swap3A_226] {strides = array<i32>} : memref<128x128xf32, #tpu.memory_space<vmem>>, vector<1x16xf32>,
      %swap3A_228 = vector.shape_cast %swap3A_227 : vector<1x16xf32> to vector<16xf32>
      %swap3A_229 = vector.shape_cast %broadcast_in_dim3A_3 : vector<16xf32> to vector<1x16xf32>
      tpu.vector_store %swap3A_224[%swap3A_225, %swap3A_226], %swap3A_229 {strides = array<i32>} : memref<128x128xf32, #tpu.memory_space<vmem>>, vector<1x16xf32>,
      %swap3A_230 = arith.constant 0 : i32
      %swap3A_231 = arith.constant 0 : i32
      %swap3A_232 = tpu.memref_slice %arg6[%scan3A_4, %swap3A_230, %swap3A_231] : memref<3x128x128xf32, #tpu.memory_space<vmem>> -> memref<1x128x128xf32, #tpu.memory_space<vmem>>
      %swap3A_233 = tpu.memref_squeeze %swap3A_232 : memref<1x128x128xf32, #tpu.memory_space<vmem>> -> memref<128x128xf32, #tpu.memory_space<vmem>>
      %swap3A_234 = arith.index_cast %scan3A_203 : i32 to index
      %swap3A_235 = arith.constant 48 : index
      %swap3A_236 = tpu.vector_load %swap3A_233[%swap3A_234, %swap3A_235] {strides = array<i32>} : memref<128x128xf32, #tpu.memory_space<vmem>>, vector<1x16xf32>,
      %swap3A_237 = vector.shape_cast %swap3A_236 : vector<1x16xf32> to vector<16xf32>
      %swap3A_238 = vector.shape_cast %broadcast_in_dim3A_3 : vector<16xf32> to vector<1x16xf32>
      tpu.vector_store %swap3A_233[%swap3A_234, %swap3A_235], %swap3A_238 {strides = array<i32>} : memref<128x128xf32, #tpu.memory_space<vmem>>, vector<1x16xf32>,
      %swap3A_239 = arith.constant 0 : i32
      %swap3A_240 = arith.constant 0 : i32
      %swap3A_241 = tpu.memref_slice %arg6[%scan3A_4, %swap3A_239, %swap3A_240] : memref<3x128x128xf32, #tpu.memory_space<vmem>> -> memref<1x128x128xf32, #tpu.memory_space<vmem>>
      %swap3A_242 = tpu.memref_squeeze %swap3A_241 : memref<1x128x128xf32, #tpu.memory_space<vmem>> -> memref<128x128xf32, #tpu.memory_space<vmem>>
      %swap3A_243 = arith.index_cast %scan3A_203 : i32 to index
      %swap3A_244 = arith.constant 64 : index
      %swap3A_245 = tpu.vector_load %swap3A_242[%swap3A_243, %swap3A_244] {strides = array<i32>} : memref<128x128xf32, #tpu.memory_space<vmem>>, vector<1x16xf32>,
      %swap3A_246 = vector.shape_cast %swap3A_245 : vector<1x16xf32> to vector<16xf32>
      %swap3A_247 = vector.shape_cast %broadcast_in_dim3A_3 : vector<16xf32> to vector<1x16xf32>
      tpu.vector_store %swap3A_242[%swap3A_243, %swap3A_244], %swap3A_247 {strides = array<i32>} : memref<128x128xf32, #tpu.memory_space<vmem>>, vector<1x16xf32>,
      %swap3A_248 = arith.constant 0 : i32
      %swap3A_249 = arith.constant 0 : i32
      %swap3A_250 = tpu.memref_slice %arg6[%scan3A_4, %swap3A_248, %swap3A_249] : memref<3x128x128xf32, #tpu.memory_space<vmem>> -> memref<1x128x128xf32, #tpu.memory_space<vmem>>
      %swap3A_251 = tpu.memref_squeeze %swap3A_250 : memref<1x128x128xf32, #tpu.memory_space<vmem>> -> memref<128x128xf32, #tpu.memory_space<vmem>>
      %swap3A_252 = arith.index_cast %scan3A_203 : i32 to index
      %swap3A_253 = arith.constant 80 : index
      %swap3A_254 = tpu.vector_load %swap3A_251[%swap3A_252, %swap3A_253] {strides = array<i32>} : memref<128x128xf32, #tpu.memory_space<vmem>>, vector<1x16xf32>,
      %swap3A_255 = vector.shape_cast %swap3A_254 : vector<1x16xf32> to vector<16xf32>
      %swap3A_256 = vector.shape_cast %broadcast_in_dim3A_3 : vector<16xf32> to vector<1x16xf32>
      tpu.vector_store %swap3A_251[%swap3A_252, %swap3A_253], %swap3A_256 {strides = array<i32>} : memref<128x128xf32, #tpu.memory_space<vmem>>, vector<1x16xf32>,
      %swap3A_257 = arith.constant 0 : i32
      %swap3A_258 = arith.constant 0 : i32
      %swap3A_259 = tpu.memref_slice %arg6[%scan3A_4, %swap3A_257, %swap3A_258] : memref<3x128x128xf32, #tpu.memory_space<vmem>> -> memref<1x128x128xf32, #tpu.memory_space<vmem>>
      %swap3A_260 = tpu.memref_squeeze %swap3A_259 : memref<1x128x128xf32, #tpu.memory_space<vmem>> -> memref<128x128xf32, #tpu.memory_space<vmem>>
      %swap3A_261 = arith.index_cast %scan3A_203 : i32 to index
      %swap3A_262 = arith.constant 96 : index
      %swap3A_263 = tpu.vector_load %swap3A_260[%swap3A_261, %swap3A_262] {strides = array<i32>} : memref<128x128xf32, #tpu.memory_space<vmem>>, vector<1x16xf32>,
      %swap3A_264 = vector.shape_cast %swap3A_263 : vector<1x16xf32> to vector<16xf32>
      %swap3A_265 = vector.shape_cast %broadcast_in_dim3A_3 : vector<16xf32> to vector<1x16xf32>
      tpu.vector_store %swap3A_260[%swap3A_261, %swap3A_262], %swap3A_265 {strides = array<i32>} : memref<128x128xf32, #tpu.memory_space<vmem>>, vector<1x16xf32>,
      %swap3A_266 = arith.constant 0 : i32
      %swap3A_267 = arith.constant 0 : i32
      %swap3A_268 = tpu.memref_slice %arg6[%scan3A_4, %swap3A_266, %swap3A_267] : memref<3x128x128xf32, #tpu.memory_space<vmem>> -> memref<1x128x128xf32, #tpu.memory_space<vmem>>
      %swap3A_269 = tpu.memref_squeeze %swap3A_268 : memref<1x128x128xf32, #tpu.memory_space<vmem>> -> memref<128x128xf32, #tpu.memory_space<vmem>>
      %swap3A_270 = arith.index_cast %scan3A_203 : i32 to index
      %swap3A_271 = arith.constant 112 : index
      %swap3A_272 = tpu.vector_load %swap3A_269[%swap3A_270, %swap3A_271] {strides = array<i32>} : memref<128x128xf32, #tpu.memory_space<vmem>>, vector<1x16xf32>,
      %swap3A_273 = vector.shape_cast %swap3A_272 : vector<1x16xf32> to vector<16xf32>
      %swap3A_274 = vector.shape_cast %broadcast_in_dim3A_3 : vector<16xf32> to vector<1x16xf32>
      tpu.vector_store %swap3A_269[%swap3A_270, %swap3A_271], %swap3A_274 {strides = array<i32>} : memref<128x128xf32, #tpu.memory_space<vmem>>, vector<1x16xf32>,
    }
    %scan3A_9 = arith.constant 128 : i32
    %mul3A_10 = arith.constant 632 : i32
    %mul3A_11 = arith.muli %arg1, %mul3A_10 : i32
    %add3A_12 = arith.constant 0 : i32
    %add3A_13 = arith.addi %mul3A_11, %add3A_12 : i32
    %run_scoped3A = arith.constant 0 : i32
    "tpu.region"() ({
      %run_scoped3A_203 = tpu.sem_alloc : memref<!tpu.dma_semaphore, #tpu.memory_space<semaphore_mem>>
      %dma_start3A_204 = arith.constant 0 : i32
      %dma_start3A_205 = arith.constant 0 : i32
      %dma_start3A_206 = tpu.memref_slice %arg6[%run_scoped3A, %dma_start3A_204, %dma_start3A_205] : memref<3x128x128xf32, #tpu.memory_space<vmem>> -> memref<1x128x128xf32, #tpu.memory_space<vmem>>
      %dma_start3A_207 = tpu.memref_squeeze %dma_start3A_206 : memref<1x128x128xf32, #tpu.memory_space<vmem>> -> memref<128x128xf32, #tpu.memory_space<vmem>>
      %dma_start3A_208 = arith.constant 0 : i32
      %dma_start3A_209 = tpu.memref_slice %arg7[%add3A_13, %dma_start3A_208] : memref<10112x128xf32, #tpu.memory_space<vmem_shared>> -> memref<128x128xf32, #tpu.memory_space<vmem_shared>>
      %dma_start3A_210 = arith.constant 0 : i32
      %dma_start3A_211 = tpu.memref_slice %arg7[%add3A_13, %dma_start3A_210] : memref<10112x128xf32, #tpu.memory_space<vmem_shared>> -> memref<128x128xf32, #tpu.memory_space<vmem_shared>>
      %dma_start3A_212 = arith.constant 0 : i32
      %dma_start3A_213 = arith.constant 0 : i32
      %dma_start3A_214 = tpu.memref_slice %arg6[%run_scoped3A, %dma_start3A_212, %dma_start3A_213] : memref<3x128x128xf32, #tpu.memory_space<vmem>> -> memref<1x128x128xf32, #tpu.memory_space<vmem>>
      %dma_start3A_215 = tpu.memref_squeeze %dma_start3A_214 : memref<1x128x128xf32, #tpu.memory_space<vmem>> -> memref<128x128xf32, #tpu.memory_space<vmem>>
      tpu.enqueue_dma source(%dma_start3A_215 : memref<128x128xf32, #tpu.memory_space<vmem>>) target(%dma_start3A_211 : memref<128x128xf32, #tpu.memory_space<vmem_shared>>) target_semaphore(%run_scoped3A_203 : memref<!tpu.dma_semaphore, #tpu.memory_space<semaphore_mem>>)
      %dma_wait3A_216 = arith.constant 0 : i32
      %dma_wait3A_217 = arith.constant 0 : i32
      %dma_wait3A_218 = tpu.memref_slice %arg6[%run_scoped3A, %dma_wait3A_216, %dma_wait3A_217] : memref<3x128x128xf32, #tpu.memory_space<vmem>> -> memref<1x128x128xf32, #tpu.memory_space<vmem>>
      %dma_wait3A_219 = tpu.memref_squeeze %dma_wait3A_218 : memref<1x128x128xf32, #tpu.memory_space<vmem>> -> memref<128x128xf32, #tpu.memory_space<vmem>>
      %dma_wait3A_220 = arith.constant 0 : i32
      %dma_wait3A_221 = tpu.memref_slice %arg7[%add3A_13, %dma_wait3A_220] : memref<10112x128xf32, #tpu.memory_space<vmem_shared>> -> memref<128x128xf32, #tpu.memory_space<vmem_shared>>
      %dma_wait3A_222 = arith.constant 0 : i32
      %dma_wait3A_223 = tpu.memref_slice %arg7[%add3A_13, %dma_wait3A_222] : memref<10112x128xf32, #tpu.memory_space<vmem_shared>> -> memref<128x128xf32, #tpu.memory_space<vmem_shared>>
      %dma_wait3A_224 = arith.constant 0 : i32
      %dma_wait3A_225 = arith.constant 0 : i32
      %dma_wait3A_226 = tpu.memref_slice %arg6[%run_scoped3A, %dma_wait3A_224, %dma_wait3A_225] : memref<3x128x128xf32, #tpu.memory_space<vmem>> -> memref<1x128x128xf32, #tpu.memory_space<vmem>>
      %dma_wait3A_227 = tpu.memref_squeeze %dma_wait3A_226 : memref<1x128x128xf32, #tpu.memory_space<vmem>> -> memref<128x128xf32, #tpu.memory_space<vmem>>
      tpu.wait_dma2 semaphore(%run_scoped3A_203 : memref<!tpu.dma_semaphore, #tpu.memory_space<semaphore_mem>>) src(%dma_wait3A_227 : memref<128x128xf32, #tpu.memory_space<vmem>>) dst(%dma_wait3A_223 : memref<128x128xf32, #tpu.memory_space<vmem_shared>>)
      tpu.yield
    }) : () -> ()
    %mul3A_14 = arith.constant 632 : i32
    %mul3A_15 = arith.muli %arg1, %mul3A_14 : i32
    %add3A_16 = arith.constant 128 : i32
    %add3A_17 = arith.addi %mul3A_15, %add3A_16 : i32
    %run_scoped3A_18 = arith.constant 0 : i32
    "tpu.region"() ({
      %run_scoped3A_203 = tpu.sem_alloc : memref<!tpu.dma_semaphore, #tpu.memory_space<semaphore_mem>>
      %dma_start3A_204 = arith.constant 0 : i32
      %dma_start3A_205 = arith.constant 0 : i32
      %dma_start3A_206 = tpu.memref_slice %arg6[%run_scoped3A_18, %dma_start3A_204, %dma_start3A_205] : memref<3x128x128xf32, #tpu.memory_space<vmem>> -> memref<1x128x128xf32, #tpu.memory_space<vmem>>
      %dma_start3A_207 = tpu.memref_squeeze %dma_start3A_206 : memref<1x128x128xf32, #tpu.memory_space<vmem>> -> memref<128x128xf32, #tpu.memory_space<vmem>>
      %dma_start3A_208 = arith.constant 0 : i32
      %dma_start3A_209 = tpu.memref_slice %arg7[%add3A_17, %dma_start3A_208] : memref<10112x128xf32, #tpu.memory_space<vmem_shared>> -> memref<128x128xf32, #tpu.memory_space<vmem_shared>>
      %dma_start3A_210 = arith.constant 0 : i32
      %dma_start3A_211 = tpu.memref_slice %arg7[%add3A_17, %dma_start3A_210] : memref<10112x128xf32, #tpu.memory_space<vmem_shared>> -> memref<128x128xf32, #tpu.memory_space<vmem_shared>>
      %dma_start3A_212 = arith.constant 0 : i32
      %dma_start3A_213 = arith.constant 0 : i32
      %dma_start3A_214 = tpu.memref_slice %arg6[%run_scoped3A_18, %dma_start3A_212, %dma_start3A_213] : memref<3x128x128xf32, #tpu.memory_space<vmem>> -> memref<1x128x128xf32, #tpu.memory_space<vmem>>
      %dma_start3A_215 = tpu.memref_squeeze %dma_start3A_214 : memref<1x128x128xf32, #tpu.memory_space<vmem>> -> memref<128x128xf32, #tpu.memory_space<vmem>>
      tpu.enqueue_dma source(%dma_start3A_215 : memref<128x128xf32, #tpu.memory_space<vmem>>) target(%dma_start3A_211 : memref<128x128xf32, #tpu.memory_space<vmem_shared>>) target_semaphore(%run_scoped3A_203 : memref<!tpu.dma_semaphore, #tpu.memory_space<semaphore_mem>>)
      %dma_wait3A_216 = arith.constant 0 : i32
      %dma_wait3A_217 = arith.constant 0 : i32
      %dma_wait3A_218 = tpu.memref_slice %arg6[%run_scoped3A_18, %dma_wait3A_216, %dma_wait3A_217] : memref<3x128x128xf32, #tpu.memory_space<vmem>> -> memref<1x128x128xf32, #tpu.memory_space<vmem>>
      %dma_wait3A_219 = tpu.memref_squeeze %dma_wait3A_218 : memref<1x128x128xf32, #tpu.memory_space<vmem>> -> memref<128x128xf32, #tpu.memory_space<vmem>>
      %dma_wait3A_220 = arith.constant 0 : i32
      %dma_wait3A_221 = tpu.memref_slice %arg7[%add3A_17, %dma_wait3A_220] : memref<10112x128xf32, #tpu.memory_space<vmem_shared>> -> memref<128x128xf32, #tpu.memory_space<vmem_shared>>
      %dma_wait3A_222 = arith.constant 0 : i32
      %dma_wait3A_223 = tpu.memref_slice %arg7[%add3A_17, %dma_wait3A_222] : memref<10112x128xf32, #tpu.memory_space<vmem_shared>> -> memref<128x128xf32, #tpu.memory_space<vmem_shared>>
      %dma_wait3A_224 = arith.constant 0 : i32
      %dma_wait3A_225 = arith.constant 0 : i32
      %dma_wait3A_226 = tpu.memref_slice %arg6[%run_scoped3A_18, %dma_wait3A_224, %dma_wait3A_225] : memref<3x128x128xf32, #tpu.memory_space<vmem>> -> memref<1x128x128xf32, #tpu.memory_space<vmem>>
      %dma_wait3A_227 = tpu.memref_squeeze %dma_wait3A_226 : memref<1x128x128xf32, #tpu.memory_space<vmem>> -> memref<128x128xf32, #tpu.memory_space<vmem>>
      tpu.wait_dma2 semaphore(%run_scoped3A_203 : memref<!tpu.dma_semaphore, #tpu.memory_space<semaphore_mem>>) src(%dma_wait3A_227 : memref<128x128xf32, #tpu.memory_space<vmem>>) dst(%dma_wait3A_223 : memref<128x128xf32, #tpu.memory_space<vmem_shared>>)
      tpu.yield
    }) : () -> ()
    %mul3A_19 = arith.constant 632 : i32
    %mul3A_20 = arith.muli %arg1, %mul3A_19 : i32
    %add3A_21 = arith.constant 256 : i32
    %add3A_22 = arith.addi %mul3A_20, %add3A_21 : i32
    %run_scoped3A_23 = arith.constant 0 : i32
    "tpu.region"() ({
      %run_scoped3A_203 = tpu.sem_alloc : memref<!tpu.dma_semaphore, #tpu.memory_space<semaphore_mem>>
      %dma_start3A_204 = arith.constant 0 : i32
      %dma_start3A_205 = arith.constant 0 : i32
      %dma_start3A_206 = tpu.memref_slice %arg6[%run_scoped3A_23, %dma_start3A_204, %dma_start3A_205] : memref<3x128x128xf32, #tpu.memory_space<vmem>> -> memref<1x128x128xf32, #tpu.memory_space<vmem>>
      %dma_start3A_207 = tpu.memref_squeeze %dma_start3A_206 : memref<1x128x128xf32, #tpu.memory_space<vmem>> -> memref<128x128xf32, #tpu.memory_space<vmem>>
      %dma_start3A_208 = arith.constant 0 : i32
      %dma_start3A_209 = tpu.memref_slice %arg7[%add3A_22, %dma_start3A_208] : memref<10112x128xf32, #tpu.memory_space<vmem_shared>> -> memref<128x128xf32, #tpu.memory_space<vmem_shared>>
      %dma_start3A_210 = arith.constant 0 : i32
      %dma_start3A_211 = tpu.memref_slice %arg7[%add3A_22, %dma_start3A_210] : memref<10112x128xf32, #tpu.memory_space<vmem_shared>> -> memref<128x128xf32, #tpu.memory_space<vmem_shared>>
      %dma_start3A_212 = arith.constant 0 : i32
      %dma_start3A_213 = arith.constant 0 : i32
      %dma_start3A_214 = tpu.memref_slice %arg6[%run_scoped3A_23, %dma_start3A_212, %dma_start3A_213] : memref<3x128x128xf32, #tpu.memory_space<vmem>> -> memref<1x128x128xf32, #tpu.memory_space<vmem>>
      %dma_start3A_215 = tpu.memref_squeeze %dma_start3A_214 : memref<1x128x128xf32, #tpu.memory_space<vmem>> -> memref<128x128xf32, #tpu.memory_space<vmem>>
      tpu.enqueue_dma source(%dma_start3A_215 : memref<128x128xf32, #tpu.memory_space<vmem>>) target(%dma_start3A_211 : memref<128x128xf32, #tpu.memory_space<vmem_shared>>) target_semaphore(%run_scoped3A_203 : memref<!tpu.dma_semaphore, #tpu.memory_space<semaphore_mem>>)
      %dma_wait3A_216 = arith.constant 0 : i32
      %dma_wait3A_217 = arith.constant 0 : i32
      %dma_wait3A_218 = tpu.memref_slice %arg6[%run_scoped3A_23, %dma_wait3A_216, %dma_wait3A_217] : memref<3x128x128xf32, #tpu.memory_space<vmem>> -> memref<1x128x128xf32, #tpu.memory_space<vmem>>
      %dma_wait3A_219 = tpu.memref_squeeze %dma_wait3A_218 : memref<1x128x128xf32, #tpu.memory_space<vmem>> -> memref<128x128xf32, #tpu.memory_space<vmem>>
      %dma_wait3A_220 = arith.constant 0 : i32
      %dma_wait3A_221 = tpu.memref_slice %arg7[%add3A_22, %dma_wait3A_220] : memref<10112x128xf32, #tpu.memory_space<vmem_shared>> -> memref<128x128xf32, #tpu.memory_space<vmem_shared>>
      %dma_wait3A_222 = arith.constant 0 : i32
      %dma_wait3A_223 = tpu.memref_slice %arg7[%add3A_22, %dma_wait3A_222] : memref<10112x128xf32, #tpu.memory_space<vmem_shared>> -> memref<128x128xf32, #tpu.memory_space<vmem_shared>>
      %dma_wait3A_224 = arith.constant 0 : i32
      %dma_wait3A_225 = arith.constant 0 : i32
      %dma_wait3A_226 = tpu.memref_slice %arg6[%run_scoped3A_23, %dma_wait3A_224, %dma_wait3A_225] : memref<3x128x128xf32, #tpu.memory_space<vmem>> -> memref<1x128x128xf32, #tpu.memory_space<vmem>>
      %dma_wait3A_227 = tpu.memref_squeeze %dma_wait3A_226 : memref<1x128x128xf32, #tpu.memory_space<vmem>> -> memref<128x128xf32, #tpu.memory_space<vmem>>
      tpu.wait_dma2 semaphore(%run_scoped3A_203 : memref<!tpu.dma_semaphore, #tpu.memory_space<semaphore_mem>>) src(%dma_wait3A_227 : memref<128x128xf32, #tpu.memory_space<vmem>>) dst(%dma_wait3A_223 : memref<128x128xf32, #tpu.memory_space<vmem_shared>>)
      tpu.yield
    }) : () -> ()
    %mul3A_24 = arith.constant 632 : i32
    %mul3A_25 = arith.muli %arg1, %mul3A_24 : i32
    %add3A_26 = arith.constant 384 : i32
    %add3A_27 = arith.addi %mul3A_25, %add3A_26 : i32
    %run_scoped3A_28 = arith.constant 0 : i32
    "tpu.region"() ({
      %run_scoped3A_203 = tpu.sem_alloc : memref<!tpu.dma_semaphore, #tpu.memory_space<semaphore_mem>>
      %dma_start3A_204 = arith.constant 0 : i32
      %dma_start3A_205 = arith.constant 0 : i32
      %dma_start3A_206 = tpu.memref_slice %arg6[%run_scoped3A_28, %dma_start3A_204, %dma_start3A_205] : memref<3x128x128xf32, #tpu.memory_space<vmem>> -> memref<1x128x128xf32, #tpu.memory_space<vmem>>
      %dma_start3A_207 = tpu.memref_squeeze %dma_start3A_206 : memref<1x128x128xf32, #tpu.memory_space<vmem>> -> memref<128x128xf32, #tpu.memory_space<vmem>>
      %dma_start3A_208 = arith.constant 0 : i32
      %dma_start3A_209 = tpu.memref_slice %arg7[%add3A_27, %dma_start3A_208] : memref<10112x128xf32, #tpu.memory_space<vmem_shared>> -> memref<128x128xf32, #tpu.memory_space<vmem_shared>>
      %dma_start3A_210 = arith.constant 0 : i32
      %dma_start3A_211 = tpu.memref_slice %arg7[%add3A_27, %dma_start3A_210] : memref<10112x128xf32, #tpu.memory_space<vmem_shared>> -> memref<128x128xf32, #tpu.memory_space<vmem_shared>>
      %dma_start3A_212 = arith.constant 0 : i32
      %dma_start3A_213 = arith.constant 0 : i32
      %dma_start3A_214 = tpu.memref_slice %arg6[%run_scoped3A_28, %dma_start3A_212, %dma_start3A_213] : memref<3x128x128xf32, #tpu.memory_space<vmem>> -> memref<1x128x128xf32, #tpu.memory_space<vmem>>
      %dma_start3A_215 = tpu.memref_squeeze %dma_start3A_214 : memref<1x128x128xf32, #tpu.memory_space<vmem>> -> memref<128x128xf32, #tpu.memory_space<vmem>>
      tpu.enqueue_dma source(%dma_start3A_215 : memref<128x128xf32, #tpu.memory_space<vmem>>) target(%dma_start3A_211 : memref<128x128xf32, #tpu.memory_space<vmem_shared>>) target_semaphore(%run_scoped3A_203 : memref<!tpu.dma_semaphore, #tpu.memory_space<semaphore_mem>>)
      %dma_wait3A_216 = arith.constant 0 : i32
      %dma_wait3A_217 = arith.constant 0 : i32
      %dma_wait3A_218 = tpu.memref_slice %arg6[%run_scoped3A_28, %dma_wait3A_216, %dma_wait3A_217] : memref<3x128x128xf32, #tpu.memory_space<vmem>> -> memref<1x128x128xf32, #tpu.memory_space<vmem>>
      %dma_wait3A_219 = tpu.memref_squeeze %dma_wait3A_218 : memref<1x128x128xf32, #tpu.memory_space<vmem>> -> memref<128x128xf32, #tpu.memory_space<vmem>>
      %dma_wait3A_220 = arith.constant 0 : i32
      %dma_wait3A_221 = tpu.memref_slice %arg7[%add3A_27, %dma_wait3A_220] : memref<10112x128xf32, #tpu.memory_space<vmem_shared>> -> memref<128x128xf32, #tpu.memory_space<vmem_shared>>
      %dma_wait3A_222 = arith.constant 0 : i32
      %dma_wait3A_223 = tpu.memref_slice %arg7[%add3A_27, %dma_wait3A_222] : memref<10112x128xf32, #tpu.memory_space<vmem_shared>> -> memref<128x128xf32, #tpu.memory_space<vmem_shared>>
      %dma_wait3A_224 = arith.constant 0 : i32
      %dma_wait3A_225 = arith.constant 0 : i32
      %dma_wait3A_226 = tpu.memref_slice %arg6[%run_scoped3A_28, %dma_wait3A_224, %dma_wait3A_225] : memref<3x128x128xf32, #tpu.memory_space<vmem>> -> memref<1x128x128xf32, #tpu.memory_space<vmem>>
      %dma_wait3A_227 = tpu.memref_squeeze %dma_wait3A_226 : memref<1x128x128xf32, #tpu.memory_space<vmem>> -> memref<128x128xf32, #tpu.memory_space<vmem>>
      tpu.wait_dma2 semaphore(%run_scoped3A_203 : memref<!tpu.dma_semaphore, #tpu.memory_space<semaphore_mem>>) src(%dma_wait3A_227 : memref<128x128xf32, #tpu.memory_space<vmem>>) dst(%dma_wait3A_223 : memref<128x128xf32, #tpu.memory_space<vmem_shared>>)
      tpu.yield
    }) : () -> ()
    %mul3A_29 = arith.constant 632 : i32
    %mul3A_30 = arith.muli %arg1, %mul3A_29 : i32
    %add3A_31 = arith.constant 512 : i32
    %add3A_32 = arith.addi %mul3A_30, %add3A_31 : i32
    %run_scoped3A_33 = arith.constant 0 : i32
    "tpu.region"() ({
      %run_scoped3A_203 = tpu.sem_alloc : memref<!tpu.dma_semaphore, #tpu.memory_space<semaphore_mem>>
      %dma_start3A_204 = arith.constant 0 : i32
      %dma_start3A_205 = arith.constant 0 : i32
      %dma_start3A_206 = tpu.memref_slice %arg6[%run_scoped3A_33, %dma_start3A_204, %dma_start3A_205] : memref<3x128x128xf32, #tpu.memory_space<vmem>> -> memref<1x120x128xf32, #tpu.memory_space<vmem>>
      %dma_start3A_207 = tpu.memref_squeeze %dma_start3A_206 : memref<1x120x128xf32, #tpu.memory_space<vmem>> -> memref<120x128xf32, #tpu.memory_space<vmem>>
      %dma_start3A_208 = arith.constant 0 : i32
      %dma_start3A_209 = tpu.memref_slice %arg7[%add3A_32, %dma_start3A_208] : memref<10112x128xf32, #tpu.memory_space<vmem_shared>> -> memref<120x128xf32, #tpu.memory_space<vmem_shared>>
      %dma_start3A_210 = arith.constant 0 : i32
      %dma_start3A_211 = tpu.memref_slice %arg7[%add3A_32, %dma_start3A_210] : memref<10112x128xf32, #tpu.memory_space<vmem_shared>> -> memref<120x128xf32, #tpu.memory_space<vmem_shared>>
      %dma_start3A_212 = arith.constant 0 : i32
      %dma_start3A_213 = arith.constant 0 : i32
      %dma_start3A_214 = tpu.memref_slice %arg6[%run_scoped3A_33, %dma_start3A_212, %dma_start3A_213] : memref<3x128x128xf32, #tpu.memory_space<vmem>> -> memref<1x120x128xf32, #tpu.memory_space<vmem>>
      %dma_start3A_215 = tpu.memref_squeeze %dma_start3A_214 : memref<1x120x128xf32, #tpu.memory_space<vmem>> -> memref<120x128xf32, #tpu.memory_space<vmem>>
      tpu.enqueue_dma source(%dma_start3A_215 : memref<120x128xf32, #tpu.memory_space<vmem>>) target(%dma_start3A_211 : memref<120x128xf32, #tpu.memory_space<vmem_shared>>) target_semaphore(%run_scoped3A_203 : memref<!tpu.dma_semaphore, #tpu.memory_space<semaphore_mem>>)
      %dma_wait3A_216 = arith.constant 0 : i32
      %dma_wait3A_217 = arith.constant 0 : i32
      %dma_wait3A_218 = tpu.memref_slice %arg6[%run_scoped3A_33, %dma_wait3A_216, %dma_wait3A_217] : memref<3x128x128xf32, #tpu.memory_space<vmem>> -> memref<1x120x128xf32, #tpu.memory_space<vmem>>
      %dma_wait3A_219 = tpu.memref_squeeze %dma_wait3A_218 : memref<1x120x128xf32, #tpu.memory_space<vmem>> -> memref<120x128xf32, #tpu.memory_space<vmem>>
      %dma_wait3A_220 = arith.constant 0 : i32
      %dma_wait3A_221 = tpu.memref_slice %arg7[%add3A_32, %dma_wait3A_220] : memref<10112x128xf32, #tpu.memory_space<vmem_shared>> -> memref<120x128xf32, #tpu.memory_space<vmem_shared>>
      %dma_wait3A_222 = arith.constant 0 : i32
      %dma_wait3A_223 = tpu.memref_slice %arg7[%add3A_32, %dma_wait3A_222] : memref<10112x128xf32, #tpu.memory_space<vmem_shared>> -> memref<120x128xf32, #tpu.memory_space<vmem_shared>>
      %dma_wait3A_224 = arith.constant 0 : i32
      %dma_wait3A_225 = arith.constant 0 : i32
      %dma_wait3A_226 = tpu.memref_slice %arg6[%run_scoped3A_33, %dma_wait3A_224, %dma_wait3A_225] : memref<3x128x128xf32, #tpu.memory_space<vmem>> -> memref<1x120x128xf32, #tpu.memory_space<vmem>>
      %dma_wait3A_227 = tpu.memref_squeeze %dma_wait3A_226 : memref<1x120x128xf32, #tpu.memory_space<vmem>> -> memref<120x128xf32, #tpu.memory_space<vmem>>
      tpu.wait_dma2 semaphore(%run_scoped3A_203 : memref<!tpu.dma_semaphore, #tpu.memory_space<semaphore_mem>>) src(%dma_wait3A_227 : memref<120x128xf32, #tpu.memory_space<vmem>>) dst(%dma_wait3A_223 : memref<120x128xf32, #tpu.memory_space<vmem_shared>>)
      tpu.yield
    }) : () -> ()
    %barrier3A = arith.constant 0 : index
    tpu.barrier barrier_id(%barrier3A)
    %run_scoped3A_34 = arith.constant 0 : i32
    "tpu.region"() ({
      %run_scoped3A_203 = tpu.sem_alloc : memref<!tpu.dma_semaphore, #tpu.memory_space<semaphore_mem>>
      %dma_start3A_204 = arith.constant 0 : i32
      %dma_start3A_205 = arith.constant 0 : i32
      %dma_start3A_206 = tpu.memref_slice %arg5[%run_scoped3A_34, %dma_start3A_204, %dma_start3A_205] : memref<3x2x128xi32, #tpu.memory_space<vmem>> -> memref<1x2x128xi32, #tpu.memory_space<vmem>>
      %dma_start3A_207 = tpu.memref_squeeze %dma_start3A_206 : memref<1x2x128xi32, #tpu.memory_space<vmem>> -> memref<2x128xi32, #tpu.memory_space<vmem>>
      %dma_start3A_208 = arith.constant 0 : i32
      %dma_start3A_209 = arith.constant 0 : i32
      %dma_start3A_210 = tpu.memref_slice %arg2[%mul3A_2, %dma_start3A_208, %dma_start3A_209] : memref<2592x2x128xi32, #tpu.memory_space<hbm>> -> memref<1x2x128xi32, #tpu.memory_space<hbm>>
      %dma_start3A_211 = tpu.memref_squeeze %dma_start3A_210 : memref<1x2x128xi32, #tpu.memory_space<hbm>> -> memref<2x128xi32, #tpu.memory_space<hbm>>
      %dma_start3A_212 = arith.constant 0 : i32
      %dma_start3A_213 = arith.constant 0 : i32
      %dma_start3A_214 = tpu.memref_slice %arg5[%run_scoped3A_34, %dma_start3A_212, %dma_start3A_213] : memref<3x2x128xi32, #tpu.memory_space<vmem>> -> memref<1x2x128xi32, #tpu.memory_space<vmem>>
      %dma_start3A_215 = tpu.memref_squeeze %dma_start3A_214 : memref<1x2x128xi32, #tpu.memory_space<vmem>> -> memref<2x128xi32, #tpu.memory_space<vmem>>
      %dma_start3A_216 = arith.constant 0 : i32
      %dma_start3A_217 = arith.constant 0 : i32
      %dma_start3A_218 = tpu.memref_slice %arg2[%mul3A_2, %dma_start3A_216, %dma_start3A_217] : memref<2592x2x128xi32, #tpu.memory_space<hbm>> -> memref<1x2x128xi32, #tpu.memory_space<hbm>>
      %dma_start3A_219 = tpu.memref_squeeze %dma_start3A_218 : memref<1x2x128xi32, #tpu.memory_space<hbm>> -> memref<2x128xi32, #tpu.memory_space<hbm>>
      tpu.enqueue_dma source(%dma_start3A_219 : memref<2x128xi32, #tpu.memory_space<hbm>>) target(%dma_start3A_215 : memref<2x128xi32, #tpu.memory_space<vmem>>) target_semaphore(%run_scoped3A_203 : memref<!tpu.dma_semaphore, #tpu.memory_space<semaphore_mem>>)
      %dma_wait3A_220 = arith.constant 0 : i32
      %dma_wait3A_221 = arith.constant 0 : i32
      %dma_wait3A_222 = tpu.memref_slice %arg5[%run_scoped3A_34, %dma_wait3A_220, %dma_wait3A_221] : memref<3x2x128xi32, #tpu.memory_space<vmem>> -> memref<1x2x128xi32, #tpu.memory_space<vmem>>
      %dma_wait3A_223 = tpu.memref_squeeze %dma_wait3A_222 : memref<1x2x128xi32, #tpu.memory_space<vmem>> -> memref<2x128xi32, #tpu.memory_space<vmem>>
      %dma_wait3A_224 = arith.constant 0 : i32
      %dma_wait3A_225 = arith.constant 0 : i32
      %dma_wait3A_226 = tpu.memref_slice %arg2[%mul3A_2, %dma_wait3A_224, %dma_wait3A_225] : memref<2592x2x128xi32, #tpu.memory_space<hbm>> -> memref<1x2x128xi32, #tpu.memory_space<hbm>>
      %dma_wait3A_227 = tpu.memref_squeeze %dma_wait3A_226 : memref<1x2x128xi32, #tpu.memory_space<hbm>> -> memref<2x128xi32, #tpu.memory_space<hbm>>
      %dma_wait3A_228 = arith.constant 0 : i32
      %dma_wait3A_229 = arith.constant 0 : i32
      %dma_wait3A_230 = tpu.memref_slice %arg5[%run_scoped3A_34, %dma_wait3A_228, %dma_wait3A_229] : memref<3x2x128xi32, #tpu.memory_space<vmem>> -> memref<1x2x128xi32, #tpu.memory_space<vmem>>
      %dma_wait3A_231 = tpu.memref_squeeze %dma_wait3A_230 : memref<1x2x128xi32, #tpu.memory_space<vmem>> -> memref<2x128xi32, #tpu.memory_space<vmem>>
      %dma_wait3A_232 = arith.constant 0 : i32
      %dma_wait3A_233 = arith.constant 0 : i32
      %dma_wait3A_234 = tpu.memref_slice %arg2[%mul3A_2, %dma_wait3A_232, %dma_wait3A_233] : memref<2592x2x128xi32, #tpu.memory_space<hbm>> -> memref<1x2x128xi32, #tpu.memory_space<hbm>>
      %dma_wait3A_235 = tpu.memref_squeeze %dma_wait3A_234 : memref<1x2x128xi32, #tpu.memory_space<hbm>> -> memref<2x128xi32, #tpu.memory_space<hbm>>
      tpu.wait_dma2 semaphore(%run_scoped3A_203 : memref<!tpu.dma_semaphore, #tpu.memory_space<semaphore_mem>>) src(%dma_wait3A_235 : memref<2x128xi32, #tpu.memory_space<hbm>>) dst(%dma_wait3A_231 : memref<2x128xi32, #tpu.memory_space<vmem>>)
      tpu.yield
    }) : () -> ()
    %add3A_35 = arith.constant 1 : i32
    %add3A_36 = arith.addi %mul3A_2, %add3A_35 : i32
    %dma_start3A = arith.constant 1 : i32
    %dma_start3A_37 = arith.constant 0 : i32
    %dma_start3A_38 = arith.constant 0 : i32
    %dma_start3A_39 = tpu.memref_slice %arg5[%dma_start3A, %dma_start3A_37, %dma_start3A_38] : memref<3x2x128xi32, #tpu.memory_space<vmem>> -> memref<1x2x128xi32, #tpu.memory_space<vmem>>
    %dma_start3A_40 = tpu.memref_squeeze %dma_start3A_39 : memref<1x2x128xi32, #tpu.memory_space<vmem>> -> memref<2x128xi32, #tpu.memory_space<vmem>>
    %dma_start3A_41 = arith.constant 0 : i32
    %dma_start3A_42 = arith.constant 0 : i32
    %dma_start3A_43 = tpu.memref_slice %arg2[%add3A_36, %dma_start3A_41, %dma_start3A_42] : memref<2592x2x128xi32, #tpu.memory_space<hbm>> -> memref<1x2x128xi32, #tpu.memory_space<hbm>>
    %dma_start3A_44 = tpu.memref_squeeze %dma_start3A_43 : memref<1x2x128xi32, #tpu.memory_space<hbm>> -> memref<2x128xi32, #tpu.memory_space<hbm>>
    %dma_start3A_45 = arith.constant 0 : i32
    %dma_start3A_46 = arith.constant 0 : i32
    %dma_start3A_47 = tpu.memref_slice %arg5[%dma_start3A, %dma_start3A_45, %dma_start3A_46] : memref<3x2x128xi32, #tpu.memory_space<vmem>> -> memref<1x2x128xi32, #tpu.memory_space<vmem>>
    %dma_start3A_48 = tpu.memref_squeeze %dma_start3A_47 : memref<1x2x128xi32, #tpu.memory_space<vmem>> -> memref<2x128xi32, #tpu.memory_space<vmem>>
    %dma_start3A_49 = arith.constant 0 : i32
    %dma_start3A_50 = arith.constant 0 : i32
    %dma_start3A_51 = tpu.memref_slice %arg2[%add3A_36, %dma_start3A_49, %dma_start3A_50] : memref<2592x2x128xi32, #tpu.memory_space<hbm>> -> memref<1x2x128xi32, #tpu.memory_space<hbm>>
    %dma_start3A_52 = tpu.memref_squeeze %dma_start3A_51 : memref<1x2x128xi32, #tpu.memory_space<hbm>> -> memref<2x128xi32, #tpu.memory_space<hbm>>
    tpu.enqueue_dma source(%dma_start3A_52 : memref<2x128xi32, #tpu.memory_space<hbm>>) target(%dma_start3A_48 : memref<2x128xi32, #tpu.memory_space<vmem>>) target_semaphore(%arg9 : memref<!tpu.dma_semaphore, #tpu.memory_space<semaphore_mem>>)
    %add3A_53 = arith.constant 2 : i32
    %add3A_54 = arith.addi %mul3A_2, %add3A_53 : i32
    %dma_start3A_55 = arith.constant 2 : i32
    %dma_start3A_56 = arith.constant 0 : i32
    %dma_start3A_57 = arith.constant 0 : i32
    %dma_start3A_58 = tpu.memref_slice %arg5[%dma_start3A_55, %dma_start3A_56, %dma_start3A_57] : memref<3x2x128xi32, #tpu.memory_space<vmem>> -> memref<1x2x128xi32, #tpu.memory_space<vmem>>
    %dma_start3A_59 = tpu.memref_squeeze %dma_start3A_58 : memref<1x2x128xi32, #tpu.memory_space<vmem>> -> memref<2x128xi32, #tpu.memory_space<vmem>>
    %dma_start3A_60 = arith.constant 0 : i32
    %dma_start3A_61 = arith.constant 0 : i32
    %dma_start3A_62 = tpu.memref_slice %arg2[%add3A_54, %dma_start3A_60, %dma_start3A_61] : memref<2592x2x128xi32, #tpu.memory_space<hbm>> -> memref<1x2x128xi32, #tpu.memory_space<hbm>>
    %dma_start3A_63 = tpu.memref_squeeze %dma_start3A_62 : memref<1x2x128xi32, #tpu.memory_space<hbm>> -> memref<2x128xi32, #tpu.memory_space<hbm>>
    %dma_start3A_64 = arith.constant 0 : i32
    %dma_start3A_65 = arith.constant 0 : i32
    %dma_start3A_66 = tpu.memref_slice %arg5[%dma_start3A_55, %dma_start3A_64, %dma_start3A_65] : memref<3x2x128xi32, #tpu.memory_space<vmem>> -> memref<1x2x128xi32, #tpu.memory_space<vmem>>
    %dma_start3A_67 = tpu.memref_squeeze %dma_start3A_66 : memref<1x2x128xi32, #tpu.memory_space<vmem>> -> memref<2x128xi32, #tpu.memory_space<vmem>>
    %dma_start3A_68 = arith.constant 0 : i32
    %dma_start3A_69 = arith.constant 0 : i32
    %dma_start3A_70 = tpu.memref_slice %arg2[%add3A_54, %dma_start3A_68, %dma_start3A_69] : memref<2592x2x128xi32, #tpu.memory_space<hbm>> -> memref<1x2x128xi32, #tpu.memory_space<hbm>>
    %dma_start3A_71 = tpu.memref_squeeze %dma_start3A_70 : memref<1x2x128xi32, #tpu.memory_space<hbm>> -> memref<2x128xi32, #tpu.memory_space<hbm>>
    tpu.enqueue_dma source(%dma_start3A_71 : memref<2x128xi32, #tpu.memory_space<hbm>>) target(%dma_start3A_67 : memref<2x128xi32, #tpu.memory_space<vmem>>) target_semaphore(%arg10 : memref<!tpu.dma_semaphore, #tpu.memory_space<semaphore_mem>>)
    %dma_start3A_72 = arith.constant 0 : i32
    %dma_start3A_73 = arith.constant 0 : i32
    %dma_start3A_74 = arith.constant 0 : i32
    %dma_start3A_75 = arith.constant 0 : i32
    %dma_start3A_76 = arith.constant 0 : i32
    %dma_start3A_77 = tpu.memref_slice %arg6[%dma_start3A_74, %dma_start3A_75, %dma_start3A_76] : memref<3x128x128xf32, #tpu.memory_space<vmem>> -> memref<1x128x128xf32, #tpu.memory_space<vmem>>
    %dma_start3A_78 = tpu.memref_squeeze %dma_start3A_77 : memref<1x128x128xf32, #tpu.memory_space<vmem>> -> memref<128x128xf32, #tpu.memory_space<vmem>>
    %dma_start3A_79 = arith.constant 0 : i32
    %dma_start3A_80 = tpu.memref_slice %arg5[%dma_start3A_72, %dma_start3A_73, %dma_start3A_79] : memref<3x2x128xi32, #tpu.memory_space<vmem>> -> memref<1x1x128xi32, #tpu.memory_space<vmem>>
    %dma_start3A_81 = tpu.memref_squeeze %dma_start3A_80 : memref<1x1x128xi32, #tpu.memory_space<vmem>> -> memref<128xi32, #tpu.memory_space<vmem>>
    %dma_start3A_82 = arith.constant 0 : i32
    %dma_start3A_83 = arith.constant 0 : i32
    %dma_start3A_84 = tpu.memref_slice %arg3[%dma_start3A_82, %dma_start3A_83] : memref<10112x128xf32, #tpu.memory_space<hbm>> -> memref<10112x128xf32, #tpu.memory_space<hbm>>
    tpu.enqueue_indirect_dma source(%dma_start3A_84 : memref<10112x128xf32, #tpu.memory_space<hbm>>) target(%dma_start3A_78 : memref<128x128xf32, #tpu.memory_space<vmem>>) offsets(%dma_start3A_81 : memref<128xi32, #tpu.memory_space<vmem>>) semaphore(%arg11 : memref<!tpu.dma_semaphore, #tpu.memory_space<semaphore_mem>>)
    %dma_wait3A = arith.constant 1 : i32
    %dma_wait3A_85 = arith.constant 0 : i32
    %dma_wait3A_86 = arith.constant 0 : i32
    %dma_wait3A_87 = tpu.memref_slice %arg5[%dma_wait3A, %dma_wait3A_85, %dma_wait3A_86] : memref<3x2x128xi32, #tpu.memory_space<vmem>> -> memref<1x2x128xi32, #tpu.memory_space<vmem>>
    %dma_wait3A_88 = tpu.memref_squeeze %dma_wait3A_87 : memref<1x2x128xi32, #tpu.memory_space<vmem>> -> memref<2x128xi32, #tpu.memory_space<vmem>>
    %dma_wait3A_89 = arith.constant 0 : i32
    %dma_wait3A_90 = arith.constant 0 : i32
    %dma_wait3A_91 = tpu.memref_slice %arg2[%mul3A_2, %dma_wait3A_89, %dma_wait3A_90] : memref<2592x2x128xi32, #tpu.memory_space<hbm>> -> memref<1x2x128xi32, #tpu.memory_space<hbm>>
    %dma_wait3A_92 = tpu.memref_squeeze %dma_wait3A_91 : memref<1x2x128xi32, #tpu.memory_space<hbm>> -> memref<2x128xi32, #tpu.memory_space<hbm>>
    %dma_wait3A_93 = arith.constant 0 : i32
    %dma_wait3A_94 = arith.constant 0 : i32
    %dma_wait3A_95 = tpu.memref_slice %arg5[%dma_wait3A, %dma_wait3A_93, %dma_wait3A_94] : memref<3x2x128xi32, #tpu.memory_space<vmem>> -> memref<1x2x128xi32, #tpu.memory_space<vmem>>
    %dma_wait3A_96 = tpu.memref_squeeze %dma_wait3A_95 : memref<1x2x128xi32, #tpu.memory_space<vmem>> -> memref<2x128xi32, #tpu.memory_space<vmem>>
    %dma_wait3A_97 = arith.constant 0 : i32
    %dma_wait3A_98 = arith.constant 0 : i32
    %dma_wait3A_99 = tpu.memref_slice %arg2[%mul3A_2, %dma_wait3A_97, %dma_wait3A_98] : memref<2592x2x128xi32, #tpu.memory_space<hbm>> -> memref<1x2x128xi32, #tpu.memory_space<hbm>>
    %dma_wait3A_100 = tpu.memref_squeeze %dma_wait3A_99 : memref<1x2x128xi32, #tpu.memory_space<hbm>> -> memref<2x128xi32, #tpu.memory_space<hbm>>
    tpu.wait_dma2 semaphore(%arg9 : memref<!tpu.dma_semaphore, #tpu.memory_space<semaphore_mem>>) src(%dma_wait3A_100 : memref<2x128xi32, #tpu.memory_space<hbm>>) dst(%dma_wait3A_96 : memref<2x128xi32, #tpu.memory_space<vmem>>)
    %dma_start3A_101 = arith.constant 1 : i32
    %dma_start3A_102 = arith.constant 0 : i32
    %dma_start3A_103 = arith.constant 1 : i32
    %dma_start3A_104 = arith.constant 0 : i32
    %dma_start3A_105 = arith.constant 0 : i32
    %dma_start3A_106 = tpu.memref_slice %arg6[%dma_start3A_103, %dma_start3A_104, %dma_start3A_105] : memref<3x128x128xf32, #tpu.memory_space<vmem>> -> memref<1x128x128xf32, #tpu.memory_space<vmem>>
    %dma_start3A_107 = tpu.memref_squeeze %dma_start3A_106 : memref<1x128x128xf32, #tpu.memory_space<vmem>> -> memref<128x128xf32, #tpu.memory_space<vmem>>
    %dma_start3A_108 = arith.constant 0 : i32
    %dma_start3A_109 = tpu.memref_slice %arg5[%dma_start3A_101, %dma_start3A_102, %dma_start3A_108] : memref<3x2x128xi32, #tpu.memory_space<vmem>> -> memref<1x1x128xi32, #tpu.memory_space<vmem>>
    %dma_start3A_110 = tpu.memref_squeeze %dma_start3A_109 : memref<1x1x128xi32, #tpu.memory_space<vmem>> -> memref<128xi32, #tpu.memory_space<vmem>>
    %dma_start3A_111 = arith.constant 0 : i32
    %dma_start3A_112 = arith.constant 0 : i32
    %dma_start3A_113 = tpu.memref_slice %arg3[%dma_start3A_111, %dma_start3A_112] : memref<10112x128xf32, #tpu.memory_space<hbm>> -> memref<10112x128xf32, #tpu.memory_space<hbm>>
    tpu.enqueue_indirect_dma source(%dma_start3A_113 : memref<10112x128xf32, #tpu.memory_space<hbm>>) target(%dma_start3A_107 : memref<128x128xf32, #tpu.memory_space<vmem>>) offsets(%dma_start3A_110 : memref<128xi32, #tpu.memory_space<vmem>>) semaphore(%arg12 : memref<!tpu.dma_semaphore, #tpu.memory_space<semaphore_mem>>)
    %scan3A_114 = arith.constant 0 : i32
    %scan3A_115 = arith.constant 0 : i32
    %scan3A_116 = arith.constant 26 : i32
    %scan3A_117 = arith.addi %scan3A_115, %scan3A_116 : i32
    %scan3A_118 = arith.constant 1 : i32
    scf.for %scan3A_203 = %scan3A_115 to %scan3A_117 step %scan3A_118  : i32 {
      %mul3A_204 = arith.constant 3 : i32
      %mul3A_205 = arith.muli %mul3A_204, %scan3A_203 : i32
      %add3A_206 = arith.constant 0 : i32
      %add3A_207 = arith.addi %mul3A_205, %add3A_206 : i32
      %dma_wait3A_208 = arith.constant 0 : i32
      %dma_wait3A_209 = arith.constant 0 : i32
      %dma_wait3A_210 = arith.constant 0 : i32
      %dma_wait3A_211 = arith.constant 0 : i32
      %dma_wait3A_212 = arith.constant 0 : i32
      %dma_wait3A_213 = tpu.memref_slice %arg6[%dma_wait3A_210, %dma_wait3A_211, %dma_wait3A_212] : memref<3x128x128xf32, #tpu.memory_space<vmem>> -> memref<1x128x128xf32, #tpu.memory_space<vmem>>
      %dma_wait3A_214 = tpu.memref_squeeze %dma_wait3A_213 : memref<1x128x128xf32, #tpu.memory_space<vmem>> -> memref<128x128xf32, #tpu.memory_space<vmem>>
      %dma_wait3A_215 = arith.constant 0 : i32
      %dma_wait3A_216 = tpu.memref_slice %arg5[%dma_wait3A_208, %dma_wait3A_209, %dma_wait3A_215] : memref<3x2x128xi32, #tpu.memory_space<vmem>> -> memref<1x1x128xi32, #tpu.memory_space<vmem>>
      %dma_wait3A_217 = tpu.memref_squeeze %dma_wait3A_216 : memref<1x1x128xi32, #tpu.memory_space<vmem>> -> memref<128xi32, #tpu.memory_space<vmem>>
      %dma_wait3A_218 = arith.constant 0 : i32
      %dma_wait3A_219 = arith.constant 0 : i32
      %dma_wait3A_220 = tpu.memref_slice %arg3[%dma_wait3A_218, %dma_wait3A_219] : memref<10112x128xf32, #tpu.memory_space<hbm>> -> memref<10112x128xf32, #tpu.memory_space<hbm>>
      tpu.wait_indirect_dma semaphore(%arg11 : memref<!tpu.dma_semaphore, #tpu.memory_space<semaphore_mem>>) src(%dma_wait3A_220 : memref<10112x128xf32, #tpu.memory_space<hbm>>) dst(%dma_wait3A_214 : memref<128x128xf32, #tpu.memory_space<vmem>>)
      %dma_wait3A_221 = arith.constant 2 : i32
      %dma_wait3A_222 = arith.constant 0 : i32
      %dma_wait3A_223 = arith.constant 0 : i32
      %dma_wait3A_224 = tpu.memref_slice %arg5[%dma_wait3A_221, %dma_wait3A_222, %dma_wait3A_223] : memref<3x2x128xi32, #tpu.memory_space<vmem>> -> memref<1x2x128xi32, #tpu.memory_space<vmem>>
      %dma_wait3A_225 = tpu.memref_squeeze %dma_wait3A_224 : memref<1x2x128xi32, #tpu.memory_space<vmem>> -> memref<2x128xi32, #tpu.memory_space<vmem>>
      %dma_wait3A_226 = arith.constant 0 : i32
      %dma_wait3A_227 = arith.constant 0 : i32
      %dma_wait3A_228 = tpu.memref_slice %arg2[%mul3A_2, %dma_wait3A_226, %dma_wait3A_227] : memref<2592x2x128xi32, #tpu.memory_space<hbm>> -> memref<1x2x128xi32, #tpu.memory_space<hbm>>
      %dma_wait3A_229 = tpu.memref_squeeze %dma_wait3A_228 : memref<1x2x128xi32, #tpu.memory_space<hbm>> -> memref<2x128xi32, #tpu.memory_space<hbm>>
      %dma_wait3A_230 = arith.constant 0 : i32
      %dma_wait3A_231 = arith.constant 0 : i32
      %dma_wait3A_232 = tpu.memref_slice %arg5[%dma_wait3A_221, %dma_wait3A_230, %dma_wait3A_231] : memref<3x2x128xi32, #tpu.memory_space<vmem>> -> memref<1x2x128xi32, #tpu.memory_space<vmem>>
      %dma_wait3A_233 = tpu.memref_squeeze %dma_wait3A_232 : memref<1x2x128xi32, #tpu.memory_space<vmem>> -> memref<2x128xi32, #tpu.memory_space<vmem>>
      %dma_wait3A_234 = arith.constant 0 : i32
      %dma_wait3A_235 = arith.constant 0 : i32
      %dma_wait3A_236 = tpu.memref_slice %arg2[%mul3A_2, %dma_wait3A_234, %dma_wait3A_235] : memref<2592x2x128xi32, #tpu.memory_space<hbm>> -> memref<1x2x128xi32, #tpu.memory_space<hbm>>
      %dma_wait3A_237 = tpu.memref_squeeze %dma_wait3A_236 : memref<1x2x128xi32, #tpu.memory_space<hbm>> -> memref<2x128xi32, #tpu.memory_space<hbm>>
      tpu.wait_dma2 semaphore(%arg10 : memref<!tpu.dma_semaphore, #tpu.memory_space<semaphore_mem>>) src(%dma_wait3A_237 : memref<2x128xi32, #tpu.memory_space<hbm>>) dst(%dma_wait3A_233 : memref<2x128xi32, #tpu.memory_space<vmem>>)
      %dma_start3A_238 = arith.constant 2 : i32
      %dma_start3A_239 = arith.constant 0 : i32
      %dma_start3A_240 = arith.constant 2 : i32
      %dma_start3A_241 = arith.constant 0 : i32
      %dma_start3A_242 = arith.constant 0 : i32
      %dma_start3A_243 = tpu.memref_slice %arg6[%dma_start3A_240, %dma_start3A_241, %dma_start3A_242] : memref<3x128x128xf32, #tpu.memory_space<vmem>> -> memref<1x128x128xf32, #tpu.memory_space<vmem>>
      %dma_start3A_244 = tpu.memref_squeeze %dma_start3A_243 : memref<1x128x128xf32, #tpu.memory_space<vmem>> -> memref<128x128xf32, #tpu.memory_space<vmem>>
      %dma_start3A_245 = arith.constant 0 : i32
      %dma_start3A_246 = tpu.memref_slice %arg5[%dma_start3A_238, %dma_start3A_239, %dma_start3A_245] : memref<3x2x128xi32, #tpu.memory_space<vmem>> -> memref<1x1x128xi32, #tpu.memory_space<vmem>>
      %dma_start3A_247 = tpu.memref_squeeze %dma_start3A_246 : memref<1x1x128xi32, #tpu.memory_space<vmem>> -> memref<128xi32, #tpu.memory_space<vmem>>
      %dma_start3A_248 = arith.constant 0 : i32
      %dma_start3A_249 = arith.constant 0 : i32
      %dma_start3A_250 = tpu.memref_slice %arg3[%dma_start3A_248, %dma_start3A_249] : memref<10112x128xf32, #tpu.memory_space<hbm>> -> memref<10112x128xf32, #tpu.memory_space<hbm>>
      tpu.enqueue_indirect_dma source(%dma_start3A_250 : memref<10112x128xf32, #tpu.memory_space<hbm>>) target(%dma_start3A_244 : memref<128x128xf32, #tpu.memory_space<vmem>>) offsets(%dma_start3A_247 : memref<128xi32, #tpu.memory_space<vmem>>) semaphore(%arg13 : memref<!tpu.dma_semaphore, #tpu.memory_space<semaphore_mem>>)
      %run_scoped3A_251 = arith.constant 0 : i32
      %run_scoped3A_252 = arith.constant 0 : i32
      %run_scoped3A_253 = arith.constant 1 : i32
      "tpu.region"() ({
        %run_scoped3A_414 = tpu.sem_alloc : memref<!tpu.dma_semaphore, #tpu.memory_space<semaphore_mem>>
        %dma_start3A_415 = arith.constant 0 : i32
        %dma_start3A_416 = arith.constant 0 : i32
        %dma_start3A_417 = tpu.memref_slice %arg6[%run_scoped3A_251, %dma_start3A_415, %dma_start3A_416] : memref<3x128x128xf32, #tpu.memory_space<vmem>> -> memref<1x128x128xf32, #tpu.memory_space<vmem>>
        %dma_start3A_418 = tpu.memref_squeeze %dma_start3A_417 : memref<1x128x128xf32, #tpu.memory_space<vmem>> -> memref<128x128xf32, #tpu.memory_space<vmem>>
        %dma_start3A_419 = arith.constant 0 : i32
        %dma_start3A_420 = tpu.memref_slice %arg5[%run_scoped3A_252, %run_scoped3A_253, %dma_start3A_419] : memref<3x2x128xi32, #tpu.memory_space<vmem>> -> memref<1x1x128xi32, #tpu.memory_space<vmem>>
        %dma_start3A_421 = tpu.memref_squeeze %dma_start3A_420 : memref<1x1x128xi32, #tpu.memory_space<vmem>> -> memref<128xi32, #tpu.memory_space<vmem>>
        %dma_start3A_422 = arith.constant 0 : i32
        %dma_start3A_423 = arith.constant 0 : i32
        %dma_start3A_424 = tpu.memref_slice %arg7[%dma_start3A_422, %dma_start3A_423] : memref<10112x128xf32, #tpu.memory_space<vmem_shared>> -> memref<10112x128xf32, #tpu.memory_space<vmem_shared>>
        tpu.enqueue_indirect_dma source(%dma_start3A_418 : memref<128x128xf32, #tpu.memory_space<vmem>>) target(%dma_start3A_424 : memref<10112x128xf32, #tpu.memory_space<vmem_shared>>) offsets(%dma_start3A_421 : memref<128xi32, #tpu.memory_space<vmem>>) semaphore(%run_scoped3A_414 : memref<!tpu.dma_semaphore, #tpu.memory_space<semaphore_mem>>) {add = true}
        %dma_wait3A_425 = arith.constant 0 : i32
        %dma_wait3A_426 = arith.constant 0 : i32
        %dma_wait3A_427 = tpu.memref_slice %arg6[%run_scoped3A_251, %dma_wait3A_425, %dma_wait3A_426] : memref<3x128x128xf32, #tpu.memory_space<vmem>> -> memref<1x128x128xf32, #tpu.memory_space<vmem>>
        %dma_wait3A_428 = tpu.memref_squeeze %dma_wait3A_427 : memref<1x128x128xf32, #tpu.memory_space<vmem>> -> memref<128x128xf32, #tpu.memory_space<vmem>>
        %dma_wait3A_429 = arith.constant 0 : i32
        %dma_wait3A_430 = tpu.memref_slice %arg5[%run_scoped3A_252, %run_scoped3A_253, %dma_wait3A_429] : memref<3x2x128xi32, #tpu.memory_space<vmem>> -> memref<1x1x128xi32, #tpu.memory_space<vmem>>
        %dma_wait3A_431 = tpu.memref_squeeze %dma_wait3A_430 : memref<1x1x128xi32, #tpu.memory_space<vmem>> -> memref<128xi32, #tpu.memory_space<vmem>>
        %dma_wait3A_432 = arith.constant 0 : i32
        %dma_wait3A_433 = arith.constant 0 : i32
        %dma_wait3A_434 = tpu.memref_slice %arg7[%dma_wait3A_432, %dma_wait3A_433] : memref<10112x128xf32, #tpu.memory_space<vmem_shared>> -> memref<10112x128xf32, #tpu.memory_space<vmem_shared>>
        tpu.wait_indirect_dma semaphore(%run_scoped3A_414 : memref<!tpu.dma_semaphore, #tpu.memory_space<semaphore_mem>>) src(%dma_wait3A_428 : memref<128x128xf32, #tpu.memory_space<vmem>>) dst(%dma_wait3A_434 : memref<10112x128xf32, #tpu.memory_space<vmem_shared>>)
        tpu.yield
      }) : () -> ()
      %add3A_254 = arith.addi %mul3A_2, %add3A_207 : i32
      %add3A_255 = arith.constant 3 : i32
      %add3A_256 = arith.addi %add3A_254, %add3A_255 : i32
      %dma_start3A_257 = arith.constant 0 : i32
      %dma_start3A_258 = arith.constant 0 : i32
      %dma_start3A_259 = arith.constant 0 : i32
      %dma_start3A_260 = tpu.memref_slice %arg5[%dma_start3A_257, %dma_start3A_258, %dma_start3A_259] : memref<3x2x128xi32, #tpu.memory_space<vmem>> -> memref<1x2x128xi32, #tpu.memory_space<vmem>>
      %dma_start3A_261 = tpu.memref_squeeze %dma_start3A_260 : memref<1x2x128xi32, #tpu.memory_space<vmem>> -> memref<2x128xi32, #tpu.memory_space<vmem>>
      %dma_start3A_262 = arith.constant 0 : i32
      %dma_start3A_263 = arith.constant 0 : i32
      %dma_start3A_264 = tpu.memref_slice %arg2[%add3A_256, %dma_start3A_262, %dma_start3A_263] : memref<2592x2x128xi32, #tpu.memory_space<hbm>> -> memref<1x2x128xi32, #tpu.memory_space<hbm>>
      %dma_start3A_265 = tpu.memref_squeeze %dma_start3A_264 : memref<1x2x128xi32, #tpu.memory_space<hbm>> -> memref<2x128xi32, #tpu.memory_space<hbm>>
      %dma_start3A_266 = arith.constant 0 : i32
      %dma_start3A_267 = arith.constant 0 : i32
      %dma_start3A_268 = tpu.memref_slice %arg5[%dma_start3A_257, %dma_start3A_266, %dma_start3A_267] : memref<3x2x128xi32, #tpu.memory_space<vmem>> -> memref<1x2x128xi32, #tpu.memory_space<vmem>>
      %dma_start3A_269 = tpu.memref_squeeze %dma_start3A_268 : memref<1x2x128xi32, #tpu.memory_space<vmem>> -> memref<2x128xi32, #tpu.memory_space<vmem>>
      %dma_start3A_270 = arith.constant 0 : i32
      %dma_start3A_271 = arith.constant 0 : i32
      %dma_start3A_272 = tpu.memref_slice %arg2[%add3A_256, %dma_start3A_270, %dma_start3A_271] : memref<2592x2x128xi32, #tpu.memory_space<hbm>> -> memref<1x2x128xi32, #tpu.memory_space<hbm>>
      %dma_start3A_273 = tpu.memref_squeeze %dma_start3A_272 : memref<1x2x128xi32, #tpu.memory_space<hbm>> -> memref<2x128xi32, #tpu.memory_space<hbm>>
      tpu.enqueue_dma source(%dma_start3A_273 : memref<2x128xi32, #tpu.memory_space<hbm>>) target(%dma_start3A_269 : memref<2x128xi32, #tpu.memory_space<vmem>>) target_semaphore(%arg8 : memref<!tpu.dma_semaphore, #tpu.memory_space<semaphore_mem>>)
      %mul3A_274 = arith.constant 3 : i32
      %mul3A_275 = arith.muli %mul3A_274, %scan3A_203 : i32
      %add3A_276 = arith.constant 1 : i32
      %add3A_277 = arith.addi %mul3A_275, %add3A_276 : i32
      %dma_wait3A_278 = arith.constant 1 : i32
      %dma_wait3A_279 = arith.constant 0 : i32
      %dma_wait3A_280 = arith.constant 1 : i32
      %dma_wait3A_281 = arith.constant 0 : i32
      %dma_wait3A_282 = arith.constant 0 : i32
      %dma_wait3A_283 = tpu.memref_slice %arg6[%dma_wait3A_280, %dma_wait3A_281, %dma_wait3A_282] : memref<3x128x128xf32, #tpu.memory_space<vmem>> -> memref<1x128x128xf32, #tpu.memory_space<vmem>>
      %dma_wait3A_284 = tpu.memref_squeeze %dma_wait3A_283 : memref<1x128x128xf32, #tpu.memory_space<vmem>> -> memref<128x128xf32, #tpu.memory_space<vmem>>
      %dma_wait3A_285 = arith.constant 0 : i32
      %dma_wait3A_286 = tpu.memref_slice %arg5[%dma_wait3A_278, %dma_wait3A_279, %dma_wait3A_285] : memref<3x2x128xi32, #tpu.memory_space<vmem>> -> memref<1x1x128xi32, #tpu.memory_space<vmem>>
      %dma_wait3A_287 = tpu.memref_squeeze %dma_wait3A_286 : memref<1x1x128xi32, #tpu.memory_space<vmem>> -> memref<128xi32, #tpu.memory_space<vmem>>
      %dma_wait3A_288 = arith.constant 0 : i32
      %dma_wait3A_289 = arith.constant 0 : i32
      %dma_wait3A_290 = tpu.memref_slice %arg3[%dma_wait3A_288, %dma_wait3A_289] : memref<10112x128xf32, #tpu.memory_space<hbm>> -> memref<10112x128xf32, #tpu.memory_space<hbm>>
      tpu.wait_indirect_dma semaphore(%arg12 : memref<!tpu.dma_semaphore, #tpu.memory_space<semaphore_mem>>) src(%dma_wait3A_290 : memref<10112x128xf32, #tpu.memory_space<hbm>>) dst(%dma_wait3A_284 : memref<128x128xf32, #tpu.memory_space<vmem>>)
      %dma_wait3A_291 = arith.constant 0 : i32
      %dma_wait3A_292 = arith.constant 0 : i32
      %dma_wait3A_293 = arith.constant 0 : i32
      %dma_wait3A_294 = tpu.memref_slice %arg5[%dma_wait3A_291, %dma_wait3A_292, %dma_wait3A_293] : memref<3x2x128xi32, #tpu.memory_space<vmem>> -> memref<1x2x128xi32, #tpu.memory_space<vmem>>
      %dma_wait3A_295 = tpu.memref_squeeze %dma_wait3A_294 : memref<1x2x128xi32, #tpu.memory_space<vmem>> -> memref<2x128xi32, #tpu.memory_space<vmem>>
      %dma_wait3A_296 = arith.constant 0 : i32
      %dma_wait3A_297 = arith.constant 0 : i32
      %dma_wait3A_298 = tpu.memref_slice %arg2[%mul3A_2, %dma_wait3A_296, %dma_wait3A_297] : memref<2592x2x128xi32, #tpu.memory_space<hbm>> -> memref<1x2x128xi32, #tpu.memory_space<hbm>>
      %dma_wait3A_299 = tpu.memref_squeeze %dma_wait3A_298 : memref<1x2x128xi32, #tpu.memory_space<hbm>> -> memref<2x128xi32, #tpu.memory_space<hbm>>
      %dma_wait3A_300 = arith.constant 0 : i32
      %dma_wait3A_301 = arith.constant 0 : i32
      %dma_wait3A_302 = tpu.memref_slice %arg5[%dma_wait3A_291, %dma_wait3A_300, %dma_wait3A_301] : memref<3x2x128xi32, #tpu.memory_space<vmem>> -> memref<1x2x128xi32, #tpu.memory_space<vmem>>
      %dma_wait3A_303 = tpu.memref_squeeze %dma_wait3A_302 : memref<1x2x128xi32, #tpu.memory_space<vmem>> -> memref<2x128xi32, #tpu.memory_space<vmem>>
      %dma_wait3A_304 = arith.constant 0 : i32
      %dma_wait3A_305 = arith.constant 0 : i32
      %dma_wait3A_306 = tpu.memref_slice %arg2[%mul3A_2, %dma_wait3A_304, %dma_wait3A_305] : memref<2592x2x128xi32, #tpu.memory_space<hbm>> -> memref<1x2x128xi32, #tpu.memory_space<hbm>>
      %dma_wait3A_307 = tpu.memref_squeeze %dma_wait3A_306 : memref<1x2x128xi32, #tpu.memory_space<hbm>> -> memref<2x128xi32, #tpu.memory_space<hbm>>
      tpu.wait_dma2 semaphore(%arg8 : memref<!tpu.dma_semaphore, #tpu.memory_space<semaphore_mem>>) src(%dma_wait3A_307 : memref<2x128xi32, #tpu.memory_space<hbm>>) dst(%dma_wait3A_303 : memref<2x128xi32, #tpu.memory_space<vmem>>)
      %dma_start3A_308 = arith.constant 0 : i32
      %dma_start3A_309 = arith.constant 0 : i32
      %dma_start3A_310 = arith.constant 0 : i32
      %dma_start3A_311 = arith.constant 0 : i32
      %dma_start3A_312 = arith.constant 0 : i32
      %dma_start3A_313 = tpu.memref_slice %arg6[%dma_start3A_310, %dma_start3A_311, %dma_start3A_312] : memref<3x128x128xf32, #tpu.memory_space<vmem>> -> memref<1x128x128xf32, #tpu.memory_space<vmem>>
      %dma_start3A_314 = tpu.memref_squeeze %dma_start3A_313 : memref<1x128x128xf32, #tpu.memory_space<vmem>> -> memref<128x128xf32, #tpu.memory_space<vmem>>
      %dma_start3A_315 = arith.constant 0 : i32
      %dma_start3A_316 = tpu.memref_slice %arg5[%dma_start3A_308, %dma_start3A_309, %dma_start3A_315] : memref<3x2x128xi32, #tpu.memory_space<vmem>> -> memref<1x1x128xi32, #tpu.memory_space<vmem>>
      %dma_start3A_317 = tpu.memref_squeeze %dma_start3A_316 : memref<1x1x128xi32, #tpu.memory_space<vmem>> -> memref<128xi32, #tpu.memory_space<vmem>>
      %dma_start3A_318 = arith.constant 0 : i32
      %dma_start3A_319 = arith.constant 0 : i32
      %dma_start3A_320 = tpu.memref_slice %arg3[%dma_start3A_318, %dma_start3A_319] : memref<10112x128xf32, #tpu.memory_space<hbm>> -> memref<10112x128xf32, #tpu.memory_space<hbm>>
      tpu.enqueue_indirect_dma source(%dma_start3A_320 : memref<10112x128xf32, #tpu.memory_space<hbm>>) target(%dma_start3A_314 : memref<128x128xf32, #tpu.memory_space<vmem>>) offsets(%dma_start3A_317 : memref<128xi32, #tpu.memory_space<vmem>>) semaphore(%arg11 : memref<!tpu.dma_semaphore, #tpu.memory_space<semaphore_mem>>)
      %run_scoped3A_321 = arith.constant 1 : i32
      %run_scoped3A_322 = arith.constant 1 : i32
      %run_scoped3A_323 = arith.constant 1 : i32
      "tpu.region"() ({
        %run_scoped3A_414 = tpu.sem_alloc : memref<!tpu.dma_semaphore, #tpu.memory_space<semaphore_mem>>
        %dma_start3A_415 = arith.constant 0 : i32
        %dma_start3A_416 = arith.constant 0 : i32
        %dma_start3A_417 = tpu.memref_slice %arg6[%run_scoped3A_321, %dma_start3A_415, %dma_start3A_416] : memref<3x128x128xf32, #tpu.memory_space<vmem>> -> memref<1x128x128xf32, #tpu.memory_space<vmem>>
        %dma_start3A_418 = tpu.memref_squeeze %dma_start3A_417 : memref<1x128x128xf32, #tpu.memory_space<vmem>> -> memref<128x128xf32, #tpu.memory_space<vmem>>
        %dma_start3A_419 = arith.constant 0 : i32
        %dma_start3A_420 = tpu.memref_slice %arg5[%run_scoped3A_322, %run_scoped3A_323, %dma_start3A_419] : memref<3x2x128xi32, #tpu.memory_space<vmem>> -> memref<1x1x128xi32, #tpu.memory_space<vmem>>
        %dma_start3A_421 = tpu.memref_squeeze %dma_start3A_420 : memref<1x1x128xi32, #tpu.memory_space<vmem>> -> memref<128xi32, #tpu.memory_space<vmem>>
        %dma_start3A_422 = arith.constant 0 : i32
        %dma_start3A_423 = arith.constant 0 : i32
        %dma_start3A_424 = tpu.memref_slice %arg7[%dma_start3A_422, %dma_start3A_423] : memref<10112x128xf32, #tpu.memory_space<vmem_shared>> -> memref<10112x128xf32, #tpu.memory_space<vmem_shared>>
        tpu.enqueue_indirect_dma source(%dma_start3A_418 : memref<128x128xf32, #tpu.memory_space<vmem>>) target(%dma_start3A_424 : memref<10112x128xf32, #tpu.memory_space<vmem_shared>>) offsets(%dma_start3A_421 : memref<128xi32, #tpu.memory_space<vmem>>) semaphore(%run_scoped3A_414 : memref<!tpu.dma_semaphore, #tpu.memory_space<semaphore_mem>>) {add = true}
        %dma_wait3A_425 = arith.constant 0 : i32
        %dma_wait3A_426 = arith.constant 0 : i32
        %dma_wait3A_427 = tpu.memref_slice %arg6[%run_scoped3A_321, %dma_wait3A_425, %dma_wait3A_426] : memref<3x128x128xf32, #tpu.memory_space<vmem>> -> memref<1x128x128xf32, #tpu.memory_space<vmem>>
        %dma_wait3A_428 = tpu.memref_squeeze %dma_wait3A_427 : memref<1x128x128xf32, #tpu.memory_space<vmem>> -> memref<128x128xf32, #tpu.memory_space<vmem>>
        %dma_wait3A_429 = arith.constant 0 : i32
        %dma_wait3A_430 = tpu.memref_slice %arg5[%run_scoped3A_322, %run_scoped3A_323, %dma_wait3A_429] : memref<3x2x128xi32, #tpu.memory_space<vmem>> -> memref<1x1x128xi32, #tpu.memory_space<vmem>>
        %dma_wait3A_431 = tpu.memref_squeeze %dma_wait3A_430 : memref<1x1x128xi32, #tpu.memory_space<vmem>> -> memref<128xi32, #tpu.memory_space<vmem>>
        %dma_wait3A_432 = arith.constant 0 : i32
        %dma_wait3A_433 = arith.constant 0 : i32
        %dma_wait3A_434 = tpu.memref_slice %arg7[%dma_wait3A_432, %dma_wait3A_433] : memref<10112x128xf32, #tpu.memory_space<vmem_shared>> -> memref<10112x128xf32, #tpu.memory_space<vmem_shared>>
        tpu.wait_indirect_dma semaphore(%run_scoped3A_414 : memref<!tpu.dma_semaphore, #tpu.memory_space<semaphore_mem>>) src(%dma_wait3A_428 : memref<128x128xf32, #tpu.memory_space<vmem>>) dst(%dma_wait3A_434 : memref<10112x128xf32, #tpu.memory_space<vmem_shared>>)
        tpu.yield
      }) : () -> ()
      %add3A_324 = arith.addi %mul3A_2, %add3A_277 : i32
      %add3A_325 = arith.constant 3 : i32
      %add3A_326 = arith.addi %add3A_324, %add3A_325 : i32
      %dma_start3A_327 = arith.constant 1 : i32
      %dma_start3A_328 = arith.constant 0 : i32
      %dma_start3A_329 = arith.constant 0 : i32
      %dma_start3A_330 = tpu.memref_slice %arg5[%dma_start3A_327, %dma_start3A_328, %dma_start3A_329] : memref<3x2x128xi32, #tpu.memory_space<vmem>> -> memref<1x2x128xi32, #tpu.memory_space<vmem>>
      %dma_start3A_331 = tpu.memref_squeeze %dma_start3A_330 : memref<1x2x128xi32, #tpu.memory_space<vmem>> -> memref<2x128xi32, #tpu.memory_space<vmem>>
      %dma_start3A_332 = arith.constant 0 : i32
      %dma_start3A_333 = arith.constant 0 : i32
      %dma_start3A_334 = tpu.memref_slice %arg2[%add3A_326, %dma_start3A_332, %dma_start3A_333] : memref<2592x2x128xi32, #tpu.memory_space<hbm>> -> memref<1x2x128xi32, #tpu.memory_space<hbm>>
      %dma_start3A_335 = tpu.memref_squeeze %dma_start3A_334 : memref<1x2x128xi32, #tpu.memory_space<hbm>> -> memref<2x128xi32, #tpu.memory_space<hbm>>
      %dma_start3A_336 = arith.constant 0 : i32
      %dma_start3A_337 = arith.constant 0 : i32
      %dma_start3A_338 = tpu.memref_slice %arg5[%dma_start3A_327, %dma_start3A_336, %dma_start3A_337] : memref<3x2x128xi32, #tpu.memory_space<vmem>> -> memref<1x2x128xi32, #tpu.memory_space<vmem>>
      %dma_start3A_339 = tpu.memref_squeeze %dma_start3A_338 : memref<1x2x128xi32, #tpu.memory_space<vmem>> -> memref<2x128xi32, #tpu.memory_space<vmem>>
      %dma_start3A_340 = arith.constant 0 : i32
      %dma_start3A_341 = arith.constant 0 : i32
      %dma_start3A_342 = tpu.memref_slice %arg2[%add3A_326, %dma_start3A_340, %dma_start3A_341] : memref<2592x2x128xi32, #tpu.memory_space<hbm>> -> memref<1x2x128xi32, #tpu.memory_space<hbm>>
      %dma_start3A_343 = tpu.memref_squeeze %dma_start3A_342 : memref<1x2x128xi32, #tpu.memory_space<hbm>> -> memref<2x128xi32, #tpu.memory_space<hbm>>
      tpu.enqueue_dma source(%dma_start3A_343 : memref<2x128xi32, #tpu.memory_space<hbm>>) target(%dma_start3A_339 : memref<2x128xi32, #tpu.memory_space<vmem>>) target_semaphore(%arg9 : memref<!tpu.dma_semaphore, #tpu.memory_space<semaphore_mem>>)
      %mul3A_344 = arith.constant 3 : i32
      %mul3A_345 = arith.muli %mul3A_344, %scan3A_203 : i32
      %add3A_346 = arith.constant 2 : i32
      %add3A_347 = arith.addi %mul3A_345, %add3A_346 : i32
      %dma_wait3A_348 = arith.constant 2 : i32
      %dma_wait3A_349 = arith.constant 0 : i32
      %dma_wait3A_350 = arith.constant 2 : i32
      %dma_wait3A_351 = arith.constant 0 : i32
      %dma_wait3A_352 = arith.constant 0 : i32
      %dma_wait3A_353 = tpu.memref_slice %arg6[%dma_wait3A_350, %dma_wait3A_351, %dma_wait3A_352] : memref<3x128x128xf32, #tpu.memory_space<vmem>> -> memref<1x128x128xf32, #tpu.memory_space<vmem>>
      %dma_wait3A_354 = tpu.memref_squeeze %dma_wait3A_353 : memref<1x128x128xf32, #tpu.memory_space<vmem>> -> memref<128x128xf32, #tpu.memory_space<vmem>>
      %dma_wait3A_355 = arith.constant 0 : i32
      %dma_wait3A_356 = tpu.memref_slice %arg5[%dma_wait3A_348, %dma_wait3A_349, %dma_wait3A_355] : memref<3x2x128xi32, #tpu.memory_space<vmem>> -> memref<1x1x128xi32, #tpu.memory_space<vmem>>
      %dma_wait3A_357 = tpu.memref_squeeze %dma_wait3A_356 : memref<1x1x128xi32, #tpu.memory_space<vmem>> -> memref<128xi32, #tpu.memory_space<vmem>>
      %dma_wait3A_358 = arith.constant 0 : i32
      %dma_wait3A_359 = arith.constant 0 : i32
      %dma_wait3A_360 = tpu.memref_slice %arg3[%dma_wait3A_358, %dma_wait3A_359] : memref<10112x128xf32, #tpu.memory_space<hbm>> -> memref<10112x128xf32, #tpu.memory_space<hbm>>
      tpu.wait_indirect_dma semaphore(%arg13 : memref<!tpu.dma_semaphore, #tpu.memory_space<semaphore_mem>>) src(%dma_wait3A_360 : memref<10112x128xf32, #tpu.memory_space<hbm>>) dst(%dma_wait3A_354 : memref<128x128xf32, #tpu.memory_space<vmem>>)
      %dma_wait3A_361 = arith.constant 1 : i32
      %dma_wait3A_362 = arith.constant 0 : i32
      %dma_wait3A_363 = arith.constant 0 : i32
      %dma_wait3A_364 = tpu.memref_slice %arg5[%dma_wait3A_361, %dma_wait3A_362, %dma_wait3A_363] : memref<3x2x128xi32, #tpu.memory_space<vmem>> -> memref<1x2x128xi32, #tpu.memory_space<vmem>>
      %dma_wait3A_365 = tpu.memref_squeeze %dma_wait3A_364 : memref<1x2x128xi32, #tpu.memory_space<vmem>> -> memref<2x128xi32, #tpu.memory_space<vmem>>
      %dma_wait3A_366 = arith.constant 0 : i32
      %dma_wait3A_367 = arith.constant 0 : i32
      %dma_wait3A_368 = tpu.memref_slice %arg2[%mul3A_2, %dma_wait3A_366, %dma_wait3A_367] : memref<2592x2x128xi32, #tpu.memory_space<hbm>> -> memref<1x2x128xi32, #tpu.memory_space<hbm>>
      %dma_wait3A_369 = tpu.memref_squeeze %dma_wait3A_368 : memref<1x2x128xi32, #tpu.memory_space<hbm>> -> memref<2x128xi32, #tpu.memory_space<hbm>>
      %dma_wait3A_370 = arith.constant 0 : i32
      %dma_wait3A_371 = arith.constant 0 : i32
      %dma_wait3A_372 = tpu.memref_slice %arg5[%dma_wait3A_361, %dma_wait3A_370, %dma_wait3A_371] : memref<3x2x128xi32, #tpu.memory_space<vmem>> -> memref<1x2x128xi32, #tpu.memory_space<vmem>>
      %dma_wait3A_373 = tpu.memref_squeeze %dma_wait3A_372 : memref<1x2x128xi32, #tpu.memory_space<vmem>> -> memref<2x128xi32, #tpu.memory_space<vmem>>
      %dma_wait3A_374 = arith.constant 0 : i32
      %dma_wait3A_375 = arith.constant 0 : i32
      %dma_wait3A_376 = tpu.memref_slice %arg2[%mul3A_2, %dma_wait3A_374, %dma_wait3A_375] : memref<2592x2x128xi32, #tpu.memory_space<hbm>> -> memref<1x2x128xi32, #tpu.memory_space<hbm>>
      %dma_wait3A_377 = tpu.memref_squeeze %dma_wait3A_376 : memref<1x2x128xi32, #tpu.memory_space<hbm>> -> memref<2x128xi32, #tpu.memory_space<hbm>>
      tpu.wait_dma2 semaphore(%arg9 : memref<!tpu.dma_semaphore, #tpu.memory_space<semaphore_mem>>) src(%dma_wait3A_377 : memref<2x128xi32, #tpu.memory_space<hbm>>) dst(%dma_wait3A_373 : memref<2x128xi32, #tpu.memory_space<vmem>>)
      %dma_start3A_378 = arith.constant 1 : i32
      %dma_start3A_379 = arith.constant 0 : i32
      %dma_start3A_380 = arith.constant 1 : i32
      %dma_start3A_381 = arith.constant 0 : i32
      %dma_start3A_382 = arith.constant 0 : i32
      %dma_start3A_383 = tpu.memref_slice %arg6[%dma_start3A_380, %dma_start3A_381, %dma_start3A_382] : memref<3x128x128xf32, #tpu.memory_space<vmem>> -> memref<1x128x128xf32, #tpu.memory_space<vmem>>
      %dma_start3A_384 = tpu.memref_squeeze %dma_start3A_383 : memref<1x128x128xf32, #tpu.memory_space<vmem>> -> memref<128x128xf32, #tpu.memory_space<vmem>>
      %dma_start3A_385 = arith.constant 0 : i32
      %dma_start3A_386 = tpu.memref_slice %arg5[%dma_start3A_378, %dma_start3A_379, %dma_start3A_385] : memref<3x2x128xi32, #tpu.memory_space<vmem>> -> memref<1x1x128xi32, #tpu.memory_space<vmem>>
      %dma_start3A_387 = tpu.memref_squeeze %dma_start3A_386 : memref<1x1x128xi32, #tpu.memory_space<vmem>> -> memref<128xi32, #tpu.memory_space<vmem>>
      %dma_start3A_388 = arith.constant 0 : i32
      %dma_start3A_389 = arith.constant 0 : i32
      %dma_start3A_390 = tpu.memref_slice %arg3[%dma_start3A_388, %dma_start3A_389] : memref<10112x128xf32, #tpu.memory_space<hbm>> -> memref<10112x128xf32, #tpu.memory_space<hbm>>
      tpu.enqueue_indirect_dma source(%dma_start3A_390 : memref<10112x128xf32, #tpu.memory_space<hbm>>) target(%dma_start3A_384 : memref<128x128xf32, #tpu.memory_space<vmem>>) offsets(%dma_start3A_387 : memref<128xi32, #tpu.memory_space<vmem>>) semaphore(%arg12 : memref<!tpu.dma_semaphore, #tpu.memory_space<semaphore_mem>>)
      %run_scoped3A_391 = arith.constant 2 : i32
      %run_scoped3A_392 = arith.constant 2 : i32
      %run_scoped3A_393 = arith.constant 1 : i32
      "tpu.region"() ({
        %run_scoped3A_414 = tpu.sem_alloc : memref<!tpu.dma_semaphore, #tpu.memory_space<semaphore_mem>>
        %dma_start3A_415 = arith.constant 0 : i32
        %dma_start3A_416 = arith.constant 0 : i32
        %dma_start3A_417 = tpu.memref_slice %arg6[%run_scoped3A_391, %dma_start3A_415, %dma_start3A_416] : memref<3x128x128xf32, #tpu.memory_space<vmem>> -> memref<1x128x128xf32, #tpu.memory_space<vmem>>
        %dma_start3A_418 = tpu.memref_squeeze %dma_start3A_417 : memref<1x128x128xf32, #tpu.memory_space<vmem>> -> memref<128x128xf32, #tpu.memory_space<vmem>>
        %dma_start3A_419 = arith.constant 0 : i32
        %dma_start3A_420 = tpu.memref_slice %arg5[%run_scoped3A_392, %run_scoped3A_393, %dma_start3A_419] : memref<3x2x128xi32, #tpu.memory_space<vmem>> -> memref<1x1x128xi32, #tpu.memory_space<vmem>>
        %dma_start3A_421 = tpu.memref_squeeze %dma_start3A_420 : memref<1x1x128xi32, #tpu.memory_space<vmem>> -> memref<128xi32, #tpu.memory_space<vmem>>
        %dma_start3A_422 = arith.constant 0 : i32
        %dma_start3A_423 = arith.constant 0 : i32
        %dma_start3A_424 = tpu.memref_slice %arg7[%dma_start3A_422, %dma_start3A_423] : memref<10112x128xf32, #tpu.memory_space<vmem_shared>> -> memref<10112x128xf32, #tpu.memory_space<vmem_shared>>
        tpu.enqueue_indirect_dma source(%dma_start3A_418 : memref<128x128xf32, #tpu.memory_space<vmem>>) target(%dma_start3A_424 : memref<10112x128xf32, #tpu.memory_space<vmem_shared>>) offsets(%dma_start3A_421 : memref<128xi32, #tpu.memory_space<vmem>>) semaphore(%run_scoped3A_414 : memref<!tpu.dma_semaphore, #tpu.memory_space<semaphore_mem>>) {add = true}
        %dma_wait3A_425 = arith.constant 0 : i32
        %dma_wait3A_426 = arith.constant 0 : i32
        %dma_wait3A_427 = tpu.memref_slice %arg6[%run_scoped3A_391, %dma_wait3A_425, %dma_wait3A_426] : memref<3x128x128xf32, #tpu.memory_space<vmem>> -> memref<1x128x128xf32, #tpu.memory_space<vmem>>
        %dma_wait3A_428 = tpu.memref_squeeze %dma_wait3A_427 : memref<1x128x128xf32, #tpu.memory_space<vmem>> -> memref<128x128xf32, #tpu.memory_space<vmem>>
        %dma_wait3A_429 = arith.constant 0 : i32
        %dma_wait3A_430 = tpu.memref_slice %arg5[%run_scoped3A_392, %run_scoped3A_393, %dma_wait3A_429] : memref<3x2x128xi32, #tpu.memory_space<vmem>> -> memref<1x1x128xi32, #tpu.memory_space<vmem>>
        %dma_wait3A_431 = tpu.memref_squeeze %dma_wait3A_430 : memref<1x1x128xi32, #tpu.memory_space<vmem>> -> memref<128xi32, #tpu.memory_space<vmem>>
        %dma_wait3A_432 = arith.constant 0 : i32
        %dma_wait3A_433 = arith.constant 0 : i32
        %dma_wait3A_434 = tpu.memref_slice %arg7[%dma_wait3A_432, %dma_wait3A_433] : memref<10112x128xf32, #tpu.memory_space<vmem_shared>> -> memref<10112x128xf32, #tpu.memory_space<vmem_shared>>
        tpu.wait_indirect_dma semaphore(%run_scoped3A_414 : memref<!tpu.dma_semaphore, #tpu.memory_space<semaphore_mem>>) src(%dma_wait3A_428 : memref<128x128xf32, #tpu.memory_space<vmem>>) dst(%dma_wait3A_434 : memref<10112x128xf32, #tpu.memory_space<vmem_shared>>)
        tpu.yield
      }) : () -> ()
      %add3A_394 = arith.addi %mul3A_2, %add3A_347 : i32
      %add3A_395 = arith.constant 3 : i32
      %add3A_396 = arith.addi %add3A_394, %add3A_395 : i32
      %dma_start3A_397 = arith.constant 2 : i32
      %dma_start3A_398 = arith.constant 0 : i32
      %dma_start3A_399 = arith.constant 0 : i32
      %dma_start3A_400 = tpu.memref_slice %arg5[%dma_start3A_397, %dma_start3A_398, %dma_start3A_399] : memref<3x2x128xi32, #tpu.memory_space<vmem>> -> memref<1x2x128xi32, #tpu.memory_space<vmem>>
      %dma_start3A_401 = tpu.memref_squeeze %dma_start3A_400 : memref<1x2x128xi32, #tpu.memory_space<vmem>> -> memref<2x128xi32, #tpu.memory_space<vmem>>
      %dma_start3A_402 = arith.constant 0 : i32
      %dma_start3A_403 = arith.constant 0 : i32
      %dma_start3A_404 = tpu.memref_slice %arg2[%add3A_396, %dma_start3A_402, %dma_start3A_403] : memref<2592x2x128xi32, #tpu.memory_space<hbm>> -> memref<1x2x128xi32, #tpu.memory_space<hbm>>
      %dma_start3A_405 = tpu.memref_squeeze %dma_start3A_404 : memref<1x2x128xi32, #tpu.memory_space<hbm>> -> memref<2x128xi32, #tpu.memory_space<hbm>>
      %dma_start3A_406 = arith.constant 0 : i32
      %dma_start3A_407 = arith.constant 0 : i32
      %dma_start3A_408 = tpu.memref_slice %arg5[%dma_start3A_397, %dma_start3A_406, %dma_start3A_407] : memref<3x2x128xi32, #tpu.memory_space<vmem>> -> memref<1x2x128xi32, #tpu.memory_space<vmem>>
      %dma_start3A_409 = tpu.memref_squeeze %dma_start3A_408 : memref<1x2x128xi32, #tpu.memory_space<vmem>> -> memref<2x128xi32, #tpu.memory_space<vmem>>
      %dma_start3A_410 = arith.constant 0 : i32
      %dma_start3A_411 = arith.constant 0 : i32
      %dma_start3A_412 = tpu.memref_slice %arg2[%add3A_396, %dma_start3A_410, %dma_start3A_411] : memref<2592x2x128xi32, #tpu.memory_space<hbm>> -> memref<1x2x128xi32, #tpu.memory_space<hbm>>
      %dma_start3A_413 = tpu.memref_squeeze %dma_start3A_412 : memref<1x2x128xi32, #tpu.memory_space<hbm>> -> memref<2x128xi32, #tpu.memory_space<hbm>>
      tpu.enqueue_dma source(%dma_start3A_413 : memref<2x128xi32, #tpu.memory_space<hbm>>) target(%dma_start3A_409 : memref<2x128xi32, #tpu.memory_space<vmem>>) target_semaphore(%arg10 : memref<!tpu.dma_semaphore, #tpu.memory_space<semaphore_mem>>)
    }
    %scan3A_119 = arith.constant 26 : i32
    %dma_wait3A_120 = arith.constant 0 : i32
    %dma_wait3A_121 = arith.constant 0 : i32
    %dma_wait3A_122 = arith.constant 0 : i32
    %dma_wait3A_123 = arith.constant 0 : i32
    %dma_wait3A_124 = arith.constant 0 : i32
    %dma_wait3A_125 = tpu.memref_slice %arg6[%dma_wait3A_122, %dma_wait3A_123, %dma_wait3A_124] : memref<3x128x128xf32, #tpu.memory_space<vmem>> -> memref<1x128x128xf32, #tpu.memory_space<vmem>>
    %dma_wait3A_126 = tpu.memref_squeeze %dma_wait3A_125 : memref<1x128x128xf32, #tpu.memory_space<vmem>> -> memref<128x128xf32, #tpu.memory_space<vmem>>
    %dma_wait3A_127 = arith.constant 0 : i32
    %dma_wait3A_128 = tpu.memref_slice %arg5[%dma_wait3A_120, %dma_wait3A_121, %dma_wait3A_127] : memref<3x2x128xi32, #tpu.memory_space<vmem>> -> memref<1x1x128xi32, #tpu.memory_space<vmem>>
    %dma_wait3A_129 = tpu.memref_squeeze %dma_wait3A_128 : memref<1x1x128xi32, #tpu.memory_space<vmem>> -> memref<128xi32, #tpu.memory_space<vmem>>
    %dma_wait3A_130 = arith.constant 0 : i32
    %dma_wait3A_131 = arith.constant 0 : i32
    %dma_wait3A_132 = tpu.memref_slice %arg3[%dma_wait3A_130, %dma_wait3A_131] : memref<10112x128xf32, #tpu.memory_space<hbm>> -> memref<10112x128xf32, #tpu.memory_space<hbm>>
    tpu.wait_indirect_dma semaphore(%arg11 : memref<!tpu.dma_semaphore, #tpu.memory_space<semaphore_mem>>) src(%dma_wait3A_132 : memref<10112x128xf32, #tpu.memory_space<hbm>>) dst(%dma_wait3A_126 : memref<128x128xf32, #tpu.memory_space<vmem>>)
    %dma_wait3A_133 = arith.constant 2 : i32
    %dma_wait3A_134 = arith.constant 0 : i32
    %dma_wait3A_135 = arith.constant 0 : i32
    %dma_wait3A_136 = tpu.memref_slice %arg5[%dma_wait3A_133, %dma_wait3A_134, %dma_wait3A_135] : memref<3x2x128xi32, #tpu.memory_space<vmem>> -> memref<1x2x128xi32, #tpu.memory_space<vmem>>
    %dma_wait3A_137 = tpu.memref_squeeze %dma_wait3A_136 : memref<1x2x128xi32, #tpu.memory_space<vmem>> -> memref<2x128xi32, #tpu.memory_space<vmem>>
    %dma_wait3A_138 = arith.constant 0 : i32
    %dma_wait3A_139 = arith.constant 0 : i32
    %dma_wait3A_140 = tpu.memref_slice %arg2[%mul3A_2, %dma_wait3A_138, %dma_wait3A_139] : memref<2592x2x128xi32, #tpu.memory_space<hbm>> -> memref<1x2x128xi32, #tpu.memory_space<hbm>>
    %dma_wait3A_141 = tpu.memref_squeeze %dma_wait3A_140 : memref<1x2x128xi32, #tpu.memory_space<hbm>> -> memref<2x128xi32, #tpu.memory_space<hbm>>
    %dma_wait3A_142 = arith.constant 0 : i32
    %dma_wait3A_143 = arith.constant 0 : i32
    %dma_wait3A_144 = tpu.memref_slice %arg5[%dma_wait3A_133, %dma_wait3A_142, %dma_wait3A_143] : memref<3x2x128xi32, #tpu.memory_space<vmem>> -> memref<1x2x128xi32, #tpu.memory_space<vmem>>
    %dma_wait3A_145 = tpu.memref_squeeze %dma_wait3A_144 : memref<1x2x128xi32, #tpu.memory_space<vmem>> -> memref<2x128xi32, #tpu.memory_space<vmem>>
    %dma_wait3A_146 = arith.constant 0 : i32
    %dma_wait3A_147 = arith.constant 0 : i32
    %dma_wait3A_148 = tpu.memref_slice %arg2[%mul3A_2, %dma_wait3A_146, %dma_wait3A_147] : memref<2592x2x128xi32, #tpu.memory_space<hbm>> -> memref<1x2x128xi32, #tpu.memory_space<hbm>>
    %dma_wait3A_149 = tpu.memref_squeeze %dma_wait3A_148 : memref<1x2x128xi32, #tpu.memory_space<hbm>> -> memref<2x128xi32, #tpu.memory_space<hbm>>
    tpu.wait_dma2 semaphore(%arg10 : memref<!tpu.dma_semaphore, #tpu.memory_space<semaphore_mem>>) src(%dma_wait3A_149 : memref<2x128xi32, #tpu.memory_space<hbm>>) dst(%dma_wait3A_145 : memref<2x128xi32, #tpu.memory_space<vmem>>)
    %dma_start3A_150 = arith.constant 2 : i32
    %dma_start3A_151 = arith.constant 0 : i32
    %dma_start3A_152 = arith.constant 2 : i32
    %dma_start3A_153 = arith.constant 0 : i32
    %dma_start3A_154 = arith.constant 0 : i32
    %dma_start3A_155 = tpu.memref_slice %arg6[%dma_start3A_152, %dma_start3A_153, %dma_start3A_154] : memref<3x128x128xf32, #tpu.memory_space<vmem>> -> memref<1x128x128xf32, #tpu.memory_space<vmem>>
    %dma_start3A_156 = tpu.memref_squeeze %dma_start3A_155 : memref<1x128x128xf32, #tpu.memory_space<vmem>> -> memref<128x128xf32, #tpu.memory_space<vmem>>
    %dma_start3A_157 = arith.constant 0 : i32
    %dma_start3A_158 = tpu.memref_slice %arg5[%dma_start3A_150, %dma_start3A_151, %dma_start3A_157] : memref<3x2x128xi32, #tpu.memory_space<vmem>> -> memref<1x1x128xi32, #tpu.memory_space<vmem>>
    %dma_start3A_159 = tpu.memref_squeeze %dma_start3A_158 : memref<1x1x128xi32, #tpu.memory_space<vmem>> -> memref<128xi32, #tpu.memory_space<vmem>>
    %dma_start3A_160 = arith.constant 0 : i32
    %dma_start3A_161 = arith.constant 0 : i32
    %dma_start3A_162 = tpu.memref_slice %arg3[%dma_start3A_160, %dma_start3A_161] : memref<10112x128xf32, #tpu.memory_space<hbm>> -> memref<10112x128xf32, #tpu.memory_space<hbm>>
    tpu.enqueue_indirect_dma source(%dma_start3A_162 : memref<10112x128xf32, #tpu.memory_space<hbm>>) target(%dma_start3A_156 : memref<128x128xf32, #tpu.memory_space<vmem>>) offsets(%dma_start3A_159 : memref<128xi32, #tpu.memory_space<vmem>>) semaphore(%arg13 : memref<!tpu.dma_semaphore, #tpu.memory_space<semaphore_mem>>)
    %run_scoped3A_163 = arith.constant 0 : i32
    %run_scoped3A_164 = arith.constant 0 : i32
    %run_scoped3A_165 = arith.constant 1 : i32
    "tpu.region"() ({
      %run_scoped3A_203 = tpu.sem_alloc : memref<!tpu.dma_semaphore, #tpu.memory_space<semaphore_mem>>
      %dma_start3A_204 = arith.constant 0 : i32
      %dma_start3A_205 = arith.constant 0 : i32
      %dma_start3A_206 = tpu.memref_slice %arg6[%run_scoped3A_163, %dma_start3A_204, %dma_start3A_205] : memref<3x128x128xf32, #tpu.memory_space<vmem>> -> memref<1x128x128xf32, #tpu.memory_space<vmem>>
      %dma_start3A_207 = tpu.memref_squeeze %dma_start3A_206 : memref<1x128x128xf32, #tpu.memory_space<vmem>> -> memref<128x128xf32, #tpu.memory_space<vmem>>
      %dma_start3A_208 = arith.constant 0 : i32
      %dma_start3A_209 = tpu.memref_slice %arg5[%run_scoped3A_164, %run_scoped3A_165, %dma_start3A_208] : memref<3x2x128xi32, #tpu.memory_space<vmem>> -> memref<1x1x128xi32, #tpu.memory_space<vmem>>
      %dma_start3A_210 = tpu.memref_squeeze %dma_start3A_209 : memref<1x1x128xi32, #tpu.memory_space<vmem>> -> memref<128xi32, #tpu.memory_space<vmem>>
      %dma_start3A_211 = arith.constant 0 : i32
      %dma_start3A_212 = arith.constant 0 : i32
      %dma_start3A_213 = tpu.memref_slice %arg7[%dma_start3A_211, %dma_start3A_212] : memref<10112x128xf32, #tpu.memory_space<vmem_shared>> -> memref<10112x128xf32, #tpu.memory_space<vmem_shared>>
      tpu.enqueue_indirect_dma source(%dma_start3A_207 : memref<128x128xf32, #tpu.memory_space<vmem>>) target(%dma_start3A_213 : memref<10112x128xf32, #tpu.memory_space<vmem_shared>>) offsets(%dma_start3A_210 : memref<128xi32, #tpu.memory_space<vmem>>) semaphore(%run_scoped3A_203 : memref<!tpu.dma_semaphore, #tpu.memory_space<semaphore_mem>>) {add = true}
      %dma_wait3A_214 = arith.constant 0 : i32
      %dma_wait3A_215 = arith.constant 0 : i32
      %dma_wait3A_216 = tpu.memref_slice %arg6[%run_scoped3A_163, %dma_wait3A_214, %dma_wait3A_215] : memref<3x128x128xf32, #tpu.memory_space<vmem>> -> memref<1x128x128xf32, #tpu.memory_space<vmem>>
      %dma_wait3A_217 = tpu.memref_squeeze %dma_wait3A_216 : memref<1x128x128xf32, #tpu.memory_space<vmem>> -> memref<128x128xf32, #tpu.memory_space<vmem>>
      %dma_wait3A_218 = arith.constant 0 : i32
      %dma_wait3A_219 = tpu.memref_slice %arg5[%run_scoped3A_164, %run_scoped3A_165, %dma_wait3A_218] : memref<3x2x128xi32, #tpu.memory_space<vmem>> -> memref<1x1x128xi32, #tpu.memory_space<vmem>>
      %dma_wait3A_220 = tpu.memref_squeeze %dma_wait3A_219 : memref<1x1x128xi32, #tpu.memory_space<vmem>> -> memref<128xi32, #tpu.memory_space<vmem>>
      %dma_wait3A_221 = arith.constant 0 : i32
      %dma_wait3A_222 = arith.constant 0 : i32
      %dma_wait3A_223 = tpu.memref_slice %arg7[%dma_wait3A_221, %dma_wait3A_222] : memref<10112x128xf32, #tpu.memory_space<vmem_shared>> -> memref<10112x128xf32, #tpu.memory_space<vmem_shared>>
      tpu.wait_indirect_dma semaphore(%run_scoped3A_203 : memref<!tpu.dma_semaphore, #tpu.memory_space<semaphore_mem>>) src(%dma_wait3A_217 : memref<128x128xf32, #tpu.memory_space<vmem>>) dst(%dma_wait3A_223 : memref<10112x128xf32, #tpu.memory_space<vmem_shared>>)
      tpu.yield
    }) : () -> ()
    %dma_wait3A_166 = arith.constant 1 : i32
    %dma_wait3A_167 = arith.constant 0 : i32
    %dma_wait3A_168 = arith.constant 1 : i32
    %dma_wait3A_169 = arith.constant 0 : i32
    %dma_wait3A_170 = arith.constant 0 : i32
    %dma_wait3A_171 = tpu.memref_slice %arg6[%dma_wait3A_168, %dma_wait3A_169, %dma_wait3A_170] : memref<3x128x128xf32, #tpu.memory_space<vmem>> -> memref<1x128x128xf32, #tpu.memory_space<vmem>>
    %dma_wait3A_172 = tpu.memref_squeeze %dma_wait3A_171 : memref<1x128x128xf32, #tpu.memory_space<vmem>> -> memref<128x128xf32, #tpu.memory_space<vmem>>
    %dma_wait3A_173 = arith.constant 0 : i32
    %dma_wait3A_174 = tpu.memref_slice %arg5[%dma_wait3A_166, %dma_wait3A_167, %dma_wait3A_173] : memref<3x2x128xi32, #tpu.memory_space<vmem>> -> memref<1x1x128xi32, #tpu.memory_space<vmem>>
    %dma_wait3A_175 = tpu.memref_squeeze %dma_wait3A_174 : memref<1x1x128xi32, #tpu.memory_space<vmem>> -> memref<128xi32, #tpu.memory_space<vmem>>
    %dma_wait3A_176 = arith.constant 0 : i32
    %dma_wait3A_177 = arith.constant 0 : i32
    %dma_wait3A_178 = tpu.memref_slice %arg3[%dma_wait3A_176, %dma_wait3A_177] : memref<10112x128xf32, #tpu.memory_space<hbm>> -> memref<10112x128xf32, #tpu.memory_space<hbm>>
    tpu.wait_indirect_dma semaphore(%arg12 : memref<!tpu.dma_semaphore, #tpu.memory_space<semaphore_mem>>) src(%dma_wait3A_178 : memref<10112x128xf32, #tpu.memory_space<hbm>>) dst(%dma_wait3A_172 : memref<128x128xf32, #tpu.memory_space<vmem>>)
    %run_scoped3A_179 = arith.constant 1 : i32
    %run_scoped3A_180 = arith.constant 1 : i32
    %run_scoped3A_181 = arith.constant 1 : i32
    "tpu.region"() ({
      %run_scoped3A_203 = tpu.sem_alloc : memref<!tpu.dma_semaphore, #tpu.memory_space<semaphore_mem>>
      %dma_start3A_204 = arith.constant 0 : i32
      %dma_start3A_205 = arith.constant 0 : i32
      %dma_start3A_206 = tpu.memref_slice %arg6[%run_scoped3A_179, %dma_start3A_204, %dma_start3A_205] : memref<3x128x128xf32, #tpu.memory_space<vmem>> -> memref<1x128x128xf32, #tpu.memory_space<vmem>>
      %dma_start3A_207 = tpu.memref_squeeze %dma_start3A_206 : memref<1x128x128xf32, #tpu.memory_space<vmem>> -> memref<128x128xf32, #tpu.memory_space<vmem>>
      %dma_start3A_208 = arith.constant 0 : i32
      %dma_start3A_209 = tpu.memref_slice %arg5[%run_scoped3A_180, %run_scoped3A_181, %dma_start3A_208] : memref<3x2x128xi32, #tpu.memory_space<vmem>> -> memref<1x1x128xi32, #tpu.memory_space<vmem>>
      %dma_start3A_210 = tpu.memref_squeeze %dma_start3A_209 : memref<1x1x128xi32, #tpu.memory_space<vmem>> -> memref<128xi32, #tpu.memory_space<vmem>>
      %dma_start3A_211 = arith.constant 0 : i32
      %dma_start3A_212 = arith.constant 0 : i32
      %dma_start3A_213 = tpu.memref_slice %arg7[%dma_start3A_211, %dma_start3A_212] : memref<10112x128xf32, #tpu.memory_space<vmem_shared>> -> memref<10112x128xf32, #tpu.memory_space<vmem_shared>>
      tpu.enqueue_indirect_dma source(%dma_start3A_207 : memref<128x128xf32, #tpu.memory_space<vmem>>) target(%dma_start3A_213 : memref<10112x128xf32, #tpu.memory_space<vmem_shared>>) offsets(%dma_start3A_210 : memref<128xi32, #tpu.memory_space<vmem>>) semaphore(%run_scoped3A_203 : memref<!tpu.dma_semaphore, #tpu.memory_space<semaphore_mem>>) {add = true}
      %dma_wait3A_214 = arith.constant 0 : i32
      %dma_wait3A_215 = arith.constant 0 : i32
      %dma_wait3A_216 = tpu.memref_slice %arg6[%run_scoped3A_179, %dma_wait3A_214, %dma_wait3A_215] : memref<3x128x128xf32, #tpu.memory_space<vmem>> -> memref<1x128x128xf32, #tpu.memory_space<vmem>>
      %dma_wait3A_217 = tpu.memref_squeeze %dma_wait3A_216 : memref<1x128x128xf32, #tpu.memory_space<vmem>> -> memref<128x128xf32, #tpu.memory_space<vmem>>
      %dma_wait3A_218 = arith.constant 0 : i32
      %dma_wait3A_219 = tpu.memref_slice %arg5[%run_scoped3A_180, %run_scoped3A_181, %dma_wait3A_218] : memref<3x2x128xi32, #tpu.memory_space<vmem>> -> memref<1x1x128xi32, #tpu.memory_space<vmem>>
      %dma_wait3A_220 = tpu.memref_squeeze %dma_wait3A_219 : memref<1x1x128xi32, #tpu.memory_space<vmem>> -> memref<128xi32, #tpu.memory_space<vmem>>
      %dma_wait3A_221 = arith.constant 0 : i32
      %dma_wait3A_222 = arith.constant 0 : i32
      %dma_wait3A_223 = tpu.memref_slice %arg7[%dma_wait3A_221, %dma_wait3A_222] : memref<10112x128xf32, #tpu.memory_space<vmem_shared>> -> memref<10112x128xf32, #tpu.memory_space<vmem_shared>>
      tpu.wait_indirect_dma semaphore(%run_scoped3A_203 : memref<!tpu.dma_semaphore, #tpu.memory_space<semaphore_mem>>) src(%dma_wait3A_217 : memref<128x128xf32, #tpu.memory_space<vmem>>) dst(%dma_wait3A_223 : memref<10112x128xf32, #tpu.memory_space<vmem_shared>>)
      tpu.yield
    }) : () -> ()
    %dma_wait3A_182 = arith.constant 2 : i32
    %dma_wait3A_183 = arith.constant 0 : i32
    %dma_wait3A_184 = arith.constant 2 : i32
    %dma_wait3A_185 = arith.constant 0 : i32
    %dma_wait3A_186 = arith.constant 0 : i32
    %dma_wait3A_187 = tpu.memref_slice %arg6[%dma_wait3A_184, %dma_wait3A_185, %dma_wait3A_186] : memref<3x128x128xf32, #tpu.memory_space<vmem>> -> memref<1x128x128xf32, #tpu.memory_space<vmem>>
    %dma_wait3A_188 = tpu.memref_squeeze %dma_wait3A_187 : memref<1x128x128xf32, #tpu.memory_space<vmem>> -> memref<128x128xf32, #tpu.memory_space<vmem>>
    %dma_wait3A_189 = arith.constant 0 : i32
    %dma_wait3A_190 = tpu.memref_slice %arg5[%dma_wait3A_182, %dma_wait3A_183, %dma_wait3A_189] : memref<3x2x128xi32, #tpu.memory_space<vmem>> -> memref<1x1x128xi32, #tpu.memory_space<vmem>>
    %dma_wait3A_191 = tpu.memref_squeeze %dma_wait3A_190 : memref<1x1x128xi32, #tpu.memory_space<vmem>> -> memref<128xi32, #tpu.memory_space<vmem>>
    %dma_wait3A_192 = arith.constant 0 : i32
    %dma_wait3A_193 = arith.constant 0 : i32
    %dma_wait3A_194 = tpu.memref_slice %arg3[%dma_wait3A_192, %dma_wait3A_193] : memref<10112x128xf32, #tpu.memory_space<hbm>> -> memref<10112x128xf32, #tpu.memory_space<hbm>>
    tpu.wait_indirect_dma semaphore(%arg13 : memref<!tpu.dma_semaphore, #tpu.memory_space<semaphore_mem>>) src(%dma_wait3A_194 : memref<10112x128xf32, #tpu.memory_space<hbm>>) dst(%dma_wait3A_188 : memref<128x128xf32, #tpu.memory_space<vmem>>)
    %run_scoped3A_195 = arith.constant 2 : i32
    %run_scoped3A_196 = arith.constant 2 : i32
    %run_scoped3A_197 = arith.constant 1 : i32
    "tpu.region"() ({
      %run_scoped3A_203 = tpu.sem_alloc : memref<!tpu.dma_semaphore, #tpu.memory_space<semaphore_mem>>
      %dma_start3A_204 = arith.constant 0 : i32
      %dma_start3A_205 = arith.constant 0 : i32
      %dma_start3A_206 = tpu.memref_slice %arg6[%run_scoped3A_195, %dma_start3A_204, %dma_start3A_205] : memref<3x128x128xf32, #tpu.memory_space<vmem>> -> memref<1x128x128xf32, #tpu.memory_space<vmem>>
      %dma_start3A_207 = tpu.memref_squeeze %dma_start3A_206 : memref<1x128x128xf32, #tpu.memory_space<vmem>> -> memref<128x128xf32, #tpu.memory_space<vmem>>
      %dma_start3A_208 = arith.constant 0 : i32
      %dma_start3A_209 = tpu.memref_slice %arg5[%run_scoped3A_196, %run_scoped3A_197, %dma_start3A_208] : memref<3x2x128xi32, #tpu.memory_space<vmem>> -> memref<1x1x128xi32, #tpu.memory_space<vmem>>
      %dma_start3A_210 = tpu.memref_squeeze %dma_start3A_209 : memref<1x1x128xi32, #tpu.memory_space<vmem>> -> memref<128xi32, #tpu.memory_space<vmem>>
      %dma_start3A_211 = arith.constant 0 : i32
      %dma_start3A_212 = arith.constant 0 : i32
      %dma_start3A_213 = tpu.memref_slice %arg7[%dma_start3A_211, %dma_start3A_212] : memref<10112x128xf32, #tpu.memory_space<vmem_shared>> -> memref<10112x128xf32, #tpu.memory_space<vmem_shared>>
      tpu.enqueue_indirect_dma source(%dma_start3A_207 : memref<128x128xf32, #tpu.memory_space<vmem>>) target(%dma_start3A_213 : memref<10112x128xf32, #tpu.memory_space<vmem_shared>>) offsets(%dma_start3A_210 : memref<128xi32, #tpu.memory_space<vmem>>) semaphore(%run_scoped3A_203 : memref<!tpu.dma_semaphore, #tpu.memory_space<semaphore_mem>>) {add = true}
      %dma_wait3A_214 = arith.constant 0 : i32
      %dma_wait3A_215 = arith.constant 0 : i32
      %dma_wait3A_216 = tpu.memref_slice %arg6[%run_scoped3A_195, %dma_wait3A_214, %dma_wait3A_215] : memref<3x128x128xf32, #tpu.memory_space<vmem>> -> memref<1x128x128xf32, #tpu.memory_space<vmem>>
      %dma_wait3A_217 = tpu.memref_squeeze %dma_wait3A_216 : memref<1x128x128xf32, #tpu.memory_space<vmem>> -> memref<128x128xf32, #tpu.memory_space<vmem>>
      %dma_wait3A_218 = arith.constant 0 : i32
      %dma_wait3A_219 = tpu.memref_slice %arg5[%run_scoped3A_196, %run_scoped3A_197, %dma_wait3A_218] : memref<3x2x128xi32, #tpu.memory_space<vmem>> -> memref<1x1x128xi32, #tpu.memory_space<vmem>>
      %dma_wait3A_220 = tpu.memref_squeeze %dma_wait3A_219 : memref<1x1x128xi32, #tpu.memory_space<vmem>> -> memref<128xi32, #tpu.memory_space<vmem>>
      %dma_wait3A_221 = arith.constant 0 : i32
      %dma_wait3A_222 = arith.constant 0 : i32
      %dma_wait3A_223 = tpu.memref_slice %arg7[%dma_wait3A_221, %dma_wait3A_222] : memref<10112x128xf32, #tpu.memory_space<vmem_shared>> -> memref<10112x128xf32, #tpu.memory_space<vmem_shared>>
      tpu.wait_indirect_dma semaphore(%run_scoped3A_203 : memref<!tpu.dma_semaphore, #tpu.memory_space<semaphore_mem>>) src(%dma_wait3A_217 : memref<128x128xf32, #tpu.memory_space<vmem>>) dst(%dma_wait3A_223 : memref<10112x128xf32, #tpu.memory_space<vmem_shared>>)
      tpu.yield
    }) : () -> ()
    %barrier3A_198 = arith.constant 0 : index
    tpu.barrier barrier_id(%barrier3A_198)
    %mul3A_199 = arith.constant 632 : i32
    %mul3A_200 = arith.muli %arg1, %mul3A_199 : i32
    %mul3A_201 = arith.constant 632 : i32
    %mul3A_202 = arith.muli %arg1, %mul3A_201 : i32
    "tpu.region"() ({
      %run_scoped3A_203 = tpu.sem_alloc : memref<!tpu.dma_semaphore, #tpu.memory_space<semaphore_mem>>
      %dma_start3A_204 = arith.constant 0 : i32
      %dma_start3A_205 = tpu.memref_slice %arg4[%arg0, %mul3A_202, %dma_start3A_204] : memref<2x10112x128xf32, #tpu.memory_space<hbm>> -> memref<1x632x128xf32, #tpu.memory_space<hbm>>
      %dma_start3A_206 = tpu.memref_squeeze %dma_start3A_205 : memref<1x632x128xf32, #tpu.memory_space<hbm>> -> memref<632x128xf32, #tpu.memory_space<hbm>>
      %dma_start3A_207 = arith.constant 0 : i32
      %dma_start3A_208 = tpu.memref_slice %arg7[%mul3A_200, %dma_start3A_207] : memref<10112x128xf32, #tpu.memory_space<vmem_shared>> -> memref<632x128xf32, #tpu.memory_space<vmem_shared>>
      tpu.enqueue_dma source(%dma_start3A_208 : memref<632x128xf32, #tpu.memory_space<vmem_shared>>) target(%dma_start3A_206 : memref<632x128xf32, #tpu.memory_space<hbm>>) target_semaphore(%run_scoped3A_203 : memref<!tpu.dma_semaphore, #tpu.memory_space<semaphore_mem>>)
      %dma_wait3A_209 = arith.constant 0 : i32
      %dma_wait3A_210 = tpu.memref_slice %arg4[%arg0, %mul3A_202, %dma_wait3A_209] : memref<2x10112x128xf32, #tpu.memory_space<hbm>> -> memref<1x632x128xf32, #tpu.memory_space<hbm>>
      %dma_wait3A_211 = tpu.memref_squeeze %dma_wait3A_210 : memref<1x632x128xf32, #tpu.memory_space<hbm>> -> memref<632x128xf32, #tpu.memory_space<hbm>>
      %dma_wait3A_212 = arith.constant 0 : i32
      %dma_wait3A_213 = tpu.memref_slice %arg7[%mul3A_200, %dma_wait3A_212] : memref<10112x128xf32, #tpu.memory_space<vmem_shared>> -> memref<632x128xf32, #tpu.memory_space<vmem_shared>>
      tpu.wait_dma2 semaphore(%run_scoped3A_203 : memref<!tpu.dma_semaphore, #tpu.memory_space<semaphore_mem>>) src(%dma_wait3A_213 : memref<632x128xf32, #tpu.memory_space<vmem_shared>>) dst(%dma_wait3A_211 : memref<632x128xf32, #tpu.memory_space<hbm>>)
      tpu.yield
    }) : () -> ()
    return
  }
}

#map = affine_map<(d0, d1) -> (0, 0, 0)>
#map1 = affine_map<(d0, d1) -> (0, 0)>
module attributes {stable_mosaic.version = 14 : i64} {
  func.func @_agg(%arg0: i32, %arg1: i32, %arg2: memref<2592x2x128xi32, #tpu.memory_space<hbm>>, %arg3: memref<10112x128xf32, #tpu.memory_space<hbm>>, %arg4: memref<2x10112x128xf32, #tpu.memory_space<hbm>>, %arg5: memref<3x2x128xi32, #tpu.memory_space<vmem>>, %arg6: memref<3x128x128xf32, #tpu.memory_space<vmem>>, %arg7: memref<10112x128xf32, #tpu.memory_space<vmem_shared>>, %arg8: memref<!tpu.dma_semaphore, #tpu.memory_space<semaphore_mem>>, %arg9: memref<!tpu.dma_semaphore, #tpu.memory_space<semaphore_mem>>, %arg10: memref<!tpu.dma_semaphore, #tpu.memory_space<semaphore_mem>>, %arg11: memref<!tpu.dma_semaphore, #tpu.memory_space<semaphore_mem>>, %arg12: memref<!tpu.dma_semaphore, #tpu.memory_space<semaphore_mem>>, %arg13: memref<!tpu.dma_semaphore, #tpu.memory_space<semaphore_mem>>) attributes {dimension_semantics = [#tpu.dimension_semantics<core_parallel>, #tpu.dimension_semantics<subcore_parallel>], iteration_bounds = array<i64: 2, 16>, scalar_prefetch = 0 : i64, scratch_operands = 9 : i64, tpu.core_type = #tpu.core_type<sc_vector_subcore>, window_params = [{transform_indices = #map}, {transform_indices = #map1}, {transform_indices = #map}]} {
    %mul3A = arith.constant 2 : i32
    %mul3A_0 = arith.muli %arg1, %mul3A : i32
    %add3A = arith.addi %mul3A_0, %arg0 : i32
    %mul3A_1 = arith.constant 81 : i32
    %mul3A_2 = arith.muli %add3A, %mul3A_1 : i32
    %broadcast_in_dim3A = arith.constant 0.000000e+00 : f32
    %broadcast_in_dim3A_3 = vector.broadcast %broadcast_in_dim3A : f32 to vector<16xf32>
    %scan3A = arith.constant 0 : i32
    %scan3A_4 = arith.constant 0 : i32
    %scan3A_5 = arith.constant 0 : i32
    %scan3A_6 = arith.constant 128 : i32
    %scan3A_7 = arith.addi %scan3A_5, %scan3A_6 : i32
    %scan3A_8 = arith.constant 1 : i32
    scf.for %scan3A_203 = %scan3A_5 to %scan3A_7 step %scan3A_8  : i32 {
      %swap3A = arith.constant 0 : i32
      %swap3A_204 = arith.constant 0 : i32
      %swap3A_205 = tpu.memref_slice %arg6[%scan3A_4, %swap3A, %swap3A_204] : memref<3x128x128xf32, #tpu.memory_space<vmem>> -> memref<1x128x128xf32, #tpu.memory_space<vmem>>
      %swap3A_206 = tpu.memref_squeeze %swap3A_205 : memref<1x128x128xf32, #tpu.memory_space<vmem>> -> memref<128x128xf32, #tpu.memory_space<vmem>>
      %swap3A_207 = arith.index_cast %scan3A_203 : i32 to index
      %swap3A_208 = arith.constant 0 : index
      %swap3A_209 = tpu.vector_load %swap3A_206[%swap3A_207, %swap3A_208] {strides = array<i32>} : memref<128x128xf32, #tpu.memory_space<vmem>>, vector<1x16xf32>,
      %swap3A_210 = vector.shape_cast %swap3A_209 : vector<1x16xf32> to vector<16xf32>
      %swap3A_211 = vector.shape_cast %broadcast_in_dim3A_3 : vector<16xf32> to vector<1x16xf32>
      tpu.vector_store %swap3A_206[%swap3A_207, %swap3A_208], %swap3A_211 {strides = array<i32>} : memref<128x128xf32, #tpu.memory_space<vmem>>, vector<1x16xf32>,
      %swap3A_212 = arith.constant 0 : i32
      %swap3A_213 = arith.constant 0 : i32
      %swap3A_214 = tpu.memref_slice %arg6[%scan3A_4, %swap3A_212, %swap3A_213] : memref<3x128x128xf32, #tpu.memory_space<vmem>> -> memref<1x128x128xf32, #tpu.memory_space<vmem>>
      %swap3A_215 = tpu.memref_squeeze %swap3A_214 : memref<1x128x128xf32, #tpu.memory_space<vmem>> -> memref<128x128xf32, #tpu.memory_space<vmem>>
      %swap3A_216 = arith.index_cast %scan3A_203 : i32 to index
      %swap3A_217 = arith.constant 16 : index
      %swap3A_218 = tpu.vector_load %swap3A_215[%swap3A_216, %swap3A_217] {strides = array<i32>} : memref<128x128xf32, #tpu.memory_space<vmem>>, vector<1x16xf32>,
      %swap3A_219 = vector.shape_cast %swap3A_218 : vector<1x16xf32> to vector<16xf32>
      %swap3A_220 = vector.shape_cast %broadcast_in_dim3A_3 : vector<16xf32> to vector<1x16xf32>
      tpu.vector_store %swap3A_215[%swap3A_216, %swap3A_217], %swap3A_220 {strides = array<i32>} : memref<128x128xf32, #tpu.memory_space<vmem>>, vector<1x16xf32>,
      %swap3A_221 = arith.constant 0 : i32
      %swap3A_222 = arith.constant 0 : i32
      %swap3A_223 = tpu.memref_slice %arg6[%scan3A_4, %swap3A_221, %swap3A_222] : memref<3x128x128xf32, #tpu.memory_space<vmem>> -> memref<1x128x128xf32, #tpu.memory_space<vmem>>
      %swap3A_224 = tpu.memref_squeeze %swap3A_223 : memref<1x128x128xf32, #tpu.memory_space<vmem>> -> memref<128x128xf32, #tpu.memory_space<vmem>>
      %swap3A_225 = arith.index_cast %scan3A_203 : i32 to index
      %swap3A_226 = arith.constant 32 : index
      %swap3A_227 = tpu.vector_load %swap3A_224[%swap3A_225, %swap3A_226] {strides = array<i32>} : memref<128x128xf32, #tpu.memory_space<vmem>>, vector<1x16xf32>,
      %swap3A_228 = vector.shape_cast %swap3A_227 : vector<1x16xf32> to vector<16xf32>
      %swap3A_229 = vector.shape_cast %broadcast_in_dim3A_3 : vector<16xf32> to vector<1x16xf32>
      tpu.vector_store %swap3A_224[%swap3A_225, %swap3A_226], %swap3A_229 {strides = array<i32>} : memref<128x128xf32, #tpu.memory_space<vmem>>, vector<1x16xf32>,
      %swap3A_230 = arith.constant 0 : i32
      %swap3A_231 = arith.constant 0 : i32
      %swap3A_232 = tpu.memref_slice %arg6[%scan3A_4, %swap3A_230, %swap3A_231] : memref<3x128x128xf32, #tpu.memory_space<vmem>> -> memref<1x128x128xf32, #tpu.memory_space<vmem>>
      %swap3A_233 = tpu.memref_squeeze %swap3A_232 : memref<1x128x128xf32, #tpu.memory_space<vmem>> -> memref<128x128xf32, #tpu.memory_space<vmem>>
      %swap3A_234 = arith.index_cast %scan3A_203 : i32 to index
      %swap3A_235 = arith.constant 48 : index
      %swap3A_236 = tpu.vector_load %swap3A_233[%swap3A_234, %swap3A_235] {strides = array<i32>} : memref<128x128xf32, #tpu.memory_space<vmem>>, vector<1x16xf32>,
      %swap3A_237 = vector.shape_cast %swap3A_236 : vector<1x16xf32> to vector<16xf32>
      %swap3A_238 = vector.shape_cast %broadcast_in_dim3A_3 : vector<16xf32> to vector<1x16xf32>
      tpu.vector_store %swap3A_233[%swap3A_234, %swap3A_235], %swap3A_238 {strides = array<i32>} : memref<128x128xf32, #tpu.memory_space<vmem>>, vector<1x16xf32>,
      %swap3A_239 = arith.constant 0 : i32
      %swap3A_240 = arith.constant 0 : i32
      %swap3A_241 = tpu.memref_slice %arg6[%scan3A_4, %swap3A_239, %swap3A_240] : memref<3x128x128xf32, #tpu.memory_space<vmem>> -> memref<1x128x128xf32, #tpu.memory_space<vmem>>
      %swap3A_242 = tpu.memref_squeeze %swap3A_241 : memref<1x128x128xf32, #tpu.memory_space<vmem>> -> memref<128x128xf32, #tpu.memory_space<vmem>>
      %swap3A_243 = arith.index_cast %scan3A_203 : i32 to index
      %swap3A_244 = arith.constant 64 : index
      %swap3A_245 = tpu.vector_load %swap3A_242[%swap3A_243, %swap3A_244] {strides = array<i32>} : memref<128x128xf32, #tpu.memory_space<vmem>>, vector<1x16xf32>,
      %swap3A_246 = vector.shape_cast %swap3A_245 : vector<1x16xf32> to vector<16xf32>
      %swap3A_247 = vector.shape_cast %broadcast_in_dim3A_3 : vector<16xf32> to vector<1x16xf32>
      tpu.vector_store %swap3A_242[%swap3A_243, %swap3A_244], %swap3A_247 {strides = array<i32>} : memref<128x128xf32, #tpu.memory_space<vmem>>, vector<1x16xf32>,
      %swap3A_248 = arith.constant 0 : i32
      %swap3A_249 = arith.constant 0 : i32
      %swap3A_250 = tpu.memref_slice %arg6[%scan3A_4, %swap3A_248, %swap3A_249] : memref<3x128x128xf32, #tpu.memory_space<vmem>> -> memref<1x128x128xf32, #tpu.memory_space<vmem>>
      %swap3A_251 = tpu.memref_squeeze %swap3A_250 : memref<1x128x128xf32, #tpu.memory_space<vmem>> -> memref<128x128xf32, #tpu.memory_space<vmem>>
      %swap3A_252 = arith.index_cast %scan3A_203 : i32 to index
      %swap3A_253 = arith.constant 80 : index
      %swap3A_254 = tpu.vector_load %swap3A_251[%swap3A_252, %swap3A_253] {strides = array<i32>} : memref<128x128xf32, #tpu.memory_space<vmem>>, vector<1x16xf32>,
      %swap3A_255 = vector.shape_cast %swap3A_254 : vector<1x16xf32> to vector<16xf32>
      %swap3A_256 = vector.shape_cast %broadcast_in_dim3A_3 : vector<16xf32> to vector<1x16xf32>
      tpu.vector_store %swap3A_251[%swap3A_252, %swap3A_253], %swap3A_256 {strides = array<i32>} : memref<128x128xf32, #tpu.memory_space<vmem>>, vector<1x16xf32>,
      %swap3A_257 = arith.constant 0 : i32
      %swap3A_258 = arith.constant 0 : i32
      %swap3A_259 = tpu.memref_slice %arg6[%scan3A_4, %swap3A_257, %swap3A_258] : memref<3x128x128xf32, #tpu.memory_space<vmem>> -> memref<1x128x128xf32, #tpu.memory_space<vmem>>
      %swap3A_260 = tpu.memref_squeeze %swap3A_259 : memref<1x128x128xf32, #tpu.memory_space<vmem>> -> memref<128x128xf32, #tpu.memory_space<vmem>>
      %swap3A_261 = arith.index_cast %scan3A_203 : i32 to index
      %swap3A_262 = arith.constant 96 : index
      %swap3A_263 = tpu.vector_load %swap3A_260[%swap3A_261, %swap3A_262] {strides = array<i32>} : memref<128x128xf32, #tpu.memory_space<vmem>>, vector<1x16xf32>,
      %swap3A_264 = vector.shape_cast %swap3A_263 : vector<1x16xf32> to vector<16xf32>
      %swap3A_265 = vector.shape_cast %broadcast_in_dim3A_3 : vector<16xf32> to vector<1x16xf32>
      tpu.vector_store %swap3A_260[%swap3A_261, %swap3A_262], %swap3A_265 {strides = array<i32>} : memref<128x128xf32, #tpu.memory_space<vmem>>, vector<1x16xf32>,
      %swap3A_266 = arith.constant 0 : i32
      %swap3A_267 = arith.constant 0 : i32
      %swap3A_268 = tpu.memref_slice %arg6[%scan3A_4, %swap3A_266, %swap3A_267] : memref<3x128x128xf32, #tpu.memory_space<vmem>> -> memref<1x128x128xf32, #tpu.memory_space<vmem>>
      %swap3A_269 = tpu.memref_squeeze %swap3A_268 : memref<1x128x128xf32, #tpu.memory_space<vmem>> -> memref<128x128xf32, #tpu.memory_space<vmem>>
      %swap3A_270 = arith.index_cast %scan3A_203 : i32 to index
      %swap3A_271 = arith.constant 112 : index
      %swap3A_272 = tpu.vector_load %swap3A_269[%swap3A_270, %swap3A_271] {strides = array<i32>} : memref<128x128xf32, #tpu.memory_space<vmem>>, vector<1x16xf32>,
      %swap3A_273 = vector.shape_cast %swap3A_272 : vector<1x16xf32> to vector<16xf32>
      %swap3A_274 = vector.shape_cast %broadcast_in_dim3A_3 : vector<16xf32> to vector<1x16xf32>
      tpu.vector_store %swap3A_269[%swap3A_270, %swap3A_271], %swap3A_274 {strides = array<i32>} : memref<128x128xf32, #tpu.memory_space<vmem>>, vector<1x16xf32>,
    }
    %scan3A_9 = arith.constant 128 : i32
    %mul3A_10 = arith.constant 632 : i32
    %mul3A_11 = arith.muli %arg1, %mul3A_10 : i32
    %add3A_12 = arith.constant 0 : i32
    %add3A_13 = arith.addi %mul3A_11, %add3A_12 : i32
    %run_scoped3A = arith.constant 0 : i32
    "tpu.region"() ({
      %run_scoped3A_203 = tpu.sem_alloc : memref<!tpu.dma_semaphore, #tpu.memory_space<semaphore_mem>>
      %dma_start3A_204 = arith.constant 0 : i32
      %dma_start3A_205 = arith.constant 0 : i32
      %dma_start3A_206 = tpu.memref_slice %arg6[%run_scoped3A, %dma_start3A_204, %dma_start3A_205] : memref<3x128x128xf32, #tpu.memory_space<vmem>> -> memref<1x128x128xf32, #tpu.memory_space<vmem>>
      %dma_start3A_207 = tpu.memref_squeeze %dma_start3A_206 : memref<1x128x128xf32, #tpu.memory_space<vmem>> -> memref<128x128xf32, #tpu.memory_space<vmem>>
      %dma_start3A_208 = arith.constant 0 : i32
      %dma_start3A_209 = tpu.memref_slice %arg7[%add3A_13, %dma_start3A_208] : memref<10112x128xf32, #tpu.memory_space<vmem_shared>> -> memref<128x128xf32, #tpu.memory_space<vmem_shared>>
      %dma_start3A_210 = arith.constant 0 : i32
      %dma_start3A_211 = tpu.memref_slice %arg7[%add3A_13, %dma_start3A_210] : memref<10112x128xf32, #tpu.memory_space<vmem_shared>> -> memref<128x128xf32, #tpu.memory_space<vmem_shared>>
      %dma_start3A_212 = arith.constant 0 : i32
      %dma_start3A_213 = arith.constant 0 : i32
      %dma_start3A_214 = tpu.memref_slice %arg6[%run_scoped3A, %dma_start3A_212, %dma_start3A_213] : memref<3x128x128xf32, #tpu.memory_space<vmem>> -> memref<1x128x128xf32, #tpu.memory_space<vmem>>
      %dma_start3A_215 = tpu.memref_squeeze %dma_start3A_214 : memref<1x128x128xf32, #tpu.memory_space<vmem>> -> memref<128x128xf32, #tpu.memory_space<vmem>>
      tpu.enqueue_dma source(%dma_start3A_215 : memref<128x128xf32, #tpu.memory_space<vmem>>) target(%dma_start3A_211 : memref<128x128xf32, #tpu.memory_space<vmem_shared>>) target_semaphore(%run_scoped3A_203 : memref<!tpu.dma_semaphore, #tpu.memory_space<semaphore_mem>>)
      %dma_wait3A_216 = arith.constant 0 : i32
      %dma_wait3A_217 = arith.constant 0 : i32
      %dma_wait3A_218 = tpu.memref_slice %arg6[%run_scoped3A, %dma_wait3A_216, %dma_wait3A_217] : memref<3x128x128xf32, #tpu.memory_space<vmem>> -> memref<1x128x128xf32, #tpu.memory_space<vmem>>
      %dma_wait3A_219 = tpu.memref_squeeze %dma_wait3A_218 : memref<1x128x128xf32, #tpu.memory_space<vmem>> -> memref<128x128xf32, #tpu.memory_space<vmem>>
      %dma_wait3A_220 = arith.constant 0 : i32
      %dma_wait3A_221 = tpu.memref_slice %arg7[%add3A_13, %dma_wait3A_220] : memref<10112x128xf32, #tpu.memory_space<vmem_shared>> -> memref<128x128xf32, #tpu.memory_space<vmem_shared>>
      %dma_wait3A_222 = arith.constant 0 : i32
      %dma_wait3A_223 = tpu.memref_slice %arg7[%add3A_13, %dma_wait3A_222] : memref<10112x128xf32, #tpu.memory_space<vmem_shared>> -> memref<128x128xf32, #tpu.memory_space<vmem_shared>>
      %dma_wait3A_224 = arith.constant 0 : i32
      %dma_wait3A_225 = arith.constant 0 : i32
      %dma_wait3A_226 = tpu.memref_slice %arg6[%run_scoped3A, %dma_wait3A_224, %dma_wait3A_225] : memref<3x128x128xf32, #tpu.memory_space<vmem>> -> memref<1x128x128xf32, #tpu.memory_space<vmem>>
      %dma_wait3A_227 = tpu.memref_squeeze %dma_wait3A_226 : memref<1x128x128xf32, #tpu.memory_space<vmem>> -> memref<128x128xf32, #tpu.memory_space<vmem>>
      tpu.wait_dma2 semaphore(%run_scoped3A_203 : memref<!tpu.dma_semaphore, #tpu.memory_space<semaphore_mem>>) src(%dma_wait3A_227 : memref<128x128xf32, #tpu.memory_space<vmem>>) dst(%dma_wait3A_223 : memref<128x128xf32, #tpu.memory_space<vmem_shared>>)
      tpu.yield
    }) : () -> ()
    %mul3A_14 = arith.constant 632 : i32
    %mul3A_15 = arith.muli %arg1, %mul3A_14 : i32
    %add3A_16 = arith.constant 128 : i32
    %add3A_17 = arith.addi %mul3A_15, %add3A_16 : i32
    %run_scoped3A_18 = arith.constant 0 : i32
    "tpu.region"() ({
      %run_scoped3A_203 = tpu.sem_alloc : memref<!tpu.dma_semaphore, #tpu.memory_space<semaphore_mem>>
      %dma_start3A_204 = arith.constant 0 : i32
      %dma_start3A_205 = arith.constant 0 : i32
      %dma_start3A_206 = tpu.memref_slice %arg6[%run_scoped3A_18, %dma_start3A_204, %dma_start3A_205] : memref<3x128x128xf32, #tpu.memory_space<vmem>> -> memref<1x128x128xf32, #tpu.memory_space<vmem>>
      %dma_start3A_207 = tpu.memref_squeeze %dma_start3A_206 : memref<1x128x128xf32, #tpu.memory_space<vmem>> -> memref<128x128xf32, #tpu.memory_space<vmem>>
      %dma_start3A_208 = arith.constant 0 : i32
      %dma_start3A_209 = tpu.memref_slice %arg7[%add3A_17, %dma_start3A_208] : memref<10112x128xf32, #tpu.memory_space<vmem_shared>> -> memref<128x128xf32, #tpu.memory_space<vmem_shared>>
      %dma_start3A_210 = arith.constant 0 : i32
      %dma_start3A_211 = tpu.memref_slice %arg7[%add3A_17, %dma_start3A_210] : memref<10112x128xf32, #tpu.memory_space<vmem_shared>> -> memref<128x128xf32, #tpu.memory_space<vmem_shared>>
      %dma_start3A_212 = arith.constant 0 : i32
      %dma_start3A_213 = arith.constant 0 : i32
      %dma_start3A_214 = tpu.memref_slice %arg6[%run_scoped3A_18, %dma_start3A_212, %dma_start3A_213] : memref<3x128x128xf32, #tpu.memory_space<vmem>> -> memref<1x128x128xf32, #tpu.memory_space<vmem>>
      %dma_start3A_215 = tpu.memref_squeeze %dma_start3A_214 : memref<1x128x128xf32, #tpu.memory_space<vmem>> -> memref<128x128xf32, #tpu.memory_space<vmem>>
      tpu.enqueue_dma source(%dma_start3A_215 : memref<128x128xf32, #tpu.memory_space<vmem>>) target(%dma_start3A_211 : memref<128x128xf32, #tpu.memory_space<vmem_shared>>) target_semaphore(%run_scoped3A_203 : memref<!tpu.dma_semaphore, #tpu.memory_space<semaphore_mem>>)
      %dma_wait3A_216 = arith.constant 0 : i32
      %dma_wait3A_217 = arith.constant 0 : i32
      %dma_wait3A_218 = tpu.memref_slice %arg6[%run_scoped3A_18, %dma_wait3A_216, %dma_wait3A_217] : memref<3x128x128xf32, #tpu.memory_space<vmem>> -> memref<1x128x128xf32, #tpu.memory_space<vmem>>
      %dma_wait3A_219 = tpu.memref_squeeze %dma_wait3A_218 : memref<1x128x128xf32, #tpu.memory_space<vmem>> -> memref<128x128xf32, #tpu.memory_space<vmem>>
      %dma_wait3A_220 = arith.constant 0 : i32
      %dma_wait3A_221 = tpu.memref_slice %arg7[%add3A_17, %dma_wait3A_220] : memref<10112x128xf32, #tpu.memory_space<vmem_shared>> -> memref<128x128xf32, #tpu.memory_space<vmem_shared>>
      %dma_wait3A_222 = arith.constant 0 : i32
      %dma_wait3A_223 = tpu.memref_slice %arg7[%add3A_17, %dma_wait3A_222] : memref<10112x128xf32, #tpu.memory_space<vmem_shared>> -> memref<128x128xf32, #tpu.memory_space<vmem_shared>>
      %dma_wait3A_224 = arith.constant 0 : i32
      %dma_wait3A_225 = arith.constant 0 : i32
      %dma_wait3A_226 = tpu.memref_slice %arg6[%run_scoped3A_18, %dma_wait3A_224, %dma_wait3A_225] : memref<3x128x128xf32, #tpu.memory_space<vmem>> -> memref<1x128x128xf32, #tpu.memory_space<vmem>>
      %dma_wait3A_227 = tpu.memref_squeeze %dma_wait3A_226 : memref<1x128x128xf32, #tpu.memory_space<vmem>> -> memref<128x128xf32, #tpu.memory_space<vmem>>
      tpu.wait_dma2 semaphore(%run_scoped3A_203 : memref<!tpu.dma_semaphore, #tpu.memory_space<semaphore_mem>>) src(%dma_wait3A_227 : memref<128x128xf32, #tpu.memory_space<vmem>>) dst(%dma_wait3A_223 : memref<128x128xf32, #tpu.memory_space<vmem_shared>>)
      tpu.yield
    }) : () -> ()
    %mul3A_19 = arith.constant 632 : i32
    %mul3A_20 = arith.muli %arg1, %mul3A_19 : i32
    %add3A_21 = arith.constant 256 : i32
    %add3A_22 = arith.addi %mul3A_20, %add3A_21 : i32
    %run_scoped3A_23 = arith.constant 0 : i32
    "tpu.region"() ({
      %run_scoped3A_203 = tpu.sem_alloc : memref<!tpu.dma_semaphore, #tpu.memory_space<semaphore_mem>>
      %dma_start3A_204 = arith.constant 0 : i32
      %dma_start3A_205 = arith.constant 0 : i32
      %dma_start3A_206 = tpu.memref_slice %arg6[%run_scoped3A_23, %dma_start3A_204, %dma_start3A_205] : memref<3x128x128xf32, #tpu.memory_space<vmem>> -> memref<1x128x128xf32, #tpu.memory_space<vmem>>
      %dma_start3A_207 = tpu.memref_squeeze %dma_start3A_206 : memref<1x128x128xf32, #tpu.memory_space<vmem>> -> memref<128x128xf32, #tpu.memory_space<vmem>>
      %dma_start3A_208 = arith.constant 0 : i32
      %dma_start3A_209 = tpu.memref_slice %arg7[%add3A_22, %dma_start3A_208] : memref<10112x128xf32, #tpu.memory_space<vmem_shared>> -> memref<128x128xf32, #tpu.memory_space<vmem_shared>>
      %dma_start3A_210 = arith.constant 0 : i32
      %dma_start3A_211 = tpu.memref_slice %arg7[%add3A_22, %dma_start3A_210] : memref<10112x128xf32, #tpu.memory_space<vmem_shared>> -> memref<128x128xf32, #tpu.memory_space<vmem_shared>>
      %dma_start3A_212 = arith.constant 0 : i32
      %dma_start3A_213 = arith.constant 0 : i32
      %dma_start3A_214 = tpu.memref_slice %arg6[%run_scoped3A_23, %dma_start3A_212, %dma_start3A_213] : memref<3x128x128xf32, #tpu.memory_space<vmem>> -> memref<1x128x128xf32, #tpu.memory_space<vmem>>
      %dma_start3A_215 = tpu.memref_squeeze %dma_start3A_214 : memref<1x128x128xf32, #tpu.memory_space<vmem>> -> memref<128x128xf32, #tpu.memory_space<vmem>>
      tpu.enqueue_dma source(%dma_start3A_215 : memref<128x128xf32, #tpu.memory_space<vmem>>) target(%dma_start3A_211 : memref<128x128xf32, #tpu.memory_space<vmem_shared>>) target_semaphore(%run_scoped3A_203 : memref<!tpu.dma_semaphore, #tpu.memory_space<semaphore_mem>>)
      %dma_wait3A_216 = arith.constant 0 : i32
      %dma_wait3A_217 = arith.constant 0 : i32
      %dma_wait3A_218 = tpu.memref_slice %arg6[%run_scoped3A_23, %dma_wait3A_216, %dma_wait3A_217] : memref<3x128x128xf32, #tpu.memory_space<vmem>> -> memref<1x128x128xf32, #tpu.memory_space<vmem>>
      %dma_wait3A_219 = tpu.memref_squeeze %dma_wait3A_218 : memref<1x128x128xf32, #tpu.memory_space<vmem>> -> memref<128x128xf32, #tpu.memory_space<vmem>>
      %dma_wait3A_220 = arith.constant 0 : i32
      %dma_wait3A_221 = tpu.memref_slice %arg7[%add3A_22, %dma_wait3A_220] : memref<10112x128xf32, #tpu.memory_space<vmem_shared>> -> memref<128x128xf32, #tpu.memory_space<vmem_shared>>
      %dma_wait3A_222 = arith.constant 0 : i32
      %dma_wait3A_223 = tpu.memref_slice %arg7[%add3A_22, %dma_wait3A_222] : memref<10112x128xf32, #tpu.memory_space<vmem_shared>> -> memref<128x128xf32, #tpu.memory_space<vmem_shared>>
      %dma_wait3A_224 = arith.constant 0 : i32
      %dma_wait3A_225 = arith.constant 0 : i32
      %dma_wait3A_226 = tpu.memref_slice %arg6[%run_scoped3A_23, %dma_wait3A_224, %dma_wait3A_225] : memref<3x128x128xf32, #tpu.memory_space<vmem>> -> memref<1x128x128xf32, #tpu.memory_space<vmem>>
      %dma_wait3A_227 = tpu.memref_squeeze %dma_wait3A_226 : memref<1x128x128xf32, #tpu.memory_space<vmem>> -> memref<128x128xf32, #tpu.memory_space<vmem>>
      tpu.wait_dma2 semaphore(%run_scoped3A_203 : memref<!tpu.dma_semaphore, #tpu.memory_space<semaphore_mem>>) src(%dma_wait3A_227 : memref<128x128xf32, #tpu.memory_space<vmem>>) dst(%dma_wait3A_223 : memref<128x128xf32, #tpu.memory_space<vmem_shared>>)
      tpu.yield
    }) : () -> ()
    %mul3A_24 = arith.constant 632 : i32
    %mul3A_25 = arith.muli %arg1, %mul3A_24 : i32
    %add3A_26 = arith.constant 384 : i32
    %add3A_27 = arith.addi %mul3A_25, %add3A_26 : i32
    %run_scoped3A_28 = arith.constant 0 : i32
    "tpu.region"() ({
      %run_scoped3A_203 = tpu.sem_alloc : memref<!tpu.dma_semaphore, #tpu.memory_space<semaphore_mem>>
      %dma_start3A_204 = arith.constant 0 : i32
      %dma_start3A_205 = arith.constant 0 : i32
      %dma_start3A_206 = tpu.memref_slice %arg6[%run_scoped3A_28, %dma_start3A_204, %dma_start3A_205] : memref<3x128x128xf32, #tpu.memory_space<vmem>> -> memref<1x128x128xf32, #tpu.memory_space<vmem>>
      %dma_start3A_207 = tpu.memref_squeeze %dma_start3A_206 : memref<1x128x128xf32, #tpu.memory_space<vmem>> -> memref<128x128xf32, #tpu.memory_space<vmem>>
      %dma_start3A_208 = arith.constant 0 : i32
      %dma_start3A_209 = tpu.memref_slice %arg7[%add3A_27, %dma_start3A_208] : memref<10112x128xf32, #tpu.memory_space<vmem_shared>> -> memref<128x128xf32, #tpu.memory_space<vmem_shared>>
      %dma_start3A_210 = arith.constant 0 : i32
      %dma_start3A_211 = tpu.memref_slice %arg7[%add3A_27, %dma_start3A_210] : memref<10112x128xf32, #tpu.memory_space<vmem_shared>> -> memref<128x128xf32, #tpu.memory_space<vmem_shared>>
      %dma_start3A_212 = arith.constant 0 : i32
      %dma_start3A_213 = arith.constant 0 : i32
      %dma_start3A_214 = tpu.memref_slice %arg6[%run_scoped3A_28, %dma_start3A_212, %dma_start3A_213] : memref<3x128x128xf32, #tpu.memory_space<vmem>> -> memref<1x128x128xf32, #tpu.memory_space<vmem>>
      %dma_start3A_215 = tpu.memref_squeeze %dma_start3A_214 : memref<1x128x128xf32, #tpu.memory_space<vmem>> -> memref<128x128xf32, #tpu.memory_space<vmem>>
      tpu.enqueue_dma source(%dma_start3A_215 : memref<128x128xf32, #tpu.memory_space<vmem>>) target(%dma_start3A_211 : memref<128x128xf32, #tpu.memory_space<vmem_shared>>) target_semaphore(%run_scoped3A_203 : memref<!tpu.dma_semaphore, #tpu.memory_space<semaphore_mem>>)
      %dma_wait3A_216 = arith.constant 0 : i32
      %dma_wait3A_217 = arith.constant 0 : i32
      %dma_wait3A_218 = tpu.memref_slice %arg6[%run_scoped3A_28, %dma_wait3A_216, %dma_wait3A_217] : memref<3x128x128xf32, #tpu.memory_space<vmem>> -> memref<1x128x128xf32, #tpu.memory_space<vmem>>
      %dma_wait3A_219 = tpu.memref_squeeze %dma_wait3A_218 : memref<1x128x128xf32, #tpu.memory_space<vmem>> -> memref<128x128xf32, #tpu.memory_space<vmem>>
      %dma_wait3A_220 = arith.constant 0 : i32
      %dma_wait3A_221 = tpu.memref_slice %arg7[%add3A_27, %dma_wait3A_220] : memref<10112x128xf32, #tpu.memory_space<vmem_shared>> -> memref<128x128xf32, #tpu.memory_space<vmem_shared>>
      %dma_wait3A_222 = arith.constant 0 : i32
      %dma_wait3A_223 = tpu.memref_slice %arg7[%add3A_27, %dma_wait3A_222] : memref<10112x128xf32, #tpu.memory_space<vmem_shared>> -> memref<128x128xf32, #tpu.memory_space<vmem_shared>>
      %dma_wait3A_224 = arith.constant 0 : i32
      %dma_wait3A_225 = arith.constant 0 : i32
      %dma_wait3A_226 = tpu.memref_slice %arg6[%run_scoped3A_28, %dma_wait3A_224, %dma_wait3A_225] : memref<3x128x128xf32, #tpu.memory_space<vmem>> -> memref<1x128x128xf32, #tpu.memory_space<vmem>>
      %dma_wait3A_227 = tpu.memref_squeeze %dma_wait3A_226 : memref<1x128x128xf32, #tpu.memory_space<vmem>> -> memref<128x128xf32, #tpu.memory_space<vmem>>
      tpu.wait_dma2 semaphore(%run_scoped3A_203 : memref<!tpu.dma_semaphore, #tpu.memory_space<semaphore_mem>>) src(%dma_wait3A_227 : memref<128x128xf32, #tpu.memory_space<vmem>>) dst(%dma_wait3A_223 : memref<128x128xf32, #tpu.memory_space<vmem_shared>>)
      tpu.yield
    }) : () -> ()
    %mul3A_29 = arith.constant 632 : i32
    %mul3A_30 = arith.muli %arg1, %mul3A_29 : i32
    %add3A_31 = arith.constant 512 : i32
    %add3A_32 = arith.addi %mul3A_30, %add3A_31 : i32
    %run_scoped3A_33 = arith.constant 0 : i32
    "tpu.region"() ({
      %run_scoped3A_203 = tpu.sem_alloc : memref<!tpu.dma_semaphore, #tpu.memory_space<semaphore_mem>>
      %dma_start3A_204 = arith.constant 0 : i32
      %dma_start3A_205 = arith.constant 0 : i32
      %dma_start3A_206 = tpu.memref_slice %arg6[%run_scoped3A_33, %dma_start3A_204, %dma_start3A_205] : memref<3x128x128xf32, #tpu.memory_space<vmem>> -> memref<1x120x128xf32, #tpu.memory_space<vmem>>
      %dma_start3A_207 = tpu.memref_squeeze %dma_start3A_206 : memref<1x120x128xf32, #tpu.memory_space<vmem>> -> memref<120x128xf32, #tpu.memory_space<vmem>>
      %dma_start3A_208 = arith.constant 0 : i32
      %dma_start3A_209 = tpu.memref_slice %arg7[%add3A_32, %dma_start3A_208] : memref<10112x128xf32, #tpu.memory_space<vmem_shared>> -> memref<120x128xf32, #tpu.memory_space<vmem_shared>>
      %dma_start3A_210 = arith.constant 0 : i32
      %dma_start3A_211 = tpu.memref_slice %arg7[%add3A_32, %dma_start3A_210] : memref<10112x128xf32, #tpu.memory_space<vmem_shared>> -> memref<120x128xf32, #tpu.memory_space<vmem_shared>>
      %dma_start3A_212 = arith.constant 0 : i32
      %dma_start3A_213 = arith.constant 0 : i32
      %dma_start3A_214 = tpu.memref_slice %arg6[%run_scoped3A_33, %dma_start3A_212, %dma_start3A_213] : memref<3x128x128xf32, #tpu.memory_space<vmem>> -> memref<1x120x128xf32, #tpu.memory_space<vmem>>
      %dma_start3A_215 = tpu.memref_squeeze %dma_start3A_214 : memref<1x120x128xf32, #tpu.memory_space<vmem>> -> memref<120x128xf32, #tpu.memory_space<vmem>>
      tpu.enqueue_dma source(%dma_start3A_215 : memref<120x128xf32, #tpu.memory_space<vmem>>) target(%dma_start3A_211 : memref<120x128xf32, #tpu.memory_space<vmem_shared>>) target_semaphore(%run_scoped3A_203 : memref<!tpu.dma_semaphore, #tpu.memory_space<semaphore_mem>>)
      %dma_wait3A_216 = arith.constant 0 : i32
      %dma_wait3A_217 = arith.constant 0 : i32
      %dma_wait3A_218 = tpu.memref_slice %arg6[%run_scoped3A_33, %dma_wait3A_216, %dma_wait3A_217] : memref<3x128x128xf32, #tpu.memory_space<vmem>> -> memref<1x120x128xf32, #tpu.memory_space<vmem>>
      %dma_wait3A_219 = tpu.memref_squeeze %dma_wait3A_218 : memref<1x120x128xf32, #tpu.memory_space<vmem>> -> memref<120x128xf32, #tpu.memory_space<vmem>>
      %dma_wait3A_220 = arith.constant 0 : i32
      %dma_wait3A_221 = tpu.memref_slice %arg7[%add3A_32, %dma_wait3A_220] : memref<10112x128xf32, #tpu.memory_space<vmem_shared>> -> memref<120x128xf32, #tpu.memory_space<vmem_shared>>
      %dma_wait3A_222 = arith.constant 0 : i32
      %dma_wait3A_223 = tpu.memref_slice %arg7[%add3A_32, %dma_wait3A_222] : memref<10112x128xf32, #tpu.memory_space<vmem_shared>> -> memref<120x128xf32, #tpu.memory_space<vmem_shared>>
      %dma_wait3A_224 = arith.constant 0 : i32
      %dma_wait3A_225 = arith.constant 0 : i32
      %dma_wait3A_226 = tpu.memref_slice %arg6[%run_scoped3A_33, %dma_wait3A_224, %dma_wait3A_225] : memref<3x128x128xf32, #tpu.memory_space<vmem>> -> memref<1x120x128xf32, #tpu.memory_space<vmem>>
      %dma_wait3A_227 = tpu.memref_squeeze %dma_wait3A_226 : memref<1x120x128xf32, #tpu.memory_space<vmem>> -> memref<120x128xf32, #tpu.memory_space<vmem>>
      tpu.wait_dma2 semaphore(%run_scoped3A_203 : memref<!tpu.dma_semaphore, #tpu.memory_space<semaphore_mem>>) src(%dma_wait3A_227 : memref<120x128xf32, #tpu.memory_space<vmem>>) dst(%dma_wait3A_223 : memref<120x128xf32, #tpu.memory_space<vmem_shared>>)
      tpu.yield
    }) : () -> ()
    %barrier3A = arith.constant 0 : index
    tpu.barrier barrier_id(%barrier3A)
    %run_scoped3A_34 = arith.constant 0 : i32
    "tpu.region"() ({
      %run_scoped3A_203 = tpu.sem_alloc : memref<!tpu.dma_semaphore, #tpu.memory_space<semaphore_mem>>
      %dma_start3A_204 = arith.constant 0 : i32
      %dma_start3A_205 = arith.constant 0 : i32
      %dma_start3A_206 = tpu.memref_slice %arg5[%run_scoped3A_34, %dma_start3A_204, %dma_start3A_205] : memref<3x2x128xi32, #tpu.memory_space<vmem>> -> memref<1x2x128xi32, #tpu.memory_space<vmem>>
      %dma_start3A_207 = tpu.memref_squeeze %dma_start3A_206 : memref<1x2x128xi32, #tpu.memory_space<vmem>> -> memref<2x128xi32, #tpu.memory_space<vmem>>
      %dma_start3A_208 = arith.constant 0 : i32
      %dma_start3A_209 = arith.constant 0 : i32
      %dma_start3A_210 = tpu.memref_slice %arg2[%mul3A_2, %dma_start3A_208, %dma_start3A_209] : memref<2592x2x128xi32, #tpu.memory_space<hbm>> -> memref<1x2x128xi32, #tpu.memory_space<hbm>>
      %dma_start3A_211 = tpu.memref_squeeze %dma_start3A_210 : memref<1x2x128xi32, #tpu.memory_space<hbm>> -> memref<2x128xi32, #tpu.memory_space<hbm>>
      %dma_start3A_212 = arith.constant 0 : i32
      %dma_start3A_213 = arith.constant 0 : i32
      %dma_start3A_214 = tpu.memref_slice %arg5[%run_scoped3A_34, %dma_start3A_212, %dma_start3A_213] : memref<3x2x128xi32, #tpu.memory_space<vmem>> -> memref<1x2x128xi32, #tpu.memory_space<vmem>>
      %dma_start3A_215 = tpu.memref_squeeze %dma_start3A_214 : memref<1x2x128xi32, #tpu.memory_space<vmem>> -> memref<2x128xi32, #tpu.memory_space<vmem>>
      %dma_start3A_216 = arith.constant 0 : i32
      %dma_start3A_217 = arith.constant 0 : i32
      %dma_start3A_218 = tpu.memref_slice %arg2[%mul3A_2, %dma_start3A_216, %dma_start3A_217] : memref<2592x2x128xi32, #tpu.memory_space<hbm>> -> memref<1x2x128xi32, #tpu.memory_space<hbm>>
      %dma_start3A_219 = tpu.memref_squeeze %dma_start3A_218 : memref<1x2x128xi32, #tpu.memory_space<hbm>> -> memref<2x128xi32, #tpu.memory_space<hbm>>
      tpu.enqueue_dma source(%dma_start3A_219 : memref<2x128xi32, #tpu.memory_space<hbm>>) target(%dma_start3A_215 : memref<2x128xi32, #tpu.memory_space<vmem>>) target_semaphore(%run_scoped3A_203 : memref<!tpu.dma_semaphore, #tpu.memory_space<semaphore_mem>>)
      %dma_wait3A_220 = arith.constant 0 : i32
      %dma_wait3A_221 = arith.constant 0 : i32
      %dma_wait3A_222 = tpu.memref_slice %arg5[%run_scoped3A_34, %dma_wait3A_220, %dma_wait3A_221] : memref<3x2x128xi32, #tpu.memory_space<vmem>> -> memref<1x2x128xi32, #tpu.memory_space<vmem>>
      %dma_wait3A_223 = tpu.memref_squeeze %dma_wait3A_222 : memref<1x2x128xi32, #tpu.memory_space<vmem>> -> memref<2x128xi32, #tpu.memory_space<vmem>>
      %dma_wait3A_224 = arith.constant 0 : i32
      %dma_wait3A_225 = arith.constant 0 : i32
      %dma_wait3A_226 = tpu.memref_slice %arg2[%mul3A_2, %dma_wait3A_224, %dma_wait3A_225] : memref<2592x2x128xi32, #tpu.memory_space<hbm>> -> memref<1x2x128xi32, #tpu.memory_space<hbm>>
      %dma_wait3A_227 = tpu.memref_squeeze %dma_wait3A_226 : memref<1x2x128xi32, #tpu.memory_space<hbm>> -> memref<2x128xi32, #tpu.memory_space<hbm>>
      %dma_wait3A_228 = arith.constant 0 : i32
      %dma_wait3A_229 = arith.constant 0 : i32
      %dma_wait3A_230 = tpu.memref_slice %arg5[%run_scoped3A_34, %dma_wait3A_228, %dma_wait3A_229] : memref<3x2x128xi32, #tpu.memory_space<vmem>> -> memref<1x2x128xi32, #tpu.memory_space<vmem>>
      %dma_wait3A_231 = tpu.memref_squeeze %dma_wait3A_230 : memref<1x2x128xi32, #tpu.memory_space<vmem>> -> memref<2x128xi32, #tpu.memory_space<vmem>>
      %dma_wait3A_232 = arith.constant 0 : i32
      %dma_wait3A_233 = arith.constant 0 : i32
      %dma_wait3A_234 = tpu.memref_slice %arg2[%mul3A_2, %dma_wait3A_232, %dma_wait3A_233] : memref<2592x2x128xi32, #tpu.memory_space<hbm>> -> memref<1x2x128xi32, #tpu.memory_space<hbm>>
      %dma_wait3A_235 = tpu.memref_squeeze %dma_wait3A_234 : memref<1x2x128xi32, #tpu.memory_space<hbm>> -> memref<2x128xi32, #tpu.memory_space<hbm>>
      tpu.wait_dma2 semaphore(%run_scoped3A_203 : memref<!tpu.dma_semaphore, #tpu.memory_space<semaphore_mem>>) src(%dma_wait3A_235 : memref<2x128xi32, #tpu.memory_space<hbm>>) dst(%dma_wait3A_231 : memref<2x128xi32, #tpu.memory_space<vmem>>)
      tpu.yield
    }) : () -> ()
    %add3A_35 = arith.constant 1 : i32
    %add3A_36 = arith.addi %mul3A_2, %add3A_35 : i32
    %dma_start3A = arith.constant 1 : i32
    %dma_start3A_37 = arith.constant 0 : i32
    %dma_start3A_38 = arith.constant 0 : i32
    %dma_start3A_39 = tpu.memref_slice %arg5[%dma_start3A, %dma_start3A_37, %dma_start3A_38] : memref<3x2x128xi32, #tpu.memory_space<vmem>> -> memref<1x2x128xi32, #tpu.memory_space<vmem>>
    %dma_start3A_40 = tpu.memref_squeeze %dma_start3A_39 : memref<1x2x128xi32, #tpu.memory_space<vmem>> -> memref<2x128xi32, #tpu.memory_space<vmem>>
    %dma_start3A_41 = arith.constant 0 : i32
    %dma_start3A_42 = arith.constant 0 : i32
    %dma_start3A_43 = tpu.memref_slice %arg2[%add3A_36, %dma_start3A_41, %dma_start3A_42] : memref<2592x2x128xi32, #tpu.memory_space<hbm>> -> memref<1x2x128xi32, #tpu.memory_space<hbm>>
    %dma_start3A_44 = tpu.memref_squeeze %dma_start3A_43 : memref<1x2x128xi32, #tpu.memory_space<hbm>> -> memref<2x128xi32, #tpu.memory_space<hbm>>
    %dma_start3A_45 = arith.constant 0 : i32
    %dma_start3A_46 = arith.constant 0 : i32
    %dma_start3A_47 = tpu.memref_slice %arg5[%dma_start3A, %dma_start3A_45, %dma_start3A_46] : memref<3x2x128xi32, #tpu.memory_space<vmem>> -> memref<1x2x128xi32, #tpu.memory_space<vmem>>
    %dma_start3A_48 = tpu.memref_squeeze %dma_start3A_47 : memref<1x2x128xi32, #tpu.memory_space<vmem>> -> memref<2x128xi32, #tpu.memory_space<vmem>>
    %dma_start3A_49 = arith.constant 0 : i32
    %dma_start3A_50 = arith.constant 0 : i32
    %dma_start3A_51 = tpu.memref_slice %arg2[%add3A_36, %dma_start3A_49, %dma_start3A_50] : memref<2592x2x128xi32, #tpu.memory_space<hbm>> -> memref<1x2x128xi32, #tpu.memory_space<hbm>>
    %dma_start3A_52 = tpu.memref_squeeze %dma_start3A_51 : memref<1x2x128xi32, #tpu.memory_space<hbm>> -> memref<2x128xi32, #tpu.memory_space<hbm>>
    tpu.enqueue_dma source(%dma_start3A_52 : memref<2x128xi32, #tpu.memory_space<hbm>>) target(%dma_start3A_48 : memref<2x128xi32, #tpu.memory_space<vmem>>) target_semaphore(%arg9 : memref<!tpu.dma_semaphore, #tpu.memory_space<semaphore_mem>>)
    %add3A_53 = arith.constant 2 : i32
    %add3A_54 = arith.addi %mul3A_2, %add3A_53 : i32
    %dma_start3A_55 = arith.constant 2 : i32
    %dma_start3A_56 = arith.constant 0 : i32
    %dma_start3A_57 = arith.constant 0 : i32
    %dma_start3A_58 = tpu.memref_slice %arg5[%dma_start3A_55, %dma_start3A_56, %dma_start3A_57] : memref<3x2x128xi32, #tpu.memory_space<vmem>> -> memref<1x2x128xi32, #tpu.memory_space<vmem>>
    %dma_start3A_59 = tpu.memref_squeeze %dma_start3A_58 : memref<1x2x128xi32, #tpu.memory_space<vmem>> -> memref<2x128xi32, #tpu.memory_space<vmem>>
    %dma_start3A_60 = arith.constant 0 : i32
    %dma_start3A_61 = arith.constant 0 : i32
    %dma_start3A_62 = tpu.memref_slice %arg2[%add3A_54, %dma_start3A_60, %dma_start3A_61] : memref<2592x2x128xi32, #tpu.memory_space<hbm>> -> memref<1x2x128xi32, #tpu.memory_space<hbm>>
    %dma_start3A_63 = tpu.memref_squeeze %dma_start3A_62 : memref<1x2x128xi32, #tpu.memory_space<hbm>> -> memref<2x128xi32, #tpu.memory_space<hbm>>
    %dma_start3A_64 = arith.constant 0 : i32
    %dma_start3A_65 = arith.constant 0 : i32
    %dma_start3A_66 = tpu.memref_slice %arg5[%dma_start3A_55, %dma_start3A_64, %dma_start3A_65] : memref<3x2x128xi32, #tpu.memory_space<vmem>> -> memref<1x2x128xi32, #tpu.memory_space<vmem>>
    %dma_start3A_67 = tpu.memref_squeeze %dma_start3A_66 : memref<1x2x128xi32, #tpu.memory_space<vmem>> -> memref<2x128xi32, #tpu.memory_space<vmem>>
    %dma_start3A_68 = arith.constant 0 : i32
    %dma_start3A_69 = arith.constant 0 : i32
    %dma_start3A_70 = tpu.memref_slice %arg2[%add3A_54, %dma_start3A_68, %dma_start3A_69] : memref<2592x2x128xi32, #tpu.memory_space<hbm>> -> memref<1x2x128xi32, #tpu.memory_space<hbm>>
    %dma_start3A_71 = tpu.memref_squeeze %dma_start3A_70 : memref<1x2x128xi32, #tpu.memory_space<hbm>> -> memref<2x128xi32, #tpu.memory_space<hbm>>
    tpu.enqueue_dma source(%dma_start3A_71 : memref<2x128xi32, #tpu.memory_space<hbm>>) target(%dma_start3A_67 : memref<2x128xi32, #tpu.memory_space<vmem>>) target_semaphore(%arg10 : memref<!tpu.dma_semaphore, #tpu.memory_space<semaphore_mem>>)
    %dma_start3A_72 = arith.constant 0 : i32
    %dma_start3A_73 = arith.constant 0 : i32
    %dma_start3A_74 = arith.constant 0 : i32
    %dma_start3A_75 = arith.constant 0 : i32
    %dma_start3A_76 = arith.constant 0 : i32
    %dma_start3A_77 = tpu.memref_slice %arg6[%dma_start3A_74, %dma_start3A_75, %dma_start3A_76] : memref<3x128x128xf32, #tpu.memory_space<vmem>> -> memref<1x128x128xf32, #tpu.memory_space<vmem>>
    %dma_start3A_78 = tpu.memref_squeeze %dma_start3A_77 : memref<1x128x128xf32, #tpu.memory_space<vmem>> -> memref<128x128xf32, #tpu.memory_space<vmem>>
    %dma_start3A_79 = arith.constant 0 : i32
    %dma_start3A_80 = tpu.memref_slice %arg5[%dma_start3A_72, %dma_start3A_73, %dma_start3A_79] : memref<3x2x128xi32, #tpu.memory_space<vmem>> -> memref<1x1x128xi32, #tpu.memory_space<vmem>>
    %dma_start3A_81 = tpu.memref_squeeze %dma_start3A_80 : memref<1x1x128xi32, #tpu.memory_space<vmem>> -> memref<128xi32, #tpu.memory_space<vmem>>
    %dma_start3A_82 = arith.constant 0 : i32
    %dma_start3A_83 = arith.constant 0 : i32
    %dma_start3A_84 = tpu.memref_slice %arg3[%dma_start3A_82, %dma_start3A_83] : memref<10112x128xf32, #tpu.memory_space<hbm>> -> memref<10112x128xf32, #tpu.memory_space<hbm>>
    tpu.enqueue_indirect_dma source(%dma_start3A_84 : memref<10112x128xf32, #tpu.memory_space<hbm>>) target(%dma_start3A_78 : memref<128x128xf32, #tpu.memory_space<vmem>>) offsets(%dma_start3A_81 : memref<128xi32, #tpu.memory_space<vmem>>) semaphore(%arg11 : memref<!tpu.dma_semaphore, #tpu.memory_space<semaphore_mem>>)
    %dma_wait3A = arith.constant 1 : i32
    %dma_wait3A_85 = arith.constant 0 : i32
    %dma_wait3A_86 = arith.constant 0 : i32
    %dma_wait3A_87 = tpu.memref_slice %arg5[%dma_wait3A, %dma_wait3A_85, %dma_wait3A_86] : memref<3x2x128xi32, #tpu.memory_space<vmem>> -> memref<1x2x128xi32, #tpu.memory_space<vmem>>
    %dma_wait3A_88 = tpu.memref_squeeze %dma_wait3A_87 : memref<1x2x128xi32, #tpu.memory_space<vmem>> -> memref<2x128xi32, #tpu.memory_space<vmem>>
    %dma_wait3A_89 = arith.constant 0 : i32
    %dma_wait3A_90 = arith.constant 0 : i32
    %dma_wait3A_91 = tpu.memref_slice %arg2[%mul3A_2, %dma_wait3A_89, %dma_wait3A_90] : memref<2592x2x128xi32, #tpu.memory_space<hbm>> -> memref<1x2x128xi32, #tpu.memory_space<hbm>>
    %dma_wait3A_92 = tpu.memref_squeeze %dma_wait3A_91 : memref<1x2x128xi32, #tpu.memory_space<hbm>> -> memref<2x128xi32, #tpu.memory_space<hbm>>
    %dma_wait3A_93 = arith.constant 0 : i32
    %dma_wait3A_94 = arith.constant 0 : i32
    %dma_wait3A_95 = tpu.memref_slice %arg5[%dma_wait3A, %dma_wait3A_93, %dma_wait3A_94] : memref<3x2x128xi32, #tpu.memory_space<vmem>> -> memref<1x2x128xi32, #tpu.memory_space<vmem>>
    %dma_wait3A_96 = tpu.memref_squeeze %dma_wait3A_95 : memref<1x2x128xi32, #tpu.memory_space<vmem>> -> memref<2x128xi32, #tpu.memory_space<vmem>>
    %dma_wait3A_97 = arith.constant 0 : i32
    %dma_wait3A_98 = arith.constant 0 : i32
    %dma_wait3A_99 = tpu.memref_slice %arg2[%mul3A_2, %dma_wait3A_97, %dma_wait3A_98] : memref<2592x2x128xi32, #tpu.memory_space<hbm>> -> memref<1x2x128xi32, #tpu.memory_space<hbm>>
    %dma_wait3A_100 = tpu.memref_squeeze %dma_wait3A_99 : memref<1x2x128xi32, #tpu.memory_space<hbm>> -> memref<2x128xi32, #tpu.memory_space<hbm>>
    tpu.wait_dma2 semaphore(%arg9 : memref<!tpu.dma_semaphore, #tpu.memory_space<semaphore_mem>>) src(%dma_wait3A_100 : memref<2x128xi32, #tpu.memory_space<hbm>>) dst(%dma_wait3A_96 : memref<2x128xi32, #tpu.memory_space<vmem>>)
    %dma_start3A_101 = arith.constant 1 : i32
    %dma_start3A_102 = arith.constant 0 : i32
    %dma_start3A_103 = arith.constant 1 : i32
    %dma_start3A_104 = arith.constant 0 : i32
    %dma_start3A_105 = arith.constant 0 : i32
    %dma_start3A_106 = tpu.memref_slice %arg6[%dma_start3A_103, %dma_start3A_104, %dma_start3A_105] : memref<3x128x128xf32, #tpu.memory_space<vmem>> -> memref<1x128x128xf32, #tpu.memory_space<vmem>>
    %dma_start3A_107 = tpu.memref_squeeze %dma_start3A_106 : memref<1x128x128xf32, #tpu.memory_space<vmem>> -> memref<128x128xf32, #tpu.memory_space<vmem>>
    %dma_start3A_108 = arith.constant 0 : i32
    %dma_start3A_109 = tpu.memref_slice %arg5[%dma_start3A_101, %dma_start3A_102, %dma_start3A_108] : memref<3x2x128xi32, #tpu.memory_space<vmem>> -> memref<1x1x128xi32, #tpu.memory_space<vmem>>
    %dma_start3A_110 = tpu.memref_squeeze %dma_start3A_109 : memref<1x1x128xi32, #tpu.memory_space<vmem>> -> memref<128xi32, #tpu.memory_space<vmem>>
    %dma_start3A_111 = arith.constant 0 : i32
    %dma_start3A_112 = arith.constant 0 : i32
    %dma_start3A_113 = tpu.memref_slice %arg3[%dma_start3A_111, %dma_start3A_112] : memref<10112x128xf32, #tpu.memory_space<hbm>> -> memref<10112x128xf32, #tpu.memory_space<hbm>>
    tpu.enqueue_indirect_dma source(%dma_start3A_113 : memref<10112x128xf32, #tpu.memory_space<hbm>>) target(%dma_start3A_107 : memref<128x128xf32, #tpu.memory_space<vmem>>) offsets(%dma_start3A_110 : memref<128xi32, #tpu.memory_space<vmem>>) semaphore(%arg12 : memref<!tpu.dma_semaphore, #tpu.memory_space<semaphore_mem>>)
    %scan3A_114 = arith.constant 0 : i32
    %scan3A_115 = arith.constant 0 : i32
    %scan3A_116 = arith.constant 26 : i32
    %scan3A_117 = arith.addi %scan3A_115, %scan3A_116 : i32
    %scan3A_118 = arith.constant 1 : i32
    scf.for %scan3A_203 = %scan3A_115 to %scan3A_117 step %scan3A_118  : i32 {
      %mul3A_204 = arith.constant 3 : i32
      %mul3A_205 = arith.muli %mul3A_204, %scan3A_203 : i32
      %add3A_206 = arith.constant 0 : i32
      %add3A_207 = arith.addi %mul3A_205, %add3A_206 : i32
      %dma_wait3A_208 = arith.constant 0 : i32
      %dma_wait3A_209 = arith.constant 0 : i32
      %dma_wait3A_210 = arith.constant 0 : i32
      %dma_wait3A_211 = arith.constant 0 : i32
      %dma_wait3A_212 = arith.constant 0 : i32
      %dma_wait3A_213 = tpu.memref_slice %arg6[%dma_wait3A_210, %dma_wait3A_211, %dma_wait3A_212] : memref<3x128x128xf32, #tpu.memory_space<vmem>> -> memref<1x128x128xf32, #tpu.memory_space<vmem>>
      %dma_wait3A_214 = tpu.memref_squeeze %dma_wait3A_213 : memref<1x128x128xf32, #tpu.memory_space<vmem>> -> memref<128x128xf32, #tpu.memory_space<vmem>>
      %dma_wait3A_215 = arith.constant 0 : i32
      %dma_wait3A_216 = tpu.memref_slice %arg5[%dma_wait3A_208, %dma_wait3A_209, %dma_wait3A_215] : memref<3x2x128xi32, #tpu.memory_space<vmem>> -> memref<1x1x128xi32, #tpu.memory_space<vmem>>
      %dma_wait3A_217 = tpu.memref_squeeze %dma_wait3A_216 : memref<1x1x128xi32, #tpu.memory_space<vmem>> -> memref<128xi32, #tpu.memory_space<vmem>>
      %dma_wait3A_218 = arith.constant 0 : i32
      %dma_wait3A_219 = arith.constant 0 : i32
      %dma_wait3A_220 = tpu.memref_slice %arg3[%dma_wait3A_218, %dma_wait3A_219] : memref<10112x128xf32, #tpu.memory_space<hbm>> -> memref<10112x128xf32, #tpu.memory_space<hbm>>
      tpu.wait_indirect_dma semaphore(%arg11 : memref<!tpu.dma_semaphore, #tpu.memory_space<semaphore_mem>>) src(%dma_wait3A_220 : memref<10112x128xf32, #tpu.memory_space<hbm>>) dst(%dma_wait3A_214 : memref<128x128xf32, #tpu.memory_space<vmem>>)
      %dma_wait3A_221 = arith.constant 2 : i32
      %dma_wait3A_222 = arith.constant 0 : i32
      %dma_wait3A_223 = arith.constant 0 : i32
      %dma_wait3A_224 = tpu.memref_slice %arg5[%dma_wait3A_221, %dma_wait3A_222, %dma_wait3A_223] : memref<3x2x128xi32, #tpu.memory_space<vmem>> -> memref<1x2x128xi32, #tpu.memory_space<vmem>>
      %dma_wait3A_225 = tpu.memref_squeeze %dma_wait3A_224 : memref<1x2x128xi32, #tpu.memory_space<vmem>> -> memref<2x128xi32, #tpu.memory_space<vmem>>
      %dma_wait3A_226 = arith.constant 0 : i32
      %dma_wait3A_227 = arith.constant 0 : i32
      %dma_wait3A_228 = tpu.memref_slice %arg2[%mul3A_2, %dma_wait3A_226, %dma_wait3A_227] : memref<2592x2x128xi32, #tpu.memory_space<hbm>> -> memref<1x2x128xi32, #tpu.memory_space<hbm>>
      %dma_wait3A_229 = tpu.memref_squeeze %dma_wait3A_228 : memref<1x2x128xi32, #tpu.memory_space<hbm>> -> memref<2x128xi32, #tpu.memory_space<hbm>>
      %dma_wait3A_230 = arith.constant 0 : i32
      %dma_wait3A_231 = arith.constant 0 : i32
      %dma_wait3A_232 = tpu.memref_slice %arg5[%dma_wait3A_221, %dma_wait3A_230, %dma_wait3A_231] : memref<3x2x128xi32, #tpu.memory_space<vmem>> -> memref<1x2x128xi32, #tpu.memory_space<vmem>>
      %dma_wait3A_233 = tpu.memref_squeeze %dma_wait3A_232 : memref<1x2x128xi32, #tpu.memory_space<vmem>> -> memref<2x128xi32, #tpu.memory_space<vmem>>
      %dma_wait3A_234 = arith.constant 0 : i32
      %dma_wait3A_235 = arith.constant 0 : i32
      %dma_wait3A_236 = tpu.memref_slice %arg2[%mul3A_2, %dma_wait3A_234, %dma_wait3A_235] : memref<2592x2x128xi32, #tpu.memory_space<hbm>> -> memref<1x2x128xi32, #tpu.memory_space<hbm>>
      %dma_wait3A_237 = tpu.memref_squeeze %dma_wait3A_236 : memref<1x2x128xi32, #tpu.memory_space<hbm>> -> memref<2x128xi32, #tpu.memory_space<hbm>>
      tpu.wait_dma2 semaphore(%arg10 : memref<!tpu.dma_semaphore, #tpu.memory_space<semaphore_mem>>) src(%dma_wait3A_237 : memref<2x128xi32, #tpu.memory_space<hbm>>) dst(%dma_wait3A_233 : memref<2x128xi32, #tpu.memory_space<vmem>>)
      %dma_start3A_238 = arith.constant 2 : i32
      %dma_start3A_239 = arith.constant 0 : i32
      %dma_start3A_240 = arith.constant 2 : i32
      %dma_start3A_241 = arith.constant 0 : i32
      %dma_start3A_242 = arith.constant 0 : i32
      %dma_start3A_243 = tpu.memref_slice %arg6[%dma_start3A_240, %dma_start3A_241, %dma_start3A_242] : memref<3x128x128xf32, #tpu.memory_space<vmem>> -> memref<1x128x128xf32, #tpu.memory_space<vmem>>
      %dma_start3A_244 = tpu.memref_squeeze %dma_start3A_243 : memref<1x128x128xf32, #tpu.memory_space<vmem>> -> memref<128x128xf32, #tpu.memory_space<vmem>>
      %dma_start3A_245 = arith.constant 0 : i32
      %dma_start3A_246 = tpu.memref_slice %arg5[%dma_start3A_238, %dma_start3A_239, %dma_start3A_245] : memref<3x2x128xi32, #tpu.memory_space<vmem>> -> memref<1x1x128xi32, #tpu.memory_space<vmem>>
      %dma_start3A_247 = tpu.memref_squeeze %dma_start3A_246 : memref<1x1x128xi32, #tpu.memory_space<vmem>> -> memref<128xi32, #tpu.memory_space<vmem>>
      %dma_start3A_248 = arith.constant 0 : i32
      %dma_start3A_249 = arith.constant 0 : i32
      %dma_start3A_250 = tpu.memref_slice %arg3[%dma_start3A_248, %dma_start3A_249] : memref<10112x128xf32, #tpu.memory_space<hbm>> -> memref<10112x128xf32, #tpu.memory_space<hbm>>
      tpu.enqueue_indirect_dma source(%dma_start3A_250 : memref<10112x128xf32, #tpu.memory_space<hbm>>) target(%dma_start3A_244 : memref<128x128xf32, #tpu.memory_space<vmem>>) offsets(%dma_start3A_247 : memref<128xi32, #tpu.memory_space<vmem>>) semaphore(%arg13 : memref<!tpu.dma_semaphore, #tpu.memory_space<semaphore_mem>>)
      %run_scoped3A_251 = arith.constant 0 : i32
      %run_scoped3A_252 = arith.constant 0 : i32
      %run_scoped3A_253 = arith.constant 1 : i32
      "tpu.region"() ({
        %run_scoped3A_414 = tpu.sem_alloc : memref<!tpu.dma_semaphore, #tpu.memory_space<semaphore_mem>>
        %dma_start3A_415 = arith.constant 0 : i32
        %dma_start3A_416 = arith.constant 0 : i32
        %dma_start3A_417 = tpu.memref_slice %arg6[%run_scoped3A_251, %dma_start3A_415, %dma_start3A_416] : memref<3x128x128xf32, #tpu.memory_space<vmem>> -> memref<1x128x128xf32, #tpu.memory_space<vmem>>
        %dma_start3A_418 = tpu.memref_squeeze %dma_start3A_417 : memref<1x128x128xf32, #tpu.memory_space<vmem>> -> memref<128x128xf32, #tpu.memory_space<vmem>>
        %dma_start3A_419 = arith.constant 0 : i32
        %dma_start3A_420 = tpu.memref_slice %arg5[%run_scoped3A_252, %run_scoped3A_253, %dma_start3A_419] : memref<3x2x128xi32, #tpu.memory_space<vmem>> -> memref<1x1x128xi32, #tpu.memory_space<vmem>>
        %dma_start3A_421 = tpu.memref_squeeze %dma_start3A_420 : memref<1x1x128xi32, #tpu.memory_space<vmem>> -> memref<128xi32, #tpu.memory_space<vmem>>
        %dma_start3A_422 = arith.constant 0 : i32
        %dma_start3A_423 = arith.constant 0 : i32
        %dma_start3A_424 = tpu.memref_slice %arg7[%dma_start3A_422, %dma_start3A_423] : memref<10112x128xf32, #tpu.memory_space<vmem_shared>> -> memref<10112x128xf32, #tpu.memory_space<vmem_shared>>
        tpu.enqueue_indirect_dma source(%dma_start3A_418 : memref<128x128xf32, #tpu.memory_space<vmem>>) target(%dma_start3A_424 : memref<10112x128xf32, #tpu.memory_space<vmem_shared>>) offsets(%dma_start3A_421 : memref<128xi32, #tpu.memory_space<vmem>>) semaphore(%run_scoped3A_414 : memref<!tpu.dma_semaphore, #tpu.memory_space<semaphore_mem>>) {add = true}
        %dma_wait3A_425 = arith.constant 0 : i32
        %dma_wait3A_426 = arith.constant 0 : i32
        %dma_wait3A_427 = tpu.memref_slice %arg6[%run_scoped3A_251, %dma_wait3A_425, %dma_wait3A_426] : memref<3x128x128xf32, #tpu.memory_space<vmem>> -> memref<1x128x128xf32, #tpu.memory_space<vmem>>
        %dma_wait3A_428 = tpu.memref_squeeze %dma_wait3A_427 : memref<1x128x128xf32, #tpu.memory_space<vmem>> -> memref<128x128xf32, #tpu.memory_space<vmem>>
        %dma_wait3A_429 = arith.constant 0 : i32
        %dma_wait3A_430 = tpu.memref_slice %arg5[%run_scoped3A_252, %run_scoped3A_253, %dma_wait3A_429] : memref<3x2x128xi32, #tpu.memory_space<vmem>> -> memref<1x1x128xi32, #tpu.memory_space<vmem>>
        %dma_wait3A_431 = tpu.memref_squeeze %dma_wait3A_430 : memref<1x1x128xi32, #tpu.memory_space<vmem>> -> memref<128xi32, #tpu.memory_space<vmem>>
        %dma_wait3A_432 = arith.constant 0 : i32
        %dma_wait3A_433 = arith.constant 0 : i32
        %dma_wait3A_434 = tpu.memref_slice %arg7[%dma_wait3A_432, %dma_wait3A_433] : memref<10112x128xf32, #tpu.memory_space<vmem_shared>> -> memref<10112x128xf32, #tpu.memory_space<vmem_shared>>
        tpu.wait_indirect_dma semaphore(%run_scoped3A_414 : memref<!tpu.dma_semaphore, #tpu.memory_space<semaphore_mem>>) src(%dma_wait3A_428 : memref<128x128xf32, #tpu.memory_space<vmem>>) dst(%dma_wait3A_434 : memref<10112x128xf32, #tpu.memory_space<vmem_shared>>)
        tpu.yield
      }) : () -> ()
      %add3A_254 = arith.addi %mul3A_2, %add3A_207 : i32
      %add3A_255 = arith.constant 3 : i32
      %add3A_256 = arith.addi %add3A_254, %add3A_255 : i32
      %dma_start3A_257 = arith.constant 0 : i32
      %dma_start3A_258 = arith.constant 0 : i32
      %dma_start3A_259 = arith.constant 0 : i32
      %dma_start3A_260 = tpu.memref_slice %arg5[%dma_start3A_257, %dma_start3A_258, %dma_start3A_259] : memref<3x2x128xi32, #tpu.memory_space<vmem>> -> memref<1x2x128xi32, #tpu.memory_space<vmem>>
      %dma_start3A_261 = tpu.memref_squeeze %dma_start3A_260 : memref<1x2x128xi32, #tpu.memory_space<vmem>> -> memref<2x128xi32, #tpu.memory_space<vmem>>
      %dma_start3A_262 = arith.constant 0 : i32
      %dma_start3A_263 = arith.constant 0 : i32
      %dma_start3A_264 = tpu.memref_slice %arg2[%add3A_256, %dma_start3A_262, %dma_start3A_263] : memref<2592x2x128xi32, #tpu.memory_space<hbm>> -> memref<1x2x128xi32, #tpu.memory_space<hbm>>
      %dma_start3A_265 = tpu.memref_squeeze %dma_start3A_264 : memref<1x2x128xi32, #tpu.memory_space<hbm>> -> memref<2x128xi32, #tpu.memory_space<hbm>>
      %dma_start3A_266 = arith.constant 0 : i32
      %dma_start3A_267 = arith.constant 0 : i32
      %dma_start3A_268 = tpu.memref_slice %arg5[%dma_start3A_257, %dma_start3A_266, %dma_start3A_267] : memref<3x2x128xi32, #tpu.memory_space<vmem>> -> memref<1x2x128xi32, #tpu.memory_space<vmem>>
      %dma_start3A_269 = tpu.memref_squeeze %dma_start3A_268 : memref<1x2x128xi32, #tpu.memory_space<vmem>> -> memref<2x128xi32, #tpu.memory_space<vmem>>
      %dma_start3A_270 = arith.constant 0 : i32
      %dma_start3A_271 = arith.constant 0 : i32
      %dma_start3A_272 = tpu.memref_slice %arg2[%add3A_256, %dma_start3A_270, %dma_start3A_271] : memref<2592x2x128xi32, #tpu.memory_space<hbm>> -> memref<1x2x128xi32, #tpu.memory_space<hbm>>
      %dma_start3A_273 = tpu.memref_squeeze %dma_start3A_272 : memref<1x2x128xi32, #tpu.memory_space<hbm>> -> memref<2x128xi32, #tpu.memory_space<hbm>>
      tpu.enqueue_dma source(%dma_start3A_273 : memref<2x128xi32, #tpu.memory_space<hbm>>) target(%dma_start3A_269 : memref<2x128xi32, #tpu.memory_space<vmem>>) target_semaphore(%arg8 : memref<!tpu.dma_semaphore, #tpu.memory_space<semaphore_mem>>)
      %mul3A_274 = arith.constant 3 : i32
      %mul3A_275 = arith.muli %mul3A_274, %scan3A_203 : i32
      %add3A_276 = arith.constant 1 : i32
      %add3A_277 = arith.addi %mul3A_275, %add3A_276 : i32
      %dma_wait3A_278 = arith.constant 1 : i32
      %dma_wait3A_279 = arith.constant 0 : i32
      %dma_wait3A_280 = arith.constant 1 : i32
      %dma_wait3A_281 = arith.constant 0 : i32
      %dma_wait3A_282 = arith.constant 0 : i32
      %dma_wait3A_283 = tpu.memref_slice %arg6[%dma_wait3A_280, %dma_wait3A_281, %dma_wait3A_282] : memref<3x128x128xf32, #tpu.memory_space<vmem>> -> memref<1x128x128xf32, #tpu.memory_space<vmem>>
      %dma_wait3A_284 = tpu.memref_squeeze %dma_wait3A_283 : memref<1x128x128xf32, #tpu.memory_space<vmem>> -> memref<128x128xf32, #tpu.memory_space<vmem>>
      %dma_wait3A_285 = arith.constant 0 : i32
      %dma_wait3A_286 = tpu.memref_slice %arg5[%dma_wait3A_278, %dma_wait3A_279, %dma_wait3A_285] : memref<3x2x128xi32, #tpu.memory_space<vmem>> -> memref<1x1x128xi32, #tpu.memory_space<vmem>>
      %dma_wait3A_287 = tpu.memref_squeeze %dma_wait3A_286 : memref<1x1x128xi32, #tpu.memory_space<vmem>> -> memref<128xi32, #tpu.memory_space<vmem>>
      %dma_wait3A_288 = arith.constant 0 : i32
      %dma_wait3A_289 = arith.constant 0 : i32
      %dma_wait3A_290 = tpu.memref_slice %arg3[%dma_wait3A_288, %dma_wait3A_289] : memref<10112x128xf32, #tpu.memory_space<hbm>> -> memref<10112x128xf32, #tpu.memory_space<hbm>>
      tpu.wait_indirect_dma semaphore(%arg12 : memref<!tpu.dma_semaphore, #tpu.memory_space<semaphore_mem>>) src(%dma_wait3A_290 : memref<10112x128xf32, #tpu.memory_space<hbm>>) dst(%dma_wait3A_284 : memref<128x128xf32, #tpu.memory_space<vmem>>)
      %dma_wait3A_291 = arith.constant 0 : i32
      %dma_wait3A_292 = arith.constant 0 : i32
      %dma_wait3A_293 = arith.constant 0 : i32
      %dma_wait3A_294 = tpu.memref_slice %arg5[%dma_wait3A_291, %dma_wait3A_292, %dma_wait3A_293] : memref<3x2x128xi32, #tpu.memory_space<vmem>> -> memref<1x2x128xi32, #tpu.memory_space<vmem>>
      %dma_wait3A_295 = tpu.memref_squeeze %dma_wait3A_294 : memref<1x2x128xi32, #tpu.memory_space<vmem>> -> memref<2x128xi32, #tpu.memory_space<vmem>>
      %dma_wait3A_296 = arith.constant 0 : i32
      %dma_wait3A_297 = arith.constant 0 : i32
      %dma_wait3A_298 = tpu.memref_slice %arg2[%mul3A_2, %dma_wait3A_296, %dma_wait3A_297] : memref<2592x2x128xi32, #tpu.memory_space<hbm>> -> memref<1x2x128xi32, #tpu.memory_space<hbm>>
      %dma_wait3A_299 = tpu.memref_squeeze %dma_wait3A_298 : memref<1x2x128xi32, #tpu.memory_space<hbm>> -> memref<2x128xi32, #tpu.memory_space<hbm>>
      %dma_wait3A_300 = arith.constant 0 : i32
      %dma_wait3A_301 = arith.constant 0 : i32
      %dma_wait3A_302 = tpu.memref_slice %arg5[%dma_wait3A_291, %dma_wait3A_300, %dma_wait3A_301] : memref<3x2x128xi32, #tpu.memory_space<vmem>> -> memref<1x2x128xi32, #tpu.memory_space<vmem>>
      %dma_wait3A_303 = tpu.memref_squeeze %dma_wait3A_302 : memref<1x2x128xi32, #tpu.memory_space<vmem>> -> memref<2x128xi32, #tpu.memory_space<vmem>>
      %dma_wait3A_304 = arith.constant 0 : i32
      %dma_wait3A_305 = arith.constant 0 : i32
      %dma_wait3A_306 = tpu.memref_slice %arg2[%mul3A_2, %dma_wait3A_304, %dma_wait3A_305] : memref<2592x2x128xi32, #tpu.memory_space<hbm>> -> memref<1x2x128xi32, #tpu.memory_space<hbm>>
      %dma_wait3A_307 = tpu.memref_squeeze %dma_wait3A_306 : memref<1x2x128xi32, #tpu.memory_space<hbm>> -> memref<2x128xi32, #tpu.memory_space<hbm>>
      tpu.wait_dma2 semaphore(%arg8 : memref<!tpu.dma_semaphore, #tpu.memory_space<semaphore_mem>>) src(%dma_wait3A_307 : memref<2x128xi32, #tpu.memory_space<hbm>>) dst(%dma_wait3A_303 : memref<2x128xi32, #tpu.memory_space<vmem>>)
      %dma_start3A_308 = arith.constant 0 : i32
      %dma_start3A_309 = arith.constant 0 : i32
      %dma_start3A_310 = arith.constant 0 : i32
      %dma_start3A_311 = arith.constant 0 : i32
      %dma_start3A_312 = arith.constant 0 : i32
      %dma_start3A_313 = tpu.memref_slice %arg6[%dma_start3A_310, %dma_start3A_311, %dma_start3A_312] : memref<3x128x128xf32, #tpu.memory_space<vmem>> -> memref<1x128x128xf32, #tpu.memory_space<vmem>>
      %dma_start3A_314 = tpu.memref_squeeze %dma_start3A_313 : memref<1x128x128xf32, #tpu.memory_space<vmem>> -> memref<128x128xf32, #tpu.memory_space<vmem>>
      %dma_start3A_315 = arith.constant 0 : i32
      %dma_start3A_316 = tpu.memref_slice %arg5[%dma_start3A_308, %dma_start3A_309, %dma_start3A_315] : memref<3x2x128xi32, #tpu.memory_space<vmem>> -> memref<1x1x128xi32, #tpu.memory_space<vmem>>
      %dma_start3A_317 = tpu.memref_squeeze %dma_start3A_316 : memref<1x1x128xi32, #tpu.memory_space<vmem>> -> memref<128xi32, #tpu.memory_space<vmem>>
      %dma_start3A_318 = arith.constant 0 : i32
      %dma_start3A_319 = arith.constant 0 : i32
      %dma_start3A_320 = tpu.memref_slice %arg3[%dma_start3A_318, %dma_start3A_319] : memref<10112x128xf32, #tpu.memory_space<hbm>> -> memref<10112x128xf32, #tpu.memory_space<hbm>>
      tpu.enqueue_indirect_dma source(%dma_start3A_320 : memref<10112x128xf32, #tpu.memory_space<hbm>>) target(%dma_start3A_314 : memref<128x128xf32, #tpu.memory_space<vmem>>) offsets(%dma_start3A_317 : memref<128xi32, #tpu.memory_space<vmem>>) semaphore(%arg11 : memref<!tpu.dma_semaphore, #tpu.memory_space<semaphore_mem>>)
      %run_scoped3A_321 = arith.constant 1 : i32
      %run_scoped3A_322 = arith.constant 1 : i32
      %run_scoped3A_323 = arith.constant 1 : i32
      "tpu.region"() ({
        %run_scoped3A_414 = tpu.sem_alloc : memref<!tpu.dma_semaphore, #tpu.memory_space<semaphore_mem>>
        %dma_start3A_415 = arith.constant 0 : i32
        %dma_start3A_416 = arith.constant 0 : i32
        %dma_start3A_417 = tpu.memref_slice %arg6[%run_scoped3A_321, %dma_start3A_415, %dma_start3A_416] : memref<3x128x128xf32, #tpu.memory_space<vmem>> -> memref<1x128x128xf32, #tpu.memory_space<vmem>>
        %dma_start3A_418 = tpu.memref_squeeze %dma_start3A_417 : memref<1x128x128xf32, #tpu.memory_space<vmem>> -> memref<128x128xf32, #tpu.memory_space<vmem>>
        %dma_start3A_419 = arith.constant 0 : i32
        %dma_start3A_420 = tpu.memref_slice %arg5[%run_scoped3A_322, %run_scoped3A_323, %dma_start3A_419] : memref<3x2x128xi32, #tpu.memory_space<vmem>> -> memref<1x1x128xi32, #tpu.memory_space<vmem>>
        %dma_start3A_421 = tpu.memref_squeeze %dma_start3A_420 : memref<1x1x128xi32, #tpu.memory_space<vmem>> -> memref<128xi32, #tpu.memory_space<vmem>>
        %dma_start3A_422 = arith.constant 0 : i32
        %dma_start3A_423 = arith.constant 0 : i32
        %dma_start3A_424 = tpu.memref_slice %arg7[%dma_start3A_422, %dma_start3A_423] : memref<10112x128xf32, #tpu.memory_space<vmem_shared>> -> memref<10112x128xf32, #tpu.memory_space<vmem_shared>>
        tpu.enqueue_indirect_dma source(%dma_start3A_418 : memref<128x128xf32, #tpu.memory_space<vmem>>) target(%dma_start3A_424 : memref<10112x128xf32, #tpu.memory_space<vmem_shared>>) offsets(%dma_start3A_421 : memref<128xi32, #tpu.memory_space<vmem>>) semaphore(%run_scoped3A_414 : memref<!tpu.dma_semaphore, #tpu.memory_space<semaphore_mem>>) {add = true}
        %dma_wait3A_425 = arith.constant 0 : i32
        %dma_wait3A_426 = arith.constant 0 : i32
        %dma_wait3A_427 = tpu.memref_slice %arg6[%run_scoped3A_321, %dma_wait3A_425, %dma_wait3A_426] : memref<3x128x128xf32, #tpu.memory_space<vmem>> -> memref<1x128x128xf32, #tpu.memory_space<vmem>>
        %dma_wait3A_428 = tpu.memref_squeeze %dma_wait3A_427 : memref<1x128x128xf32, #tpu.memory_space<vmem>> -> memref<128x128xf32, #tpu.memory_space<vmem>>
        %dma_wait3A_429 = arith.constant 0 : i32
        %dma_wait3A_430 = tpu.memref_slice %arg5[%run_scoped3A_322, %run_scoped3A_323, %dma_wait3A_429] : memref<3x2x128xi32, #tpu.memory_space<vmem>> -> memref<1x1x128xi32, #tpu.memory_space<vmem>>
        %dma_wait3A_431 = tpu.memref_squeeze %dma_wait3A_430 : memref<1x1x128xi32, #tpu.memory_space<vmem>> -> memref<128xi32, #tpu.memory_space<vmem>>
        %dma_wait3A_432 = arith.constant 0 : i32
        %dma_wait3A_433 = arith.constant 0 : i32
        %dma_wait3A_434 = tpu.memref_slice %arg7[%dma_wait3A_432, %dma_wait3A_433] : memref<10112x128xf32, #tpu.memory_space<vmem_shared>> -> memref<10112x128xf32, #tpu.memory_space<vmem_shared>>
        tpu.wait_indirect_dma semaphore(%run_scoped3A_414 : memref<!tpu.dma_semaphore, #tpu.memory_space<semaphore_mem>>) src(%dma_wait3A_428 : memref<128x128xf32, #tpu.memory_space<vmem>>) dst(%dma_wait3A_434 : memref<10112x128xf32, #tpu.memory_space<vmem_shared>>)
        tpu.yield
      }) : () -> ()
      %add3A_324 = arith.addi %mul3A_2, %add3A_277 : i32
      %add3A_325 = arith.constant 3 : i32
      %add3A_326 = arith.addi %add3A_324, %add3A_325 : i32
      %dma_start3A_327 = arith.constant 1 : i32
      %dma_start3A_328 = arith.constant 0 : i32
      %dma_start3A_329 = arith.constant 0 : i32
      %dma_start3A_330 = tpu.memref_slice %arg5[%dma_start3A_327, %dma_start3A_328, %dma_start3A_329] : memref<3x2x128xi32, #tpu.memory_space<vmem>> -> memref<1x2x128xi32, #tpu.memory_space<vmem>>
      %dma_start3A_331 = tpu.memref_squeeze %dma_start3A_330 : memref<1x2x128xi32, #tpu.memory_space<vmem>> -> memref<2x128xi32, #tpu.memory_space<vmem>>
      %dma_start3A_332 = arith.constant 0 : i32
      %dma_start3A_333 = arith.constant 0 : i32
      %dma_start3A_334 = tpu.memref_slice %arg2[%add3A_326, %dma_start3A_332, %dma_start3A_333] : memref<2592x2x128xi32, #tpu.memory_space<hbm>> -> memref<1x2x128xi32, #tpu.memory_space<hbm>>
      %dma_start3A_335 = tpu.memref_squeeze %dma_start3A_334 : memref<1x2x128xi32, #tpu.memory_space<hbm>> -> memref<2x128xi32, #tpu.memory_space<hbm>>
      %dma_start3A_336 = arith.constant 0 : i32
      %dma_start3A_337 = arith.constant 0 : i32
      %dma_start3A_338 = tpu.memref_slice %arg5[%dma_start3A_327, %dma_start3A_336, %dma_start3A_337] : memref<3x2x128xi32, #tpu.memory_space<vmem>> -> memref<1x2x128xi32, #tpu.memory_space<vmem>>
      %dma_start3A_339 = tpu.memref_squeeze %dma_start3A_338 : memref<1x2x128xi32, #tpu.memory_space<vmem>> -> memref<2x128xi32, #tpu.memory_space<vmem>>
      %dma_start3A_340 = arith.constant 0 : i32
      %dma_start3A_341 = arith.constant 0 : i32
      %dma_start3A_342 = tpu.memref_slice %arg2[%add3A_326, %dma_start3A_340, %dma_start3A_341] : memref<2592x2x128xi32, #tpu.memory_space<hbm>> -> memref<1x2x128xi32, #tpu.memory_space<hbm>>
      %dma_start3A_343 = tpu.memref_squeeze %dma_start3A_342 : memref<1x2x128xi32, #tpu.memory_space<hbm>> -> memref<2x128xi32, #tpu.memory_space<hbm>>
      tpu.enqueue_dma source(%dma_start3A_343 : memref<2x128xi32, #tpu.memory_space<hbm>>) target(%dma_start3A_339 : memref<2x128xi32, #tpu.memory_space<vmem>>) target_semaphore(%arg9 : memref<!tpu.dma_semaphore, #tpu.memory_space<semaphore_mem>>)
      %mul3A_344 = arith.constant 3 : i32
      %mul3A_345 = arith.muli %mul3A_344, %scan3A_203 : i32
      %add3A_346 = arith.constant 2 : i32
      %add3A_347 = arith.addi %mul3A_345, %add3A_346 : i32
      %dma_wait3A_348 = arith.constant 2 : i32
      %dma_wait3A_349 = arith.constant 0 : i32
      %dma_wait3A_350 = arith.constant 2 : i32
      %dma_wait3A_351 = arith.constant 0 : i32
      %dma_wait3A_352 = arith.constant 0 : i32
      %dma_wait3A_353 = tpu.memref_slice %arg6[%dma_wait3A_350, %dma_wait3A_351, %dma_wait3A_352] : memref<3x128x128xf32, #tpu.memory_space<vmem>> -> memref<1x128x128xf32, #tpu.memory_space<vmem>>
      %dma_wait3A_354 = tpu.memref_squeeze %dma_wait3A_353 : memref<1x128x128xf32, #tpu.memory_space<vmem>> -> memref<128x128xf32, #tpu.memory_space<vmem>>
      %dma_wait3A_355 = arith.constant 0 : i32
      %dma_wait3A_356 = tpu.memref_slice %arg5[%dma_wait3A_348, %dma_wait3A_349, %dma_wait3A_355] : memref<3x2x128xi32, #tpu.memory_space<vmem>> -> memref<1x1x128xi32, #tpu.memory_space<vmem>>
      %dma_wait3A_357 = tpu.memref_squeeze %dma_wait3A_356 : memref<1x1x128xi32, #tpu.memory_space<vmem>> -> memref<128xi32, #tpu.memory_space<vmem>>
      %dma_wait3A_358 = arith.constant 0 : i32
      %dma_wait3A_359 = arith.constant 0 : i32
      %dma_wait3A_360 = tpu.memref_slice %arg3[%dma_wait3A_358, %dma_wait3A_359] : memref<10112x128xf32, #tpu.memory_space<hbm>> -> memref<10112x128xf32, #tpu.memory_space<hbm>>
      tpu.wait_indirect_dma semaphore(%arg13 : memref<!tpu.dma_semaphore, #tpu.memory_space<semaphore_mem>>) src(%dma_wait3A_360 : memref<10112x128xf32, #tpu.memory_space<hbm>>) dst(%dma_wait3A_354 : memref<128x128xf32, #tpu.memory_space<vmem>>)
      %dma_wait3A_361 = arith.constant 1 : i32
      %dma_wait3A_362 = arith.constant 0 : i32
      %dma_wait3A_363 = arith.constant 0 : i32
      %dma_wait3A_364 = tpu.memref_slice %arg5[%dma_wait3A_361, %dma_wait3A_362, %dma_wait3A_363] : memref<3x2x128xi32, #tpu.memory_space<vmem>> -> memref<1x2x128xi32, #tpu.memory_space<vmem>>
      %dma_wait3A_365 = tpu.memref_squeeze %dma_wait3A_364 : memref<1x2x128xi32, #tpu.memory_space<vmem>> -> memref<2x128xi32, #tpu.memory_space<vmem>>
      %dma_wait3A_366 = arith.constant 0 : i32
      %dma_wait3A_367 = arith.constant 0 : i32
      %dma_wait3A_368 = tpu.memref_slice %arg2[%mul3A_2, %dma_wait3A_366, %dma_wait3A_367] : memref<2592x2x128xi32, #tpu.memory_space<hbm>> -> memref<1x2x128xi32, #tpu.memory_space<hbm>>
      %dma_wait3A_369 = tpu.memref_squeeze %dma_wait3A_368 : memref<1x2x128xi32, #tpu.memory_space<hbm>> -> memref<2x128xi32, #tpu.memory_space<hbm>>
      %dma_wait3A_370 = arith.constant 0 : i32
      %dma_wait3A_371 = arith.constant 0 : i32
      %dma_wait3A_372 = tpu.memref_slice %arg5[%dma_wait3A_361, %dma_wait3A_370, %dma_wait3A_371] : memref<3x2x128xi32, #tpu.memory_space<vmem>> -> memref<1x2x128xi32, #tpu.memory_space<vmem>>
      %dma_wait3A_373 = tpu.memref_squeeze %dma_wait3A_372 : memref<1x2x128xi32, #tpu.memory_space<vmem>> -> memref<2x128xi32, #tpu.memory_space<vmem>>
      %dma_wait3A_374 = arith.constant 0 : i32
      %dma_wait3A_375 = arith.constant 0 : i32
      %dma_wait3A_376 = tpu.memref_slice %arg2[%mul3A_2, %dma_wait3A_374, %dma_wait3A_375] : memref<2592x2x128xi32, #tpu.memory_space<hbm>> -> memref<1x2x128xi32, #tpu.memory_space<hbm>>
      %dma_wait3A_377 = tpu.memref_squeeze %dma_wait3A_376 : memref<1x2x128xi32, #tpu.memory_space<hbm>> -> memref<2x128xi32, #tpu.memory_space<hbm>>
      tpu.wait_dma2 semaphore(%arg9 : memref<!tpu.dma_semaphore, #tpu.memory_space<semaphore_mem>>) src(%dma_wait3A_377 : memref<2x128xi32, #tpu.memory_space<hbm>>) dst(%dma_wait3A_373 : memref<2x128xi32, #tpu.memory_space<vmem>>)
      %dma_start3A_378 = arith.constant 1 : i32
      %dma_start3A_379 = arith.constant 0 : i32
      %dma_start3A_380 = arith.constant 1 : i32
      %dma_start3A_381 = arith.constant 0 : i32
      %dma_start3A_382 = arith.constant 0 : i32
      %dma_start3A_383 = tpu.memref_slice %arg6[%dma_start3A_380, %dma_start3A_381, %dma_start3A_382] : memref<3x128x128xf32, #tpu.memory_space<vmem>> -> memref<1x128x128xf32, #tpu.memory_space<vmem>>
      %dma_start3A_384 = tpu.memref_squeeze %dma_start3A_383 : memref<1x128x128xf32, #tpu.memory_space<vmem>> -> memref<128x128xf32, #tpu.memory_space<vmem>>
      %dma_start3A_385 = arith.constant 0 : i32
      %dma_start3A_386 = tpu.memref_slice %arg5[%dma_start3A_378, %dma_start3A_379, %dma_start3A_385] : memref<3x2x128xi32, #tpu.memory_space<vmem>> -> memref<1x1x128xi32, #tpu.memory_space<vmem>>
      %dma_start3A_387 = tpu.memref_squeeze %dma_start3A_386 : memref<1x1x128xi32, #tpu.memory_space<vmem>> -> memref<128xi32, #tpu.memory_space<vmem>>
      %dma_start3A_388 = arith.constant 0 : i32
      %dma_start3A_389 = arith.constant 0 : i32
      %dma_start3A_390 = tpu.memref_slice %arg3[%dma_start3A_388, %dma_start3A_389] : memref<10112x128xf32, #tpu.memory_space<hbm>> -> memref<10112x128xf32, #tpu.memory_space<hbm>>
      tpu.enqueue_indirect_dma source(%dma_start3A_390 : memref<10112x128xf32, #tpu.memory_space<hbm>>) target(%dma_start3A_384 : memref<128x128xf32, #tpu.memory_space<vmem>>) offsets(%dma_start3A_387 : memref<128xi32, #tpu.memory_space<vmem>>) semaphore(%arg12 : memref<!tpu.dma_semaphore, #tpu.memory_space<semaphore_mem>>)
      %run_scoped3A_391 = arith.constant 2 : i32
      %run_scoped3A_392 = arith.constant 2 : i32
      %run_scoped3A_393 = arith.constant 1 : i32
      "tpu.region"() ({
        %run_scoped3A_414 = tpu.sem_alloc : memref<!tpu.dma_semaphore, #tpu.memory_space<semaphore_mem>>
        %dma_start3A_415 = arith.constant 0 : i32
        %dma_start3A_416 = arith.constant 0 : i32
        %dma_start3A_417 = tpu.memref_slice %arg6[%run_scoped3A_391, %dma_start3A_415, %dma_start3A_416] : memref<3x128x128xf32, #tpu.memory_space<vmem>> -> memref<1x128x128xf32, #tpu.memory_space<vmem>>
        %dma_start3A_418 = tpu.memref_squeeze %dma_start3A_417 : memref<1x128x128xf32, #tpu.memory_space<vmem>> -> memref<128x128xf32, #tpu.memory_space<vmem>>
        %dma_start3A_419 = arith.constant 0 : i32
        %dma_start3A_420 = tpu.memref_slice %arg5[%run_scoped3A_392, %run_scoped3A_393, %dma_start3A_419] : memref<3x2x128xi32, #tpu.memory_space<vmem>> -> memref<1x1x128xi32, #tpu.memory_space<vmem>>
        %dma_start3A_421 = tpu.memref_squeeze %dma_start3A_420 : memref<1x1x128xi32, #tpu.memory_space<vmem>> -> memref<128xi32, #tpu.memory_space<vmem>>
        %dma_start3A_422 = arith.constant 0 : i32
        %dma_start3A_423 = arith.constant 0 : i32
        %dma_start3A_424 = tpu.memref_slice %arg7[%dma_start3A_422, %dma_start3A_423] : memref<10112x128xf32, #tpu.memory_space<vmem_shared>> -> memref<10112x128xf32, #tpu.memory_space<vmem_shared>>
        tpu.enqueue_indirect_dma source(%dma_start3A_418 : memref<128x128xf32, #tpu.memory_space<vmem>>) target(%dma_start3A_424 : memref<10112x128xf32, #tpu.memory_space<vmem_shared>>) offsets(%dma_start3A_421 : memref<128xi32, #tpu.memory_space<vmem>>) semaphore(%run_scoped3A_414 : memref<!tpu.dma_semaphore, #tpu.memory_space<semaphore_mem>>) {add = true}
        %dma_wait3A_425 = arith.constant 0 : i32
        %dma_wait3A_426 = arith.constant 0 : i32
        %dma_wait3A_427 = tpu.memref_slice %arg6[%run_scoped3A_391, %dma_wait3A_425, %dma_wait3A_426] : memref<3x128x128xf32, #tpu.memory_space<vmem>> -> memref<1x128x128xf32, #tpu.memory_space<vmem>>
        %dma_wait3A_428 = tpu.memref_squeeze %dma_wait3A_427 : memref<1x128x128xf32, #tpu.memory_space<vmem>> -> memref<128x128xf32, #tpu.memory_space<vmem>>
        %dma_wait3A_429 = arith.constant 0 : i32
        %dma_wait3A_430 = tpu.memref_slice %arg5[%run_scoped3A_392, %run_scoped3A_393, %dma_wait3A_429] : memref<3x2x128xi32, #tpu.memory_space<vmem>> -> memref<1x1x128xi32, #tpu.memory_space<vmem>>
        %dma_wait3A_431 = tpu.memref_squeeze %dma_wait3A_430 : memref<1x1x128xi32, #tpu.memory_space<vmem>> -> memref<128xi32, #tpu.memory_space<vmem>>
        %dma_wait3A_432 = arith.constant 0 : i32
        %dma_wait3A_433 = arith.constant 0 : i32
        %dma_wait3A_434 = tpu.memref_slice %arg7[%dma_wait3A_432, %dma_wait3A_433] : memref<10112x128xf32, #tpu.memory_space<vmem_shared>> -> memref<10112x128xf32, #tpu.memory_space<vmem_shared>>
        tpu.wait_indirect_dma semaphore(%run_scoped3A_414 : memref<!tpu.dma_semaphore, #tpu.memory_space<semaphore_mem>>) src(%dma_wait3A_428 : memref<128x128xf32, #tpu.memory_space<vmem>>) dst(%dma_wait3A_434 : memref<10112x128xf32, #tpu.memory_space<vmem_shared>>)
        tpu.yield
      }) : () -> ()
      %add3A_394 = arith.addi %mul3A_2, %add3A_347 : i32
      %add3A_395 = arith.constant 3 : i32
      %add3A_396 = arith.addi %add3A_394, %add3A_395 : i32
      %dma_start3A_397 = arith.constant 2 : i32
      %dma_start3A_398 = arith.constant 0 : i32
      %dma_start3A_399 = arith.constant 0 : i32
      %dma_start3A_400 = tpu.memref_slice %arg5[%dma_start3A_397, %dma_start3A_398, %dma_start3A_399] : memref<3x2x128xi32, #tpu.memory_space<vmem>> -> memref<1x2x128xi32, #tpu.memory_space<vmem>>
      %dma_start3A_401 = tpu.memref_squeeze %dma_start3A_400 : memref<1x2x128xi32, #tpu.memory_space<vmem>> -> memref<2x128xi32, #tpu.memory_space<vmem>>
      %dma_start3A_402 = arith.constant 0 : i32
      %dma_start3A_403 = arith.constant 0 : i32
      %dma_start3A_404 = tpu.memref_slice %arg2[%add3A_396, %dma_start3A_402, %dma_start3A_403] : memref<2592x2x128xi32, #tpu.memory_space<hbm>> -> memref<1x2x128xi32, #tpu.memory_space<hbm>>
      %dma_start3A_405 = tpu.memref_squeeze %dma_start3A_404 : memref<1x2x128xi32, #tpu.memory_space<hbm>> -> memref<2x128xi32, #tpu.memory_space<hbm>>
      %dma_start3A_406 = arith.constant 0 : i32
      %dma_start3A_407 = arith.constant 0 : i32
      %dma_start3A_408 = tpu.memref_slice %arg5[%dma_start3A_397, %dma_start3A_406, %dma_start3A_407] : memref<3x2x128xi32, #tpu.memory_space<vmem>> -> memref<1x2x128xi32, #tpu.memory_space<vmem>>
      %dma_start3A_409 = tpu.memref_squeeze %dma_start3A_408 : memref<1x2x128xi32, #tpu.memory_space<vmem>> -> memref<2x128xi32, #tpu.memory_space<vmem>>
      %dma_start3A_410 = arith.constant 0 : i32
      %dma_start3A_411 = arith.constant 0 : i32
      %dma_start3A_412 = tpu.memref_slice %arg2[%add3A_396, %dma_start3A_410, %dma_start3A_411] : memref<2592x2x128xi32, #tpu.memory_space<hbm>> -> memref<1x2x128xi32, #tpu.memory_space<hbm>>
      %dma_start3A_413 = tpu.memref_squeeze %dma_start3A_412 : memref<1x2x128xi32, #tpu.memory_space<hbm>> -> memref<2x128xi32, #tpu.memory_space<hbm>>
      tpu.enqueue_dma source(%dma_start3A_413 : memref<2x128xi32, #tpu.memory_space<hbm>>) target(%dma_start3A_409 : memref<2x128xi32, #tpu.memory_space<vmem>>) target_semaphore(%arg10 : memref<!tpu.dma_semaphore, #tpu.memory_space<semaphore_mem>>)
    }
    %scan3A_119 = arith.constant 26 : i32
    %dma_wait3A_120 = arith.constant 0 : i32
    %dma_wait3A_121 = arith.constant 0 : i32
    %dma_wait3A_122 = arith.constant 0 : i32
    %dma_wait3A_123 = arith.constant 0 : i32
    %dma_wait3A_124 = arith.constant 0 : i32
    %dma_wait3A_125 = tpu.memref_slice %arg6[%dma_wait3A_122, %dma_wait3A_123, %dma_wait3A_124] : memref<3x128x128xf32, #tpu.memory_space<vmem>> -> memref<1x128x128xf32, #tpu.memory_space<vmem>>
    %dma_wait3A_126 = tpu.memref_squeeze %dma_wait3A_125 : memref<1x128x128xf32, #tpu.memory_space<vmem>> -> memref<128x128xf32, #tpu.memory_space<vmem>>
    %dma_wait3A_127 = arith.constant 0 : i32
    %dma_wait3A_128 = tpu.memref_slice %arg5[%dma_wait3A_120, %dma_wait3A_121, %dma_wait3A_127] : memref<3x2x128xi32, #tpu.memory_space<vmem>> -> memref<1x1x128xi32, #tpu.memory_space<vmem>>
    %dma_wait3A_129 = tpu.memref_squeeze %dma_wait3A_128 : memref<1x1x128xi32, #tpu.memory_space<vmem>> -> memref<128xi32, #tpu.memory_space<vmem>>
    %dma_wait3A_130 = arith.constant 0 : i32
    %dma_wait3A_131 = arith.constant 0 : i32
    %dma_wait3A_132 = tpu.memref_slice %arg3[%dma_wait3A_130, %dma_wait3A_131] : memref<10112x128xf32, #tpu.memory_space<hbm>> -> memref<10112x128xf32, #tpu.memory_space<hbm>>
    tpu.wait_indirect_dma semaphore(%arg11 : memref<!tpu.dma_semaphore, #tpu.memory_space<semaphore_mem>>) src(%dma_wait3A_132 : memref<10112x128xf32, #tpu.memory_space<hbm>>) dst(%dma_wait3A_126 : memref<128x128xf32, #tpu.memory_space<vmem>>)
    %dma_wait3A_133 = arith.constant 2 : i32
    %dma_wait3A_134 = arith.constant 0 : i32
    %dma_wait3A_135 = arith.constant 0 : i32
    %dma_wait3A_136 = tpu.memref_slice %arg5[%dma_wait3A_133, %dma_wait3A_134, %dma_wait3A_135] : memref<3x2x128xi32, #tpu.memory_space<vmem>> -> memref<1x2x128xi32, #tpu.memory_space<vmem>>
    %dma_wait3A_137 = tpu.memref_squeeze %dma_wait3A_136 : memref<1x2x128xi32, #tpu.memory_space<vmem>> -> memref<2x128xi32, #tpu.memory_space<vmem>>
    %dma_wait3A_138 = arith.constant 0 : i32
    %dma_wait3A_139 = arith.constant 0 : i32
    %dma_wait3A_140 = tpu.memref_slice %arg2[%mul3A_2, %dma_wait3A_138, %dma_wait3A_139] : memref<2592x2x128xi32, #tpu.memory_space<hbm>> -> memref<1x2x128xi32, #tpu.memory_space<hbm>>
    %dma_wait3A_141 = tpu.memref_squeeze %dma_wait3A_140 : memref<1x2x128xi32, #tpu.memory_space<hbm>> -> memref<2x128xi32, #tpu.memory_space<hbm>>
    %dma_wait3A_142 = arith.constant 0 : i32
    %dma_wait3A_143 = arith.constant 0 : i32
    %dma_wait3A_144 = tpu.memref_slice %arg5[%dma_wait3A_133, %dma_wait3A_142, %dma_wait3A_143] : memref<3x2x128xi32, #tpu.memory_space<vmem>> -> memref<1x2x128xi32, #tpu.memory_space<vmem>>
    %dma_wait3A_145 = tpu.memref_squeeze %dma_wait3A_144 : memref<1x2x128xi32, #tpu.memory_space<vmem>> -> memref<2x128xi32, #tpu.memory_space<vmem>>
    %dma_wait3A_146 = arith.constant 0 : i32
    %dma_wait3A_147 = arith.constant 0 : i32
    %dma_wait3A_148 = tpu.memref_slice %arg2[%mul3A_2, %dma_wait3A_146, %dma_wait3A_147] : memref<2592x2x128xi32, #tpu.memory_space<hbm>> -> memref<1x2x128xi32, #tpu.memory_space<hbm>>
    %dma_wait3A_149 = tpu.memref_squeeze %dma_wait3A_148 : memref<1x2x128xi32, #tpu.memory_space<hbm>> -> memref<2x128xi32, #tpu.memory_space<hbm>>
    tpu.wait_dma2 semaphore(%arg10 : memref<!tpu.dma_semaphore, #tpu.memory_space<semaphore_mem>>) src(%dma_wait3A_149 : memref<2x128xi32, #tpu.memory_space<hbm>>) dst(%dma_wait3A_145 : memref<2x128xi32, #tpu.memory_space<vmem>>)
    %dma_start3A_150 = arith.constant 2 : i32
    %dma_start3A_151 = arith.constant 0 : i32
    %dma_start3A_152 = arith.constant 2 : i32
    %dma_start3A_153 = arith.constant 0 : i32
    %dma_start3A_154 = arith.constant 0 : i32
    %dma_start3A_155 = tpu.memref_slice %arg6[%dma_start3A_152, %dma_start3A_153, %dma_start3A_154] : memref<3x128x128xf32, #tpu.memory_space<vmem>> -> memref<1x128x128xf32, #tpu.memory_space<vmem>>
    %dma_start3A_156 = tpu.memref_squeeze %dma_start3A_155 : memref<1x128x128xf32, #tpu.memory_space<vmem>> -> memref<128x128xf32, #tpu.memory_space<vmem>>
    %dma_start3A_157 = arith.constant 0 : i32
    %dma_start3A_158 = tpu.memref_slice %arg5[%dma_start3A_150, %dma_start3A_151, %dma_start3A_157] : memref<3x2x128xi32, #tpu.memory_space<vmem>> -> memref<1x1x128xi32, #tpu.memory_space<vmem>>
    %dma_start3A_159 = tpu.memref_squeeze %dma_start3A_158 : memref<1x1x128xi32, #tpu.memory_space<vmem>> -> memref<128xi32, #tpu.memory_space<vmem>>
    %dma_start3A_160 = arith.constant 0 : i32
    %dma_start3A_161 = arith.constant 0 : i32
    %dma_start3A_162 = tpu.memref_slice %arg3[%dma_start3A_160, %dma_start3A_161] : memref<10112x128xf32, #tpu.memory_space<hbm>> -> memref<10112x128xf32, #tpu.memory_space<hbm>>
    tpu.enqueue_indirect_dma source(%dma_start3A_162 : memref<10112x128xf32, #tpu.memory_space<hbm>>) target(%dma_start3A_156 : memref<128x128xf32, #tpu.memory_space<vmem>>) offsets(%dma_start3A_159 : memref<128xi32, #tpu.memory_space<vmem>>) semaphore(%arg13 : memref<!tpu.dma_semaphore, #tpu.memory_space<semaphore_mem>>)
    %run_scoped3A_163 = arith.constant 0 : i32
    %run_scoped3A_164 = arith.constant 0 : i32
    %run_scoped3A_165 = arith.constant 1 : i32
    "tpu.region"() ({
      %run_scoped3A_203 = tpu.sem_alloc : memref<!tpu.dma_semaphore, #tpu.memory_space<semaphore_mem>>
      %dma_start3A_204 = arith.constant 0 : i32
      %dma_start3A_205 = arith.constant 0 : i32
      %dma_start3A_206 = tpu.memref_slice %arg6[%run_scoped3A_163, %dma_start3A_204, %dma_start3A_205] : memref<3x128x128xf32, #tpu.memory_space<vmem>> -> memref<1x128x128xf32, #tpu.memory_space<vmem>>
      %dma_start3A_207 = tpu.memref_squeeze %dma_start3A_206 : memref<1x128x128xf32, #tpu.memory_space<vmem>> -> memref<128x128xf32, #tpu.memory_space<vmem>>
      %dma_start3A_208 = arith.constant 0 : i32
      %dma_start3A_209 = tpu.memref_slice %arg5[%run_scoped3A_164, %run_scoped3A_165, %dma_start3A_208] : memref<3x2x128xi32, #tpu.memory_space<vmem>> -> memref<1x1x128xi32, #tpu.memory_space<vmem>>
      %dma_start3A_210 = tpu.memref_squeeze %dma_start3A_209 : memref<1x1x128xi32, #tpu.memory_space<vmem>> -> memref<128xi32, #tpu.memory_space<vmem>>
      %dma_start3A_211 = arith.constant 0 : i32
      %dma_start3A_212 = arith.constant 0 : i32
      %dma_start3A_213 = tpu.memref_slice %arg7[%dma_start3A_211, %dma_start3A_212] : memref<10112x128xf32, #tpu.memory_space<vmem_shared>> -> memref<10112x128xf32, #tpu.memory_space<vmem_shared>>
      tpu.enqueue_indirect_dma source(%dma_start3A_207 : memref<128x128xf32, #tpu.memory_space<vmem>>) target(%dma_start3A_213 : memref<10112x128xf32, #tpu.memory_space<vmem_shared>>) offsets(%dma_start3A_210 : memref<128xi32, #tpu.memory_space<vmem>>) semaphore(%run_scoped3A_203 : memref<!tpu.dma_semaphore, #tpu.memory_space<semaphore_mem>>) {add = true}
      %dma_wait3A_214 = arith.constant 0 : i32
      %dma_wait3A_215 = arith.constant 0 : i32
      %dma_wait3A_216 = tpu.memref_slice %arg6[%run_scoped3A_163, %dma_wait3A_214, %dma_wait3A_215] : memref<3x128x128xf32, #tpu.memory_space<vmem>> -> memref<1x128x128xf32, #tpu.memory_space<vmem>>
      %dma_wait3A_217 = tpu.memref_squeeze %dma_wait3A_216 : memref<1x128x128xf32, #tpu.memory_space<vmem>> -> memref<128x128xf32, #tpu.memory_space<vmem>>
      %dma_wait3A_218 = arith.constant 0 : i32
      %dma_wait3A_219 = tpu.memref_slice %arg5[%run_scoped3A_164, %run_scoped3A_165, %dma_wait3A_218] : memref<3x2x128xi32, #tpu.memory_space<vmem>> -> memref<1x1x128xi32, #tpu.memory_space<vmem>>
      %dma_wait3A_220 = tpu.memref_squeeze %dma_wait3A_219 : memref<1x1x128xi32, #tpu.memory_space<vmem>> -> memref<128xi32, #tpu.memory_space<vmem>>
      %dma_wait3A_221 = arith.constant 0 : i32
      %dma_wait3A_222 = arith.constant 0 : i32
      %dma_wait3A_223 = tpu.memref_slice %arg7[%dma_wait3A_221, %dma_wait3A_222] : memref<10112x128xf32, #tpu.memory_space<vmem_shared>> -> memref<10112x128xf32, #tpu.memory_space<vmem_shared>>
      tpu.wait_indirect_dma semaphore(%run_scoped3A_203 : memref<!tpu.dma_semaphore, #tpu.memory_space<semaphore_mem>>) src(%dma_wait3A_217 : memref<128x128xf32, #tpu.memory_space<vmem>>) dst(%dma_wait3A_223 : memref<10112x128xf32, #tpu.memory_space<vmem_shared>>)
      tpu.yield
    }) : () -> ()
    %dma_wait3A_166 = arith.constant 1 : i32
    %dma_wait3A_167 = arith.constant 0 : i32
    %dma_wait3A_168 = arith.constant 1 : i32
    %dma_wait3A_169 = arith.constant 0 : i32
    %dma_wait3A_170 = arith.constant 0 : i32
    %dma_wait3A_171 = tpu.memref_slice %arg6[%dma_wait3A_168, %dma_wait3A_169, %dma_wait3A_170] : memref<3x128x128xf32, #tpu.memory_space<vmem>> -> memref<1x128x128xf32, #tpu.memory_space<vmem>>
    %dma_wait3A_172 = tpu.memref_squeeze %dma_wait3A_171 : memref<1x128x128xf32, #tpu.memory_space<vmem>> -> memref<128x128xf32, #tpu.memory_space<vmem>>
    %dma_wait3A_173 = arith.constant 0 : i32
    %dma_wait3A_174 = tpu.memref_slice %arg5[%dma_wait3A_166, %dma_wait3A_167, %dma_wait3A_173] : memref<3x2x128xi32, #tpu.memory_space<vmem>> -> memref<1x1x128xi32, #tpu.memory_space<vmem>>
    %dma_wait3A_175 = tpu.memref_squeeze %dma_wait3A_174 : memref<1x1x128xi32, #tpu.memory_space<vmem>> -> memref<128xi32, #tpu.memory_space<vmem>>
    %dma_wait3A_176 = arith.constant 0 : i32
    %dma_wait3A_177 = arith.constant 0 : i32
    %dma_wait3A_178 = tpu.memref_slice %arg3[%dma_wait3A_176, %dma_wait3A_177] : memref<10112x128xf32, #tpu.memory_space<hbm>> -> memref<10112x128xf32, #tpu.memory_space<hbm>>
    tpu.wait_indirect_dma semaphore(%arg12 : memref<!tpu.dma_semaphore, #tpu.memory_space<semaphore_mem>>) src(%dma_wait3A_178 : memref<10112x128xf32, #tpu.memory_space<hbm>>) dst(%dma_wait3A_172 : memref<128x128xf32, #tpu.memory_space<vmem>>)
    %run_scoped3A_179 = arith.constant 1 : i32
    %run_scoped3A_180 = arith.constant 1 : i32
    %run_scoped3A_181 = arith.constant 1 : i32
    "tpu.region"() ({
      %run_scoped3A_203 = tpu.sem_alloc : memref<!tpu.dma_semaphore, #tpu.memory_space<semaphore_mem>>
      %dma_start3A_204 = arith.constant 0 : i32
      %dma_start3A_205 = arith.constant 0 : i32
      %dma_start3A_206 = tpu.memref_slice %arg6[%run_scoped3A_179, %dma_start3A_204, %dma_start3A_205] : memref<3x128x128xf32, #tpu.memory_space<vmem>> -> memref<1x128x128xf32, #tpu.memory_space<vmem>>
      %dma_start3A_207 = tpu.memref_squeeze %dma_start3A_206 : memref<1x128x128xf32, #tpu.memory_space<vmem>> -> memref<128x128xf32, #tpu.memory_space<vmem>>
      %dma_start3A_208 = arith.constant 0 : i32
      %dma_start3A_209 = tpu.memref_slice %arg5[%run_scoped3A_180, %run_scoped3A_181, %dma_start3A_208] : memref<3x2x128xi32, #tpu.memory_space<vmem>> -> memref<1x1x128xi32, #tpu.memory_space<vmem>>
      %dma_start3A_210 = tpu.memref_squeeze %dma_start3A_209 : memref<1x1x128xi32, #tpu.memory_space<vmem>> -> memref<128xi32, #tpu.memory_space<vmem>>
      %dma_start3A_211 = arith.constant 0 : i32
      %dma_start3A_212 = arith.constant 0 : i32
      %dma_start3A_213 = tpu.memref_slice %arg7[%dma_start3A_211, %dma_start3A_212] : memref<10112x128xf32, #tpu.memory_space<vmem_shared>> -> memref<10112x128xf32, #tpu.memory_space<vmem_shared>>
      tpu.enqueue_indirect_dma source(%dma_start3A_207 : memref<128x128xf32, #tpu.memory_space<vmem>>) target(%dma_start3A_213 : memref<10112x128xf32, #tpu.memory_space<vmem_shared>>) offsets(%dma_start3A_210 : memref<128xi32, #tpu.memory_space<vmem>>) semaphore(%run_scoped3A_203 : memref<!tpu.dma_semaphore, #tpu.memory_space<semaphore_mem>>) {add = true}
      %dma_wait3A_214 = arith.constant 0 : i32
      %dma_wait3A_215 = arith.constant 0 : i32
      %dma_wait3A_216 = tpu.memref_slice %arg6[%run_scoped3A_179, %dma_wait3A_214, %dma_wait3A_215] : memref<3x128x128xf32, #tpu.memory_space<vmem>> -> memref<1x128x128xf32, #tpu.memory_space<vmem>>
      %dma_wait3A_217 = tpu.memref_squeeze %dma_wait3A_216 : memref<1x128x128xf32, #tpu.memory_space<vmem>> -> memref<128x128xf32, #tpu.memory_space<vmem>>
      %dma_wait3A_218 = arith.constant 0 : i32
      %dma_wait3A_219 = tpu.memref_slice %arg5[%run_scoped3A_180, %run_scoped3A_181, %dma_wait3A_218] : memref<3x2x128xi32, #tpu.memory_space<vmem>> -> memref<1x1x128xi32, #tpu.memory_space<vmem>>
      %dma_wait3A_220 = tpu.memref_squeeze %dma_wait3A_219 : memref<1x1x128xi32, #tpu.memory_space<vmem>> -> memref<128xi32, #tpu.memory_space<vmem>>
      %dma_wait3A_221 = arith.constant 0 : i32
      %dma_wait3A_222 = arith.constant 0 : i32
      %dma_wait3A_223 = tpu.memref_slice %arg7[%dma_wait3A_221, %dma_wait3A_222] : memref<10112x128xf32, #tpu.memory_space<vmem_shared>> -> memref<10112x128xf32, #tpu.memory_space<vmem_shared>>
      tpu.wait_indirect_dma semaphore(%run_scoped3A_203 : memref<!tpu.dma_semaphore, #tpu.memory_space<semaphore_mem>>) src(%dma_wait3A_217 : memref<128x128xf32, #tpu.memory_space<vmem>>) dst(%dma_wait3A_223 : memref<10112x128xf32, #tpu.memory_space<vmem_shared>>)
      tpu.yield
    }) : () -> ()
    %dma_wait3A_182 = arith.constant 2 : i32
    %dma_wait3A_183 = arith.constant 0 : i32
    %dma_wait3A_184 = arith.constant 2 : i32
    %dma_wait3A_185 = arith.constant 0 : i32
    %dma_wait3A_186 = arith.constant 0 : i32
    %dma_wait3A_187 = tpu.memref_slice %arg6[%dma_wait3A_184, %dma_wait3A_185, %dma_wait3A_186] : memref<3x128x128xf32, #tpu.memory_space<vmem>> -> memref<1x128x128xf32, #tpu.memory_space<vmem>>
    %dma_wait3A_188 = tpu.memref_squeeze %dma_wait3A_187 : memref<1x128x128xf32, #tpu.memory_space<vmem>> -> memref<128x128xf32, #tpu.memory_space<vmem>>
    %dma_wait3A_189 = arith.constant 0 : i32
    %dma_wait3A_190 = tpu.memref_slice %arg5[%dma_wait3A_182, %dma_wait3A_183, %dma_wait3A_189] : memref<3x2x128xi32, #tpu.memory_space<vmem>> -> memref<1x1x128xi32, #tpu.memory_space<vmem>>
    %dma_wait3A_191 = tpu.memref_squeeze %dma_wait3A_190 : memref<1x1x128xi32, #tpu.memory_space<vmem>> -> memref<128xi32, #tpu.memory_space<vmem>>
    %dma_wait3A_192 = arith.constant 0 : i32
    %dma_wait3A_193 = arith.constant 0 : i32
    %dma_wait3A_194 = tpu.memref_slice %arg3[%dma_wait3A_192, %dma_wait3A_193] : memref<10112x128xf32, #tpu.memory_space<hbm>> -> memref<10112x128xf32, #tpu.memory_space<hbm>>
    tpu.wait_indirect_dma semaphore(%arg13 : memref<!tpu.dma_semaphore, #tpu.memory_space<semaphore_mem>>) src(%dma_wait3A_194 : memref<10112x128xf32, #tpu.memory_space<hbm>>) dst(%dma_wait3A_188 : memref<128x128xf32, #tpu.memory_space<vmem>>)
    %run_scoped3A_195 = arith.constant 2 : i32
    %run_scoped3A_196 = arith.constant 2 : i32
    %run_scoped3A_197 = arith.constant 1 : i32
    "tpu.region"() ({
      %run_scoped3A_203 = tpu.sem_alloc : memref<!tpu.dma_semaphore, #tpu.memory_space<semaphore_mem>>
      %dma_start3A_204 = arith.constant 0 : i32
      %dma_start3A_205 = arith.constant 0 : i32
      %dma_start3A_206 = tpu.memref_slice %arg6[%run_scoped3A_195, %dma_start3A_204, %dma_start3A_205] : memref<3x128x128xf32, #tpu.memory_space<vmem>> -> memref<1x128x128xf32, #tpu.memory_space<vmem>>
      %dma_start3A_207 = tpu.memref_squeeze %dma_start3A_206 : memref<1x128x128xf32, #tpu.memory_space<vmem>> -> memref<128x128xf32, #tpu.memory_space<vmem>>
      %dma_start3A_208 = arith.constant 0 : i32
      %dma_start3A_209 = tpu.memref_slice %arg5[%run_scoped3A_196, %run_scoped3A_197, %dma_start3A_208] : memref<3x2x128xi32, #tpu.memory_space<vmem>> -> memref<1x1x128xi32, #tpu.memory_space<vmem>>
      %dma_start3A_210 = tpu.memref_squeeze %dma_start3A_209 : memref<1x1x128xi32, #tpu.memory_space<vmem>> -> memref<128xi32, #tpu.memory_space<vmem>>
      %dma_start3A_211 = arith.constant 0 : i32
      %dma_start3A_212 = arith.constant 0 : i32
      %dma_start3A_213 = tpu.memref_slice %arg7[%dma_start3A_211, %dma_start3A_212] : memref<10112x128xf32, #tpu.memory_space<vmem_shared>> -> memref<10112x128xf32, #tpu.memory_space<vmem_shared>>
      tpu.enqueue_indirect_dma source(%dma_start3A_207 : memref<128x128xf32, #tpu.memory_space<vmem>>) target(%dma_start3A_213 : memref<10112x128xf32, #tpu.memory_space<vmem_shared>>) offsets(%dma_start3A_210 : memref<128xi32, #tpu.memory_space<vmem>>) semaphore(%run_scoped3A_203 : memref<!tpu.dma_semaphore, #tpu.memory_space<semaphore_mem>>) {add = true}
      %dma_wait3A_214 = arith.constant 0 : i32
      %dma_wait3A_215 = arith.constant 0 : i32
      %dma_wait3A_216 = tpu.memref_slice %arg6[%run_scoped3A_195, %dma_wait3A_214, %dma_wait3A_215] : memref<3x128x128xf32, #tpu.memory_space<vmem>> -> memref<1x128x128xf32, #tpu.memory_space<vmem>>
      %dma_wait3A_217 = tpu.memref_squeeze %dma_wait3A_216 : memref<1x128x128xf32, #tpu.memory_space<vmem>> -> memref<128x128xf32, #tpu.memory_space<vmem>>
      %dma_wait3A_218 = arith.constant 0 : i32
      %dma_wait3A_219 = tpu.memref_slice %arg5[%run_scoped3A_196, %run_scoped3A_197, %dma_wait3A_218] : memref<3x2x128xi32, #tpu.memory_space<vmem>> -> memref<1x1x128xi32, #tpu.memory_space<vmem>>
      %dma_wait3A_220 = tpu.memref_squeeze %dma_wait3A_219 : memref<1x1x128xi32, #tpu.memory_space<vmem>> -> memref<128xi32, #tpu.memory_space<vmem>>
      %dma_wait3A_221 = arith.constant 0 : i32
      %dma_wait3A_222 = arith.constant 0 : i32
      %dma_wait3A_223 = tpu.memref_slice %arg7[%dma_wait3A_221, %dma_wait3A_222] : memref<10112x128xf32, #tpu.memory_space<vmem_shared>> -> memref<10112x128xf32, #tpu.memory_space<vmem_shared>>
      tpu.wait_indirect_dma semaphore(%run_scoped3A_203 : memref<!tpu.dma_semaphore, #tpu.memory_space<semaphore_mem>>) src(%dma_wait3A_217 : memref<128x128xf32, #tpu.memory_space<vmem>>) dst(%dma_wait3A_223 : memref<10112x128xf32, #tpu.memory_space<vmem_shared>>)
      tpu.yield
    }) : () -> ()
    %barrier3A_198 = arith.constant 0 : index
    tpu.barrier barrier_id(%barrier3A_198)
    %mul3A_199 = arith.constant 632 : i32
    %mul3A_200 = arith.muli %arg1, %mul3A_199 : i32
    %mul3A_201 = arith.constant 632 : i32
    %mul3A_202 = arith.muli %arg1, %mul3A_201 : i32
    "tpu.region"() ({
      %run_scoped3A_203 = tpu.sem_alloc : memref<!tpu.dma_semaphore, #tpu.memory_space<semaphore_mem>>
      %dma_start3A_204 = arith.constant 0 : i32
      %dma_start3A_205 = tpu.memref_slice %arg4[%arg0, %mul3A_202, %dma_start3A_204] : memref<2x10112x128xf32, #tpu.memory_space<hbm>> -> memref<1x632x128xf32, #tpu.memory_space<hbm>>
      %dma_start3A_206 = tpu.memref_squeeze %dma_start3A_205 : memref<1x632x128xf32, #tpu.memory_space<hbm>> -> memref<632x128xf32, #tpu.memory_space<hbm>>
      %dma_start3A_207 = arith.constant 0 : i32
      %dma_start3A_208 = tpu.memref_slice %arg7[%mul3A_200, %dma_start3A_207] : memref<10112x128xf32, #tpu.memory_space<vmem_shared>> -> memref<632x128xf32, #tpu.memory_space<vmem_shared>>
      tpu.enqueue_dma source(%dma_start3A_208 : memref<632x128xf32, #tpu.memory_space<vmem_shared>>) target(%dma_start3A_206 : memref<632x128xf32, #tpu.memory_space<hbm>>) target_semaphore(%run_scoped3A_203 : memref<!tpu.dma_semaphore, #tpu.memory_space<semaphore_mem>>)
      %dma_wait3A_209 = arith.constant 0 : i32
      %dma_wait3A_210 = tpu.memref_slice %arg4[%arg0, %mul3A_202, %dma_wait3A_209] : memref<2x10112x128xf32, #tpu.memory_space<hbm>> -> memref<1x632x128xf32, #tpu.memory_space<hbm>>
      %dma_wait3A_211 = tpu.memref_squeeze %dma_wait3A_210 : memref<1x632x128xf32, #tpu.memory_space<hbm>> -> memref<632x128xf32, #tpu.memory_space<hbm>>
      %dma_wait3A_212 = arith.constant 0 : i32
      %dma_wait3A_213 = tpu.memref_slice %arg7[%mul3A_200, %dma_wait3A_212] : memref<10112x128xf32, #tpu.memory_space<vmem_shared>> -> memref<632x128xf32, #tpu.memory_space<vmem_shared>>
      tpu.wait_dma2 semaphore(%run_scoped3A_203 : memref<!tpu.dma_semaphore, #tpu.memory_space<semaphore_mem>>) src(%dma_wait3A_213 : memref<632x128xf32, #tpu.memory_space<vmem_shared>>) dst(%dma_wait3A_211 : memref<632x128xf32, #tpu.memory_space<hbm>>)
      tpu.yield
    }) : () -> ()
    return
  }
}

module attributes {stable_mosaic.version = 14 : i64} {
  func.func @body(%arg0: memref<4x80x128xf32, #tpu.memory_space<vmem>>, %arg1: memref<80x128xf32, #tpu.memory_space<vmem>>, %arg2: memref<80x128xf32, #tpu.memory_space<vmem>>) attributes {dimension_semantics = [], scalar_prefetch = 0 : i64, scratch_operands = 0 : i64, tpu.core_type = #tpu.core_type<tc>} {
    %get3A = arith.constant 0 : index
    %get3A_0 = arith.constant 0 : index
    %get3A_1 = arith.constant 0 : index
    %get3A_2 = vector.load %arg0[%get3A, %get3A_0, %get3A_1] : memref<4x80x128xf32, #tpu.memory_space<vmem>>, vector<1x80x128xf32>
    %get3A_3 = vector.shape_cast %get3A_2 : vector<1x80x128xf32> to vector<80x128xf32>
    %get3A_4 = arith.constant 1 : index
    %get3A_5 = arith.constant 0 : index
    %get3A_6 = arith.constant 0 : index
    %get3A_7 = vector.load %arg0[%get3A_4, %get3A_5, %get3A_6] : memref<4x80x128xf32, #tpu.memory_space<vmem>>, vector<1x80x128xf32>
    %get3A_8 = vector.shape_cast %get3A_7 : vector<1x80x128xf32> to vector<80x128xf32>
    %add3A = arith.addf %get3A_3, %get3A_8 : vector<80x128xf32>
    %gt3A = arith.constant 0.000000e+00 : f32
    %gt3A_9 = vector.broadcast %gt3A : f32 to vector<80x128xf32>
    %gt3A_10 = arith.cmpf ogt, %add3A, %gt3A_9 : vector<80x128xf32>
    %max3A = arith.constant 1.000000e+00 : f32
    %max3A_11 = vector.broadcast %max3A : f32 to vector<80x128xf32>
    %max3A_12 = arith.maximumf %add3A, %max3A_11 : vector<80x128xf32>
    %rsqrt3A = math.rsqrt %max3A_12 : vector<80x128xf32>
    %jit3A = arith.constant 0.000000e+00 : f32
    %broadcast_in_dim3A = vector.broadcast %jit3A : f32 to vector<80x128xf32>
    %select_n3A = arith.select %gt3A_10, %rsqrt3A, %broadcast_in_dim3A : vector<80x128xi1>, vector<80x128xf32>
    %swap3A = arith.constant 0 : index
    %swap3A_13 = arith.constant 0 : index
    %swap3A_14 = vector.load %arg1[%swap3A, %swap3A_13] : memref<80x128xf32, #tpu.memory_space<vmem>>, vector<80x128xf32>
    tpu.vector_store %arg1[%swap3A, %swap3A_13], %select_n3A {strides = array<i32>} : memref<80x128xf32, #tpu.memory_space<vmem>>, vector<80x128xf32>,
    %get3A_15 = arith.constant 2 : index
    %get3A_16 = arith.constant 0 : index
    %get3A_17 = arith.constant 0 : index
    %get3A_18 = vector.load %arg0[%get3A_15, %get3A_16, %get3A_17] : memref<4x80x128xf32, #tpu.memory_space<vmem>>, vector<1x80x128xf32>
    %get3A_19 = vector.shape_cast %get3A_18 : vector<1x80x128xf32> to vector<80x128xf32>
    %get3A_20 = arith.constant 3 : index
    %get3A_21 = arith.constant 0 : index
    %get3A_22 = arith.constant 0 : index
    %get3A_23 = vector.load %arg0[%get3A_20, %get3A_21, %get3A_22] : memref<4x80x128xf32, #tpu.memory_space<vmem>>, vector<1x80x128xf32>
    %get3A_24 = vector.shape_cast %get3A_23 : vector<1x80x128xf32> to vector<80x128xf32>
    %add3A_25 = arith.addf %get3A_19, %get3A_24 : vector<80x128xf32>
    %gt3A_26 = arith.constant 0.000000e+00 : f32
    %gt3A_27 = vector.broadcast %gt3A_26 : f32 to vector<80x128xf32>
    %gt3A_28 = arith.cmpf ogt, %add3A_25, %gt3A_27 : vector<80x128xf32>
    %max3A_29 = arith.constant 1.000000e+00 : f32
    %max3A_30 = vector.broadcast %max3A_29 : f32 to vector<80x128xf32>
    %max3A_31 = arith.maximumf %add3A_25, %max3A_30 : vector<80x128xf32>
    %rsqrt3A_32 = math.rsqrt %max3A_31 : vector<80x128xf32>
    %jit3A_33 = arith.constant 0.000000e+00 : f32
    %broadcast_in_dim3A_34 = vector.broadcast %jit3A_33 : f32 to vector<80x128xf32>
    %select_n3A_35 = arith.select %gt3A_28, %rsqrt3A_32, %broadcast_in_dim3A_34 : vector<80x128xi1>, vector<80x128xf32>
    %swap3A_36 = arith.constant 0 : index
    %swap3A_37 = arith.constant 0 : index
    %swap3A_38 = vector.load %arg2[%swap3A_36, %swap3A_37] : memref<80x128xf32, #tpu.memory_space<vmem>>, vector<80x128xf32>
    tpu.vector_store %arg2[%swap3A_36, %swap3A_37], %select_n3A_35 {strides = array<i32>} : memref<80x128xf32, #tpu.memory_space<vmem>>, vector<80x128xf32>,
    return
  }
}

module attributes {stable_mosaic.version = 14 : i64} {
  func.func @body(%arg0: memref<10112x128xf32, #tpu.memory_space<vmem>>, %arg1: memref<128x128xf32, #tpu.memory_space<vmem>>, %arg2: memref<10112x1xf32, #tpu.memory_space<vmem>>, %arg3: memref<10112x128xf32, #tpu.memory_space<vmem>>) attributes {dimension_semantics = [], scalar_prefetch = 0 : i64, scratch_operands = 0 : i64, tpu.core_type = #tpu.core_type<tc>} {
    %get3A = arith.constant 0 : index
    %get3A_0 = arith.constant 0 : index
    %get3A_1 = vector.load %arg0[%get3A, %get3A_0] : memref<10112x128xf32, #tpu.memory_space<vmem>>, vector<10112x128xf32>
    %get3A_2 = arith.constant 0 : index
    %get3A_3 = arith.constant 0 : index
    %get3A_4 = vector.load %arg1[%get3A_2, %get3A_3] : memref<128x128xf32, #tpu.memory_space<vmem>>, vector<128x128xf32>
    %dot_general3A = arith.constant dense<0.000000e+00> : vector<10112x128xf32>
    %dot_general3A_5 = tpu.matmul %get3A_1, %get3A_4, %dot_general3A {dimension_numbers = #tpu.dot_dimension_numbers<[1], [0], [0], [1], [0, 0, 1, 1], [], []>, transpose_lhs_hint = false} : vector<10112x128xf32>, vector<128x128xf32>, vector<10112x128xf32> -> vector<10112x128xf32>
    %get3A_6 = arith.constant 0 : index
    %get3A_7 = arith.constant 0 : index
    %get3A_8 = vector.load %arg2[%get3A_6, %get3A_7] : memref<10112x1xf32, #tpu.memory_space<vmem>>, vector<10112x1xf32>
    %mul3A = vector.broadcast %get3A_8 : vector<10112x1xf32> to vector<10112x128xf32>
    %mul3A_9 = arith.mulf %dot_general3A_5, %mul3A : vector<10112x128xf32>
    %swap3A = arith.constant 0 : index
    %swap3A_10 = arith.constant 0 : index
    %swap3A_11 = vector.load %arg3[%swap3A, %swap3A_10] : memref<10112x128xf32, #tpu.memory_space<vmem>>, vector<10112x128xf32>
    tpu.vector_store %arg3[%swap3A, %swap3A_10], %mul3A_9 {strides = array<i32>} : memref<10112x128xf32, #tpu.memory_space<vmem>>, vector<10112x128xf32>,
    return
  }
}

module attributes {stable_mosaic.version = 14 : i64} {
  func.func @body(%arg0: memref<2x10112x128xf32, #tpu.memory_space<vmem>>, %arg1: memref<10112x1xf32, #tpu.memory_space<vmem>>, %arg2: memref<1x128xf32, #tpu.memory_space<vmem>>, %arg3: memref<128x128xf32, #tpu.memory_space<vmem>>, %arg4: memref<10112x1xf32, #tpu.memory_space<vmem>>, %arg5: memref<10112x128xf32, #tpu.memory_space<vmem>>) attributes {dimension_semantics = [], scalar_prefetch = 0 : i64, scratch_operands = 0 : i64, tpu.core_type = #tpu.core_type<tc>} {
    %get3A = arith.constant 0 : index
    %get3A_0 = arith.constant 0 : index
    %get3A_1 = arith.constant 0 : index
    %get3A_2 = vector.load %arg0[%get3A, %get3A_0, %get3A_1] : memref<2x10112x128xf32, #tpu.memory_space<vmem>>, vector<1x10112x128xf32>
    %get3A_3 = vector.shape_cast %get3A_2 : vector<1x10112x128xf32> to vector<10112x128xf32>
    %get3A_4 = arith.constant 1 : index
    %get3A_5 = arith.constant 0 : index
    %get3A_6 = arith.constant 0 : index
    %get3A_7 = vector.load %arg0[%get3A_4, %get3A_5, %get3A_6] : memref<2x10112x128xf32, #tpu.memory_space<vmem>>, vector<1x10112x128xf32>
    %get3A_8 = vector.shape_cast %get3A_7 : vector<1x10112x128xf32> to vector<10112x128xf32>
    %add3A = arith.addf %get3A_3, %get3A_8 : vector<10112x128xf32>
    %get3A_9 = arith.constant 0 : index
    %get3A_10 = arith.constant 0 : index
    %get3A_11 = vector.load %arg1[%get3A_9, %get3A_10] : memref<10112x1xf32, #tpu.memory_space<vmem>>, vector<10112x1xf32>
    %mul3A = vector.broadcast %get3A_11 : vector<10112x1xf32> to vector<10112x128xf32>
    %mul3A_12 = arith.mulf %add3A, %mul3A : vector<10112x128xf32>
    %get3A_13 = arith.constant 0 : index
    %get3A_14 = arith.constant 0 : index
    %get3A_15 = vector.load %arg2[%get3A_13, %get3A_14] : memref<1x128xf32, #tpu.memory_space<vmem>>, vector<1x128xf32>
    %add3A_16 = vector.broadcast %get3A_15 : vector<1x128xf32> to vector<10112x128xf32>
    %add3A_17 = arith.addf %mul3A_12, %add3A_16 : vector<10112x128xf32>
    %max3A = arith.constant 0.000000e+00 : f32
    %max3A_18 = vector.broadcast %max3A : f32 to vector<10112x128xf32>
    %max3A_19 = arith.maximumf %add3A_17, %max3A_18 : vector<10112x128xf32>
    %get3A_20 = arith.constant 0 : index
    %get3A_21 = arith.constant 0 : index
    %get3A_22 = vector.load %arg3[%get3A_20, %get3A_21] : memref<128x128xf32, #tpu.memory_space<vmem>>, vector<128x128xf32>
    %dot_general3A = arith.constant dense<0.000000e+00> : vector<10112x128xf32>
    %dot_general3A_23 = tpu.matmul %max3A_19, %get3A_22, %dot_general3A {dimension_numbers = #tpu.dot_dimension_numbers<[1], [0], [0], [1], [0, 0, 1, 1], [], []>, transpose_lhs_hint = false} : vector<10112x128xf32>, vector<128x128xf32>, vector<10112x128xf32> -> vector<10112x128xf32>
    %get3A_24 = arith.constant 0 : index
    %get3A_25 = arith.constant 0 : index
    %get3A_26 = vector.load %arg4[%get3A_24, %get3A_25] : memref<10112x1xf32, #tpu.memory_space<vmem>>, vector<10112x1xf32>
    %mul3A_27 = vector.broadcast %get3A_26 : vector<10112x1xf32> to vector<10112x128xf32>
    %mul3A_28 = arith.mulf %dot_general3A_23, %mul3A_27 : vector<10112x128xf32>
    %swap3A = arith.constant 0 : index
    %swap3A_29 = arith.constant 0 : index
    %swap3A_30 = vector.load %arg5[%swap3A, %swap3A_29] : memref<10112x128xf32, #tpu.memory_space<vmem>>, vector<10112x128xf32>
    tpu.vector_store %arg5[%swap3A, %swap3A_29], %mul3A_28 {strides = array<i32>} : memref<10112x128xf32, #tpu.memory_space<vmem>>, vector<10112x128xf32>,
    return
  }
}

module attributes {stable_mosaic.version = 14 : i64} {
  func.func @body(%arg0: memref<2x10112x128xf32, #tpu.memory_space<vmem>>, %arg1: memref<10112x1xf32, #tpu.memory_space<vmem>>, %arg2: memref<1x64xf32, #tpu.memory_space<vmem>>, %arg3: memref<10000x64xf32, #tpu.memory_space<vmem>>) attributes {dimension_semantics = [], scalar_prefetch = 0 : i64, scratch_operands = 0 : i64, tpu.core_type = #tpu.core_type<tc>} {
    %get3A = arith.constant 0 : index
    %get3A_0 = arith.constant 0 : index
    %get3A_1 = arith.constant 0 : index
    %get3A_2 = vector.load %arg0[%get3A, %get3A_0, %get3A_1] : memref<2x10112x128xf32, #tpu.memory_space<vmem>>, vector<1x10112x128xf32>
    %get3A_3 = vector.shape_cast %get3A_2 : vector<1x10112x128xf32> to vector<10112x128xf32>
    %get3A_4 = arith.constant 1 : index
    %get3A_5 = arith.constant 0 : index
    %get3A_6 = arith.constant 0 : index
    %get3A_7 = vector.load %arg0[%get3A_4, %get3A_5, %get3A_6] : memref<2x10112x128xf32, #tpu.memory_space<vmem>>, vector<1x10112x128xf32>
    %get3A_8 = vector.shape_cast %get3A_7 : vector<1x10112x128xf32> to vector<10112x128xf32>
    %add3A = arith.addf %get3A_3, %get3A_8 : vector<10112x128xf32>
    %slice3A = vector.extract_strided_slice %add3A {offsets = [0, 0], sizes = [10000, 64], strides = [1, 1]} : vector<10112x128xf32> to vector<10000x64xf32>
    %get3A_9 = arith.constant 0 : index
    %get3A_10 = arith.constant 0 : index
    %get3A_11 = vector.load %arg1[%get3A_9, %get3A_10] : memref<10112x1xf32, #tpu.memory_space<vmem>>, vector<10112x1xf32>
    %slice3A_12 = vector.extract_strided_slice %get3A_11 {offsets = [0, 0], sizes = [10000, 1], strides = [1, 1]} : vector<10112x1xf32> to vector<10000x1xf32>
    %mul3A = vector.broadcast %slice3A_12 : vector<10000x1xf32> to vector<10000x64xf32>
    %mul3A_13 = arith.mulf %slice3A, %mul3A : vector<10000x64xf32>
    %get3A_14 = arith.constant 0 : index
    %get3A_15 = arith.constant 0 : index
    %get3A_16 = vector.load %arg2[%get3A_14, %get3A_15] : memref<1x64xf32, #tpu.memory_space<vmem>>, vector<1x64xf32>
    %add3A_17 = vector.broadcast %get3A_16 : vector<1x64xf32> to vector<10000x64xf32>
    %add3A_18 = arith.addf %mul3A_13, %add3A_17 : vector<10000x64xf32>
    %swap3A = arith.constant 0 : index
    %swap3A_19 = arith.constant 0 : index
    %swap3A_20 = vector.load %arg3[%swap3A, %swap3A_19] : memref<10000x64xf32, #tpu.memory_space<vmem>>, vector<10000x64xf32>
    tpu.vector_store %arg3[%swap3A, %swap3A_19], %add3A_18 {strides = array<i32>} : memref<10000x64xf32, #tpu.memory_space<vmem>>, vector<10000x64xf32>,
    return
  }
}

</mosaic_0001>

<sc_bundles>
// kernel: kernel.11.cloned.1.call-start
scs
__scs_entry_jumppad:
0x0: {  	(pc) =	sbr.rel $0x88, $3  }
0x1: {  	(tag) =	ssettag $0x0;
	lr =	simm.s32 $0x1  }
0x2: {  	[smem:$0x3F99] =	sst lr;
	_ =	strace $0xD0000000  }
0x3: {  	_ = 	snop  }
0x4: {  	_ = 	snop  }
0x5: {  	_ = 	snop  }
0x6: {  	_ = 	snop  }
0x7: {  	_ = 	snop  }
__scs_overlays_trampoline_lowered:
0x8: {  	[smem:$0x3FA8] =	sst s0  }
0x9: {  	[smem:$0x3FA9] =	sst s1  }
0xa: {  	[smem:$0x3FAA] =	sst s2  }
0xb: {  	[smem:$0x3FAB] =	sst s3  }
0xc: {  	[smem:$0x3FAC] =	sst s4  }
0xd: {  	[smem:$0x3FAD] =	sst s5  }
0xe: {  	[smem:$0x3FAE] =	sst s6  }
0xf: {  	[smem:$0x3FAF] =	sst s7  }
0x10: {  	[smem:$0x3FB0] =	sst s8  }
0x11: {  	[smem:$0x3FB1] =	sst s9;
	s0 =	simm.s32 @!p0 $0x0  }
0x12: {  	s1 =	sld [smem:$0x3F97];
	s0 =	simm.s32 @p0 $0x1  }
0x13: {  	[smem:$0x3FB2] =	sst s0;
	s0 =	simm.s32 @!p1 $0x0  }
0x14: {  	s2 =	sld [smem:$0x3F96];
	s0 =	simm.s32 @p1 $0x1  }
0x15: {  	[smem:$0x3FB3] =	sst s0;
	s0 =	simm.s32 @!p2 $0x0  }
0x16: {  	s3 =	sld [smem:$0x3FDB];
	s0 =	simm.s32 @p2 $0x1  }
0x17: {  	s4 =	simm.s32 $0x1BF5;
	[smem:$0x3FB5] =	sst s0  }
0x18: {  	s0 =	sld [smem:$0x3F98];
	_ =	swait.ge [sflag:s4], $0x0  }
0x19: {  	s7 =	sld [smem:$0x3F99]  }
0x1a: {  	s8 =	sadd.s32 $0xFFFFE003, lr  }
0x1b: {  	s9 =	sadd.s32 $0xFFFFFEF7, lr;
	s5 =	simm.s32 $0xFFFFFFFF;
	p2 =	slt.u32 s8, $0xFFFFF086  }
0x1c: {  	p1 =	slt.u32 s9, $0xF7A;
	s5 =	simm.s32 @!p2 $0x0  }
0x1d: {  	s5 =	simm.s32 @p1 $0x1;
	p0 =	seq.s32 s7, s2  }
0x1e: {  	s7 =	smul.u32 @!p0 $0xF7A, s2;
	p2 =	seq.s32 @!p0 s5, $0x0  }
0x1f: {  	s9 =	smul.u32 $0xF7A, s1;
	s8 =	simm.s32 @!p0 $0x1BF5;
	p2 =	por !p2, p0  }
0x20: {  	[sflag:s8] =	ssyncset.s32 @!p0 $0xFFFFF086;
	s6 =	sadd.s32 @!p0 s3, s7;
	s7 =	simm.s32 @!p0 $0x108  }
0x21: {  	s3 =	sadd.s32 s3, s9;
	s6 =	sadd.s32 @!p0 $0x88, s6;
	s7 =	simm.s32 @p2 $0x1082  }
0x22: {  	[simem:s7], [sflag:s8] =	dma.local @!p0 [hbm:s6], $0xF7A  }
0x23: {  	s9 =	sor.u32 $0xD0000000, s2;
	s6 =	simm.s32 $0x108;
	_ =	swait.ge @!p0 [sflag:s8], $0x0  }
0x24: {  	s3 =	sadd.s32 $0x88, s3;
	s6 =	simm.s32 @!p1 $0x1082;
	[sflag:s4] =	ssyncset.s32 $0xFFFFF086  }
0x25: {  	[simem:s6], [sflag:s4] =	dma.local [hbm:s3], $0xF7A  }
0x26: {  	[smem:$0x3F99] =	sst s1;
	(tag) =	ssettag s2;
	_ =	strace s9  }
0x27: {  	s1 =	sld [smem:$0x3FA9]  }
0x28: {  	s2 =	sld [smem:$0x3FAA]  }
0x29: {  	s4 =	sld [smem:$0x3FAC]  }
0x2a: {  	p0 =	seq.s32 s5, $0x0;
	s5 =	sld [smem:$0x3FAD]  }
0x2b: {  	s6 =	sld [smem:$0x3FAE]  }
0x2c: {  	s7 =	sld [smem:$0x3FAF]  }
0x2d: {  	s3 =	simm.s32 $0x108;
	s8 =	sld [smem:$0x3FB0]  }
0x2e: {  	s3 =	simm.s32 @!p0 $0x1082;
	s9 =	sld [smem:$0x3FB1]  }
0x2f: {  	lr =	sadd.s32 s0, s3;
	s0 =	sld [smem:$0x3FA8]  }
0x30: {  	s3 =	sld [smem:$0x3FAB]  }
0x31: {  	[smem:$0x3FB4] =	sst s10  }
0x32: {  	s10 =	sld [smem:$0x3FB2];
	_ =	sdelay $0x3  }
0x33: {  	p0 =	seq.s32 s10, $0x1;
	s10 =	sld [smem:$0x3FB4];
	_ =	sdelay $0x3  }
0x34: {  	[smem:$0x3FB4] =	sst s10  }
0x35: {  	s10 =	sld [smem:$0x3FB3];
	_ =	sdelay $0x3  }
0x36: {  	p1 =	seq.s32 s10, $0x1;
	s10 =	sld [smem:$0x3FB4];
	_ =	sdelay $0x3  }
0x37: {  	[smem:$0x3FB4] =	sst s10  }
0x38: {  	s10 =	sld [smem:$0x3FB5]  }
0x39: {  	_ = 	snop;
	(pc) =	sbr.ind lr, $3  }
0x3a: {  	_ = 	snop  }
0x3b: {  	_ = 	snop  }
0x3c: {  	p2 =	seq.s32 s10, $0x1;
	s10 =	sld [smem:$0x3FB4]  }
0x3d: {  	_ =	shalt  }
0x3e: {  	_ =	shalt  }
0x3f: {  	_ =	shalt  }
0x40: {  	_ =	shalt  }
0x41: {  	_ =	shalt  }
0x42: {  	_ =	shalt  }
0x43: {  	_ =	shalt  }
0x44: {  	_ =	shalt  }
0x45: {  	_ =	shalt  }
0x46: {  	_ =	shalt  }
0x47: {  	_ =	shalt  }
0x48: {  	_ =	shalt  }
0x49: {  	_ =	shalt  }
0x4a: {  	_ =	shalt  }
0x4b: {  	_ =	shalt  }
0x4c: {  	_ =	shalt  }
0x4d: {  	_ =	shalt  }
0x4e: {  	_ =	shalt  }
0x4f: {  	_ =	shalt  }
0x50: {  	_ =	shalt  }
0x51: {  	_ =	shalt  }
0x52: {  	_ =	shalt  }
0x53: {  	_ =	shalt  }
0x54: {  	_ =	shalt  }
0x55: {  	_ =	shalt  }
0x56: {  	_ =	shalt  }
0x57: {  	_ =	shalt  }
0x58: {  	_ =	shalt  }
0x59: {  	_ =	shalt  }
0x5a: {  	_ =	shalt  }
0x5b: {  	_ =	shalt  }
0x5c: {  	_ =	shalt  }
0x5d: {  	_ =	shalt  }
0x5e: {  	_ =	shalt  }
0x5f: {  	_ =	shalt  }
0x60: {  	_ =	shalt  }
0x61: {  	_ =	shalt  }
0x62: {  	_ =	shalt  }
0x63: {  	_ =	shalt  }
0x64: {  	_ =	shalt  }
0x65: {  	_ =	shalt  }
0x66: {  	_ =	shalt  }
0x67: {  	_ =	shalt  }
0x68: {  	_ =	shalt  }
0x69: {  	_ =	shalt  }
0x6a: {  	_ =	shalt  }
0x6b: {  	_ =	shalt  }
0x6c: {  	_ =	shalt  }
0x6d: {  	_ =	shalt  }
0x6e: {  	_ =	shalt  }
0x6f: {  	_ =	shalt  }
0x70: {  	_ =	shalt  }
0x71: {  	_ =	shalt  }
0x72: {  	_ =	shalt  }
0x73: {  	_ =	shalt  }
0x74: {  	_ =	shalt  }
0x75: {  	_ =	shalt  }
0x76: {  	_ =	shalt  }
0x77: {  	_ =	shalt  }
0x78: {  	_ =	shalt  }
0x79: {  	_ =	shalt  }
0x7a: {  	_ =	shalt  }
0x7b: {  	_ =	shalt  }
0x7c: {  	_ =	shalt  }
0x7d: {  	_ =	shalt  }
0x7e: {  	_ =	shalt  }
0x7f: {  	_ =	shalt  }
0x80: {  	_ =	shalt  }
0x81: {  	_ =	shalt  }
0x82: {  	_ =	shalt  }
0x83: {  	_ =	shalt  }
0x84: {  	_ =	shalt  }
0x85: {  	_ =	shalt  }
0x86: {  	_ =	shalt  }
0x87: {  	_ =	shalt  }
.Lfunc_end0:
.L_simem_size_0:
called_computation_lowered:
.L_overlay_start_0:
0x88: {  	s2 =	sld [smem:$0x3FD9]  }
0x89: {  	s3 =	sld [smem:$0x3FFE];
	_ =	sdelay $0x1  }
0x8a: {  	s1 =	srdreg.scid  }
0x8b: {  	s0 =	sand.u32 $0x1, s1  }
0x8c: {  	s17 =	sshll.u32 s0, $0xA;
	s2 =	sadd.s32 s3, s2  }
0x8d: {  	s2 =	sadd.s32 s2, s17  }
0x8e: {  	[smem:$0x3FC0] =	sst s2  }
0x8f: {  	_ = 	snop  }
0x90: {  	s2 =	sld [smem:$0x3FD0];
	(tm) =	ssettm $0x1  }
0x91: {  	s18 =	sld [smem:$0x3FFB];
	_ =	sdelay $0x3  }
0x92: {  	_ =	strace s18  }
0x93: {  	s3 =	sld [smem:$0x3FFC];
	_ =	sdelay $0x3  }
0x94: {  	_ =	strace s3  }
0x95: {  	s3 =	sld [smem:$0x3FFD];
	_ =	sdelay $0x3  }
0x96: {  	_ =	strace s3  }
0x97: {  	_ =	strace $0x8FFFFFFF  }
0x98: {  	s19 =	sld [smem:$0x3FDB];
	_ =	sdelay $0x1  }
0x99: {  	s4 =	simm.s32 $_scs_section_size  }
0x9a: {  	s5 =	simm.s32 $_size__tile_overlayer_lowered;
	s6 =	simm.s32 $_tile_overlayer_lowered  }
0x9b: {  	s22 =	simm.s32 $0x1BFF;
	s21 =	sshll.u32 s6, $0x1;
	s3 =	sadd.s32 s4, s19  }
0x9c: {  	s7 =	simm.s32 $0x0;
	s20 =	sshll.u32 s5, $0x1;
	s5 =	sadd.s32 s21, s3  }
0x9d: {  	[timem:s7], [sflag:s22] =	dma.local [hbm:s5], s20  }
0x9e: {  	_ =	swait.ge [sflag:s22], s20  }
0x9f: {  	s4 =	ssub.s32 $0x0, s20;
	[sflag:s22] =	ssyncset.done $0x0  }
0xa0: {  	[sflag:s22] =	ssyncadd.s32 s4;
	_ =	sdelay $0x1  }
0xa1: {  	s23 =	simm.s32 $0x1B8B  }
0xa2: {  	_ =	swait.ge [sflag:s23], $0x1  }
0xa3: {  	[sflag:s23] =	ssyncset.done $0x0  }
0xa4: {  	s25 =	simm.s32 $0x1B8E;
	s24 =	sld [smem:$0x3FFE];
	[sflag:s23] =	ssyncadd.s32 $0xFFFFFFFF  }
0xa5: {  	s26 =	simm.s32 $execute0_lowered;
	[smem:$0x3FD2] =	sst s25  }
0xa6: {  	s5 =	sshll.u32 s26, $0x1;
	_ =	strace $0x80000046;
	[dreg:$0x1] =	wrdreg $0xFFFFFFFF  }
0xa7: {  	s28 =	simm.s32 $_size_execute0_lowered;
	s3 =	sadd.s32 s3, s5;
	[dreg:$0x0] =	wrdreg $0x0  }
0xa8: {  	s5 =	sshll.u32 s28, $0x1;
	[dreg:$0x2] =	wrdreg s3  }
0xa9: {  	[dreg:$0x3] =	wrdreg s5  }
0xaa: {  	[dreg:$0x4] =	wrdreg $0xC0  }
0xab: {  	_ =	task [dreg:s7], $0x5FFFF  }
0xac: {  	[dreg:$0x1] =	wrdreg $0xFFFFFFFF  }
0xad: {  	[dreg:$0x0] =	wrdreg $0x60  }
0xae: {  	[dreg:$0x2] =	wrdreg s24  }
0xaf: {  	[dreg:$0x3] =	wrdreg s2  }
0xb0: {  	[dreg:$0x4] =	wrdreg $0x54000  }
0xb1: {  	[dreg:$0x5] =	wrdreg $0x56800  }
0xb2: {  	[dreg:$0x6] =	wrdreg $0x9  }
0xb3: {  	_ =	task.clear_ibuf [dreg:s7], $0x7FFFF;
	_ =	strace $0x90000046  }
0xb4: {  	s29 =	simm.s32 $0x9;
	_ =	strace $0x80000048  }
0xb5: {  	_ =	swait.ge [sflag:s29], $0x1  }
0xb6: {  	[sflag:s29] =	ssyncadd.s32 $0xFFFFFFFF  }
0xb7: {  	_ =	strace $0x90000048  }
0xb8: {  	_ =	sfence  }
0xb9: {  	s30 =	sld [smem:$0x0];
	_ =	sdelay $0x2  }
0xba: {  	s31 =	sshll.u32 s1, $0xD;
	s1 =	sshrl.u32 s1, $0x2  }
0xbb: {  	s3 =	sand.u32 $0x4000, s31;
	s1 =	sadd.s32 s1, s30  }
0xbc: {  	s0 =	sor.u32 s3, s0;
	s1 =	sshll.u32 s1, $0x11  }
0xbd: {  	s0 =	sor.u32 s1, s0  }
0xbe: {  	s0 =	sadd.s32 $0x8F2B, s0  }
0xbf: {  	[sflag:s0] =	ssyncadd.remote.s32 $0x1  }
0xc0: {  	_ =	sfence.sel $0xFFFF  }
0xc1: {  	[dreg:$0x0] =	wrdreg $0xFFFFFFFF;
	(pc) =	sbr.abs _section_cstart, $3  }
0xc2: {  	[dreg:$0x1] =	wrdreg $0xFFFFFFFF  }
0xc3: {  	_ =	task.clear_ibuf [dreg:s7], $0x2FFFF;
	_ =	strace $0x9FFFFFFF  }
0xc4: {  	(tm) =	ssettm $0x7FFFFFFF  }
0xc5: {  	_ =	shalt  }
tec
execute0_lowered:
.L_overlay_start_1:
0x0: {  	(tag) =	ssettag $0x1  }
0x1: {  	s5 =	rddreg [dreg:$0x0]  }
0x2: {  	s1 =	srdreg.scid;
	s8 =	rddreg [dreg:$0x1]  }
0x3: {  	s0 =	stileid.u32;
	s2 =	rddreg [dreg:$0x2]  }
0x4: {  	s3 =	rddreg [dreg:$0x3];
	s4 =	simm.s32 $0x0;
	s12 =	simm.s32 $0x5180  }
0x5: {  	s13 =	simm.s32 $0x80;
	s14 =	simm.s32 $0x5100;
	s15 =	simm.s32 $0x1  }
0x6: {  	s19 =	simm.s32 $0x0;
	s6 =	sand.u32 $0x1, s1;
	s30 =	sshll.u32 s0, $0x1  }
0x7: {  	s9 =	smul.u32 $0x280, s0;
	[smem:$0x7FF] =	sst s4;
	s16 =	sshll.u32 s0, $0x6  }
0x8: {  	s1 =	sor.u32 s6, s30;
	s10 =	smul.u32 $0x2800, s6;
	s6 =	ssub.s32 $0x2, s6  }
0x9: {  	s16 =	sor.u32 $0x1C02, s16;
	s7 =	smul.u32 $0xA20, s1;
	s1 =	rddreg [dreg:$0x4]  }
0xa: {  	_ =	strace $0x80000047;
	s31 =	sshrl.u32 s6, $0x1;
	s10 =	sadd.s32 s9, s10  }
0xb: {  	s11 =	ssub.s32 s6, s31;
	s6 =	sadd.s32 s9, s2;
	s5 =	sadd.s32 s7, s5  }
0xc: {  	s10 =	sshrl.u32 s10, $0x3;
	s7 =	sadd.s32 s9, s3;
	s17 =	sshrl.u32 s6, $0x3  }
0xd: {  	s5 =	sadd.s32 $0x2C00, s5;
	s8 =	sadd.s32 s8, s10;
	s10 =	smax.u32 s11, $0x1  }
0xe: {  	v0 =	vimm.f32 $1.000000000e+00;
	v1 =	vimm.f32 $0.0e+00;
	s11 =	simm.s32 $0x2;
	s18 =	sshrl.u32 s7, $0x3;
	s9 =	sadd.s32 $0xA00, s8  }
.LBB2_1:
0xf: {  	[tilespmem:s4], [sflag:$0x2] =	stream.linear.gather [hbm4b:s5+s4], $0x5100, $0x38;
	[tilespmem:$0x5900] =	vst v63  }
0x10: {  	_ =	swait.ge [sflag:s11], $0x5100  }
0x11: {  	[sflag:s11] =	ssyncset.done $0x0  }
0x12: {  	[sflag:s11] =	ssyncadd.s32 $0xFFFFAF00  }
0x13: {  	[tilespmem:$0x5100] =	vst v0  }
0x14: {  	[tilespmem:$0x5110] =	vst v0  }
0x15: {  	[tilespmem:$0x5120] =	vst v0  }
0x16: {  	[tilespmem:$0x5130] =	vst v0  }
0x17: {  	[tilespmem:$0x5140] =	vst v0  }
0x18: {  	[tilespmem:$0x5150] =	vst v0  }
0x19: {  	[tilespmem:$0x5160] =	vst v0  }
0x1a: {  	[tilespmem:$0x5170] =	vst v0  }
0x1b: {  	[tilespmem:$0x5180] =	vst v1  }
0x1c: {  	[tilespmem:$0x5190] =	vst v1  }
0x1d: {  	[tilespmem:$0x51A0] =	vst v1  }
0x1e: {  	[tilespmem:$0x51B0] =	vst v1  }
0x1f: {  	[tilespmem:$0x51C0] =	vst v1  }
0x20: {  	[tilespmem:$0x51D0] =	vst v1  }
0x21: {  	[tilespmem:$0x51E0] =	vst v1  }
0x22: {  	[tilespmem:$0x51F0] =	vst v1  }
0x23: {  	[tilespmem:$0x5200] =	vst v1  }
0x24: {  	[tilespmem:$0x5210] =	vst v1  }
0x25: {  	[tilespmem:$0x5220] =	vst v1  }
0x26: {  	[tilespmem:$0x5230] =	vst v1  }
0x27: {  	[tilespmem:$0x5240] =	vst v1  }
0x28: {  	[tilespmem:$0x5250] =	vst v1  }
0x29: {  	[tilespmem:$0x5260] =	vst v1  }
0x2a: {  	[tilespmem:$0x5270] =	vst v1  }
0x2b: {  	[tilespmem:$0x5280] =	vst v1  }
0x2c: {  	[tilespmem:$0x5290] =	vst v1  }
0x2d: {  	[tilespmem:$0x52A0] =	vst v1  }
0x2e: {  	[tilespmem:$0x52B0] =	vst v1  }
0x2f: {  	[tilespmem:$0x52C0] =	vst v1  }
0x30: {  	[tilespmem:$0x52D0] =	vst v1  }
0x31: {  	[tilespmem:$0x52E0] =	vst v1  }
0x32: {  	[tilespmem:$0x52F0] =	vst v1  }
0x33: {  	[tilespmem:$0x5300] =	vst v1  }
0x34: {  	[tilespmem:$0x5310] =	vst v1  }
0x35: {  	[tilespmem:$0x5320] =	vst v1  }
0x36: {  	[tilespmem:$0x5330] =	vst v1  }
0x37: {  	[tilespmem:$0x5340] =	vst v1  }
0x38: {  	[tilespmem:$0x5350] =	vst v1  }
0x39: {  	[tilespmem:$0x5360] =	vst v1  }
0x3a: {  	[tilespmem:$0x5370] =	vst v1  }
0x3b: {  	[tilespmem:$0x5380] =	vst v1  }
0x3c: {  	[tilespmem:$0x5390] =	vst v1  }
0x3d: {  	[tilespmem:$0x53A0] =	vst v1  }
0x3e: {  	[tilespmem:$0x53B0] =	vst v1  }
0x3f: {  	[tilespmem:$0x53C0] =	vst v1  }
0x40: {  	[tilespmem:$0x53D0] =	vst v1  }
0x41: {  	[tilespmem:$0x53E0] =	vst v1  }
0x42: {  	[tilespmem:$0x53F0] =	vst v1  }
0x43: {  	[spmem:s6] =	stream.linear.scatter [tilespmem:s12], [sflag:$0x2], $0x280, $0x38;
	[tilespmem:$0x5900] =	vst v63  }
0x44: {  	_ =	swait.ge [sflag:s11], $0x280  }
0x45: {  	[sflag:s11] =	ssyncset.done $0x0  }
0x46: {  	[sflag:s11] =	ssyncadd.s32 $0xFFFFFD80  }
0x47: {  	[spmem:s7] =	stream.linear.scatter [tilespmem:s12], [sflag:$0x2], $0x280, $0x38;
	[tilespmem:$0x5900] =	vst v63  }
0x48: {  	_ =	swait.ge [sflag:s11], $0x280  }
0x49: {  	[sflag:s11] =	ssyncset.done $0x0  }
0x4a: {  	[sflag:s11] =	ssyncadd.s32 $0xFFFFFD80  }
0x4b: {  	s20 =	simm.s32 $0x0;
	[bflag:$0x0] =	sbarrier.arrive $0xFFFF  }
0x4c: {  	[spmem:s2] =	stream.indirect.scatter.add.f32 [tilespmem:s14], [sflag:$0x1], $0x1, s20, s13, $0xb8;
	[tilespmem:$0x5900] =	vst v63  }
0x4d: {  	s21 =	simm.s32 $0x80;
	s20 =	simm.s32 $0x400  }
.LBB2_2:
0x4e: {  	[spmem:s3] =	stream.indirect.scatter.add.f32 [tilespmem:s14], [sflag:$0x1], $0x1, s21, s13, $0xb8;
	[tilespmem:$0x5900] =	vst v63  }
0x4f: {  	s21 =	smov.u32 s20;
	p0 =	sne.s32 s20, $0x14000  }
.Ltmp0:
0x50: {  	s20 =	sadd.s32 $0x400, s20;
	(pc) =	sbr.rel @p0 .LBB2_2-.Ltmp0, $4  }
0x51: {  	_ = 	snop  }
0x52: {  	s21 =	sshra.s32 s21, $0x2  }
0x53: {  	[spmem:s2] =	stream.indirect.scatter.add.f32 [tilespmem:s14], [sflag:$0x1], $0x1, s21, s13, $0xb8;
	[tilespmem:$0x5900] =	vst v63  }
0x54: {  	s21 =	sadd.s32 $0x80, s21  }
0x55: {  	[spmem:s3] =	stream.indirect.scatter.add.f32 [tilespmem:s14], [sflag:$0x1], $0x1, s21, s13, $0xb8;
	[tilespmem:$0x5900] =	vst v63  }
0x56: {  	_ =	swait.ge [sflag:s15], $0x80  }
0x57: {  	[sflag:s15] =	ssyncset.done $0x0  }
0x58: {  	[sflag:s15] =	ssyncadd.s32 $0xFFFFFF80  }
0x59: {  	_ =	swait.ge [sflag:s15], $0x80  }
0x5a: {  	s20 =	simm.s32 $0x50;
	[sflag:s15] =	ssyncset.done $0x0  }
.LBB2_4:
0x5b: {  	p0 =	sne.s32 s20, $0x1;
	s20 =	sadd.s32 $0xFFFFFFFF, s20;
	[sflag:s15] =	ssyncadd.s32 $0xFFFFFF80  }
.Ltmp1:
0x5c: {  	_ =	swait.ge [sflag:s15], $0x80;
	(pc) =	sbr.rel @p0 .LBB2_4-.Ltmp1, $4  }
0x5d: {  	[sflag:s15] =	ssyncset.done $0x0  }
0x5e: {  	[sflag:s15] =	ssyncadd.s32 $0xFFFFFF80  }
0x5f: {  	_ =	swait.ge [sflag:s15], $0x80  }
0x60: {  	[sflag:s15] =	ssyncset.done $0x0  }
0x61: {  	[sflag:s15] =	ssyncadd.s32 $0xFFFFFF80  }
0x62: {  	[bflag:$0x0] =	sbarrier.arrive $0xFFFF  }
0x63: {  	[hbm:s8], [sflag:s16] =	dma.local [spmem:s17], $0x50  }
0x64: {  	s19 =	sadd.s32 $0x1, s19;
	_ =	swait.ge [sflag:s11], $0x50  }
0x65: {  	p0 =	sne.s32 s19, s10;
	[sflag:s11] =	ssyncset.done $0x0  }
.Ltmp2:
0x66: {  	[sflag:s11] =	ssyncadd.s32 $0xFFFFFFB0;
	(pc) =	sbr.rel @p0 .LBB2_1-.Ltmp2, $4  }
0x67: {  	[hbm:s9], [sflag:s16] =	dma.local [spmem:s18], $0x50  }
0x68: {  	_ =	swait.ge [sflag:s11], $0x50  }
0x69: {  	[sflag:s11] =	ssyncset.done $0x0  }
0x6a: {  	[sflag:s11] =	ssyncadd.s32 $0xFFFFFFB0  }
0x6b: {  	_ =	sfence.sel $0x180000  }
0x6c: {  	[bflag:$0x0] =	sbarrier.arrive $0xFFFF  }
0x6d: {  	p0 =	sne.s32 s0, $0x0;
	_ =	strace $0x90000047  }
0x6e: {  	s0 =	sadd.s32 @!p0 $0x100000, s1;
	[bflag:$0x2] =	sbarrier.arrive $0xFFFF  }
0x6f: {  	[sflag:s0] =	ssyncadd.tile.s32 @!p0 $0x1;
	_ =	shalt  }
.Lfunc_end2:
_tile_overlayer_lowered:
.L_overlay_start_2:
0x70: {  	(tag) =	ssettag $0x2  }
0x71: {  	s0 =	rddreg [dreg:$0x0];
	s2 =	stileid.u32  }
0x72: {  	s1 =	rddreg [dreg:$0x1];
	p0 =	sne.s32 s2, $0x0  }
0x73: {  	s3 =	rddreg [dreg:$0x2];
	[bflag:$0x3] =	sbarrier.arrive $0xFFFF;
	s2 =	simm.s32 @!p0 $0x1C02  }
0x74: {  	[timem:s3], [sflag:s2] =	dma.local @!p0 [hbm:s0], s1  }
0x75: {  	s0 =	simm.s32 @!p0 $0x2  }
0x76: {  	_ =	swait.ge @!p0 [sflag:s0], s1  }
0x77: {  	s1 =	ssub.s32 @!p0 $0x0, s1;
	[sflag:s0] =	ssyncset.done @!p0 $0x0  }
0x78: {  	[sflag:s0] =	ssyncadd.s32 @!p0 s1  }
0x79: {  	[bflag:$0x3] =	sbarrier.arrive $0xFFFF  }
0x7a: {  	_ =	shalt  }

// kernel: kernel.14.cloned.1.call-start
scs
__scs_entry_jumppad:
0x0: {  	(pc) =	sbr.rel $0x88, $3  }
0x1: {  	(tag) =	ssettag $0x0;
	lr =	simm.s32 $0x1  }
0x2: {  	[smem:$0x3F99] =	sst lr;
	_ =	strace $0xD0000000  }
0x3: {  	_ = 	snop  }
0x4: {  	_ = 	snop  }
0x5: {  	_ = 	snop  }
0x6: {  	_ = 	snop  }
0x7: {  	_ = 	snop  }
__scs_overlays_trampoline_lowered:
0x8: {  	[smem:$0x3FA8] =	sst s0  }
0x9: {  	[smem:$0x3FA9] =	sst s1  }
0xa: {  	[smem:$0x3FAA] =	sst s2  }
0xb: {  	[smem:$0x3FAB] =	sst s3  }
0xc: {  	[smem:$0x3FAC] =	sst s4  }
0xd: {  	[smem:$0x3FAD] =	sst s5  }
0xe: {  	[smem:$0x3FAE] =	sst s6  }
0xf: {  	[smem:$0x3FAF] =	sst s7  }
0x10: {  	[smem:$0x3FB0] =	sst s8  }
0x11: {  	[smem:$0x3FB1] =	sst s9;
	s0 =	simm.s32 @!p0 $0x0  }
0x12: {  	s1 =	sld [smem:$0x3F97];
	s0 =	simm.s32 @p0 $0x1  }
0x13: {  	[smem:$0x3FB2] =	sst s0;
	s0 =	simm.s32 @!p1 $0x0  }
0x14: {  	s2 =	sld [smem:$0x3F96];
	s0 =	simm.s32 @p1 $0x1  }
0x15: {  	[smem:$0x3FB3] =	sst s0;
	s0 =	simm.s32 @!p2 $0x0  }
0x16: {  	s3 =	sld [smem:$0x3FDB];
	s0 =	simm.s32 @p2 $0x1  }
0x17: {  	s4 =	simm.s32 $0x1BF5;
	[smem:$0x3FB5] =	sst s0  }
0x18: {  	s0 =	sld [smem:$0x3F98];
	_ =	swait.ge [sflag:s4], $0x0  }
0x19: {  	s7 =	sld [smem:$0x3F99]  }
0x1a: {  	s8 =	sadd.s32 $0xFFFFE003, lr  }
0x1b: {  	s9 =	sadd.s32 $0xFFFFFEF7, lr;
	s5 =	simm.s32 $0xFFFFFFFF;
	p2 =	slt.u32 s8, $0xFFFFF086  }
0x1c: {  	p1 =	slt.u32 s9, $0xF7A;
	s5 =	simm.s32 @!p2 $0x0  }
0x1d: {  	s5 =	simm.s32 @p1 $0x1;
	p0 =	seq.s32 s7, s2  }
0x1e: {  	s7 =	smul.u32 @!p0 $0xF7A, s2;
	p2 =	seq.s32 @!p0 s5, $0x0  }
0x1f: {  	s9 =	smul.u32 $0xF7A, s1;
	s8 =	simm.s32 @!p0 $0x1BF5;
	p2 =	por !p2, p0  }
0x20: {  	[sflag:s8] =	ssyncset.s32 @!p0 $0xFFFFF086;
	s6 =	sadd.s32 @!p0 s3, s7;
	s7 =	simm.s32 @!p0 $0x108  }
0x21: {  	s3 =	sadd.s32 s3, s9;
	s6 =	sadd.s32 @!p0 $0x88, s6;
	s7 =	simm.s32 @p2 $0x1082  }
0x22: {  	[simem:s7], [sflag:s8] =	dma.local @!p0 [hbm:s6], $0xF7A  }
0x23: {  	s9 =	sor.u32 $0xD0000000, s2;
	s6 =	simm.s32 $0x108;
	_ =	swait.ge @!p0 [sflag:s8], $0x0  }
0x24: {  	s3 =	sadd.s32 $0x88, s3;
	s6 =	simm.s32 @!p1 $0x1082;
	[sflag:s4] =	ssyncset.s32 $0xFFFFF086  }
0x25: {  	[simem:s6], [sflag:s4] =	dma.local [hbm:s3], $0xF7A  }
0x26: {  	[smem:$0x3F99] =	sst s1;
	(tag) =	ssettag s2;
	_ =	strace s9  }
0x27: {  	s1 =	sld [smem:$0x3FA9]  }
0x28: {  	s2 =	sld [smem:$0x3FAA]  }
0x29: {  	s4 =	sld [smem:$0x3FAC]  }
0x2a: {  	p0 =	seq.s32 s5, $0x0;
	s5 =	sld [smem:$0x3FAD]  }
0x2b: {  	s6 =	sld [smem:$0x3FAE]  }
0x2c: {  	s7 =	sld [smem:$0x3FAF]  }
0x2d: {  	s3 =	simm.s32 $0x108;
	s8 =	sld [smem:$0x3FB0]  }
0x2e: {  	s3 =	simm.s32 @!p0 $0x1082;
	s9 =	sld [smem:$0x3FB1]  }
0x2f: {  	lr =	sadd.s32 s0, s3;
	s0 =	sld [smem:$0x3FA8]  }
0x30: {  	s3 =	sld [smem:$0x3FAB]  }
0x31: {  	[smem:$0x3FB4] =	sst s10  }
0x32: {  	s10 =	sld [smem:$0x3FB2];
	_ =	sdelay $0x3  }
0x33: {  	p0 =	seq.s32 s10, $0x1;
	s10 =	sld [smem:$0x3FB4];
	_ =	sdelay $0x3  }
0x34: {  	[smem:$0x3FB4] =	sst s10  }
0x35: {  	s10 =	sld [smem:$0x3FB3];
	_ =	sdelay $0x3  }
0x36: {  	p1 =	seq.s32 s10, $0x1;
	s10 =	sld [smem:$0x3FB4];
	_ =	sdelay $0x3  }
0x37: {  	[smem:$0x3FB4] =	sst s10  }
0x38: {  	s10 =	sld [smem:$0x3FB5]  }
0x39: {  	_ = 	snop;
	(pc) =	sbr.ind lr, $3  }
0x3a: {  	_ = 	snop  }
0x3b: {  	_ = 	snop  }
0x3c: {  	p2 =	seq.s32 s10, $0x1;
	s10 =	sld [smem:$0x3FB4]  }
0x3d: {  	_ =	shalt  }
0x3e: {  	_ =	shalt  }
0x3f: {  	_ =	shalt  }
0x40: {  	_ =	shalt  }
0x41: {  	_ =	shalt  }
0x42: {  	_ =	shalt  }
0x43: {  	_ =	shalt  }
0x44: {  	_ =	shalt  }
0x45: {  	_ =	shalt  }
0x46: {  	_ =	shalt  }
0x47: {  	_ =	shalt  }
0x48: {  	_ =	shalt  }
0x49: {  	_ =	shalt  }
0x4a: {  	_ =	shalt  }
0x4b: {  	_ =	shalt  }
0x4c: {  	_ =	shalt  }
0x4d: {  	_ =	shalt  }
0x4e: {  	_ =	shalt  }
0x4f: {  	_ =	shalt  }
0x50: {  	_ =	shalt  }
0x51: {  	_ =	shalt  }
0x52: {  	_ =	shalt  }
0x53: {  	_ =	shalt  }
0x54: {  	_ =	shalt  }
0x55: {  	_ =	shalt  }
0x56: {  	_ =	shalt  }
0x57: {  	_ =	shalt  }
0x58: {  	_ =	shalt  }
0x59: {  	_ =	shalt  }
0x5a: {  	_ =	shalt  }
0x5b: {  	_ =	shalt  }
0x5c: {  	_ =	shalt  }
0x5d: {  	_ =	shalt  }
0x5e: {  	_ =	shalt  }
0x5f: {  	_ =	shalt  }
0x60: {  	_ =	shalt  }
0x61: {  	_ =	shalt  }
0x62: {  	_ =	shalt  }
0x63: {  	_ =	shalt  }
0x64: {  	_ =	shalt  }
0x65: {  	_ =	shalt  }
0x66: {  	_ =	shalt  }
0x67: {  	_ =	shalt  }
0x68: {  	_ =	shalt  }
0x69: {  	_ =	shalt  }
0x6a: {  	_ =	shalt  }
0x6b: {  	_ =	shalt  }
0x6c: {  	_ =	shalt  }
0x6d: {  	_ =	shalt  }
0x6e: {  	_ =	shalt  }
0x6f: {  	_ =	shalt  }
0x70: {  	_ =	shalt  }
0x71: {  	_ =	shalt  }
0x72: {  	_ =	shalt  }
0x73: {  	_ =	shalt  }
0x74: {  	_ =	shalt  }
0x75: {  	_ =	shalt  }
0x76: {  	_ =	shalt  }
0x77: {  	_ =	shalt  }
0x78: {  	_ =	shalt  }
0x79: {  	_ =	shalt  }
0x7a: {  	_ =	shalt  }
0x7b: {  	_ =	shalt  }
0x7c: {  	_ =	shalt  }
0x7d: {  	_ =	shalt  }
0x7e: {  	_ =	shalt  }
0x7f: {  	_ =	shalt  }
0x80: {  	_ =	shalt  }
0x81: {  	_ =	shalt  }
0x82: {  	_ =	shalt  }
0x83: {  	_ =	shalt  }
0x84: {  	_ =	shalt  }
0x85: {  	_ =	shalt  }
0x86: {  	_ =	shalt  }
0x87: {  	_ =	shalt  }
.Lfunc_end0:
.L_simem_size_0:
called_computation.1_lowered:
.L_overlay_start_0:
0x88: {  	s2 =	sld [smem:$0x3FD9]  }
0x89: {  	s3 =	sld [smem:$0x3FFE];
	_ =	sdelay $0x1  }
0x8a: {  	s1 =	srdreg.scid  }
0x8b: {  	s0 =	sand.u32 $0x1, s1  }
0x8c: {  	s16 =	sshll.u32 s0, $0xA;
	s2 =	sadd.s32 s3, s2  }
0x8d: {  	s2 =	sadd.s32 s2, s16  }
0x8e: {  	[smem:$0x3FC0] =	sst s2  }
0x8f: {  	_ = 	snop  }
0x90: {  	(tm) =	ssettm $0x1  }
0x91: {  	s17 =	sld [smem:$0x3FFB];
	_ =	sdelay $0x3  }
0x92: {  	_ =	strace s17  }
0x93: {  	s2 =	sld [smem:$0x3FFC];
	_ =	sdelay $0x3  }
0x94: {  	_ =	strace s2  }
0x95: {  	s2 =	sld [smem:$0x3FFD];
	_ =	sdelay $0x3  }
0x96: {  	_ =	strace s2  }
0x97: {  	_ =	strace $0x8FFFFFFF  }
0x98: {  	s18 =	sld [smem:$0x3FDB];
	_ =	sdelay $0x1  }
0x99: {  	s19 =	simm.s32 $_scs_section_size  }
0x9a: {  	s4 =	simm.s32 $_size__tile_overlayer_lowered;
	s5 =	simm.s32 $_tile_overlayer_lowered  }
0x9b: {  	s22 =	simm.s32 $0x1BFF;
	s21 =	sshll.u32 s5, $0x1;
	s2 =	sadd.s32 s19, s18  }
0x9c: {  	s6 =	simm.s32 $0x0;
	s20 =	sshll.u32 s4, $0x1;
	s4 =	sadd.s32 s21, s2  }
0x9d: {  	[timem:s6], [sflag:s22] =	dma.local [hbm:s4], s20  }
0x9e: {  	_ =	swait.ge [sflag:s22], s20  }
0x9f: {  	s3 =	ssub.s32 $0x0, s20;
	[sflag:s22] =	ssyncset.done $0x0  }
0xa0: {  	[sflag:s22] =	ssyncadd.s32 s3;
	_ =	sdelay $0x1  }
0xa1: {  	s23 =	simm.s32 $0x1B8B  }
0xa2: {  	_ =	swait.ge [sflag:s23], $0x1  }
0xa3: {  	[sflag:s23] =	ssyncset.done $0x0  }
0xa4: {  	s25 =	simm.s32 $0x1B8E;
	s24 =	sld [smem:$0x3FFE];
	[sflag:s23] =	ssyncadd.s32 $0xFFFFFFFF  }
0xa5: {  	s26 =	simm.s32 $execute0_lowered;
	[smem:$0x3FD2] =	sst s25  }
0xa6: {  	s4 =	sshll.u32 s26, $0x1;
	_ =	strace $0x80000049;
	[dreg:$0x1] =	wrdreg $0xFFFFFFFF  }
0xa7: {  	s28 =	simm.s32 $_size_execute0_lowered;
	s2 =	sadd.s32 s2, s4;
	[dreg:$0x0] =	wrdreg $0x0  }
0xa8: {  	s4 =	sshll.u32 s28, $0x1;
	[dreg:$0x2] =	wrdreg s2  }
0xa9: {  	[dreg:$0x3] =	wrdreg s4  }
0xaa: {  	[dreg:$0x4] =	wrdreg $0xC0  }
0xab: {  	_ =	task [dreg:s6], $0x5FFFF  }
0xac: {  	[dreg:$0x1] =	wrdreg $0xFFFFFFFF  }
0xad: {  	[dreg:$0x0] =	wrdreg $0x60  }
0xae: {  	[dreg:$0x2] =	wrdreg s24  }
0xaf: {  	[dreg:$0x3] =	wrdreg $0xC3000  }
0xb0: {  	[dreg:$0x4] =	wrdreg $0x9  }
0xb1: {  	_ =	task.clear_ibuf [dreg:s6], $0x5FFFF;
	_ =	strace $0x90000049  }
0xb2: {  	s29 =	simm.s32 $0x9;
	_ =	strace $0x8000004B  }
0xb3: {  	_ =	swait.ge [sflag:s29], $0x1  }
0xb4: {  	[sflag:s29] =	ssyncadd.s32 $0xFFFFFFFF  }
0xb5: {  	_ =	strace $0x9000004B  }
0xb6: {  	_ =	sfence  }
0xb7: {  	s30 =	sld [smem:$0x0];
	_ =	sdelay $0x2  }
0xb8: {  	s31 =	sshll.u32 s1, $0xD;
	s1 =	sshrl.u32 s1, $0x2  }
0xb9: {  	s3 =	sand.u32 $0x4000, s31;
	s1 =	sadd.s32 s1, s30  }
0xba: {  	s0 =	sor.u32 s3, s0;
	s1 =	sshll.u32 s1, $0x11  }
0xbb: {  	s0 =	sor.u32 s1, s0  }
0xbc: {  	s0 =	sadd.s32 $0x8F2B, s0  }
0xbd: {  	[sflag:s0] =	ssyncadd.remote.s32 $0x1  }
0xbe: {  	_ =	sfence.sel $0xFFFF  }
0xbf: {  	[dreg:$0x0] =	wrdreg $0xFFFFFFFF;
	(pc) =	sbr.abs _section_cstart, $3  }
0xc0: {  	[dreg:$0x1] =	wrdreg $0xFFFFFFFF  }
0xc1: {  	_ =	task.clear_ibuf [dreg:s6], $0x2FFFF;
	_ =	strace $0x9FFFFFFF  }
0xc2: {  	(tm) =	ssettm $0x7FFFFFFF  }
0xc3: {  	_ =	shalt  }
tec
execute0_lowered:
.L_overlay_start_1:
0x0: {  	(tag) =	ssettag $0x1  }
0x1: {  	s0 =	rddreg [dreg:$0x0];
	s1 =	srdreg.scid  }
0x2: {  	s2 =	rddreg [dreg:$0x1];
	s13 =	stileid.u32  }
0x3: {  	s3 =	simm.s32 $0x0;
	s16 =	simm.s32 $0x300;
	s17 =	simm.s32 $0x7  }
0x4: {  	s18 =	simm.s32 $0x100;
	s19 =	simm.s32 $0x200;
	s20 =	simm.s32 $0x80  }
0x5: {  	s28 =	simm.s32 $0x1;
	s29 =	simm.s32 $0x180;
	s5 =	smul.u32 $0x13C00, s13  }
0x6: {  	s30 =	simm.s32 $0x6;
	s31 =	simm.s32 $0x280;
	s7 =	smul.u32 $0x4F000, s13  }
0x7: {  	s1 =	sand.u32 $0x1, s1;
	[smem:$0x7FF] =	sst s3;
	s15 =	smul.u32 $0x1440, s13  }
0x8: {  	s6 =	sadd.s32 $0x2C00, s0;
	s21 =	sshll.u32 s13, $0x1;
	s4 =	smul.u32 $0x13C000, s1  }
0x9: {  	s8 =	ssub.s32 $0x2, s1;
	s9 =	sor.u32 s1, s21;
	s1 =	smul.u32 $0xA20, s1  }
0xa: {  	_ =	strace $0x8000004A;
	s21 =	simm.s32 $0x2;
	s10 =	smul.u32 $0x5100, s9  }
0xb: {  	s22 =	sshrl.u32 s7, $0x2;
	s23 =	sshrl.u32 s8, $0x1;
	s11 =	smul.u32 $0xA20, s9  }
0xc: {  	s26 =	sadd.s32 s15, s6;
	s4 =	sadd.s32 s5, s4;
	s14 =	ssub.s32 s8, s23  }
0xd: {  	s15 =	sadd.s32 s1, s26;
	s23 =	simm.s32 $0x4;
	s26 =	simm.s32 $0x5  }
0xe: {  	s5 =	sshrl.u32 s4, $0x3;
	s4 =	sadd.s32 $0x17000, s0;
	s10 =	sshrl.u32 s10, $0x3  }
0xf: {  	s14 =	smax.u32 s14, $0x1;
	s0 =	sadd.s32 s5, s0;
	s5 =	sadd.s32 s22, s2  }
0x10: {  	s12 =	sadd.s32 s6, s10;
	s10 =	sadd.s32 s6, s11;
	s22 =	simm.s32 $0x4300  }
0x11: {  	s24 =	sadd.s32 $0x4000, s5;
	s25 =	sadd.s32 $0x8000, s5;
	s8 =	sadd.s32 $0xC000, s5  }
0x12: {  	s9 =	sadd.s32 $0x10000, s5;
	s11 =	sadd.s32 $0x20, s12;
	s12 =	sadd.s32 $0x40, s12  }
0x13: {  	s13 =	sadd.s32 $0x3E800, s0;
	s0 =	simm.s32 $0x0;
	[dreg:$0x3] =	wrdreg s24  }
0x14: {  	v0 =	vimm.f32 $0.0e+00;
	[dreg:$0x4] =	wrdreg s25;
	s24 =	simm.s32 $0x3;
	s25 =	simm.s32 $0x8300  }
.LBB2_1:
0x15: {  	s1 =	simm.s32 $0x0;
	s6 =	simm.s32 $0x200  }
.LBB2_2:
0x16: {  	p0 =	sne.s32 s6, $0xFE00;
	[tilespmem:s1+$0x370] =	vst v0  }
0x17: {  	[tilespmem:s1+$0x300] =	vst v0  }
0x18: {  	[tilespmem:s1+$0x310] =	vst v0  }
.Ltmp0:
0x19: {  	[tilespmem:s1+$0x320] =	vst v0;
	(pc) =	sbr.rel @p0 .LBB2_2-.Ltmp0, $4  }
0x1a: {  	[tilespmem:s1+$0x330] =	vst v0  }
0x1b: {  	[tilespmem:s1+$0x340] =	vst v0  }
0x1c: {  	[tilespmem:s1+$0x350] =	vst v0  }
0x1d: {  	[tilespmem:s1+$0x360] =	vst v0;
	s1 =	sshra.s32 s6, $0x2;
	s6 =	sadd.s32 $0x200, s6  }
0x1e: {  	[tilespmem:s1+$0x370] =	vst v0  }
0x1f: {  	[tilespmem:s1+$0x300] =	vst v0  }
0x20: {  	[tilespmem:s1+$0x310] =	vst v0  }
0x21: {  	[tilespmem:s1+$0x320] =	vst v0  }
0x22: {  	[tilespmem:s1+$0x330] =	vst v0  }
0x23: {  	[tilespmem:s1+$0x340] =	vst v0  }
0x24: {  	[tilespmem:s1+$0x350] =	vst v0  }
0x25: {  	[tilespmem:s1+$0x360] =	vst v0  }
0x26: {  	[spmem:s5] =	stream.linear.scatter [tilespmem:s16], [sflag:$0x7], $0x4000, $0x38;
	[tilespmem:$0x1FF00] =	vst v63  }
0x27: {  	_ =	swait.ge [sflag:s17], $0x4000  }
0x28: {  	[sflag:s17] =	ssyncset.done $0x0  }
0x29: {  	s7 =	rddreg [dreg:$0x3];
	[sflag:s17] =	ssyncadd.s32 $0xFFFFC000  }
0x2a: {  	[spmem:s7] =	stream.linear.scatter [tilespmem:s16], [sflag:$0x7], $0x4000, $0x38;
	[tilespmem:$0x1FF00] =	vst v63  }
0x2b: {  	_ =	swait.ge [sflag:s17], $0x4000  }
0x2c: {  	[sflag:s17] =	ssyncset.done $0x0  }
0x2d: {  	s6 =	rddreg [dreg:$0x4];
	[sflag:s17] =	ssyncadd.s32 $0xFFFFC000  }
0x2e: {  	[spmem:s6] =	stream.linear.scatter [tilespmem:s16], [sflag:$0x7], $0x4000, $0x38;
	[tilespmem:$0x1FF00] =	vst v63  }
0x2f: {  	_ =	swait.ge [sflag:s17], $0x4000  }
0x30: {  	[sflag:s17] =	ssyncset.done $0x0  }
0x31: {  	[sflag:s17] =	ssyncadd.s32 $0xFFFFC000  }
0x32: {  	[spmem:s8] =	stream.linear.scatter [tilespmem:s16], [sflag:$0x7], $0x4000, $0x38;
	[tilespmem:$0x1FF00] =	vst v63  }
0x33: {  	_ =	swait.ge [sflag:s17], $0x4000  }
0x34: {  	[sflag:s17] =	ssyncset.done $0x0  }
0x35: {  	[sflag:s17] =	ssyncadd.s32 $0xFFFFC000  }
0x36: {  	[spmem:s9] =	stream.linear.scatter [tilespmem:s16], [sflag:$0x7], $0x3C00, $0x38;
	[tilespmem:$0x1FF00] =	vst v63  }
0x37: {  	_ =	swait.ge [sflag:s17], $0x3C00  }
0x38: {  	[sflag:s17] =	ssyncset.done $0x0  }
0x39: {  	[sflag:s17] =	ssyncadd.s32 $0xFFFFC400  }
0x3a: {  	[bflag:$0x0] =	sbarrier.arrive $0xFFFF  }
0x3b: {  	[tilespmem:s3], [sflag:$0x7] =	stream.linear.gather [hbm4b:s10+s3], $0x100, $0x38;
	[tilespmem:$0x1FF00] =	vst v63  }
0x3c: {  	_ =	swait.ge [sflag:s17], $0x100  }
0x3d: {  	[sflag:s17] =	ssyncset.done $0x0  }
0x3e: {  	[sflag:s17] =	ssyncadd.s32 $0xFFFFFF00  }
0x3f: {  	[tilespmem:s18], [sflag:$0x2] =	stream.linear.gather [hbm4b:s11+s3], $0x100, $0x38;
	[tilespmem:$0x1FF00] =	vst v63  }
0x40: {  	_ = 	snop  }
0x41: {  	[tilespmem:s19], [sflag:$0x3] =	stream.linear.gather [hbm4b:s12+s3], $0x100, $0x38;
	[tilespmem:$0x1FF00] =	vst v63  }
0x42: {  	_ = 	snop  }
0x43: {  	[tilespmem:s16], [sflag:$0x4] =	stream.indirect.gather [hbm4b:s4+s20], $0x80, s3, s20, $0xb8;
	[tilespmem:$0x1FF00] =	vst v63  }
0x44: {  	_ =	swait.ge [sflag:s21], $0x100  }
0x45: {  	[sflag:s21] =	ssyncset.done $0x0  }
0x46: {  	[sflag:s21] =	ssyncadd.s32 $0xFFFFFF00  }
0x47: {  	[tilespmem:s22], [sflag:$0x5] =	stream.indirect.gather [hbm4b:s4+s20], $0x80, s18, s20, $0xb8;
	[tilespmem:$0x1FF00] =	vst v63  }
0x48: {  	_ =	swait.ge [sflag:s23], $0x4000  }
0x49: {  	[sflag:s23] =	ssyncset.done $0x0  }
0x4a: {  	[sflag:s23] =	ssyncadd.s32 $0xFFFFC000  }
0x4b: {  	_ =	swait.ge [sflag:s24], $0x100  }
0x4c: {  	[sflag:s24] =	ssyncset.done $0x0  }
0x4d: {  	[sflag:s24] =	ssyncadd.s32 $0xFFFFFF00  }
0x4e: {  	[tilespmem:s25], [sflag:$0x6] =	stream.indirect.gather [hbm4b:s4+s20], $0x80, s19, s20, $0xb8;
	[tilespmem:$0x1FF00] =	vst v63  }
0x4f: {  	_ = 	snop  }
0x50: {  	[spmem:s2] =	stream.indirect.scatter.add.f32 [tilespmem:s16], [sflag:$0x7], $0x80, s20, s20, $0xb8;
	[tilespmem:$0x1FF00] =	vst v63  }
0x51: {  	_ =	swait.ge [sflag:s17], $0x4000  }
0x52: {  	s6 =	sadd.s32 $0xFFFFF640, s15;
	[sflag:s17] =	ssyncset.done $0x0  }
0x53: {  	s7 =	sadd.s32 $0xA20, s6;
	[sflag:s17] =	ssyncadd.s32 $0xFFFFC000  }
0x54: {  	[tilespmem:s3], [sflag:$0x1] =	stream.linear.gather [hbm4b:s7+s3], $0x100, $0x38;
	[tilespmem:$0x1FF00] =	vst v63  }
0x55: {  	_ =	swait.ge [sflag:s26], $0x4000  }
0x56: {  	[sflag:s26] =	ssyncset.done $0x0  }
0x57: {  	[sflag:s26] =	ssyncadd.s32 $0xFFFFC000  }
0x58: {  	_ =	swait.ge [sflag:s28], $0x100  }
0x59: {  	[sflag:s28] =	ssyncset.done $0x0  }
0x5a: {  	[sflag:s28] =	ssyncadd.s32 $0xFFFFFF00  }
0x5b: {  	[tilespmem:s16], [sflag:$0x4] =	stream.indirect.gather [hbm4b:s4+s20], $0x80, s3, s20, $0xb8;
	[tilespmem:$0x1FF00] =	vst v63  }
0x5c: {  	_ = 	snop  }
0x5d: {  	[spmem:s2] =	stream.indirect.scatter.add.f32 [tilespmem:s22], [sflag:$0x7], $0x80, s29, s20, $0xb8;
	[tilespmem:$0x1FF00] =	vst v63  }
0x5e: {  	_ =	swait.ge [sflag:s17], $0x4000  }
0x5f: {  	[sflag:s17] =	ssyncset.done $0x0  }
0x60: {  	s7 =	sadd.s32 $0xA40, s6;
	[sflag:s17] =	ssyncadd.s32 $0xFFFFC000  }
0x61: {  	[tilespmem:s18], [sflag:$0x2] =	stream.linear.gather [hbm4b:s7+s3], $0x100, $0x38;
	[tilespmem:$0x1FF00] =	vst v63  }
0x62: {  	_ =	swait.ge [sflag:s30], $0x4000  }
0x63: {  	[sflag:s30] =	ssyncset.done $0x0  }
0x64: {  	[sflag:s30] =	ssyncadd.s32 $0xFFFFC000  }
0x65: {  	_ =	swait.ge [sflag:s21], $0x100  }
0x66: {  	[sflag:s21] =	ssyncset.done $0x0  }
0x67: {  	[sflag:s21] =	ssyncadd.s32 $0xFFFFFF00  }
0x68: {  	[tilespmem:s22], [sflag:$0x5] =	stream.indirect.gather [hbm4b:s4+s20], $0x80, s18, s20, $0xb8;
	[tilespmem:$0x1FF00] =	vst v63  }
0x69: {  	_ = 	snop  }
0x6a: {  	[spmem:s2] =	stream.indirect.scatter.add.f32 [tilespmem:s25], [sflag:$0x7], $0x80, s31, s20, $0xb8;
	[tilespmem:$0x1FF00] =	vst v63  }
0x6b: {  	_ =	swait.ge [sflag:s17], $0x4000  }
0x6c: {  	[sflag:s17] =	ssyncset.done $0x0  }
0x6d: {  	s1 =	simm.s32 $0xFFFFF6A0;
	s6 =	sadd.s32 $0xA60, s6;
	[sflag:s17] =	ssyncadd.s32 $0xFFFFC000  }
.LBB2_4:
0x6e: {  	[tilespmem:s19], [sflag:$0x3] =	stream.linear.gather [hbm4b:s6+s3], $0x100, $0x38;
	[tilespmem:$0x1FF00] =	vst v63  }
0x6f: {  	s6 =	smov.u32 s1  }
0x70: {  	p0 =	sne.s32 s1, $0xFFFFFFA0;
	s1 =	sadd.s32 $0x60, s1;
	_ =	swait.ge [sflag:s23], $0x4000  }
0x71: {  	[sflag:s23] =	ssyncset.done $0x0  }
0x72: {  	[sflag:s23] =	ssyncadd.s32 $0xFFFFC000  }
0x73: {  	_ =	swait.ge [sflag:s24], $0x100  }
0x74: {  	[sflag:s24] =	ssyncset.done $0x0  }
0x75: {  	[sflag:s24] =	ssyncadd.s32 $0xFFFFFF00  }
0x76: {  	[tilespmem:s25], [sflag:$0x6] =	stream.indirect.gather [hbm4b:s4+s20], $0x80, s19, s20, $0xb8;
	[tilespmem:$0x1FF00] =	vst v63  }
0x77: {  	_ = 	snop  }
0x78: {  	[spmem:s2] =	stream.indirect.scatter.add.f32 [tilespmem:s16], [sflag:$0x7], $0x80, s20, s20, $0xb8;
	[tilespmem:$0x1FF00] =	vst v63  }
0x79: {  	_ =	swait.ge [sflag:s17], $0x4000  }
0x7a: {  	s6 =	sadd.s32 s6, s15;
	[sflag:s17] =	ssyncset.done $0x0  }
0x7b: {  	s7 =	sadd.s32 $0xA20, s6;
	[sflag:s17] =	ssyncadd.s32 $0xFFFFC000  }
0x7c: {  	[tilespmem:s3], [sflag:$0x1] =	stream.linear.gather [hbm4b:s7+s3], $0x100, $0x38;
	[tilespmem:$0x1FF00] =	vst v63  }
0x7d: {  	_ =	swait.ge [sflag:s26], $0x4000  }
0x7e: {  	[sflag:s26] =	ssyncset.done $0x0  }
0x7f: {  	[sflag:s26] =	ssyncadd.s32 $0xFFFFC000  }
0x80: {  	_ =	swait.ge [sflag:s28], $0x100  }
0x81: {  	[sflag:s28] =	ssyncset.done $0x0  }
0x82: {  	[sflag:s28] =	ssyncadd.s32 $0xFFFFFF00  }
0x83: {  	[tilespmem:s16], [sflag:$0x4] =	stream.indirect.gather [hbm4b:s4+s20], $0x80, s3, s20, $0xb8;
	[tilespmem:$0x1FF00] =	vst v63  }
0x84: {  	_ = 	snop  }
0x85: {  	[spmem:s2] =	stream.indirect.scatter.add.f32 [tilespmem:s22], [sflag:$0x7], $0x80, s29, s20, $0xb8;
	[tilespmem:$0x1FF00] =	vst v63  }
0x86: {  	_ =	swait.ge [sflag:s17], $0x4000  }
0x87: {  	[sflag:s17] =	ssyncset.done $0x0  }
0x88: {  	s7 =	sadd.s32 $0xA40, s6;
	[sflag:s17] =	ssyncadd.s32 $0xFFFFC000  }
0x89: {  	[tilespmem:s18], [sflag:$0x2] =	stream.linear.gather [hbm4b:s7+s3], $0x100, $0x38;
	[tilespmem:$0x1FF00] =	vst v63  }
0x8a: {  	_ =	swait.ge [sflag:s30], $0x4000  }
0x8b: {  	[sflag:s30] =	ssyncset.done $0x0  }
0x8c: {  	[sflag:s30] =	ssyncadd.s32 $0xFFFFC000  }
0x8d: {  	_ =	swait.ge [sflag:s21], $0x100  }
0x8e: {  	[sflag:s21] =	ssyncset.done $0x0  }
0x8f: {  	[sflag:s21] =	ssyncadd.s32 $0xFFFFFF00  }
0x90: {  	[tilespmem:s22], [sflag:$0x5] =	stream.indirect.gather [hbm4b:s4+s20], $0x80, s18, s20, $0xb8;
	[tilespmem:$0x1FF00] =	vst v63  }
.Ltmp1:
0x91: {  	(pc) =	sbr.rel @p0 .LBB2_4-.Ltmp1, $4  }
0x92: {  	[spmem:s2] =	stream.indirect.scatter.add.f32 [tilespmem:s25], [sflag:$0x7], $0x80, s31, s20, $0xb8;
	[tilespmem:$0x1FF00] =	vst v63  }
0x93: {  	_ =	swait.ge [sflag:s17], $0x4000  }
0x94: {  	[sflag:s17] =	ssyncset.done $0x0  }
0x95: {  	s6 =	sadd.s32 $0xA60, s6;
	[sflag:s17] =	ssyncadd.s32 $0xFFFFC000  }
0x96: {  	[tilespmem:s19], [sflag:$0x3] =	stream.linear.gather [hbm4b:s6+s3], $0x100, $0x38;
	[tilespmem:$0x1FF00] =	vst v63  }
0x97: {  	_ =	swait.ge [sflag:s23], $0x4000  }
0x98: {  	[sflag:s23] =	ssyncset.done $0x0  }
0x99: {  	[sflag:s23] =	ssyncadd.s32 $0xFFFFC000  }
0x9a: {  	_ =	swait.ge [sflag:s24], $0x100  }
0x9b: {  	[sflag:s24] =	ssyncset.done $0x0  }
0x9c: {  	[sflag:s24] =	ssyncadd.s32 $0xFFFFFF00  }
0x9d: {  	[tilespmem:s25], [sflag:$0x6] =	stream.indirect.gather [hbm4b:s4+s20], $0x80, s19, s20, $0xb8;
	[tilespmem:$0x1FF00] =	vst v63  }
0x9e: {  	_ = 	snop  }
0x9f: {  	[spmem:s2] =	stream.indirect.scatter.add.f32 [tilespmem:s16], [sflag:$0x7], $0x80, s20, s20, $0xb8;
	[tilespmem:$0x1FF00] =	vst v63  }
0xa0: {  	_ =	swait.ge [sflag:s17], $0x4000  }
0xa1: {  	[sflag:s17] =	ssyncset.done $0x0  }
0xa2: {  	[sflag:s17] =	ssyncadd.s32 $0xFFFFC000  }
0xa3: {  	_ =	swait.ge [sflag:s26], $0x4000  }
0xa4: {  	[sflag:s26] =	ssyncset.done $0x0  }
0xa5: {  	[sflag:s26] =	ssyncadd.s32 $0xFFFFC000  }
0xa6: {  	[spmem:s2] =	stream.indirect.scatter.add.f32 [tilespmem:s22], [sflag:$0x7], $0x80, s29, s20, $0xb8;
	[tilespmem:$0x1FF00] =	vst v63  }
0xa7: {  	_ =	swait.ge [sflag:s17], $0x4000  }
0xa8: {  	[sflag:s17] =	ssyncset.done $0x0  }
0xa9: {  	[sflag:s17] =	ssyncadd.s32 $0xFFFFC000  }
0xaa: {  	_ =	swait.ge [sflag:s30], $0x4000  }
0xab: {  	[sflag:s30] =	ssyncset.done $0x0  }
0xac: {  	[sflag:s30] =	ssyncadd.s32 $0xFFFFC000  }
0xad: {  	[spmem:s2] =	stream.indirect.scatter.add.f32 [tilespmem:s25], [sflag:$0x7], $0x80, s31, s20, $0xb8;
	[tilespmem:$0x1FF00] =	vst v63  }
0xae: {  	s1 =	stileid.u32;
	_ =	swait.ge [sflag:s17], $0x4000  }
0xaf: {  	s7 =	sshrl.u32 s5, $0x3;
	s0 =	sadd.s32 $0x1, s0;
	[sflag:s17] =	ssyncset.done $0x0  }
0xb0: {  	s1 =	sshll.u32 s1, $0x6;
	p0 =	sne.s32 s0, s14;
	[sflag:s17] =	ssyncadd.s32 $0xFFFFC000  }
.Ltmp2:
0xb1: {  	s1 =	sor.u32 $0x1C07, s1;
	[bflag:$0x0] =	sbarrier.arrive $0xFFFF;
	(pc) =	sbr.rel @p0 .LBB2_1-.Ltmp2, $4  }
0xb2: {  	[hbm:s13], [sflag:s1] =	dma.local [spmem:s7], $0x2780  }
0xb3: {  	_ =	swait.ge [sflag:s17], $0x2780  }
0xb4: {  	[sflag:s17] =	ssyncset.done $0x0  }
0xb5: {  	[sflag:s17] =	ssyncadd.s32 $0xFFFFD880  }
0xb6: {  	_ =	sfence.sel $0x180000  }
0xb7: {  	[bflag:$0x0] =	sbarrier.arrive $0xFFFF  }
0xb8: {  	_ =	strace $0x9000004A  }
0xb9: {  	s0 =	stileid.u32;
	[bflag:$0x2] =	sbarrier.arrive $0xFFFF  }
0xba: {  	p0 =	sne.s32 s0, $0x0;
	s0 =	rddreg [dreg:$0x2]  }
0xbb: {  	s0 =	sadd.s32 @!p0 $0x100000, s0  }
0xbc: {  	[sflag:s0] =	ssyncadd.tile.s32 @!p0 $0x1;
	_ =	shalt  }
.Lfunc_end2:
_tile_overlayer_lowered:
.L_overlay_start_2:
0xbd: {  	(tag) =	ssettag $0x2  }
0xbe: {  	s0 =	rddreg [dreg:$0x0];
	s2 =	stileid.u32  }
0xbf: {  	s1 =	rddreg [dreg:$0x1];
	p0 =	sne.s32 s2, $0x0  }
0xc0: {  	s3 =	rddreg [dreg:$0x2];
	[bflag:$0x3] =	sbarrier.arrive $0xFFFF;
	s2 =	simm.s32 @!p0 $0x1C07  }
0xc1: {  	[timem:s3], [sflag:s2] =	dma.local @!p0 [hbm:s0], s1  }
0xc2: {  	s0 =	simm.s32 @!p0 $0x7  }
0xc3: {  	_ =	swait.ge @!p0 [sflag:s0], s1  }
0xc4: {  	s1 =	ssub.s32 @!p0 $0x0, s1;
	[sflag:s0] =	ssyncset.done @!p0 $0x0  }
0xc5: {  	[sflag:s0] =	ssyncadd.s32 @!p0 s1  }
0xc6: {  	[bflag:$0x3] =	sbarrier.arrive $0xFFFF  }
0xc7: {  	_ =	shalt  }

// kernel: kernel.17.cloned.1.call-start
scs
__scs_entry_jumppad:
0x0: {  	(pc) =	sbr.rel $0x88, $3  }
0x1: {  	(tag) =	ssettag $0x0;
	lr =	simm.s32 $0x1  }
0x2: {  	[smem:$0x3F99] =	sst lr;
	_ =	strace $0xD0000000  }
0x3: {  	_ = 	snop  }
0x4: {  	_ = 	snop  }
0x5: {  	_ = 	snop  }
0x6: {  	_ = 	snop  }
0x7: {  	_ = 	snop  }
__scs_overlays_trampoline_lowered:
0x8: {  	[smem:$0x3FA8] =	sst s0  }
0x9: {  	[smem:$0x3FA9] =	sst s1  }
0xa: {  	[smem:$0x3FAA] =	sst s2  }
0xb: {  	[smem:$0x3FAB] =	sst s3  }
0xc: {  	[smem:$0x3FAC] =	sst s4  }
0xd: {  	[smem:$0x3FAD] =	sst s5  }
0xe: {  	[smem:$0x3FAE] =	sst s6  }
0xf: {  	[smem:$0x3FAF] =	sst s7  }
0x10: {  	[smem:$0x3FB0] =	sst s8  }
0x11: {  	[smem:$0x3FB1] =	sst s9;
	s0 =	simm.s32 @!p0 $0x0  }
0x12: {  	s1 =	sld [smem:$0x3F97];
	s0 =	simm.s32 @p0 $0x1  }
0x13: {  	[smem:$0x3FB2] =	sst s0;
	s0 =	simm.s32 @!p1 $0x0  }
0x14: {  	s2 =	sld [smem:$0x3F96];
	s0 =	simm.s32 @p1 $0x1  }
0x15: {  	[smem:$0x3FB3] =	sst s0;
	s0 =	simm.s32 @!p2 $0x0  }
0x16: {  	s3 =	sld [smem:$0x3FDB];
	s0 =	simm.s32 @p2 $0x1  }
0x17: {  	s4 =	simm.s32 $0x1BF5;
	[smem:$0x3FB5] =	sst s0  }
0x18: {  	s0 =	sld [smem:$0x3F98];
	_ =	swait.ge [sflag:s4], $0x0  }
0x19: {  	s7 =	sld [smem:$0x3F99]  }
0x1a: {  	s8 =	sadd.s32 $0xFFFFE003, lr  }
0x1b: {  	s9 =	sadd.s32 $0xFFFFFEF7, lr;
	s5 =	simm.s32 $0xFFFFFFFF;
	p2 =	slt.u32 s8, $0xFFFFF086  }
0x1c: {  	p1 =	slt.u32 s9, $0xF7A;
	s5 =	simm.s32 @!p2 $0x0  }
0x1d: {  	s5 =	simm.s32 @p1 $0x1;
	p0 =	seq.s32 s7, s2  }
0x1e: {  	s7 =	smul.u32 @!p0 $0xF7A, s2;
	p2 =	seq.s32 @!p0 s5, $0x0  }
0x1f: {  	s9 =	smul.u32 $0xF7A, s1;
	s8 =	simm.s32 @!p0 $0x1BF5;
	p2 =	por !p2, p0  }
0x20: {  	[sflag:s8] =	ssyncset.s32 @!p0 $0xFFFFF086;
	s6 =	sadd.s32 @!p0 s3, s7;
	s7 =	simm.s32 @!p0 $0x108  }
0x21: {  	s3 =	sadd.s32 s3, s9;
	s6 =	sadd.s32 @!p0 $0x88, s6;
	s7 =	simm.s32 @p2 $0x1082  }
0x22: {  	[simem:s7], [sflag:s8] =	dma.local @!p0 [hbm:s6], $0xF7A  }
0x23: {  	s9 =	sor.u32 $0xD0000000, s2;
	s6 =	simm.s32 $0x108;
	_ =	swait.ge @!p0 [sflag:s8], $0x0  }
0x24: {  	s3 =	sadd.s32 $0x88, s3;
	s6 =	simm.s32 @!p1 $0x1082;
	[sflag:s4] =	ssyncset.s32 $0xFFFFF086  }
0x25: {  	[simem:s6], [sflag:s4] =	dma.local [hbm:s3], $0xF7A  }
0x26: {  	[smem:$0x3F99] =	sst s1;
	(tag) =	ssettag s2;
	_ =	strace s9  }
0x27: {  	s1 =	sld [smem:$0x3FA9]  }
0x28: {  	s2 =	sld [smem:$0x3FAA]  }
0x29: {  	s4 =	sld [smem:$0x3FAC]  }
0x2a: {  	p0 =	seq.s32 s5, $0x0;
	s5 =	sld [smem:$0x3FAD]  }
0x2b: {  	s6 =	sld [smem:$0x3FAE]  }
0x2c: {  	s7 =	sld [smem:$0x3FAF]  }
0x2d: {  	s3 =	simm.s32 $0x108;
	s8 =	sld [smem:$0x3FB0]  }
0x2e: {  	s3 =	simm.s32 @!p0 $0x1082;
	s9 =	sld [smem:$0x3FB1]  }
0x2f: {  	lr =	sadd.s32 s0, s3;
	s0 =	sld [smem:$0x3FA8]  }
0x30: {  	s3 =	sld [smem:$0x3FAB]  }
0x31: {  	[smem:$0x3FB4] =	sst s10  }
0x32: {  	s10 =	sld [smem:$0x3FB2];
	_ =	sdelay $0x3  }
0x33: {  	p0 =	seq.s32 s10, $0x1;
	s10 =	sld [smem:$0x3FB4];
	_ =	sdelay $0x3  }
0x34: {  	[smem:$0x3FB4] =	sst s10  }
0x35: {  	s10 =	sld [smem:$0x3FB3];
	_ =	sdelay $0x3  }
0x36: {  	p1 =	seq.s32 s10, $0x1;
	s10 =	sld [smem:$0x3FB4];
	_ =	sdelay $0x3  }
0x37: {  	[smem:$0x3FB4] =	sst s10  }
0x38: {  	s10 =	sld [smem:$0x3FB5]  }
0x39: {  	_ = 	snop;
	(pc) =	sbr.ind lr, $3  }
0x3a: {  	_ = 	snop  }
0x3b: {  	_ = 	snop  }
0x3c: {  	p2 =	seq.s32 s10, $0x1;
	s10 =	sld [smem:$0x3FB4]  }
0x3d: {  	_ =	shalt  }
0x3e: {  	_ =	shalt  }
0x3f: {  	_ =	shalt  }
0x40: {  	_ =	shalt  }
0x41: {  	_ =	shalt  }
0x42: {  	_ =	shalt  }
0x43: {  	_ =	shalt  }
0x44: {  	_ =	shalt  }
0x45: {  	_ =	shalt  }
0x46: {  	_ =	shalt  }
0x47: {  	_ =	shalt  }
0x48: {  	_ =	shalt  }
0x49: {  	_ =	shalt  }
0x4a: {  	_ =	shalt  }
0x4b: {  	_ =	shalt  }
0x4c: {  	_ =	shalt  }
0x4d: {  	_ =	shalt  }
0x4e: {  	_ =	shalt  }
0x4f: {  	_ =	shalt  }
0x50: {  	_ =	shalt  }
0x51: {  	_ =	shalt  }
0x52: {  	_ =	shalt  }
0x53: {  	_ =	shalt  }
0x54: {  	_ =	shalt  }
0x55: {  	_ =	shalt  }
0x56: {  	_ =	shalt  }
0x57: {  	_ =	shalt  }
0x58: {  	_ =	shalt  }
0x59: {  	_ =	shalt  }
0x5a: {  	_ =	shalt  }
0x5b: {  	_ =	shalt  }
0x5c: {  	_ =	shalt  }
0x5d: {  	_ =	shalt  }
0x5e: {  	_ =	shalt  }
0x5f: {  	_ =	shalt  }
0x60: {  	_ =	shalt  }
0x61: {  	_ =	shalt  }
0x62: {  	_ =	shalt  }
0x63: {  	_ =	shalt  }
0x64: {  	_ =	shalt  }
0x65: {  	_ =	shalt  }
0x66: {  	_ =	shalt  }
0x67: {  	_ =	shalt  }
0x68: {  	_ =	shalt  }
0x69: {  	_ =	shalt  }
0x6a: {  	_ =	shalt  }
0x6b: {  	_ =	shalt  }
0x6c: {  	_ =	shalt  }
0x6d: {  	_ =	shalt  }
0x6e: {  	_ =	shalt  }
0x6f: {  	_ =	shalt  }
0x70: {  	_ =	shalt  }
0x71: {  	_ =	shalt  }
0x72: {  	_ =	shalt  }
0x73: {  	_ =	shalt  }
0x74: {  	_ =	shalt  }
0x75: {  	_ =	shalt  }
0x76: {  	_ =	shalt  }
0x77: {  	_ =	shalt  }
0x78: {  	_ =	shalt  }
0x79: {  	_ =	shalt  }
0x7a: {  	_ =	shalt  }
0x7b: {  	_ =	shalt  }
0x7c: {  	_ =	shalt  }
0x7d: {  	_ =	shalt  }
0x7e: {  	_ =	shalt  }
0x7f: {  	_ =	shalt  }
0x80: {  	_ =	shalt  }
0x81: {  	_ =	shalt  }
0x82: {  	_ =	shalt  }
0x83: {  	_ =	shalt  }
0x84: {  	_ =	shalt  }
0x85: {  	_ =	shalt  }
0x86: {  	_ =	shalt  }
0x87: {  	_ =	shalt  }
.Lfunc_end0:
.L_simem_size_0:
called_computation.2_lowered:
.L_overlay_start_0:
0x88: {  	s2 =	sld [smem:$0x3FD9]  }
0x89: {  	s3 =	sld [smem:$0x3FFE];
	_ =	sdelay $0x1  }
0x8a: {  	s1 =	srdreg.scid  }
0x8b: {  	s0 =	sand.u32 $0x1, s1  }
0x8c: {  	s16 =	sshll.u32 s0, $0xA;
	s2 =	sadd.s32 s3, s2  }
0x8d: {  	s2 =	sadd.s32 s2, s16  }
0x8e: {  	[smem:$0x3FC0] =	sst s2  }
0x8f: {  	_ = 	snop  }
0x90: {  	(tm) =	ssettm $0x1  }
0x91: {  	s17 =	sld [smem:$0x3FFB];
	_ =	sdelay $0x3  }
0x92: {  	_ =	strace s17  }
0x93: {  	s2 =	sld [smem:$0x3FFC];
	_ =	sdelay $0x3  }
0x94: {  	_ =	strace s2  }
0x95: {  	s2 =	sld [smem:$0x3FFD];
	_ =	sdelay $0x3  }
0x96: {  	_ =	strace s2  }
0x97: {  	_ =	strace $0x8FFFFFFF  }
0x98: {  	s18 =	sld [smem:$0x3FDB];
	_ =	sdelay $0x1  }
0x99: {  	s19 =	simm.s32 $_scs_section_size  }
0x9a: {  	s4 =	simm.s32 $_size__tile_overlayer_lowered;
	s5 =	simm.s32 $_tile_overlayer_lowered  }
0x9b: {  	s22 =	simm.s32 $0x1BFF;
	s21 =	sshll.u32 s5, $0x1;
	s2 =	sadd.s32 s19, s18  }
0x9c: {  	s6 =	simm.s32 $0x0;
	s20 =	sshll.u32 s4, $0x1;
	s4 =	sadd.s32 s21, s2  }
0x9d: {  	[timem:s6], [sflag:s22] =	dma.local [hbm:s4], s20  }
0x9e: {  	_ =	swait.ge [sflag:s22], s20  }
0x9f: {  	s3 =	ssub.s32 $0x0, s20;
	[sflag:s22] =	ssyncset.done $0x0  }
0xa0: {  	[sflag:s22] =	ssyncadd.s32 s3;
	_ =	sdelay $0x1  }
0xa1: {  	s23 =	simm.s32 $0x1B8B  }
0xa2: {  	_ =	swait.ge [sflag:s23], $0x1  }
0xa3: {  	[sflag:s23] =	ssyncset.done $0x0  }
0xa4: {  	s25 =	simm.s32 $0x1B8E;
	s24 =	sld [smem:$0x3FFE];
	[sflag:s23] =	ssyncadd.s32 $0xFFFFFFFF  }
0xa5: {  	s26 =	simm.s32 $execute0_lowered;
	[smem:$0x3FD2] =	sst s25  }
0xa6: {  	s4 =	sshll.u32 s26, $0x1;
	_ =	strace $0x8000004C;
	[dreg:$0x1] =	wrdreg $0xFFFFFFFF  }
0xa7: {  	s28 =	simm.s32 $_size_execute0_lowered;
	s2 =	sadd.s32 s2, s4;
	[dreg:$0x0] =	wrdreg $0x0  }
0xa8: {  	s4 =	sshll.u32 s28, $0x1;
	[dreg:$0x2] =	wrdreg s2  }
0xa9: {  	[dreg:$0x3] =	wrdreg s4  }
0xaa: {  	[dreg:$0x4] =	wrdreg $0xC0  }
0xab: {  	_ =	task [dreg:s6], $0x5FFFF  }
0xac: {  	[dreg:$0x1] =	wrdreg $0xFFFFFFFF  }
0xad: {  	[dreg:$0x0] =	wrdreg $0x60  }
0xae: {  	[dreg:$0x2] =	wrdreg s24  }
0xaf: {  	[dreg:$0x3] =	wrdreg $0xC3000  }
0xb0: {  	[dreg:$0x4] =	wrdreg $0x9  }
0xb1: {  	_ =	task.clear_ibuf [dreg:s6], $0x5FFFF;
	_ =	strace $0x9000004C  }
0xb2: {  	s29 =	simm.s32 $0x9;
	_ =	strace $0x8000004E  }
0xb3: {  	_ =	swait.ge [sflag:s29], $0x1  }
0xb4: {  	[sflag:s29] =	ssyncadd.s32 $0xFFFFFFFF  }
0xb5: {  	_ =	strace $0x9000004E  }
0xb6: {  	_ =	sfence  }
0xb7: {  	s30 =	sld [smem:$0x0];
	_ =	sdelay $0x2  }
0xb8: {  	s31 =	sshll.u32 s1, $0xD;
	s1 =	sshrl.u32 s1, $0x2  }
0xb9: {  	s3 =	sand.u32 $0x4000, s31;
	s1 =	sadd.s32 s1, s30  }
0xba: {  	s0 =	sor.u32 s3, s0;
	s1 =	sshll.u32 s1, $0x11  }
0xbb: {  	s0 =	sor.u32 s1, s0  }
0xbc: {  	s0 =	sadd.s32 $0x8F2B, s0  }
0xbd: {  	[sflag:s0] =	ssyncadd.remote.s32 $0x1  }
0xbe: {  	_ =	sfence.sel $0xFFFF  }
0xbf: {  	[dreg:$0x0] =	wrdreg $0xFFFFFFFF;
	(pc) =	sbr.abs _section_cstart, $3  }
0xc0: {  	[dreg:$0x1] =	wrdreg $0xFFFFFFFF  }
0xc1: {  	_ =	task.clear_ibuf [dreg:s6], $0x2FFFF;
	_ =	strace $0x9FFFFFFF  }
0xc2: {  	(tm) =	ssettm $0x7FFFFFFF  }
0xc3: {  	_ =	shalt  }
tec
execute0_lowered:
.L_overlay_start_1:
0x0: {  	(tag) =	ssettag $0x1  }
0x1: {  	s0 =	rddreg [dreg:$0x0];
	s1 =	srdreg.scid  }
0x2: {  	s2 =	rddreg [dreg:$0x1];
	s13 =	stileid.u32  }
0x3: {  	s3 =	simm.s32 $0x0;
	s16 =	simm.s32 $0x300;
	s17 =	simm.s32 $0x7  }
0x4: {  	s18 =	simm.s32 $0x100;
	s19 =	simm.s32 $0x200;
	s20 =	simm.s32 $0x80  }
0x5: {  	s28 =	simm.s32 $0x1;
	s29 =	simm.s32 $0x180;
	s5 =	smul.u32 $0x13C00, s13  }
0x6: {  	s30 =	simm.s32 $0x6;
	s31 =	simm.s32 $0x280;
	s7 =	smul.u32 $0x4F000, s13  }
0x7: {  	s1 =	sand.u32 $0x1, s1;
	[smem:$0x7FF] =	sst s3;
	s15 =	smul.u32 $0x1440, s13  }
0x8: {  	s6 =	sadd.s32 $0x2C00, s0;
	s21 =	sshll.u32 s13, $0x1;
	s4 =	smul.u32 $0x13C000, s1  }
0x9: {  	s8 =	ssub.s32 $0x2, s1;
	s9 =	sor.u32 s1, s21;
	s1 =	smul.u32 $0xA20, s1  }
0xa: {  	_ =	strace $0x8000004D;
	s21 =	simm.s32 $0x2;
	s10 =	smul.u32 $0x5100, s9  }
0xb: {  	s22 =	sshrl.u32 s7, $0x2;
	s23 =	sshrl.u32 s8, $0x1;
	s11 =	smul.u32 $0xA20, s9  }
0xc: {  	s26 =	sadd.s32 s15, s6;
	s4 =	sadd.s32 s5, s4;
	s14 =	ssub.s32 s8, s23  }
0xd: {  	s15 =	sadd.s32 s1, s26;
	s23 =	simm.s32 $0x4;
	s26 =	simm.s32 $0x5  }
0xe: {  	s5 =	sshrl.u32 s4, $0x3;
	s4 =	sadd.s32 $0x17000, s0;
	s10 =	sshrl.u32 s10, $0x3  }
0xf: {  	s14 =	smax.u32 s14, $0x1;
	s0 =	sadd.s32 s5, s0;
	s5 =	sadd.s32 s22, s2  }
0x10: {  	s12 =	sadd.s32 s6, s10;
	s10 =	sadd.s32 s6, s11;
	s22 =	simm.s32 $0x4300  }
0x11: {  	s24 =	sadd.s32 $0x4000, s5;
	s25 =	sadd.s32 $0x8000, s5;
	s8 =	sadd.s32 $0xC000, s5  }
0x12: {  	s9 =	sadd.s32 $0x10000, s5;
	s11 =	sadd.s32 $0x20, s12;
	s12 =	sadd.s32 $0x40, s12  }
0x13: {  	s13 =	sadd.s32 $0x3E800, s0;
	s0 =	simm.s32 $0x0;
	[dreg:$0x3] =	wrdreg s24  }
0x14: {  	v0 =	vimm.f32 $0.0e+00;
	[dreg:$0x4] =	wrdreg s25;
	s24 =	simm.s32 $0x3;
	s25 =	simm.s32 $0x8300  }
.LBB2_1:
0x15: {  	s1 =	simm.s32 $0x0;
	s6 =	simm.s32 $0x200  }
.LBB2_2:
0x16: {  	p0 =	sne.s32 s6, $0xFE00;
	[tilespmem:s1+$0x370] =	vst v0  }
0x17: {  	[tilespmem:s1+$0x300] =	vst v0  }
0x18: {  	[tilespmem:s1+$0x310] =	vst v0  }
.Ltmp0:
0x19: {  	[tilespmem:s1+$0x320] =	vst v0;
	(pc) =	sbr.rel @p0 .LBB2_2-.Ltmp0, $4  }
0x1a: {  	[tilespmem:s1+$0x330] =	vst v0  }
0x1b: {  	[tilespmem:s1+$0x340] =	vst v0  }
0x1c: {  	[tilespmem:s1+$0x350] =	vst v0  }
0x1d: {  	[tilespmem:s1+$0x360] =	vst v0;
	s1 =	sshra.s32 s6, $0x2;
	s6 =	sadd.s32 $0x200, s6  }
0x1e: {  	[tilespmem:s1+$0x370] =	vst v0  }
0x1f: {  	[tilespmem:s1+$0x300] =	vst v0  }
0x20: {  	[tilespmem:s1+$0x310] =	vst v0  }
0x21: {  	[tilespmem:s1+$0x320] =	vst v0  }
0x22: {  	[tilespmem:s1+$0x330] =	vst v0  }
0x23: {  	[tilespmem:s1+$0x340] =	vst v0  }
0x24: {  	[tilespmem:s1+$0x350] =	vst v0  }
0x25: {  	[tilespmem:s1+$0x360] =	vst v0  }
0x26: {  	[spmem:s5] =	stream.linear.scatter [tilespmem:s16], [sflag:$0x7], $0x4000, $0x38;
	[tilespmem:$0x1FF00] =	vst v63  }
0x27: {  	_ =	swait.ge [sflag:s17], $0x4000  }
0x28: {  	[sflag:s17] =	ssyncset.done $0x0  }
0x29: {  	s7 =	rddreg [dreg:$0x3];
	[sflag:s17] =	ssyncadd.s32 $0xFFFFC000  }
0x2a: {  	[spmem:s7] =	stream.linear.scatter [tilespmem:s16], [sflag:$0x7], $0x4000, $0x38;
	[tilespmem:$0x1FF00] =	vst v63  }
0x2b: {  	_ =	swait.ge [sflag:s17], $0x4000  }
0x2c: {  	[sflag:s17] =	ssyncset.done $0x0  }
0x2d: {  	s6 =	rddreg [dreg:$0x4];
	[sflag:s17] =	ssyncadd.s32 $0xFFFFC000  }
0x2e: {  	[spmem:s6] =	stream.linear.scatter [tilespmem:s16], [sflag:$0x7], $0x4000, $0x38;
	[tilespmem:$0x1FF00] =	vst v63  }
0x2f: {  	_ =	swait.ge [sflag:s17], $0x4000  }
0x30: {  	[sflag:s17] =	ssyncset.done $0x0  }
0x31: {  	[sflag:s17] =	ssyncadd.s32 $0xFFFFC000  }
0x32: {  	[spmem:s8] =	stream.linear.scatter [tilespmem:s16], [sflag:$0x7], $0x4000, $0x38;
	[tilespmem:$0x1FF00] =	vst v63  }
0x33: {  	_ =	swait.ge [sflag:s17], $0x4000  }
0x34: {  	[sflag:s17] =	ssyncset.done $0x0  }
0x35: {  	[sflag:s17] =	ssyncadd.s32 $0xFFFFC000  }
0x36: {  	[spmem:s9] =	stream.linear.scatter [tilespmem:s16], [sflag:$0x7], $0x3C00, $0x38;
	[tilespmem:$0x1FF00] =	vst v63  }
0x37: {  	_ =	swait.ge [sflag:s17], $0x3C00  }
0x38: {  	[sflag:s17] =	ssyncset.done $0x0  }
0x39: {  	[sflag:s17] =	ssyncadd.s32 $0xFFFFC400  }
0x3a: {  	[bflag:$0x0] =	sbarrier.arrive $0xFFFF  }
0x3b: {  	[tilespmem:s3], [sflag:$0x7] =	stream.linear.gather [hbm4b:s10+s3], $0x100, $0x38;
	[tilespmem:$0x1FF00] =	vst v63  }
0x3c: {  	_ =	swait.ge [sflag:s17], $0x100  }
0x3d: {  	[sflag:s17] =	ssyncset.done $0x0  }
0x3e: {  	[sflag:s17] =	ssyncadd.s32 $0xFFFFFF00  }
0x3f: {  	[tilespmem:s18], [sflag:$0x2] =	stream.linear.gather [hbm4b:s11+s3], $0x100, $0x38;
	[tilespmem:$0x1FF00] =	vst v63  }
0x40: {  	_ = 	snop  }
0x41: {  	[tilespmem:s19], [sflag:$0x3] =	stream.linear.gather [hbm4b:s12+s3], $0x100, $0x38;
	[tilespmem:$0x1FF00] =	vst v63  }
0x42: {  	_ = 	snop  }
0x43: {  	[tilespmem:s16], [sflag:$0x4] =	stream.indirect.gather [hbm4b:s4+s20], $0x80, s3, s20, $0xb8;
	[tilespmem:$0x1FF00] =	vst v63  }
0x44: {  	_ =	swait.ge [sflag:s21], $0x100  }
0x45: {  	[sflag:s21] =	ssyncset.done $0x0  }
0x46: {  	[sflag:s21] =	ssyncadd.s32 $0xFFFFFF00  }
0x47: {  	[tilespmem:s22], [sflag:$0x5] =	stream.indirect.gather [hbm4b:s4+s20], $0x80, s18, s20, $0xb8;
	[tilespmem:$0x1FF00] =	vst v63  }
0x48: {  	_ =	swait.ge [sflag:s23], $0x4000  }
0x49: {  	[sflag:s23] =	ssyncset.done $0x0  }
0x4a: {  	[sflag:s23] =	ssyncadd.s32 $0xFFFFC000  }
0x4b: {  	_ =	swait.ge [sflag:s24], $0x100  }
0x4c: {  	[sflag:s24] =	ssyncset.done $0x0  }
0x4d: {  	[sflag:s24] =	ssyncadd.s32 $0xFFFFFF00  }
0x4e: {  	[tilespmem:s25], [sflag:$0x6] =	stream.indirect.gather [hbm4b:s4+s20], $0x80, s19, s20, $0xb8;
	[tilespmem:$0x1FF00] =	vst v63  }
0x4f: {  	_ = 	snop  }
0x50: {  	[spmem:s2] =	stream.indirect.scatter.add.f32 [tilespmem:s16], [sflag:$0x7], $0x80, s20, s20, $0xb8;
	[tilespmem:$0x1FF00] =	vst v63  }
0x51: {  	_ =	swait.ge [sflag:s17], $0x4000  }
0x52: {  	s6 =	sadd.s32 $0xFFFFF640, s15;
	[sflag:s17] =	ssyncset.done $0x0  }
0x53: {  	s7 =	sadd.s32 $0xA20, s6;
	[sflag:s17] =	ssyncadd.s32 $0xFFFFC000  }
0x54: {  	[tilespmem:s3], [sflag:$0x1] =	stream.linear.gather [hbm4b:s7+s3], $0x100, $0x38;
	[tilespmem:$0x1FF00] =	vst v63  }
0x55: {  	_ =	swait.ge [sflag:s26], $0x4000  }
0x56: {  	[sflag:s26] =	ssyncset.done $0x0  }
0x57: {  	[sflag:s26] =	ssyncadd.s32 $0xFFFFC000  }
0x58: {  	_ =	swait.ge [sflag:s28], $0x100  }
0x59: {  	[sflag:s28] =	ssyncset.done $0x0  }
0x5a: {  	[sflag:s28] =	ssyncadd.s32 $0xFFFFFF00  }
0x5b: {  	[tilespmem:s16], [sflag:$0x4] =	stream.indirect.gather [hbm4b:s4+s20], $0x80, s3, s20, $0xb8;
	[tilespmem:$0x1FF00] =	vst v63  }
0x5c: {  	_ = 	snop  }
0x5d: {  	[spmem:s2] =	stream.indirect.scatter.add.f32 [tilespmem:s22], [sflag:$0x7], $0x80, s29, s20, $0xb8;
	[tilespmem:$0x1FF00] =	vst v63  }
0x5e: {  	_ =	swait.ge [sflag:s17], $0x4000  }
0x5f: {  	[sflag:s17] =	ssyncset.done $0x0  }
0x60: {  	s7 =	sadd.s32 $0xA40, s6;
	[sflag:s17] =	ssyncadd.s32 $0xFFFFC000  }
0x61: {  	[tilespmem:s18], [sflag:$0x2] =	stream.linear.gather [hbm4b:s7+s3], $0x100, $0x38;
	[tilespmem:$0x1FF00] =	vst v63  }
0x62: {  	_ =	swait.ge [sflag:s30], $0x4000  }
0x63: {  	[sflag:s30] =	ssyncset.done $0x0  }
0x64: {  	[sflag:s30] =	ssyncadd.s32 $0xFFFFC000  }
0x65: {  	_ =	swait.ge [sflag:s21], $0x100  }
0x66: {  	[sflag:s21] =	ssyncset.done $0x0  }
0x67: {  	[sflag:s21] =	ssyncadd.s32 $0xFFFFFF00  }
0x68: {  	[tilespmem:s22], [sflag:$0x5] =	stream.indirect.gather [hbm4b:s4+s20], $0x80, s18, s20, $0xb8;
	[tilespmem:$0x1FF00] =	vst v63  }
0x69: {  	_ = 	snop  }
0x6a: {  	[spmem:s2] =	stream.indirect.scatter.add.f32 [tilespmem:s25], [sflag:$0x7], $0x80, s31, s20, $0xb8;
	[tilespmem:$0x1FF00] =	vst v63  }
0x6b: {  	_ =	swait.ge [sflag:s17], $0x4000  }
0x6c: {  	[sflag:s17] =	ssyncset.done $0x0  }
0x6d: {  	s1 =	simm.s32 $0xFFFFF6A0;
	s6 =	sadd.s32 $0xA60, s6;
	[sflag:s17] =	ssyncadd.s32 $0xFFFFC000  }
.LBB2_4:
0x6e: {  	[tilespmem:s19], [sflag:$0x3] =	stream.linear.gather [hbm4b:s6+s3], $0x100, $0x38;
	[tilespmem:$0x1FF00] =	vst v63  }
0x6f: {  	s6 =	smov.u32 s1  }
0x70: {  	p0 =	sne.s32 s1, $0xFFFFFFA0;
	s1 =	sadd.s32 $0x60, s1;
	_ =	swait.ge [sflag:s23], $0x4000  }
0x71: {  	[sflag:s23] =	ssyncset.done $0x0  }
0x72: {  	[sflag:s23] =	ssyncadd.s32 $0xFFFFC000  }
0x73: {  	_ =	swait.ge [sflag:s24], $0x100  }
0x74: {  	[sflag:s24] =	ssyncset.done $0x0  }
0x75: {  	[sflag:s24] =	ssyncadd.s32 $0xFFFFFF00  }
0x76: {  	[tilespmem:s25], [sflag:$0x6] =	stream.indirect.gather [hbm4b:s4+s20], $0x80, s19, s20, $0xb8;
	[tilespmem:$0x1FF00] =	vst v63  }
0x77: {  	_ = 	snop  }
0x78: {  	[spmem:s2] =	stream.indirect.scatter.add.f32 [tilespmem:s16], [sflag:$0x7], $0x80, s20, s20, $0xb8;
	[tilespmem:$0x1FF00] =	vst v63  }
0x79: {  	_ =	swait.ge [sflag:s17], $0x4000  }
0x7a: {  	s6 =	sadd.s32 s6, s15;
	[sflag:s17] =	ssyncset.done $0x0  }
0x7b: {  	s7 =	sadd.s32 $0xA20, s6;
	[sflag:s17] =	ssyncadd.s32 $0xFFFFC000  }
0x7c: {  	[tilespmem:s3], [sflag:$0x1] =	stream.linear.gather [hbm4b:s7+s3], $0x100, $0x38;
	[tilespmem:$0x1FF00] =	vst v63  }
0x7d: {  	_ =	swait.ge [sflag:s26], $0x4000  }
0x7e: {  	[sflag:s26] =	ssyncset.done $0x0  }
0x7f: {  	[sflag:s26] =	ssyncadd.s32 $0xFFFFC000  }
0x80: {  	_ =	swait.ge [sflag:s28], $0x100  }
0x81: {  	[sflag:s28] =	ssyncset.done $0x0  }
0x82: {  	[sflag:s28] =	ssyncadd.s32 $0xFFFFFF00  }
0x83: {  	[tilespmem:s16], [sflag:$0x4] =	stream.indirect.gather [hbm4b:s4+s20], $0x80, s3, s20, $0xb8;
	[tilespmem:$0x1FF00] =	vst v63  }
0x84: {  	_ = 	snop  }
0x85: {  	[spmem:s2] =	stream.indirect.scatter.add.f32 [tilespmem:s22], [sflag:$0x7], $0x80, s29, s20, $0xb8;
	[tilespmem:$0x1FF00] =	vst v63  }
0x86: {  	_ =	swait.ge [sflag:s17], $0x4000  }
0x87: {  	[sflag:s17] =	ssyncset.done $0x0  }
0x88: {  	s7 =	sadd.s32 $0xA40, s6;
	[sflag:s17] =	ssyncadd.s32 $0xFFFFC000  }
0x89: {  	[tilespmem:s18], [sflag:$0x2] =	stream.linear.gather [hbm4b:s7+s3], $0x100, $0x38;
	[tilespmem:$0x1FF00] =	vst v63  }
0x8a: {  	_ =	swait.ge [sflag:s30], $0x4000  }
0x8b: {  	[sflag:s30] =	ssyncset.done $0x0  }
0x8c: {  	[sflag:s30] =	ssyncadd.s32 $0xFFFFC000  }
0x8d: {  	_ =	swait.ge [sflag:s21], $0x100  }
0x8e: {  	[sflag:s21] =	ssyncset.done $0x0  }
0x8f: {  	[sflag:s21] =	ssyncadd.s32 $0xFFFFFF00  }
0x90: {  	[tilespmem:s22], [sflag:$0x5] =	stream.indirect.gather [hbm4b:s4+s20], $0x80, s18, s20, $0xb8;
	[tilespmem:$0x1FF00] =	vst v63  }
.Ltmp1:
0x91: {  	(pc) =	sbr.rel @p0 .LBB2_4-.Ltmp1, $4  }
0x92: {  	[spmem:s2] =	stream.indirect.scatter.add.f32 [tilespmem:s25], [sflag:$0x7], $0x80, s31, s20, $0xb8;
	[tilespmem:$0x1FF00] =	vst v63  }
0x93: {  	_ =	swait.ge [sflag:s17], $0x4000  }
0x94: {  	[sflag:s17] =	ssyncset.done $0x0  }
0x95: {  	s6 =	sadd.s32 $0xA60, s6;
	[sflag:s17] =	ssyncadd.s32 $0xFFFFC000  }
0x96: {  	[tilespmem:s19], [sflag:$0x3] =	stream.linear.gather [hbm4b:s6+s3], $0x100, $0x38;
	[tilespmem:$0x1FF00] =	vst v63  }
0x97: {  	_ =	swait.ge [sflag:s23], $0x4000  }
0x98: {  	[sflag:s23] =	ssyncset.done $0x0  }
0x99: {  	[sflag:s23] =	ssyncadd.s32 $0xFFFFC000  }
0x9a: {  	_ =	swait.ge [sflag:s24], $0x100  }
0x9b: {  	[sflag:s24] =	ssyncset.done $0x0  }
0x9c: {  	[sflag:s24] =	ssyncadd.s32 $0xFFFFFF00  }
0x9d: {  	[tilespmem:s25], [sflag:$0x6] =	stream.indirect.gather [hbm4b:s4+s20], $0x80, s19, s20, $0xb8;
	[tilespmem:$0x1FF00] =	vst v63  }
0x9e: {  	_ = 	snop  }
0x9f: {  	[spmem:s2] =	stream.indirect.scatter.add.f32 [tilespmem:s16], [sflag:$0x7], $0x80, s20, s20, $0xb8;
	[tilespmem:$0x1FF00] =	vst v63  }
0xa0: {  	_ =	swait.ge [sflag:s17], $0x4000  }
0xa1: {  	[sflag:s17] =	ssyncset.done $0x0  }
0xa2: {  	[sflag:s17] =	ssyncadd.s32 $0xFFFFC000  }
0xa3: {  	_ =	swait.ge [sflag:s26], $0x4000  }
0xa4: {  	[sflag:s26] =	ssyncset.done $0x0  }
0xa5: {  	[sflag:s26] =	ssyncadd.s32 $0xFFFFC000  }
0xa6: {  	[spmem:s2] =	stream.indirect.scatter.add.f32 [tilespmem:s22], [sflag:$0x7], $0x80, s29, s20, $0xb8;
	[tilespmem:$0x1FF00] =	vst v63  }
0xa7: {  	_ =	swait.ge [sflag:s17], $0x4000  }
0xa8: {  	[sflag:s17] =	ssyncset.done $0x0  }
0xa9: {  	[sflag:s17] =	ssyncadd.s32 $0xFFFFC000  }
0xaa: {  	_ =	swait.ge [sflag:s30], $0x4000  }
0xab: {  	[sflag:s30] =	ssyncset.done $0x0  }
0xac: {  	[sflag:s30] =	ssyncadd.s32 $0xFFFFC000  }
0xad: {  	[spmem:s2] =	stream.indirect.scatter.add.f32 [tilespmem:s25], [sflag:$0x7], $0x80, s31, s20, $0xb8;
	[tilespmem:$0x1FF00] =	vst v63  }
0xae: {  	s1 =	stileid.u32;
	_ =	swait.ge [sflag:s17], $0x4000  }
0xaf: {  	s7 =	sshrl.u32 s5, $0x3;
	s0 =	sadd.s32 $0x1, s0;
	[sflag:s17] =	ssyncset.done $0x0  }
0xb0: {  	s1 =	sshll.u32 s1, $0x6;
	p0 =	sne.s32 s0, s14;
	[sflag:s17] =	ssyncadd.s32 $0xFFFFC000  }
.Ltmp2:
0xb1: {  	s1 =	sor.u32 $0x1C07, s1;
	[bflag:$0x0] =	sbarrier.arrive $0xFFFF;
	(pc) =	sbr.rel @p0 .LBB2_1-.Ltmp2, $4  }
0xb2: {  	[hbm:s13], [sflag:s1] =	dma.local [spmem:s7], $0x2780  }
0xb3: {  	_ =	swait.ge [sflag:s17], $0x2780  }
0xb4: {  	[sflag:s17] =	ssyncset.done $0x0  }
0xb5: {  	[sflag:s17] =	ssyncadd.s32 $0xFFFFD880  }
0xb6: {  	_ =	sfence.sel $0x180000  }
0xb7: {  	[bflag:$0x0] =	sbarrier.arrive $0xFFFF  }
0xb8: {  	_ =	strace $0x9000004D  }
0xb9: {  	s0 =	stileid.u32;
	[bflag:$0x2] =	sbarrier.arrive $0xFFFF  }
0xba: {  	p0 =	sne.s32 s0, $0x0;
	s0 =	rddreg [dreg:$0x2]  }
0xbb: {  	s0 =	sadd.s32 @!p0 $0x100000, s0  }
0xbc: {  	[sflag:s0] =	ssyncadd.tile.s32 @!p0 $0x1;
	_ =	shalt  }
.Lfunc_end2:
_tile_overlayer_lowered:
.L_overlay_start_2:
0xbd: {  	(tag) =	ssettag $0x2  }
0xbe: {  	s0 =	rddreg [dreg:$0x0];
	s2 =	stileid.u32  }
0xbf: {  	s1 =	rddreg [dreg:$0x1];
	p0 =	sne.s32 s2, $0x0  }
0xc0: {  	s3 =	rddreg [dreg:$0x2];
	[bflag:$0x3] =	sbarrier.arrive $0xFFFF;
	s2 =	simm.s32 @!p0 $0x1C07  }
0xc1: {  	[timem:s3], [sflag:s2] =	dma.local @!p0 [hbm:s0], s1  }
0xc2: {  	s0 =	simm.s32 @!p0 $0x7  }
0xc3: {  	_ =	swait.ge @!p0 [sflag:s0], s1  }
0xc4: {  	s1 =	ssub.s32 @!p0 $0x0, s1;
	[sflag:s0] =	ssyncset.done @!p0 $0x0  }
0xc5: {  	[sflag:s0] =	ssyncadd.s32 @!p0 s1  }
0xc6: {  	[bflag:$0x3] =	sbarrier.arrive $0xFFFF  }
0xc7: {  	_ =	shalt  }

// kernel: kernel.20.cloned.1.call-start
scs
__scs_entry_jumppad:
0x0: {  	(pc) =	sbr.rel $0x88, $3  }
0x1: {  	(tag) =	ssettag $0x0;
	lr =	simm.s32 $0x1  }
0x2: {  	[smem:$0x3F99] =	sst lr;
	_ =	strace $0xD0000000  }
0x3: {  	_ = 	snop  }
0x4: {  	_ = 	snop  }
0x5: {  	_ = 	snop  }
0x6: {  	_ = 	snop  }
0x7: {  	_ = 	snop  }
__scs_overlays_trampoline_lowered:
0x8: {  	[smem:$0x3FA8] =	sst s0  }
0x9: {  	[smem:$0x3FA9] =	sst s1  }
0xa: {  	[smem:$0x3FAA] =	sst s2  }
0xb: {  	[smem:$0x3FAB] =	sst s3  }
0xc: {  	[smem:$0x3FAC] =	sst s4  }
0xd: {  	[smem:$0x3FAD] =	sst s5  }
0xe: {  	[smem:$0x3FAE] =	sst s6  }
0xf: {  	[smem:$0x3FAF] =	sst s7  }
0x10: {  	[smem:$0x3FB0] =	sst s8  }
0x11: {  	[smem:$0x3FB1] =	sst s9;
	s0 =	simm.s32 @!p0 $0x0  }
0x12: {  	s1 =	sld [smem:$0x3F97];
	s0 =	simm.s32 @p0 $0x1  }
0x13: {  	[smem:$0x3FB2] =	sst s0;
	s0 =	simm.s32 @!p1 $0x0  }
0x14: {  	s2 =	sld [smem:$0x3F96];
	s0 =	simm.s32 @p1 $0x1  }
0x15: {  	[smem:$0x3FB3] =	sst s0;
	s0 =	simm.s32 @!p2 $0x0  }
0x16: {  	s3 =	sld [smem:$0x3FDB];
	s0 =	simm.s32 @p2 $0x1  }
0x17: {  	s4 =	simm.s32 $0x1BF5;
	[smem:$0x3FB5] =	sst s0  }
0x18: {  	s0 =	sld [smem:$0x3F98];
	_ =	swait.ge [sflag:s4], $0x0  }
0x19: {  	s7 =	sld [smem:$0x3F99]  }
0x1a: {  	s8 =	sadd.s32 $0xFFFFE003, lr  }
0x1b: {  	s9 =	sadd.s32 $0xFFFFFEF7, lr;
	s5 =	simm.s32 $0xFFFFFFFF;
	p2 =	slt.u32 s8, $0xFFFFF086  }
0x1c: {  	p1 =	slt.u32 s9, $0xF7A;
	s5 =	simm.s32 @!p2 $0x0  }
0x1d: {  	s5 =	simm.s32 @p1 $0x1;
	p0 =	seq.s32 s7, s2  }
0x1e: {  	s7 =	smul.u32 @!p0 $0xF7A, s2;
	p2 =	seq.s32 @!p0 s5, $0x0  }
0x1f: {  	s9 =	smul.u32 $0xF7A, s1;
	s8 =	simm.s32 @!p0 $0x1BF5;
	p2 =	por !p2, p0  }
0x20: {  	[sflag:s8] =	ssyncset.s32 @!p0 $0xFFFFF086;
	s6 =	sadd.s32 @!p0 s3, s7;
	s7 =	simm.s32 @!p0 $0x108  }
0x21: {  	s3 =	sadd.s32 s3, s9;
	s6 =	sadd.s32 @!p0 $0x88, s6;
	s7 =	simm.s32 @p2 $0x1082  }
0x22: {  	[simem:s7], [sflag:s8] =	dma.local @!p0 [hbm:s6], $0xF7A  }
0x23: {  	s9 =	sor.u32 $0xD0000000, s2;
	s6 =	simm.s32 $0x108;
	_ =	swait.ge @!p0 [sflag:s8], $0x0  }
0x24: {  	s3 =	sadd.s32 $0x88, s3;
	s6 =	simm.s32 @!p1 $0x1082;
	[sflag:s4] =	ssyncset.s32 $0xFFFFF086  }
0x25: {  	[simem:s6], [sflag:s4] =	dma.local [hbm:s3], $0xF7A  }
0x26: {  	[smem:$0x3F99] =	sst s1;
	(tag) =	ssettag s2;
	_ =	strace s9  }
0x27: {  	s1 =	sld [smem:$0x3FA9]  }
0x28: {  	s2 =	sld [smem:$0x3FAA]  }
0x29: {  	s4 =	sld [smem:$0x3FAC]  }
0x2a: {  	p0 =	seq.s32 s5, $0x0;
	s5 =	sld [smem:$0x3FAD]  }
0x2b: {  	s6 =	sld [smem:$0x3FAE]  }
0x2c: {  	s7 =	sld [smem:$0x3FAF]  }
0x2d: {  	s3 =	simm.s32 $0x108;
	s8 =	sld [smem:$0x3FB0]  }
0x2e: {  	s3 =	simm.s32 @!p0 $0x1082;
	s9 =	sld [smem:$0x3FB1]  }
0x2f: {  	lr =	sadd.s32 s0, s3;
	s0 =	sld [smem:$0x3FA8]  }
0x30: {  	s3 =	sld [smem:$0x3FAB]  }
0x31: {  	[smem:$0x3FB4] =	sst s10  }
0x32: {  	s10 =	sld [smem:$0x3FB2];
	_ =	sdelay $0x3  }
0x33: {  	p0 =	seq.s32 s10, $0x1;
	s10 =	sld [smem:$0x3FB4];
	_ =	sdelay $0x3  }
0x34: {  	[smem:$0x3FB4] =	sst s10  }
0x35: {  	s10 =	sld [smem:$0x3FB3];
	_ =	sdelay $0x3  }
0x36: {  	p1 =	seq.s32 s10, $0x1;
	s10 =	sld [smem:$0x3FB4];
	_ =	sdelay $0x3  }
0x37: {  	[smem:$0x3FB4] =	sst s10  }
0x38: {  	s10 =	sld [smem:$0x3FB5]  }
0x39: {  	_ = 	snop;
	(pc) =	sbr.ind lr, $3  }
0x3a: {  	_ = 	snop  }
0x3b: {  	_ = 	snop  }
0x3c: {  	p2 =	seq.s32 s10, $0x1;
	s10 =	sld [smem:$0x3FB4]  }
0x3d: {  	_ =	shalt  }
0x3e: {  	_ =	shalt  }
0x3f: {  	_ =	shalt  }
0x40: {  	_ =	shalt  }
0x41: {  	_ =	shalt  }
0x42: {  	_ =	shalt  }
0x43: {  	_ =	shalt  }
0x44: {  	_ =	shalt  }
0x45: {  	_ =	shalt  }
0x46: {  	_ =	shalt  }
0x47: {  	_ =	shalt  }
0x48: {  	_ =	shalt  }
0x49: {  	_ =	shalt  }
0x4a: {  	_ =	shalt  }
0x4b: {  	_ =	shalt  }
0x4c: {  	_ =	shalt  }
0x4d: {  	_ =	shalt  }
0x4e: {  	_ =	shalt  }
0x4f: {  	_ =	shalt  }
0x50: {  	_ =	shalt  }
0x51: {  	_ =	shalt  }
0x52: {  	_ =	shalt  }
0x53: {  	_ =	shalt  }
0x54: {  	_ =	shalt  }
0x55: {  	_ =	shalt  }
0x56: {  	_ =	shalt  }
0x57: {  	_ =	shalt  }
0x58: {  	_ =	shalt  }
0x59: {  	_ =	shalt  }
0x5a: {  	_ =	shalt  }
0x5b: {  	_ =	shalt  }
0x5c: {  	_ =	shalt  }
0x5d: {  	_ =	shalt  }
0x5e: {  	_ =	shalt  }
0x5f: {  	_ =	shalt  }
0x60: {  	_ =	shalt  }
0x61: {  	_ =	shalt  }
0x62: {  	_ =	shalt  }
0x63: {  	_ =	shalt  }
0x64: {  	_ =	shalt  }
0x65: {  	_ =	shalt  }
0x66: {  	_ =	shalt  }
0x67: {  	_ =	shalt  }
0x68: {  	_ =	shalt  }
0x69: {  	_ =	shalt  }
0x6a: {  	_ =	shalt  }
0x6b: {  	_ =	shalt  }
0x6c: {  	_ =	shalt  }
0x6d: {  	_ =	shalt  }
0x6e: {  	_ =	shalt  }
0x6f: {  	_ =	shalt  }
0x70: {  	_ =	shalt  }
0x71: {  	_ =	shalt  }
0x72: {  	_ =	shalt  }
0x73: {  	_ =	shalt  }
0x74: {  	_ =	shalt  }
0x75: {  	_ =	shalt  }
0x76: {  	_ =	shalt  }
0x77: {  	_ =	shalt  }
0x78: {  	_ =	shalt  }
0x79: {  	_ =	shalt  }
0x7a: {  	_ =	shalt  }
0x7b: {  	_ =	shalt  }
0x7c: {  	_ =	shalt  }
0x7d: {  	_ =	shalt  }
0x7e: {  	_ =	shalt  }
0x7f: {  	_ =	shalt  }
0x80: {  	_ =	shalt  }
0x81: {  	_ =	shalt  }
0x82: {  	_ =	shalt  }
0x83: {  	_ =	shalt  }
0x84: {  	_ =	shalt  }
0x85: {  	_ =	shalt  }
0x86: {  	_ =	shalt  }
0x87: {  	_ =	shalt  }
.Lfunc_end0:
.L_simem_size_0:
called_computation.3_lowered:
.L_overlay_start_0:
0x88: {  	s2 =	sld [smem:$0x3FD9]  }
0x89: {  	s3 =	sld [smem:$0x3FFE];
	_ =	sdelay $0x1  }
0x8a: {  	s1 =	srdreg.scid  }
0x8b: {  	s0 =	sand.u32 $0x1, s1  }
0x8c: {  	s16 =	sshll.u32 s0, $0xA;
	s2 =	sadd.s32 s3, s2  }
0x8d: {  	s2 =	sadd.s32 s2, s16  }
0x8e: {  	[smem:$0x3FC0] =	sst s2  }
0x8f: {  	_ = 	snop  }
0x90: {  	(tm) =	ssettm $0x1  }
0x91: {  	s17 =	sld [smem:$0x3FFB];
	_ =	sdelay $0x3  }
0x92: {  	_ =	strace s17  }
0x93: {  	s2 =	sld [smem:$0x3FFC];
	_ =	sdelay $0x3  }
0x94: {  	_ =	strace s2  }
0x95: {  	s2 =	sld [smem:$0x3FFD];
	_ =	sdelay $0x3  }
0x96: {  	_ =	strace s2  }
0x97: {  	_ =	strace $0x8FFFFFFF  }
0x98: {  	s18 =	sld [smem:$0x3FDB];
	_ =	sdelay $0x1  }
0x99: {  	s19 =	simm.s32 $_scs_section_size  }
0x9a: {  	s4 =	simm.s32 $_size__tile_overlayer_lowered;
	s5 =	simm.s32 $_tile_overlayer_lowered  }
0x9b: {  	s22 =	simm.s32 $0x1BFF;
	s21 =	sshll.u32 s5, $0x1;
	s2 =	sadd.s32 s19, s18  }
0x9c: {  	s6 =	simm.s32 $0x0;
	s20 =	sshll.u32 s4, $0x1;
	s4 =	sadd.s32 s21, s2  }
0x9d: {  	[timem:s6], [sflag:s22] =	dma.local [hbm:s4], s20  }
0x9e: {  	_ =	swait.ge [sflag:s22], s20  }
0x9f: {  	s3 =	ssub.s32 $0x0, s20;
	[sflag:s22] =	ssyncset.done $0x0  }
0xa0: {  	[sflag:s22] =	ssyncadd.s32 s3;
	_ =	sdelay $0x1  }
0xa1: {  	s23 =	simm.s32 $0x1B8B  }
0xa2: {  	_ =	swait.ge [sflag:s23], $0x1  }
0xa3: {  	[sflag:s23] =	ssyncset.done $0x0  }
0xa4: {  	s25 =	simm.s32 $0x1B8E;
	s24 =	sld [smem:$0x3FFE];
	[sflag:s23] =	ssyncadd.s32 $0xFFFFFFFF  }
0xa5: {  	s26 =	simm.s32 $execute0_lowered;
	[smem:$0x3FD2] =	sst s25  }
0xa6: {  	s4 =	sshll.u32 s26, $0x1;
	_ =	strace $0x8000004F;
	[dreg:$0x1] =	wrdreg $0xFFFFFFFF  }
0xa7: {  	s28 =	simm.s32 $_size_execute0_lowered;
	s2 =	sadd.s32 s2, s4;
	[dreg:$0x0] =	wrdreg $0x0  }
0xa8: {  	s4 =	sshll.u32 s28, $0x1;
	[dreg:$0x2] =	wrdreg s2  }
0xa9: {  	[dreg:$0x3] =	wrdreg s4  }
0xaa: {  	[dreg:$0x4] =	wrdreg $0xC0  }
0xab: {  	_ =	task [dreg:s6], $0x5FFFF  }
0xac: {  	[dreg:$0x1] =	wrdreg $0xFFFFFFFF  }
0xad: {  	[dreg:$0x0] =	wrdreg $0x60  }
0xae: {  	[dreg:$0x2] =	wrdreg s24  }
0xaf: {  	[dreg:$0x3] =	wrdreg $0xC3000  }
0xb0: {  	[dreg:$0x4] =	wrdreg $0x9  }
0xb1: {  	_ =	task.clear_ibuf [dreg:s6], $0x5FFFF;
	_ =	strace $0x9000004F  }
0xb2: {  	s29 =	simm.s32 $0x9;
	_ =	strace $0x80000051  }
0xb3: {  	_ =	swait.ge [sflag:s29], $0x1  }
0xb4: {  	[sflag:s29] =	ssyncadd.s32 $0xFFFFFFFF  }
0xb5: {  	_ =	strace $0x90000051  }
0xb6: {  	_ =	sfence  }
0xb7: {  	s30 =	sld [smem:$0x0];
	_ =	sdelay $0x2  }
0xb8: {  	s31 =	sshll.u32 s1, $0xD;
	s1 =	sshrl.u32 s1, $0x2  }
0xb9: {  	s3 =	sand.u32 $0x4000, s31;
	s1 =	sadd.s32 s1, s30  }
0xba: {  	s0 =	sor.u32 s3, s0;
	s1 =	sshll.u32 s1, $0x11  }
0xbb: {  	s0 =	sor.u32 s1, s0  }
0xbc: {  	s0 =	sadd.s32 $0x8F2B, s0  }
0xbd: {  	[sflag:s0] =	ssyncadd.remote.s32 $0x1  }
0xbe: {  	_ =	sfence.sel $0xFFFF  }
0xbf: {  	[dreg:$0x0] =	wrdreg $0xFFFFFFFF;
	(pc) =	sbr.abs _section_cstart, $3  }
0xc0: {  	[dreg:$0x1] =	wrdreg $0xFFFFFFFF  }
0xc1: {  	_ =	task.clear_ibuf [dreg:s6], $0x2FFFF;
	_ =	strace $0x9FFFFFFF  }
0xc2: {  	(tm) =	ssettm $0x7FFFFFFF  }
0xc3: {  	_ =	shalt  }
tec
execute0_lowered:
.L_overlay_start_1:
0x0: {  	(tag) =	ssettag $0x1  }
0x1: {  	s0 =	rddreg [dreg:$0x0];
	s1 =	srdreg.scid  }
0x2: {  	s2 =	rddreg [dreg:$0x1];
	s13 =	stileid.u32  }
0x3: {  	s3 =	simm.s32 $0x0;
	s16 =	simm.s32 $0x300;
	s17 =	simm.s32 $0x7  }
0x4: {  	s18 =	simm.s32 $0x100;
	s19 =	simm.s32 $0x200;
	s20 =	simm.s32 $0x80  }
0x5: {  	s28 =	simm.s32 $0x1;
	s29 =	simm.s32 $0x180;
	s5 =	smul.u32 $0x13C00, s13  }
0x6: {  	s30 =	simm.s32 $0x6;
	s31 =	simm.s32 $0x280;
	s7 =	smul.u32 $0x4F000, s13  }
0x7: {  	s1 =	sand.u32 $0x1, s1;
	[smem:$0x7FF] =	sst s3;
	s15 =	smul.u32 $0x1440, s13  }
0x8: {  	s6 =	sadd.s32 $0x2C00, s0;
	s21 =	sshll.u32 s13, $0x1;
	s4 =	smul.u32 $0x13C000, s1  }
0x9: {  	s8 =	ssub.s32 $0x2, s1;
	s9 =	sor.u32 s1, s21;
	s1 =	smul.u32 $0xA20, s1  }
0xa: {  	_ =	strace $0x80000050;
	s21 =	simm.s32 $0x2;
	s10 =	smul.u32 $0x5100, s9  }
0xb: {  	s22 =	sshrl.u32 s7, $0x2;
	s23 =	sshrl.u32 s8, $0x1;
	s11 =	smul.u32 $0xA20, s9  }
0xc: {  	s26 =	sadd.s32 s15, s6;
	s4 =	sadd.s32 s5, s4;
	s14 =	ssub.s32 s8, s23  }
0xd: {  	s15 =	sadd.s32 s1, s26;
	s23 =	simm.s32 $0x4;
	s26 =	simm.s32 $0x5  }
0xe: {  	s5 =	sshrl.u32 s4, $0x3;
	s4 =	sadd.s32 $0x17000, s0;
	s10 =	sshrl.u32 s10, $0x3  }
0xf: {  	s14 =	smax.u32 s14, $0x1;
	s0 =	sadd.s32 s5, s0;
	s5 =	sadd.s32 s22, s2  }
0x10: {  	s12 =	sadd.s32 s6, s10;
	s10 =	sadd.s32 s6, s11;
	s22 =	simm.s32 $0x4300  }
0x11: {  	s24 =	sadd.s32 $0x4000, s5;
	s25 =	sadd.s32 $0x8000, s5;
	s8 =	sadd.s32 $0xC000, s5  }
0x12: {  	s9 =	sadd.s32 $0x10000, s5;
	s11 =	sadd.s32 $0x20, s12;
	s12 =	sadd.s32 $0x40, s12  }
0x13: {  	s13 =	sadd.s32 $0x3E800, s0;
	s0 =	simm.s32 $0x0;
	[dreg:$0x3] =	wrdreg s24  }
0x14: {  	v0 =	vimm.f32 $0.0e+00;
	[dreg:$0x4] =	wrdreg s25;
	s24 =	simm.s32 $0x3;
	s25 =	simm.s32 $0x8300  }
.LBB2_1:
0x15: {  	s1 =	simm.s32 $0x0;
	s6 =	simm.s32 $0x200  }
.LBB2_2:
0x16: {  	p0 =	sne.s32 s6, $0xFE00;
	[tilespmem:s1+$0x370] =	vst v0  }
0x17: {  	[tilespmem:s1+$0x300] =	vst v0  }
0x18: {  	[tilespmem:s1+$0x310] =	vst v0  }
.Ltmp0:
0x19: {  	[tilespmem:s1+$0x320] =	vst v0;
	(pc) =	sbr.rel @p0 .LBB2_2-.Ltmp0, $4  }
0x1a: {  	[tilespmem:s1+$0x330] =	vst v0  }
0x1b: {  	[tilespmem:s1+$0x340] =	vst v0  }
0x1c: {  	[tilespmem:s1+$0x350] =	vst v0  }
0x1d: {  	[tilespmem:s1+$0x360] =	vst v0;
	s1 =	sshra.s32 s6, $0x2;
	s6 =	sadd.s32 $0x200, s6  }
0x1e: {  	[tilespmem:s1+$0x370] =	vst v0  }
0x1f: {  	[tilespmem:s1+$0x300] =	vst v0  }
0x20: {  	[tilespmem:s1+$0x310] =	vst v0  }
0x21: {  	[tilespmem:s1+$0x320] =	vst v0  }
0x22: {  	[tilespmem:s1+$0x330] =	vst v0  }
0x23: {  	[tilespmem:s1+$0x340] =	vst v0  }
0x24: {  	[tilespmem:s1+$0x350] =	vst v0  }
0x25: {  	[tilespmem:s1+$0x360] =	vst v0  }
0x26: {  	[spmem:s5] =	stream.linear.scatter [tilespmem:s16], [sflag:$0x7], $0x4000, $0x38;
	[tilespmem:$0x1FF00] =	vst v63  }
0x27: {  	_ =	swait.ge [sflag:s17], $0x4000  }
0x28: {  	[sflag:s17] =	ssyncset.done $0x0  }
0x29: {  	s7 =	rddreg [dreg:$0x3];
	[sflag:s17] =	ssyncadd.s32 $0xFFFFC000  }
0x2a: {  	[spmem:s7] =	stream.linear.scatter [tilespmem:s16], [sflag:$0x7], $0x4000, $0x38;
	[tilespmem:$0x1FF00] =	vst v63  }
0x2b: {  	_ =	swait.ge [sflag:s17], $0x4000  }
0x2c: {  	[sflag:s17] =	ssyncset.done $0x0  }
0x2d: {  	s6 =	rddreg [dreg:$0x4];
	[sflag:s17] =	ssyncadd.s32 $0xFFFFC000  }
0x2e: {  	[spmem:s6] =	stream.linear.scatter [tilespmem:s16], [sflag:$0x7], $0x4000, $0x38;
	[tilespmem:$0x1FF00] =	vst v63  }
0x2f: {  	_ =	swait.ge [sflag:s17], $0x4000  }
0x30: {  	[sflag:s17] =	ssyncset.done $0x0  }
0x31: {  	[sflag:s17] =	ssyncadd.s32 $0xFFFFC000  }
0x32: {  	[spmem:s8] =	stream.linear.scatter [tilespmem:s16], [sflag:$0x7], $0x4000, $0x38;
	[tilespmem:$0x1FF00] =	vst v63  }
0x33: {  	_ =	swait.ge [sflag:s17], $0x4000  }
0x34: {  	[sflag:s17] =	ssyncset.done $0x0  }
0x35: {  	[sflag:s17] =	ssyncadd.s32 $0xFFFFC000  }
0x36: {  	[spmem:s9] =	stream.linear.scatter [tilespmem:s16], [sflag:$0x7], $0x3C00, $0x38;
	[tilespmem:$0x1FF00] =	vst v63  }
0x37: {  	_ =	swait.ge [sflag:s17], $0x3C00  }
0x38: {  	[sflag:s17] =	ssyncset.done $0x0  }
0x39: {  	[sflag:s17] =	ssyncadd.s32 $0xFFFFC400  }
0x3a: {  	[bflag:$0x0] =	sbarrier.arrive $0xFFFF  }
0x3b: {  	[tilespmem:s3], [sflag:$0x7] =	stream.linear.gather [hbm4b:s10+s3], $0x100, $0x38;
	[tilespmem:$0x1FF00] =	vst v63  }
0x3c: {  	_ =	swait.ge [sflag:s17], $0x100  }
0x3d: {  	[sflag:s17] =	ssyncset.done $0x0  }
0x3e: {  	[sflag:s17] =	ssyncadd.s32 $0xFFFFFF00  }
0x3f: {  	[tilespmem:s18], [sflag:$0x2] =	stream.linear.gather [hbm4b:s11+s3], $0x100, $0x38;
	[tilespmem:$0x1FF00] =	vst v63  }
0x40: {  	_ = 	snop  }
0x41: {  	[tilespmem:s19], [sflag:$0x3] =	stream.linear.gather [hbm4b:s12+s3], $0x100, $0x38;
	[tilespmem:$0x1FF00] =	vst v63  }
0x42: {  	_ = 	snop  }
0x43: {  	[tilespmem:s16], [sflag:$0x4] =	stream.indirect.gather [hbm4b:s4+s20], $0x80, s3, s20, $0xb8;
	[tilespmem:$0x1FF00] =	vst v63  }
0x44: {  	_ =	swait.ge [sflag:s21], $0x100  }
0x45: {  	[sflag:s21] =	ssyncset.done $0x0  }
0x46: {  	[sflag:s21] =	ssyncadd.s32 $0xFFFFFF00  }
0x47: {  	[tilespmem:s22], [sflag:$0x5] =	stream.indirect.gather [hbm4b:s4+s20], $0x80, s18, s20, $0xb8;
	[tilespmem:$0x1FF00] =	vst v63  }
0x48: {  	_ =	swait.ge [sflag:s23], $0x4000  }
0x49: {  	[sflag:s23] =	ssyncset.done $0x0  }
0x4a: {  	[sflag:s23] =	ssyncadd.s32 $0xFFFFC000  }
0x4b: {  	_ =	swait.ge [sflag:s24], $0x100  }
0x4c: {  	[sflag:s24] =	ssyncset.done $0x0  }
0x4d: {  	[sflag:s24] =	ssyncadd.s32 $0xFFFFFF00  }
0x4e: {  	[tilespmem:s25], [sflag:$0x6] =	stream.indirect.gather [hbm4b:s4+s20], $0x80, s19, s20, $0xb8;
	[tilespmem:$0x1FF00] =	vst v63  }
0x4f: {  	_ = 	snop  }
0x50: {  	[spmem:s2] =	stream.indirect.scatter.add.f32 [tilespmem:s16], [sflag:$0x7], $0x80, s20, s20, $0xb8;
	[tilespmem:$0x1FF00] =	vst v63  }
0x51: {  	_ =	swait.ge [sflag:s17], $0x4000  }
0x52: {  	s6 =	sadd.s32 $0xFFFFF640, s15;
	[sflag:s17] =	ssyncset.done $0x0  }
0x53: {  	s7 =	sadd.s32 $0xA20, s6;
	[sflag:s17] =	ssyncadd.s32 $0xFFFFC000  }
0x54: {  	[tilespmem:s3], [sflag:$0x1] =	stream.linear.gather [hbm4b:s7+s3], $0x100, $0x38;
	[tilespmem:$0x1FF00] =	vst v63  }
0x55: {  	_ =	swait.ge [sflag:s26], $0x4000  }
0x56: {  	[sflag:s26] =	ssyncset.done $0x0  }
0x57: {  	[sflag:s26] =	ssyncadd.s32 $0xFFFFC000  }
0x58: {  	_ =	swait.ge [sflag:s28], $0x100  }
0x59: {  	[sflag:s28] =	ssyncset.done $0x0  }
0x5a: {  	[sflag:s28] =	ssyncadd.s32 $0xFFFFFF00  }
0x5b: {  	[tilespmem:s16], [sflag:$0x4] =	stream.indirect.gather [hbm4b:s4+s20], $0x80, s3, s20, $0xb8;
	[tilespmem:$0x1FF00] =	vst v63  }
0x5c: {  	_ = 	snop  }
0x5d: {  	[spmem:s2] =	stream.indirect.scatter.add.f32 [tilespmem:s22], [sflag:$0x7], $0x80, s29, s20, $0xb8;
	[tilespmem:$0x1FF00] =	vst v63  }
0x5e: {  	_ =	swait.ge [sflag:s17], $0x4000  }
0x5f: {  	[sflag:s17] =	ssyncset.done $0x0  }
0x60: {  	s7 =	sadd.s32 $0xA40, s6;
	[sflag:s17] =	ssyncadd.s32 $0xFFFFC000  }
0x61: {  	[tilespmem:s18], [sflag:$0x2] =	stream.linear.gather [hbm4b:s7+s3], $0x100, $0x38;
	[tilespmem:$0x1FF00] =	vst v63  }
0x62: {  	_ =	swait.ge [sflag:s30], $0x4000  }
0x63: {  	[sflag:s30] =	ssyncset.done $0x0  }
0x64: {  	[sflag:s30] =	ssyncadd.s32 $0xFFFFC000  }
0x65: {  	_ =	swait.ge [sflag:s21], $0x100  }
0x66: {  	[sflag:s21] =	ssyncset.done $0x0  }
0x67: {  	[sflag:s21] =	ssyncadd.s32 $0xFFFFFF00  }
0x68: {  	[tilespmem:s22], [sflag:$0x5] =	stream.indirect.gather [hbm4b:s4+s20], $0x80, s18, s20, $0xb8;
	[tilespmem:$0x1FF00] =	vst v63  }
0x69: {  	_ = 	snop  }
0x6a: {  	[spmem:s2] =	stream.indirect.scatter.add.f32 [tilespmem:s25], [sflag:$0x7], $0x80, s31, s20, $0xb8;
	[tilespmem:$0x1FF00] =	vst v63  }
0x6b: {  	_ =	swait.ge [sflag:s17], $0x4000  }
0x6c: {  	[sflag:s17] =	ssyncset.done $0x0  }
0x6d: {  	s1 =	simm.s32 $0xFFFFF6A0;
	s6 =	sadd.s32 $0xA60, s6;
	[sflag:s17] =	ssyncadd.s32 $0xFFFFC000  }
.LBB2_4:
0x6e: {  	[tilespmem:s19], [sflag:$0x3] =	stream.linear.gather [hbm4b:s6+s3], $0x100, $0x38;
	[tilespmem:$0x1FF00] =	vst v63  }
0x6f: {  	s6 =	smov.u32 s1  }
0x70: {  	p0 =	sne.s32 s1, $0xFFFFFFA0;
	s1 =	sadd.s32 $0x60, s1;
	_ =	swait.ge [sflag:s23], $0x4000  }
0x71: {  	[sflag:s23] =	ssyncset.done $0x0  }
0x72: {  	[sflag:s23] =	ssyncadd.s32 $0xFFFFC000  }
0x73: {  	_ =	swait.ge [sflag:s24], $0x100  }
0x74: {  	[sflag:s24] =	ssyncset.done $0x0  }
0x75: {  	[sflag:s24] =	ssyncadd.s32 $0xFFFFFF00  }
0x76: {  	[tilespmem:s25], [sflag:$0x6] =	stream.indirect.gather [hbm4b:s4+s20], $0x80, s19, s20, $0xb8;
	[tilespmem:$0x1FF00] =	vst v63  }
0x77: {  	_ = 	snop  }
0x78: {  	[spmem:s2] =	stream.indirect.scatter.add.f32 [tilespmem:s16], [sflag:$0x7], $0x80, s20, s20, $0xb8;
	[tilespmem:$0x1FF00] =	vst v63  }
0x79: {  	_ =	swait.ge [sflag:s17], $0x4000  }
0x7a: {  	s6 =	sadd.s32 s6, s15;
	[sflag:s17] =	ssyncset.done $0x0  }
0x7b: {  	s7 =	sadd.s32 $0xA20, s6;
	[sflag:s17] =	ssyncadd.s32 $0xFFFFC000  }
0x7c: {  	[tilespmem:s3], [sflag:$0x1] =	stream.linear.gather [hbm4b:s7+s3], $0x100, $0x38;
	[tilespmem:$0x1FF00] =	vst v63  }
0x7d: {  	_ =	swait.ge [sflag:s26], $0x4000  }
0x7e: {  	[sflag:s26] =	ssyncset.done $0x0  }
0x7f: {  	[sflag:s26] =	ssyncadd.s32 $0xFFFFC000  }
0x80: {  	_ =	swait.ge [sflag:s28], $0x100  }
0x81: {  	[sflag:s28] =	ssyncset.done $0x0  }
0x82: {  	[sflag:s28] =	ssyncadd.s32 $0xFFFFFF00  }
0x83: {  	[tilespmem:s16], [sflag:$0x4] =	stream.indirect.gather [hbm4b:s4+s20], $0x80, s3, s20, $0xb8;
	[tilespmem:$0x1FF00] =	vst v63  }
0x84: {  	_ = 	snop  }
0x85: {  	[spmem:s2] =	stream.indirect.scatter.add.f32 [tilespmem:s22], [sflag:$0x7], $0x80, s29, s20, $0xb8;
	[tilespmem:$0x1FF00] =	vst v63  }
0x86: {  	_ =	swait.ge [sflag:s17], $0x4000  }
0x87: {  	[sflag:s17] =	ssyncset.done $0x0  }
0x88: {  	s7 =	sadd.s32 $0xA40, s6;
	[sflag:s17] =	ssyncadd.s32 $0xFFFFC000  }
0x89: {  	[tilespmem:s18], [sflag:$0x2] =	stream.linear.gather [hbm4b:s7+s3], $0x100, $0x38;
	[tilespmem:$0x1FF00] =	vst v63  }
0x8a: {  	_ =	swait.ge [sflag:s30], $0x4000  }
0x8b: {  	[sflag:s30] =	ssyncset.done $0x0  }
0x8c: {  	[sflag:s30] =	ssyncadd.s32 $0xFFFFC000  }
0x8d: {  	_ =	swait.ge [sflag:s21], $0x100  }
0x8e: {  	[sflag:s21] =	ssyncset.done $0x0  }
0x8f: {  	[sflag:s21] =	ssyncadd.s32 $0xFFFFFF00  }
0x90: {  	[tilespmem:s22], [sflag:$0x5] =	stream.indirect.gather [hbm4b:s4+s20], $0x80, s18, s20, $0xb8;
	[tilespmem:$0x1FF00] =	vst v63  }
.Ltmp1:
0x91: {  	(pc) =	sbr.rel @p0 .LBB2_4-.Ltmp1, $4  }
0x92: {  	[spmem:s2] =	stream.indirect.scatter.add.f32 [tilespmem:s25], [sflag:$0x7], $0x80, s31, s20, $0xb8;
	[tilespmem:$0x1FF00] =	vst v63  }
0x93: {  	_ =	swait.ge [sflag:s17], $0x4000  }
0x94: {  	[sflag:s17] =	ssyncset.done $0x0  }
0x95: {  	s6 =	sadd.s32 $0xA60, s6;
	[sflag:s17] =	ssyncadd.s32 $0xFFFFC000  }
0x96: {  	[tilespmem:s19], [sflag:$0x3] =	stream.linear.gather [hbm4b:s6+s3], $0x100, $0x38;
	[tilespmem:$0x1FF00] =	vst v63  }
0x97: {  	_ =	swait.ge [sflag:s23], $0x4000  }
0x98: {  	[sflag:s23] =	ssyncset.done $0x0  }
0x99: {  	[sflag:s23] =	ssyncadd.s32 $0xFFFFC000  }
0x9a: {  	_ =	swait.ge [sflag:s24], $0x100  }
0x9b: {  	[sflag:s24] =	ssyncset.done $0x0  }
0x9c: {  	[sflag:s24] =	ssyncadd.s32 $0xFFFFFF00  }
0x9d: {  	[tilespmem:s25], [sflag:$0x6] =	stream.indirect.gather [hbm4b:s4+s20], $0x80, s19, s20, $0xb8;
	[tilespmem:$0x1FF00] =	vst v63  }
0x9e: {  	_ = 	snop  }
0x9f: {  	[spmem:s2] =	stream.indirect.scatter.add.f32 [tilespmem:s16], [sflag:$0x7], $0x80, s20, s20, $0xb8;
	[tilespmem:$0x1FF00] =	vst v63  }
0xa0: {  	_ =	swait.ge [sflag:s17], $0x4000  }
0xa1: {  	[sflag:s17] =	ssyncset.done $0x0  }
0xa2: {  	[sflag:s17] =	ssyncadd.s32 $0xFFFFC000  }
0xa3: {  	_ =	swait.ge [sflag:s26], $0x4000  }
0xa4: {  	[sflag:s26] =	ssyncset.done $0x0  }
0xa5: {  	[sflag:s26] =	ssyncadd.s32 $0xFFFFC000  }
0xa6: {  	[spmem:s2] =	stream.indirect.scatter.add.f32 [tilespmem:s22], [sflag:$0x7], $0x80, s29, s20, $0xb8;
	[tilespmem:$0x1FF00] =	vst v63  }
0xa7: {  	_ =	swait.ge [sflag:s17], $0x4000  }
0xa8: {  	[sflag:s17] =	ssyncset.done $0x0  }
0xa9: {  	[sflag:s17] =	ssyncadd.s32 $0xFFFFC000  }
0xaa: {  	_ =	swait.ge [sflag:s30], $0x4000  }
0xab: {  	[sflag:s30] =	ssyncset.done $0x0  }
0xac: {  	[sflag:s30] =	ssyncadd.s32 $0xFFFFC000  }
0xad: {  	[spmem:s2] =	stream.indirect.scatter.add.f32 [tilespmem:s25], [sflag:$0x7], $0x80, s31, s20, $0xb8;
	[tilespmem:$0x1FF00] =	vst v63  }
0xae: {  	s1 =	stileid.u32;
	_ =	swait.ge [sflag:s17], $0x4000  }
0xaf: {  	s7 =	sshrl.u32 s5, $0x3;
	s0 =	sadd.s32 $0x1, s0;
	[sflag:s17] =	ssyncset.done $0x0  }
0xb0: {  	s1 =	sshll.u32 s1, $0x6;
	p0 =	sne.s32 s0, s14;
	[sflag:s17] =	ssyncadd.s32 $0xFFFFC000  }
.Ltmp2:
0xb1: {  	s1 =	sor.u32 $0x1C07, s1;
	[bflag:$0x0] =	sbarrier.arrive $0xFFFF;
	(pc) =	sbr.rel @p0 .LBB2_1-.Ltmp2, $4  }
0xb2: {  	[hbm:s13], [sflag:s1] =	dma.local [spmem:s7], $0x2780  }
0xb3: {  	_ =	swait.ge [sflag:s17], $0x2780  }
0xb4: {  	[sflag:s17] =	ssyncset.done $0x0  }
0xb5: {  	[sflag:s17] =	ssyncadd.s32 $0xFFFFD880  }
0xb6: {  	_ =	sfence.sel $0x180000  }
0xb7: {  	[bflag:$0x0] =	sbarrier.arrive $0xFFFF  }
0xb8: {  	_ =	strace $0x90000050  }
0xb9: {  	s0 =	stileid.u32;
	[bflag:$0x2] =	sbarrier.arrive $0xFFFF  }
0xba: {  	p0 =	sne.s32 s0, $0x0;
	s0 =	rddreg [dreg:$0x2]  }
0xbb: {  	s0 =	sadd.s32 @!p0 $0x100000, s0  }
0xbc: {  	[sflag:s0] =	ssyncadd.tile.s32 @!p0 $0x1;
	_ =	shalt  }
.Lfunc_end2:
_tile_overlayer_lowered:
.L_overlay_start_2:
0xbd: {  	(tag) =	ssettag $0x2  }
0xbe: {  	s0 =	rddreg [dreg:$0x0];
	s2 =	stileid.u32  }
0xbf: {  	s1 =	rddreg [dreg:$0x1];
	p0 =	sne.s32 s2, $0x0  }
0xc0: {  	s3 =	rddreg [dreg:$0x2];
	[bflag:$0x3] =	sbarrier.arrive $0xFFFF;
	s2 =	simm.s32 @!p0 $0x1C07  }
0xc1: {  	[timem:s3], [sflag:s2] =	dma.local @!p0 [hbm:s0], s1  }
0xc2: {  	s0 =	simm.s32 @!p0 $0x7  }
0xc3: {  	_ =	swait.ge @!p0 [sflag:s0], s1  }
0xc4: {  	s1 =	ssub.s32 @!p0 $0x0, s1;
	[sflag:s0] =	ssyncset.done @!p0 $0x0  }
0xc5: {  	[sflag:s0] =	ssyncadd.s32 @!p0 s1  }
0xc6: {  	[bflag:$0x3] =	sbarrier.arrive $0xFFFF  }
0xc7: {  	_ =	shalt  }

</sc_bundles>
